<compile_context>
chip_gen: v7x
topology: tpu7x:2x2x1
jax: 0.10.2.dev20260603
libtpu: 0.0.44.dev20260713+nightly
codegen_flags: <defaults>
</compile_context>

<pallas_src>
import numpy as np

import jax
import jax.numpy as jnp
from jax import lax
from jax.experimental import pallas as pl
from jax.experimental.pallas import tpu as pltpu
from jax.experimental.pallas import tpu_sc as plsc

N = 32768
NT = 16
C = N // NT
NV = C // 16
RADIX = 256
NG = RADIX // 16
SHIFTS = (0, 8, 16, 24)

_MIN32 = np.int32(-2147483648)


def _flip(v):
    m = lax.shift_right_arithmetic(v, 31)
    return lax.bitwise_xor(v, lax.bitwise_or(m, _MIN32))


def _digit(k, shift):
    return lax.bitwise_and(lax.shift_right_logical(k, shift), np.int32(255))


def _sort_body(times_h, labels_h, out_t_h, out_l_h,
               key_v, idx_v, hist_v, tab_v, allh_v, gtot_v, tpre_v,
               pfx_v, carry_v, dest_v, tbuf_v, lbuf_v, wv, drain_v,
               ones128_v, zero256_v, addr2_v,
               ka, kb, ia, ib, t_sh, l_sh, hist_sh, h21_sh, h22_sh, h23_sh,
               sem, sem2):
    wid = lax.axis_index("sub")
    base = wid * C
    lane = lax.iota(jnp.int32, 16)
    ones = jnp.ones((16,), jnp.int32)
    zeros = jnp.zeros((16,), jnp.int32)
    bsl = pl.ds(base, C)

    def zero_hist():
        @pl.loop(0, NG)
        def _(i):
            hist_v[pl.ds(i * 16, 16)] = zeros

    def ingest():
        pltpu.sync_copy(times_h.at[bsl], tbuf_v)
        cp_t = pltpu.async_copy(times_h.at[bsl], t_sh.at[bsl], sem)
        cp_l = pltpu.async_copy(labels_h.at[bsl], l_sh.at[bsl], sem)
        zero_hist()
        for q in range(8):
            ones128_v[pl.ds(q * 16, 16)] = ones

        @pl.loop(0, NG)
        def _(g):
            zero256_v[pl.ds(g * 16, 16)] = zeros
        rsl = pl.ds(wid * RADIX, RADIX)
        pltpu.sync_copy(zero256_v, h21_sh.at[rsl])
        pltpu.sync_copy(zero256_v, h22_sh.at[rsl])
        pltpu.sync_copy(zero256_v, h23_sh.at[rsl])

        @pl.loop(0, NV)
        def _(i):
            x = tbuf_v[pl.ds(i * 16, 16)] + np.float32(0.0)
            k = _flip(lax.bitcast_convert_type(x, jnp.int32))
            key_v[pl.ds(i * 16, 16)] = k
            idx_v[pl.ds(i * 16, 16)] = base + i * 16 + lane

        cp_t.wait()
        cp_l.wait()

    def drain(n):
        for _ in range(n):
            pltpu.make_async_copy(times_h.at[pl.ds(0, 128)], drain_v, sem).wait()

    def pass_a0():
        @pl.loop(0, NV)
        def _(i):
            k = key_v[pl.ds(i * 16, 16)]
            d = _digit(k, 0)
            cnt, last = plsc.scan_count(d)
            plsc.addupdate_scatter(hist_v, [d], cnt, mask=last)

        pltpu.sync_copy(hist_v, hist_sh.at[pl.ds(wid * RADIX, RADIX)])

    def pass_c(p, src_k, src_i, dst_k, dst_i):
        shift = SHIFTS[p]
        cp_k = cp_i = None
        if p == 1:
            cp_k = pltpu.async_copy(src_k.at[bsl], key_v, sem2)
            cp_i = pltpu.async_copy(src_i.at[bsl], idx_v, sem2)
        elif p > 1:
            cp_k = pltpu.async_copy(src_k.at[bsl], key_v, sem2)

        src_hist = (hist_sh, h21_sh, h22_sh, h23_sh)[p]
        pltpu.sync_copy(src_hist, allh_v)

        @pl.loop(0, NG)
        def _(g):
            acc = zeros
            tp = zeros
            for t in range(NT):
                v = allh_v[pl.ds(t * RADIX + g * 16, 16)]
                tp = tp + jnp.where(t < wid, v, 0)
                acc = acc + v
            gtot_v[pl.ds(g * 16, 16)] = acc
            tpre_v[pl.ds(g * 16, 16)] = tp

        @pl.loop(0, NG)
        def _(g):
            pfx_v[pl.ds(g * 16, 16)] = plsc.cumsum(gtot_v[pl.ds(g * 16, 16)])
        tot = plsc.load_gather(pfx_v, [lane * 16 + 15])
        carry_v[...] = plsc.cumsum(tot) - tot

        @pl.loop(0, NG)
        def _(g):
            sl16 = pl.ds(g * 16, 16)
            gv = jnp.full((16,), g, jnp.int32)
            tab_v[sl16] = (pfx_v[sl16] - gtot_v[sl16] + tpre_v[sl16]
                           + plsc.load_gather(carry_v, [gv]))

        if cp_k is not None:
            cp_k.wait()
        if cp_i is not None:
            cp_i.wait()

        nxt = (h21_sh, h22_sh, h23_sh, None)[p]
        @pl.loop(0, NV // 8)
        def _(j):
            for q in range(8):
                i = j * 8 + q
                sl16 = pl.ds(i * 16, 16)
                k = key_v[sl16]
                d = _digit(k, shift)
                cnt, last = plsc.scan_count(d)
                r = plsc.load_gather(tab_v, [d]) + cnt - ones
                plsc.addupdate_scatter(tab_v, [d], cnt, mask=last)
                dest_v[j, pl.ds(q * 16, 16)] = r
                if p == 0:
                    dn = _digit(k, 8)
                elif p == 1:
                    w = lax.bitwise_or(
                        lax.bitwise_and(k, np.int32(-65536)), idx_v[sl16])
                    wv[sl16] = w
                    dn = _digit(w, 16)
                elif p == 2:
                    dn = _digit(k, 24)
                else:
                    wv[sl16] = lax.bitwise_and(k, np.int32(0x7FFF))
                if p < 3:
                    a2 = lax.bitwise_or(
                        lax.shift_left(lax.shift_right_logical(r, 11), 8), dn)
                    addr2_v[j, pl.ds(q * 16, 16)] = a2
            sl = pl.ds(j * 128, 128)
            if p == 0:
                pltpu.async_copy(key_v.at[sl], dst_k.at[dest_v.at[j]], sem)
                pltpu.async_copy(idx_v.at[sl], dst_i.at[dest_v.at[j]], sem)
            elif p == 2:
                pltpu.async_copy(key_v.at[sl], dst_k.at[dest_v.at[j]], sem)
            else:
                pltpu.async_copy(wv.at[sl], dst_k.at[dest_v.at[j]], sem)
            if p < 3:
                pltpu.async_copy(
                    ones128_v, nxt.at[addr2_v.at[j]], sem, add=True)

        drain((48, 32, 32, 16)[p])

    def final_out():
        pltpu.sync_copy(ia.at[bsl], idx_v)
        for j in range(16):
            sl = pl.ds(j * 128, 128)
            pltpu.async_copy(t_sh.at[idx_v.at[sl]], tbuf_v.at[sl], sem)
            pltpu.async_copy(l_sh.at[idx_v.at[sl]], lbuf_v.at[sl], sem)
        drain(32)
        pltpu.sync_copy(tbuf_v, out_t_h.at[bsl])
        pltpu.sync_copy(lbuf_v, out_l_h.at[bsl])

    sched = [
        (None, None, kb, ib, True),
        (kb, ib, ka, None, True),
        (ka, None, kb, None, True),
        (kb, None, ia, None, False),
    ]

    for p, (sk, si, dk, di, wk) in enumerate(sched):
        if p == 0:
            ingest()
            pass_a0()
            plsc.subcore_barrier()
        pass_c(p, sk, si, dk, di)
        plsc.subcore_barrier()

    final_out()


def _build():
    mesh = plsc.VectorSubcoreMesh(
        core_axis_name="core", subcore_axis_name="sub", num_cores=1)
    return pl.kernel(
        _sort_body,
        out_type=(jax.ShapeDtypeStruct((N,), jnp.float32),
                  jax.ShapeDtypeStruct((N,), jnp.int32)),
        mesh=mesh,
        compiler_params=pltpu.CompilerParams(needs_layout_passes=False),
        scratch_types=[
            pltpu.VMEM((C,), jnp.int32),
            pltpu.VMEM((C,), jnp.int32),
            pltpu.VMEM((RADIX,), jnp.int32),
            pltpu.VMEM((RADIX,), jnp.int32),
            pltpu.VMEM((NT * RADIX,), jnp.int32),
            pltpu.VMEM((RADIX,), jnp.int32),
            pltpu.VMEM((RADIX,), jnp.int32),
            pltpu.VMEM((RADIX,), jnp.int32),
            pltpu.VMEM((16,), jnp.int32),
            pltpu.VMEM((16, 128), jnp.int32),
            pltpu.VMEM((C,), jnp.float32),
            pltpu.VMEM((C,), jnp.int32),
            pltpu.VMEM((C,), jnp.int32),
            pltpu.VMEM((128,), jnp.int32),
            pltpu.VMEM((128,), jnp.int32),
            pltpu.VMEM((RADIX,), jnp.int32),
            pltpu.VMEM((16, 128), jnp.int32),
            pltpu.VMEM_SHARED((N,), jnp.int32),
            pltpu.VMEM_SHARED((N,), jnp.int32),
            pltpu.VMEM_SHARED((N,), jnp.int32),
            pltpu.VMEM_SHARED((N,), jnp.int32),
            pltpu.VMEM_SHARED((N,), jnp.float32),
            pltpu.VMEM_SHARED((N,), jnp.int32),
            pltpu.VMEM_SHARED((NT * RADIX,), jnp.int32),
            pltpu.VMEM_SHARED((NT * RADIX,), jnp.int32),
            pltpu.VMEM_SHARED((NT * RADIX,), jnp.int32),
            pltpu.VMEM_SHARED((NT * RADIX,), jnp.int32),
            pltpu.SemaphoreType.DMA,
            pltpu.SemaphoreType.DMA,
        ],
    )


def kernel(times, labels):
    labels32 = labels.astype(jnp.int32)
    out_t, out_l = _build()(times, labels32)
    return out_t, out_l.astype(labels.dtype)

# --- scband reference (transcript-rebuilt; emitter-appended) ---
"""Pipeline reference for scband-sort-times-48198122996095 (READ-ONLY COPY).

The authoritative reference and input builder live on the scoring server;
editing this copy changes nothing except your own understanding.
"""

import jax, jax.numpy as jnp
import numpy as np

TOTAL_TOKENS = 32768
NUM_LABELS = 1000

def setup_inputs(seed: int = 0) -> dict:
    key = jax.random.key(seed)
    k_times, k_labels = jax.random.split(key)
    times = jax.random.normal(k_times, (TOTAL_TOKENS,), dtype=jnp.float32)
    labels = jax.random.randint(k_labels, (TOTAL_TOKENS,), 0, NUM_LABELS, dtype=jnp.int64)
    return {"times": times, "labels": labels}

def reference(times, labels):
    # Faithful translation of SortTimes.forward:
    #   sort_inds = torch.argsort(times, stable=True)
    #   batch.times = times[sort_inds]; batch.labels = labels[sort_inds]
    sort_inds = jnp.argsort(times, stable=True)
    sorted_times = jnp.take(times, sort_inds, axis=0)
    sorted_labels = jnp.take(labels, sort_inds, axis=0)
    return sorted_times, sorted_labels

if __name__ == "__main__":
    import jax
    _d = setup_inputs()
    print(jax.jit(kernel)(*tuple(_d.values())))

</pallas_src>

<mosaic_0001>
#map = affine_map<(d0, d1) -> (0)>
module attributes {stable_mosaic.version = 14 : i64} {
  func.func @_sort_body(%arg0: i32, %arg1: i32, %arg2: memref<32768xf32, #tpu.memory_space<hbm>>, %arg3: memref<32768xi32, #tpu.memory_space<hbm>>, %arg4: memref<32768xf32, #tpu.memory_space<hbm>>, %arg5: memref<32768xi32, #tpu.memory_space<hbm>>, %arg6: memref<2048xi32, #tpu.memory_space<vmem>>, %arg7: memref<2048xi32, #tpu.memory_space<vmem>>, %arg8: memref<256xi32, #tpu.memory_space<vmem>>, %arg9: memref<256xi32, #tpu.memory_space<vmem>>, %arg10: memref<4096xi32, #tpu.memory_space<vmem>>, %arg11: memref<256xi32, #tpu.memory_space<vmem>>, %arg12: memref<256xi32, #tpu.memory_space<vmem>>, %arg13: memref<256xi32, #tpu.memory_space<vmem>>, %arg14: memref<16xi32, #tpu.memory_space<vmem>>, %arg15: memref<16x128xi32, #tpu.memory_space<vmem>>, %arg16: memref<2048xf32, #tpu.memory_space<vmem>>, %arg17: memref<2048xi32, #tpu.memory_space<vmem>>, %arg18: memref<2048xi32, #tpu.memory_space<vmem>>, %arg19: memref<128xi32, #tpu.memory_space<vmem>>, %arg20: memref<128xi32, #tpu.memory_space<vmem>>, %arg21: memref<256xi32, #tpu.memory_space<vmem>>, %arg22: memref<16x128xi32, #tpu.memory_space<vmem>>, %arg23: memref<32768xi32, #tpu.memory_space<vmem_shared>>, %arg24: memref<32768xi32, #tpu.memory_space<vmem_shared>>, %arg25: memref<32768xi32, #tpu.memory_space<vmem_shared>>, %arg26: memref<32768xi32, #tpu.memory_space<vmem_shared>>, %arg27: memref<32768xf32, #tpu.memory_space<vmem_shared>>, %arg28: memref<32768xi32, #tpu.memory_space<vmem_shared>>, %arg29: memref<4096xi32, #tpu.memory_space<vmem_shared>>, %arg30: memref<4096xi32, #tpu.memory_space<vmem_shared>>, %arg31: memref<4096xi32, #tpu.memory_space<vmem_shared>>, %arg32: memref<4096xi32, #tpu.memory_space<vmem_shared>>, %arg33: memref<!tpu.dma_semaphore, #tpu.memory_space<semaphore_mem>>, %arg34: memref<!tpu.dma_semaphore, #tpu.memory_space<semaphore_mem>>) attributes {dimension_semantics = [#tpu.dimension_semantics<core_parallel>, #tpu.dimension_semantics<subcore_parallel>], iteration_bounds = array<i64: 1, 16>, scalar_prefetch = 0 : i64, scratch_operands = 29 : i64, tpu.core_type = #tpu.core_type<sc_vector_subcore>, window_params = [{transform_indices = #map}, {transform_indices = #map}, {transform_indices = #map}, {transform_indices = #map}]} {
    %mul3A = arith.constant 2048 : i32
    %mul3A_0 = arith.muli %arg1, %mul3A : i32
    %iota3A = tpu.iota {dimensions = array<i32: 0>} : vector<16xi32>
    %broadcast_in_dim3A = arith.constant 1 : i32
    %broadcast_in_dim3A_1 = vector.broadcast %broadcast_in_dim3A : i32 to vector<16xi32>
    %broadcast_in_dim3A_2 = arith.constant 0 : i32
    %broadcast_in_dim3A_3 = vector.broadcast %broadcast_in_dim3A_2 : i32 to vector<16xi32>
    "tpu.region"() ({
      %run_scoped3A = tpu.sem_alloc : memref<!tpu.dma_semaphore, #tpu.memory_space<semaphore_mem>>
      %dma_start3A_1028 = tpu.memref_slice %arg2[%mul3A_0] : memref<32768xf32, #tpu.memory_space<hbm>> -> memref<2048xf32, #tpu.memory_space<hbm>>
      %dma_start3A_1029 = tpu.memref_slice %arg2[%mul3A_0] : memref<32768xf32, #tpu.memory_space<hbm>> -> memref<2048xf32, #tpu.memory_space<hbm>>
      tpu.enqueue_dma source(%dma_start3A_1029 : memref<2048xf32, #tpu.memory_space<hbm>>) target(%arg16 : memref<2048xf32, #tpu.memory_space<vmem>>) target_semaphore(%run_scoped3A : memref<!tpu.dma_semaphore, #tpu.memory_space<semaphore_mem>>)
      %dma_wait3A_1030 = tpu.memref_slice %arg2[%mul3A_0] : memref<32768xf32, #tpu.memory_space<hbm>> -> memref<2048xf32, #tpu.memory_space<hbm>>
      %dma_wait3A_1031 = tpu.memref_slice %arg2[%mul3A_0] : memref<32768xf32, #tpu.memory_space<hbm>> -> memref<2048xf32, #tpu.memory_space<hbm>>
      tpu.wait_dma2 semaphore(%run_scoped3A : memref<!tpu.dma_semaphore, #tpu.memory_space<semaphore_mem>>) src(%dma_wait3A_1031 : memref<2048xf32, #tpu.memory_space<hbm>>) dst(%arg16 : memref<2048xf32, #tpu.memory_space<vmem>>)
      tpu.yield
    }) : () -> ()
    %dma_start3A = tpu.memref_slice %arg27[%mul3A_0] : memref<32768xf32, #tpu.memory_space<vmem_shared>> -> memref<2048xf32, #tpu.memory_space<vmem_shared>>
    %dma_start3A_4 = tpu.memref_slice %arg2[%mul3A_0] : memref<32768xf32, #tpu.memory_space<hbm>> -> memref<2048xf32, #tpu.memory_space<hbm>>
    tpu.enqueue_dma source(%dma_start3A_4 : memref<2048xf32, #tpu.memory_space<hbm>>) target(%dma_start3A : memref<2048xf32, #tpu.memory_space<vmem_shared>>) target_semaphore(%arg33 : memref<!tpu.dma_semaphore, #tpu.memory_space<semaphore_mem>>)
    %dma_start3A_5 = tpu.memref_slice %arg28[%mul3A_0] : memref<32768xi32, #tpu.memory_space<vmem_shared>> -> memref<2048xi32, #tpu.memory_space<vmem_shared>>
    %dma_start3A_6 = tpu.memref_slice %arg3[%mul3A_0] : memref<32768xi32, #tpu.memory_space<hbm>> -> memref<2048xi32, #tpu.memory_space<hbm>>
    tpu.enqueue_dma source(%dma_start3A_6 : memref<2048xi32, #tpu.memory_space<hbm>>) target(%dma_start3A_5 : memref<2048xi32, #tpu.memory_space<vmem_shared>>) target_semaphore(%arg33 : memref<!tpu.dma_semaphore, #tpu.memory_space<semaphore_mem>>)
    %scan3A = arith.constant 0 : i32
    %scan3A_7 = arith.constant 16 : i32
    %scan3A_8 = arith.addi %scan3A, %scan3A_7 : i32
    %scan3A_9 = arith.constant 1 : i32
    scf.for %scan3A_1028 = %scan3A to %scan3A_8 step %scan3A_9  : i32 {
      %mul3A_1029 = arith.constant 1 : i32
      %mul3A_1030 = arith.muli %scan3A_1028, %mul3A_1029 : i32
      %add3A_1031 = arith.constant 0 : i32
      %add3A_1032 = arith.addi %add3A_1031, %mul3A_1030 : i32
      %mul3A_1033 = arith.constant 16 : i32
      %mul3A_1034 = arith.muli %add3A_1032, %mul3A_1033 : i32
      %swap3A_1035 = arith.index_cast %mul3A_1034 : i32 to index
      %swap3A_1036 = tpu.vector_load %arg8[%swap3A_1035] {strides = array<i32>} : memref<256xi32, #tpu.memory_space<vmem>>, vector<16xi32>,
      tpu.vector_store %arg8[%swap3A_1035], %broadcast_in_dim3A_3 {strides = array<i32>} : memref<256xi32, #tpu.memory_space<vmem>>, vector<16xi32>,
    }
    %scan3A_10 = arith.constant 16 : i32
    %swap3A = arith.constant 0 : index
    %swap3A_11 = tpu.vector_load %arg20[%swap3A] {strides = array<i32>} : memref<128xi32, #tpu.memory_space<vmem>>, vector<16xi32>,
    tpu.vector_store %arg20[%swap3A], %broadcast_in_dim3A_1 {strides = array<i32>} : memref<128xi32, #tpu.memory_space<vmem>>, vector<16xi32>,
    %swap3A_12 = arith.constant 16 : index
    %swap3A_13 = tpu.vector_load %arg20[%swap3A_12] {strides = array<i32>} : memref<128xi32, #tpu.memory_space<vmem>>, vector<16xi32>,
    tpu.vector_store %arg20[%swap3A_12], %broadcast_in_dim3A_1 {strides = array<i32>} : memref<128xi32, #tpu.memory_space<vmem>>, vector<16xi32>,
    %swap3A_14 = arith.constant 32 : index
    %swap3A_15 = tpu.vector_load %arg20[%swap3A_14] {strides = array<i32>} : memref<128xi32, #tpu.memory_space<vmem>>, vector<16xi32>,
    tpu.vector_store %arg20[%swap3A_14], %broadcast_in_dim3A_1 {strides = array<i32>} : memref<128xi32, #tpu.memory_space<vmem>>, vector<16xi32>,
    %swap3A_16 = arith.constant 48 : index
    %swap3A_17 = tpu.vector_load %arg20[%swap3A_16] {strides = array<i32>} : memref<128xi32, #tpu.memory_space<vmem>>, vector<16xi32>,
    tpu.vector_store %arg20[%swap3A_16], %broadcast_in_dim3A_1 {strides = array<i32>} : memref<128xi32, #tpu.memory_space<vmem>>, vector<16xi32>,
    %swap3A_18 = arith.constant 64 : index
    %swap3A_19 = tpu.vector_load %arg20[%swap3A_18] {strides = array<i32>} : memref<128xi32, #tpu.memory_space<vmem>>, vector<16xi32>,
    tpu.vector_store %arg20[%swap3A_18], %broadcast_in_dim3A_1 {strides = array<i32>} : memref<128xi32, #tpu.memory_space<vmem>>, vector<16xi32>,
    %swap3A_20 = arith.constant 80 : index
    %swap3A_21 = tpu.vector_load %arg20[%swap3A_20] {strides = array<i32>} : memref<128xi32, #tpu.memory_space<vmem>>, vector<16xi32>,
    tpu.vector_store %arg20[%swap3A_20], %broadcast_in_dim3A_1 {strides = array<i32>} : memref<128xi32, #tpu.memory_space<vmem>>, vector<16xi32>,
    %swap3A_22 = arith.constant 96 : index
    %swap3A_23 = tpu.vector_load %arg20[%swap3A_22] {strides = array<i32>} : memref<128xi32, #tpu.memory_space<vmem>>, vector<16xi32>,
    tpu.vector_store %arg20[%swap3A_22], %broadcast_in_dim3A_1 {strides = array<i32>} : memref<128xi32, #tpu.memory_space<vmem>>, vector<16xi32>,
    %swap3A_24 = arith.constant 112 : index
    %swap3A_25 = tpu.vector_load %arg20[%swap3A_24] {strides = array<i32>} : memref<128xi32, #tpu.memory_space<vmem>>, vector<16xi32>,
    tpu.vector_store %arg20[%swap3A_24], %broadcast_in_dim3A_1 {strides = array<i32>} : memref<128xi32, #tpu.memory_space<vmem>>, vector<16xi32>,
    %scan3A_26 = arith.constant 0 : i32
    %scan3A_27 = arith.constant 16 : i32
    %scan3A_28 = arith.addi %scan3A_26, %scan3A_27 : i32
    %scan3A_29 = arith.constant 1 : i32
    scf.for %scan3A_1028 = %scan3A_26 to %scan3A_28 step %scan3A_29  : i32 {
      %mul3A_1029 = arith.constant 1 : i32
      %mul3A_1030 = arith.muli %scan3A_1028, %mul3A_1029 : i32
      %add3A_1031 = arith.constant 0 : i32
      %add3A_1032 = arith.addi %add3A_1031, %mul3A_1030 : i32
      %mul3A_1033 = arith.constant 16 : i32
      %mul3A_1034 = arith.muli %add3A_1032, %mul3A_1033 : i32
      %swap3A_1035 = arith.index_cast %mul3A_1034 : i32 to index
      %swap3A_1036 = tpu.vector_load %arg21[%swap3A_1035] {strides = array<i32>} : memref<256xi32, #tpu.memory_space<vmem>>, vector<16xi32>,
      tpu.vector_store %arg21[%swap3A_1035], %broadcast_in_dim3A_3 {strides = array<i32>} : memref<256xi32, #tpu.memory_space<vmem>>, vector<16xi32>,
    }
    %scan3A_30 = arith.constant 16 : i32
    %mul3A_31 = arith.constant 256 : i32
    %mul3A_32 = arith.muli %arg1, %mul3A_31 : i32
    "tpu.region"() ({
      %run_scoped3A = tpu.sem_alloc : memref<!tpu.dma_semaphore, #tpu.memory_space<semaphore_mem>>
      %dma_start3A_1028 = tpu.memref_slice %arg30[%mul3A_32] : memref<4096xi32, #tpu.memory_space<vmem_shared>> -> memref<256xi32, #tpu.memory_space<vmem_shared>>
      %dma_start3A_1029 = tpu.memref_slice %arg30[%mul3A_32] : memref<4096xi32, #tpu.memory_space<vmem_shared>> -> memref<256xi32, #tpu.memory_space<vmem_shared>>
      tpu.enqueue_dma source(%arg21 : memref<256xi32, #tpu.memory_space<vmem>>) target(%dma_start3A_1029 : memref<256xi32, #tpu.memory_space<vmem_shared>>) target_semaphore(%run_scoped3A : memref<!tpu.dma_semaphore, #tpu.memory_space<semaphore_mem>>)
      %dma_wait3A_1030 = tpu.memref_slice %arg30[%mul3A_32] : memref<4096xi32, #tpu.memory_space<vmem_shared>> -> memref<256xi32, #tpu.memory_space<vmem_shared>>
      %dma_wait3A_1031 = tpu.memref_slice %arg30[%mul3A_32] : memref<4096xi32, #tpu.memory_space<vmem_shared>> -> memref<256xi32, #tpu.memory_space<vmem_shared>>
      tpu.wait_dma2 semaphore(%run_scoped3A : memref<!tpu.dma_semaphore, #tpu.memory_space<semaphore_mem>>) src(%arg21 : memref<256xi32, #tpu.memory_space<vmem>>) dst(%dma_wait3A_1031 : memref<256xi32, #tpu.memory_space<vmem_shared>>)
      tpu.yield
    }) : () -> ()
    "tpu.region"() ({
      %run_scoped3A = tpu.sem_alloc : memref<!tpu.dma_semaphore, #tpu.memory_space<semaphore_mem>>
      %dma_start3A_1028 = tpu.memref_slice %arg31[%mul3A_32] : memref<4096xi32, #tpu.memory_space<vmem_shared>> -> memref<256xi32, #tpu.memory_space<vmem_shared>>
      %dma_start3A_1029 = tpu.memref_slice %arg31[%mul3A_32] : memref<4096xi32, #tpu.memory_space<vmem_shared>> -> memref<256xi32, #tpu.memory_space<vmem_shared>>
      tpu.enqueue_dma source(%arg21 : memref<256xi32, #tpu.memory_space<vmem>>) target(%dma_start3A_1029 : memref<256xi32, #tpu.memory_space<vmem_shared>>) target_semaphore(%run_scoped3A : memref<!tpu.dma_semaphore, #tpu.memory_space<semaphore_mem>>)
      %dma_wait3A_1030 = tpu.memref_slice %arg31[%mul3A_32] : memref<4096xi32, #tpu.memory_space<vmem_shared>> -> memref<256xi32, #tpu.memory_space<vmem_shared>>
      %dma_wait3A_1031 = tpu.memref_slice %arg31[%mul3A_32] : memref<4096xi32, #tpu.memory_space<vmem_shared>> -> memref<256xi32, #tpu.memory_space<vmem_shared>>
      tpu.wait_dma2 semaphore(%run_scoped3A : memref<!tpu.dma_semaphore, #tpu.memory_space<semaphore_mem>>) src(%arg21 : memref<256xi32, #tpu.memory_space<vmem>>) dst(%dma_wait3A_1031 : memref<256xi32, #tpu.memory_space<vmem_shared>>)
      tpu.yield
    }) : () -> ()
    "tpu.region"() ({
      %run_scoped3A = tpu.sem_alloc : memref<!tpu.dma_semaphore, #tpu.memory_space<semaphore_mem>>
      %dma_start3A_1028 = tpu.memref_slice %arg32[%mul3A_32] : memref<4096xi32, #tpu.memory_space<vmem_shared>> -> memref<256xi32, #tpu.memory_space<vmem_shared>>
      %dma_start3A_1029 = tpu.memref_slice %arg32[%mul3A_32] : memref<4096xi32, #tpu.memory_space<vmem_shared>> -> memref<256xi32, #tpu.memory_space<vmem_shared>>
      tpu.enqueue_dma source(%arg21 : memref<256xi32, #tpu.memory_space<vmem>>) target(%dma_start3A_1029 : memref<256xi32, #tpu.memory_space<vmem_shared>>) target_semaphore(%run_scoped3A : memref<!tpu.dma_semaphore, #tpu.memory_space<semaphore_mem>>)
      %dma_wait3A_1030 = tpu.memref_slice %arg32[%mul3A_32] : memref<4096xi32, #tpu.memory_space<vmem_shared>> -> memref<256xi32, #tpu.memory_space<vmem_shared>>
      %dma_wait3A_1031 = tpu.memref_slice %arg32[%mul3A_32] : memref<4096xi32, #tpu.memory_space<vmem_shared>> -> memref<256xi32, #tpu.memory_space<vmem_shared>>
      tpu.wait_dma2 semaphore(%run_scoped3A : memref<!tpu.dma_semaphore, #tpu.memory_space<semaphore_mem>>) src(%arg21 : memref<256xi32, #tpu.memory_space<vmem>>) dst(%dma_wait3A_1031 : memref<256xi32, #tpu.memory_space<vmem_shared>>)
      tpu.yield
    }) : () -> ()
    %scan3A_33 = arith.constant 0 : i32
    %scan3A_34 = arith.constant 128 : i32
    %scan3A_35 = arith.addi %scan3A_33, %scan3A_34 : i32
    %scan3A_36 = arith.constant 1 : i32
    scf.for %scan3A_1028 = %scan3A_33 to %scan3A_35 step %scan3A_36  : i32 {
      %mul3A_1029 = arith.constant 1 : i32
      %mul3A_1030 = arith.muli %scan3A_1028, %mul3A_1029 : i32
      %add3A_1031 = arith.constant 0 : i32
      %add3A_1032 = arith.addi %add3A_1031, %mul3A_1030 : i32
      %mul3A_1033 = arith.constant 16 : i32
      %mul3A_1034 = arith.muli %add3A_1032, %mul3A_1033 : i32
      %get3A = arith.index_cast %mul3A_1034 : i32 to index
      %get3A_1035 = tpu.vector_load %arg16[%get3A] {strides = array<i32>} : memref<2048xf32, #tpu.memory_space<vmem>>, vector<16xf32>,
      %add3A_1036 = arith.constant 0.000000e+00 : f32
      %add3A_1037 = vector.broadcast %add3A_1036 : f32 to vector<16xf32>
      %add3A_1038 = arith.addf %get3A_1035, %add3A_1037 : vector<16xf32>
      %bitcast_convert_type3A = tpu.bitcast %add3A_1038 : vector<16xf32> -> vector<16xi32>
      %shift_right_arithmetic3A = arith.constant 31 : i32
      %shift_right_arithmetic3A_1039 = vector.broadcast %shift_right_arithmetic3A : i32 to vector<16xi32>
      %shift_right_arithmetic3A_1040 = arith.shrsi %bitcast_convert_type3A, %shift_right_arithmetic3A_1039 : vector<16xi32>
      %or3A = arith.constant -2147483648 : i32
      %or3A_1041 = vector.broadcast %or3A : i32 to vector<16xi32>
      %or3A_1042 = arith.ori %shift_right_arithmetic3A_1040, %or3A_1041 : vector<16xi32>
      %xor3A = arith.xori %bitcast_convert_type3A, %or3A_1042 : vector<16xi32>
      %mul3A_1043 = arith.constant 16 : i32
      %mul3A_1044 = arith.muli %add3A_1032, %mul3A_1043 : i32
      %swap3A_1045 = arith.index_cast %mul3A_1044 : i32 to index
      %swap3A_1046 = tpu.vector_load %arg6[%swap3A_1045] {strides = array<i32>} : memref<2048xi32, #tpu.memory_space<vmem>>, vector<16xi32>,
      tpu.vector_store %arg6[%swap3A_1045], %xor3A {strides = array<i32>} : memref<2048xi32, #tpu.memory_space<vmem>>, vector<16xi32>,
      %mul3A_1047 = arith.constant 16 : i32
      %mul3A_1048 = arith.muli %add3A_1032, %mul3A_1047 : i32
      %add3A_1049 = arith.addi %mul3A_0, %mul3A_1048 : i32
      %add3A_1050 = vector.broadcast %add3A_1049 : i32 to vector<16xi32>
      %add3A_1051 = arith.addi %add3A_1050, %iota3A : vector<16xi32>
      %mul3A_1052 = arith.constant 16 : i32
      %mul3A_1053 = arith.muli %add3A_1032, %mul3A_1052 : i32
      %swap3A_1054 = arith.index_cast %mul3A_1053 : i32 to index
      %swap3A_1055 = tpu.vector_load %arg7[%swap3A_1054] {strides = array<i32>} : memref<2048xi32, #tpu.memory_space<vmem>>, vector<16xi32>,
      tpu.vector_store %arg7[%swap3A_1054], %add3A_1051 {strides = array<i32>} : memref<2048xi32, #tpu.memory_space<vmem>>, vector<16xi32>,
    }
    %scan3A_37 = arith.constant 128 : i32
    %dma_wait3A = tpu.memref_slice %arg27[%mul3A_0] : memref<32768xf32, #tpu.memory_space<vmem_shared>> -> memref<2048xf32, #tpu.memory_space<vmem_shared>>
    %dma_wait3A_38 = tpu.memref_slice %arg2[%mul3A_0] : memref<32768xf32, #tpu.memory_space<hbm>> -> memref<2048xf32, #tpu.memory_space<hbm>>
    tpu.wait_dma2 semaphore(%arg33 : memref<!tpu.dma_semaphore, #tpu.memory_space<semaphore_mem>>) src(%dma_wait3A_38 : memref<2048xf32, #tpu.memory_space<hbm>>) dst(%dma_wait3A : memref<2048xf32, #tpu.memory_space<vmem_shared>>)
    %dma_wait3A_39 = tpu.memref_slice %arg28[%mul3A_0] : memref<32768xi32, #tpu.memory_space<vmem_shared>> -> memref<2048xi32, #tpu.memory_space<vmem_shared>>
    %dma_wait3A_40 = tpu.memref_slice %arg3[%mul3A_0] : memref<32768xi32, #tpu.memory_space<hbm>> -> memref<2048xi32, #tpu.memory_space<hbm>>
    tpu.wait_dma2 semaphore(%arg33 : memref<!tpu.dma_semaphore, #tpu.memory_space<semaphore_mem>>) src(%dma_wait3A_40 : memref<2048xi32, #tpu.memory_space<hbm>>) dst(%dma_wait3A_39 : memref<2048xi32, #tpu.memory_space<vmem_shared>>)
    %scan3A_41 = arith.constant 0 : i32
    %scan3A_42 = arith.constant 128 : i32
    %scan3A_43 = arith.addi %scan3A_41, %scan3A_42 : i32
    %scan3A_44 = arith.constant 1 : i32
    scf.for %scan3A_1028 = %scan3A_41 to %scan3A_43 step %scan3A_44  : i32 {
      %mul3A_1029 = arith.constant 1 : i32
      %mul3A_1030 = arith.muli %scan3A_1028, %mul3A_1029 : i32
      %add3A_1031 = arith.constant 0 : i32
      %add3A_1032 = arith.addi %add3A_1031, %mul3A_1030 : i32
      %mul3A_1033 = arith.constant 16 : i32
      %mul3A_1034 = arith.muli %add3A_1032, %mul3A_1033 : i32
      %get3A = arith.index_cast %mul3A_1034 : i32 to index
      %get3A_1035 = tpu.vector_load %arg6[%get3A] {strides = array<i32>} : memref<2048xi32, #tpu.memory_space<vmem>>, vector<16xi32>,
      %shift_right_logical3A = arith.constant 0 : i32
      %shift_right_logical3A_1036 = vector.broadcast %shift_right_logical3A : i32 to vector<16xi32>
      %shift_right_logical3A_1037 = arith.shrui %get3A_1035, %shift_right_logical3A_1036 : vector<16xi32>
      %and3A = arith.constant 255 : i32
      %and3A_1038 = vector.broadcast %and3A : i32 to vector<16xi32>
      %and3A_1039 = arith.andi %shift_right_logical3A_1037, %and3A_1038 : vector<16xi32>
      %broadcast_in_dim3A_1040 = arith.constant true
      %broadcast_in_dim3A_1041 = vector.broadcast %broadcast_in_dim3A_1040 : i1 to vector<16xi1>
      %unique3A, %unique3A_1042 = tpu.scan_count mask(%broadcast_in_dim3A_1041 : vector<16xi1>) value(%and3A_1039 : vector<16xi32>) : vector<16xi1>, vector<16xi32>
      tpu.vector_store_idx %arg8[%and3A_1039], %unique3A_1042 masked %unique3A {add = true} : memref<256xi32, #tpu.memory_space<vmem>>[vector<16xi32>], vector<16xi32>, vector<16xi1>
    }
    %scan3A_45 = arith.constant 128 : i32
    %mul3A_46 = arith.constant 256 : i32
    %mul3A_47 = arith.muli %arg1, %mul3A_46 : i32
    "tpu.region"() ({
      %run_scoped3A = tpu.sem_alloc : memref<!tpu.dma_semaphore, #tpu.memory_space<semaphore_mem>>
      %dma_start3A_1028 = tpu.memref_slice %arg29[%mul3A_47] : memref<4096xi32, #tpu.memory_space<vmem_shared>> -> memref<256xi32, #tpu.memory_space<vmem_shared>>
      %dma_start3A_1029 = tpu.memref_slice %arg29[%mul3A_47] : memref<4096xi32, #tpu.memory_space<vmem_shared>> -> memref<256xi32, #tpu.memory_space<vmem_shared>>
      tpu.enqueue_dma source(%arg8 : memref<256xi32, #tpu.memory_space<vmem>>) target(%dma_start3A_1029 : memref<256xi32, #tpu.memory_space<vmem_shared>>) target_semaphore(%run_scoped3A : memref<!tpu.dma_semaphore, #tpu.memory_space<semaphore_mem>>)
      %dma_wait3A_1030 = tpu.memref_slice %arg29[%mul3A_47] : memref<4096xi32, #tpu.memory_space<vmem_shared>> -> memref<256xi32, #tpu.memory_space<vmem_shared>>
      %dma_wait3A_1031 = tpu.memref_slice %arg29[%mul3A_47] : memref<4096xi32, #tpu.memory_space<vmem_shared>> -> memref<256xi32, #tpu.memory_space<vmem_shared>>
      tpu.wait_dma2 semaphore(%run_scoped3A : memref<!tpu.dma_semaphore, #tpu.memory_space<semaphore_mem>>) src(%arg8 : memref<256xi32, #tpu.memory_space<vmem>>) dst(%dma_wait3A_1031 : memref<256xi32, #tpu.memory_space<vmem_shared>>)
      tpu.yield
    }) : () -> ()
    %barrier3A = arith.constant 0 : index
    tpu.barrier barrier_id(%barrier3A)
    "tpu.region"() ({
      %run_scoped3A = tpu.sem_alloc : memref<!tpu.dma_semaphore, #tpu.memory_space<semaphore_mem>>
      tpu.enqueue_dma source(%arg29 : memref<4096xi32, #tpu.memory_space<vmem_shared>>) target(%arg10 : memref<4096xi32, #tpu.memory_space<vmem>>) target_semaphore(%run_scoped3A : memref<!tpu.dma_semaphore, #tpu.memory_space<semaphore_mem>>)
      tpu.wait_dma2 semaphore(%run_scoped3A : memref<!tpu.dma_semaphore, #tpu.memory_space<semaphore_mem>>) src(%arg29 : memref<4096xi32, #tpu.memory_space<vmem_shared>>) dst(%arg10 : memref<4096xi32, #tpu.memory_space<vmem>>)
      tpu.yield
    }) : () -> ()
    %scan3A_48 = arith.constant 0 : i32
    %scan3A_49 = arith.constant 16 : i32
    %scan3A_50 = arith.addi %scan3A_48, %scan3A_49 : i32
    %scan3A_51 = arith.constant 1 : i32
    scf.for %scan3A_1028 = %scan3A_48 to %scan3A_50 step %scan3A_51  : i32 {
      %mul3A_1029 = arith.constant 1 : i32
      %mul3A_1030 = arith.muli %scan3A_1028, %mul3A_1029 : i32
      %add3A_1031 = arith.constant 0 : i32
      %add3A_1032 = arith.addi %add3A_1031, %mul3A_1030 : i32
      %mul3A_1033 = arith.constant 16 : i32
      %mul3A_1034 = arith.muli %add3A_1032, %mul3A_1033 : i32
      %add3A_1035 = arith.constant 0 : i32
      %add3A_1036 = arith.addi %add3A_1035, %mul3A_1034 : i32
      %get3A = arith.index_cast %add3A_1036 : i32 to index
      %get3A_1037 = tpu.vector_load %arg10[%get3A] {strides = array<i32>} : memref<4096xi32, #tpu.memory_space<vmem>>, vector<16xi32>,
      %gt3A = arith.constant 0 : i32
      %gt3A_1038 = arith.cmpi sgt, %arg1, %gt3A : i32
      %jit3A = arith.constant 0 : i32
      %broadcast_in_dim3A_1039 = vector.broadcast %jit3A : i32 to vector<16xi32>
      %select_n3A = arith.select %gt3A_1038, %get3A_1037, %broadcast_in_dim3A_1039 : vector<16xi32>
      %add3A_1040 = arith.addi %broadcast_in_dim3A_3, %select_n3A : vector<16xi32>
      %add3A_1041 = arith.addi %broadcast_in_dim3A_3, %get3A_1037 : vector<16xi32>
      %mul3A_1042 = arith.constant 16 : i32
      %mul3A_1043 = arith.muli %add3A_1032, %mul3A_1042 : i32
      %add3A_1044 = arith.constant 256 : i32
      %add3A_1045 = arith.addi %add3A_1044, %mul3A_1043 : i32
      %get3A_1046 = arith.index_cast %add3A_1045 : i32 to index
      %get3A_1047 = tpu.vector_load %arg10[%get3A_1046] {strides = array<i32>} : memref<4096xi32, #tpu.memory_space<vmem>>, vector<16xi32>,
      %gt3A_1048 = arith.constant 1 : i32
      %gt3A_1049 = arith.cmpi sgt, %arg1, %gt3A_1048 : i32
      %jit3A_1050 = arith.constant 0 : i32
      %broadcast_in_dim3A_1051 = vector.broadcast %jit3A_1050 : i32 to vector<16xi32>
      %select_n3A_1052 = arith.select %gt3A_1049, %get3A_1047, %broadcast_in_dim3A_1051 : vector<16xi32>
      %add3A_1053 = arith.addi %add3A_1040, %select_n3A_1052 : vector<16xi32>
      %add3A_1054 = arith.addi %add3A_1041, %get3A_1047 : vector<16xi32>
      %mul3A_1055 = arith.constant 16 : i32
      %mul3A_1056 = arith.muli %add3A_1032, %mul3A_1055 : i32
      %add3A_1057 = arith.constant 512 : i32
      %add3A_1058 = arith.addi %add3A_1057, %mul3A_1056 : i32
      %get3A_1059 = arith.index_cast %add3A_1058 : i32 to index
      %get3A_1060 = tpu.vector_load %arg10[%get3A_1059] {strides = array<i32>} : memref<4096xi32, #tpu.memory_space<vmem>>, vector<16xi32>,
      %gt3A_1061 = arith.constant 2 : i32
      %gt3A_1062 = arith.cmpi sgt, %arg1, %gt3A_1061 : i32
      %jit3A_1063 = arith.constant 0 : i32
      %broadcast_in_dim3A_1064 = vector.broadcast %jit3A_1063 : i32 to vector<16xi32>
      %select_n3A_1065 = arith.select %gt3A_1062, %get3A_1060, %broadcast_in_dim3A_1064 : vector<16xi32>
      %add3A_1066 = arith.addi %add3A_1053, %select_n3A_1065 : vector<16xi32>
      %add3A_1067 = arith.addi %add3A_1054, %get3A_1060 : vector<16xi32>
      %mul3A_1068 = arith.constant 16 : i32
      %mul3A_1069 = arith.muli %add3A_1032, %mul3A_1068 : i32
      %add3A_1070 = arith.constant 768 : i32
      %add3A_1071 = arith.addi %add3A_1070, %mul3A_1069 : i32
      %get3A_1072 = arith.index_cast %add3A_1071 : i32 to index
      %get3A_1073 = tpu.vector_load %arg10[%get3A_1072] {strides = array<i32>} : memref<4096xi32, #tpu.memory_space<vmem>>, vector<16xi32>,
      %gt3A_1074 = arith.constant 3 : i32
      %gt3A_1075 = arith.cmpi sgt, %arg1, %gt3A_1074 : i32
      %jit3A_1076 = arith.constant 0 : i32
      %broadcast_in_dim3A_1077 = vector.broadcast %jit3A_1076 : i32 to vector<16xi32>
      %select_n3A_1078 = arith.select %gt3A_1075, %get3A_1073, %broadcast_in_dim3A_1077 : vector<16xi32>
      %add3A_1079 = arith.addi %add3A_1066, %select_n3A_1078 : vector<16xi32>
      %add3A_1080 = arith.addi %add3A_1067, %get3A_1073 : vector<16xi32>
      %mul3A_1081 = arith.constant 16 : i32
      %mul3A_1082 = arith.muli %add3A_1032, %mul3A_1081 : i32
      %add3A_1083 = arith.constant 1024 : i32
      %add3A_1084 = arith.addi %add3A_1083, %mul3A_1082 : i32
      %get3A_1085 = arith.index_cast %add3A_1084 : i32 to index
      %get3A_1086 = tpu.vector_load %arg10[%get3A_1085] {strides = array<i32>} : memref<4096xi32, #tpu.memory_space<vmem>>, vector<16xi32>,
      %gt3A_1087 = arith.constant 4 : i32
      %gt3A_1088 = arith.cmpi sgt, %arg1, %gt3A_1087 : i32
      %jit3A_1089 = arith.constant 0 : i32
      %broadcast_in_dim3A_1090 = vector.broadcast %jit3A_1089 : i32 to vector<16xi32>
      %select_n3A_1091 = arith.select %gt3A_1088, %get3A_1086, %broadcast_in_dim3A_1090 : vector<16xi32>
      %add3A_1092 = arith.addi %add3A_1079, %select_n3A_1091 : vector<16xi32>
      %add3A_1093 = arith.addi %add3A_1080, %get3A_1086 : vector<16xi32>
      %mul3A_1094 = arith.constant 16 : i32
      %mul3A_1095 = arith.muli %add3A_1032, %mul3A_1094 : i32
      %add3A_1096 = arith.constant 1280 : i32
      %add3A_1097 = arith.addi %add3A_1096, %mul3A_1095 : i32
      %get3A_1098 = arith.index_cast %add3A_1097 : i32 to index
      %get3A_1099 = tpu.vector_load %arg10[%get3A_1098] {strides = array<i32>} : memref<4096xi32, #tpu.memory_space<vmem>>, vector<16xi32>,
      %gt3A_1100 = arith.constant 5 : i32
      %gt3A_1101 = arith.cmpi sgt, %arg1, %gt3A_1100 : i32
      %jit3A_1102 = arith.constant 0 : i32
      %broadcast_in_dim3A_1103 = vector.broadcast %jit3A_1102 : i32 to vector<16xi32>
      %select_n3A_1104 = arith.select %gt3A_1101, %get3A_1099, %broadcast_in_dim3A_1103 : vector<16xi32>
      %add3A_1105 = arith.addi %add3A_1092, %select_n3A_1104 : vector<16xi32>
      %add3A_1106 = arith.addi %add3A_1093, %get3A_1099 : vector<16xi32>
      %mul3A_1107 = arith.constant 16 : i32
      %mul3A_1108 = arith.muli %add3A_1032, %mul3A_1107 : i32
      %add3A_1109 = arith.constant 1536 : i32
      %add3A_1110 = arith.addi %add3A_1109, %mul3A_1108 : i32
      %get3A_1111 = arith.index_cast %add3A_1110 : i32 to index
      %get3A_1112 = tpu.vector_load %arg10[%get3A_1111] {strides = array<i32>} : memref<4096xi32, #tpu.memory_space<vmem>>, vector<16xi32>,
      %gt3A_1113 = arith.constant 6 : i32
      %gt3A_1114 = arith.cmpi sgt, %arg1, %gt3A_1113 : i32
      %jit3A_1115 = arith.constant 0 : i32
      %broadcast_in_dim3A_1116 = vector.broadcast %jit3A_1115 : i32 to vector<16xi32>
      %select_n3A_1117 = arith.select %gt3A_1114, %get3A_1112, %broadcast_in_dim3A_1116 : vector<16xi32>
      %add3A_1118 = arith.addi %add3A_1105, %select_n3A_1117 : vector<16xi32>
      %add3A_1119 = arith.addi %add3A_1106, %get3A_1112 : vector<16xi32>
      %mul3A_1120 = arith.constant 16 : i32
      %mul3A_1121 = arith.muli %add3A_1032, %mul3A_1120 : i32
      %add3A_1122 = arith.constant 1792 : i32
      %add3A_1123 = arith.addi %add3A_1122, %mul3A_1121 : i32
      %get3A_1124 = arith.index_cast %add3A_1123 : i32 to index
      %get3A_1125 = tpu.vector_load %arg10[%get3A_1124] {strides = array<i32>} : memref<4096xi32, #tpu.memory_space<vmem>>, vector<16xi32>,
      %gt3A_1126 = arith.constant 7 : i32
      %gt3A_1127 = arith.cmpi sgt, %arg1, %gt3A_1126 : i32
      %jit3A_1128 = arith.constant 0 : i32
      %broadcast_in_dim3A_1129 = vector.broadcast %jit3A_1128 : i32 to vector<16xi32>
      %select_n3A_1130 = arith.select %gt3A_1127, %get3A_1125, %broadcast_in_dim3A_1129 : vector<16xi32>
      %add3A_1131 = arith.addi %add3A_1118, %select_n3A_1130 : vector<16xi32>
      %add3A_1132 = arith.addi %add3A_1119, %get3A_1125 : vector<16xi32>
      %mul3A_1133 = arith.constant 16 : i32
      %mul3A_1134 = arith.muli %add3A_1032, %mul3A_1133 : i32
      %add3A_1135 = arith.constant 2048 : i32
      %add3A_1136 = arith.addi %add3A_1135, %mul3A_1134 : i32
      %get3A_1137 = arith.index_cast %add3A_1136 : i32 to index
      %get3A_1138 = tpu.vector_load %arg10[%get3A_1137] {strides = array<i32>} : memref<4096xi32, #tpu.memory_space<vmem>>, vector<16xi32>,
      %gt3A_1139 = arith.constant 8 : i32
      %gt3A_1140 = arith.cmpi sgt, %arg1, %gt3A_1139 : i32
      %jit3A_1141 = arith.constant 0 : i32
      %broadcast_in_dim3A_1142 = vector.broadcast %jit3A_1141 : i32 to vector<16xi32>
      %select_n3A_1143 = arith.select %gt3A_1140, %get3A_1138, %broadcast_in_dim3A_1142 : vector<16xi32>
      %add3A_1144 = arith.addi %add3A_1131, %select_n3A_1143 : vector<16xi32>
      %add3A_1145 = arith.addi %add3A_1132, %get3A_1138 : vector<16xi32>
      %mul3A_1146 = arith.constant 16 : i32
      %mul3A_1147 = arith.muli %add3A_1032, %mul3A_1146 : i32
      %add3A_1148 = arith.constant 2304 : i32
      %add3A_1149 = arith.addi %add3A_1148, %mul3A_1147 : i32
      %get3A_1150 = arith.index_cast %add3A_1149 : i32 to index
      %get3A_1151 = tpu.vector_load %arg10[%get3A_1150] {strides = array<i32>} : memref<4096xi32, #tpu.memory_space<vmem>>, vector<16xi32>,
      %gt3A_1152 = arith.constant 9 : i32
      %gt3A_1153 = arith.cmpi sgt, %arg1, %gt3A_1152 : i32
      %jit3A_1154 = arith.constant 0 : i32
      %broadcast_in_dim3A_1155 = vector.broadcast %jit3A_1154 : i32 to vector<16xi32>
      %select_n3A_1156 = arith.select %gt3A_1153, %get3A_1151, %broadcast_in_dim3A_1155 : vector<16xi32>
      %add3A_1157 = arith.addi %add3A_1144, %select_n3A_1156 : vector<16xi32>
      %add3A_1158 = arith.addi %add3A_1145, %get3A_1151 : vector<16xi32>
      %mul3A_1159 = arith.constant 16 : i32
      %mul3A_1160 = arith.muli %add3A_1032, %mul3A_1159 : i32
      %add3A_1161 = arith.constant 2560 : i32
      %add3A_1162 = arith.addi %add3A_1161, %mul3A_1160 : i32
      %get3A_1163 = arith.index_cast %add3A_1162 : i32 to index
      %get3A_1164 = tpu.vector_load %arg10[%get3A_1163] {strides = array<i32>} : memref<4096xi32, #tpu.memory_space<vmem>>, vector<16xi32>,
      %gt3A_1165 = arith.constant 10 : i32
      %gt3A_1166 = arith.cmpi sgt, %arg1, %gt3A_1165 : i32
      %jit3A_1167 = arith.constant 0 : i32
      %broadcast_in_dim3A_1168 = vector.broadcast %jit3A_1167 : i32 to vector<16xi32>
      %select_n3A_1169 = arith.select %gt3A_1166, %get3A_1164, %broadcast_in_dim3A_1168 : vector<16xi32>
      %add3A_1170 = arith.addi %add3A_1157, %select_n3A_1169 : vector<16xi32>
      %add3A_1171 = arith.addi %add3A_1158, %get3A_1164 : vector<16xi32>
      %mul3A_1172 = arith.constant 16 : i32
      %mul3A_1173 = arith.muli %add3A_1032, %mul3A_1172 : i32
      %add3A_1174 = arith.constant 2816 : i32
      %add3A_1175 = arith.addi %add3A_1174, %mul3A_1173 : i32
      %get3A_1176 = arith.index_cast %add3A_1175 : i32 to index
      %get3A_1177 = tpu.vector_load %arg10[%get3A_1176] {strides = array<i32>} : memref<4096xi32, #tpu.memory_space<vmem>>, vector<16xi32>,
      %gt3A_1178 = arith.constant 11 : i32
      %gt3A_1179 = arith.cmpi sgt, %arg1, %gt3A_1178 : i32
      %jit3A_1180 = arith.constant 0 : i32
      %broadcast_in_dim3A_1181 = vector.broadcast %jit3A_1180 : i32 to vector<16xi32>
      %select_n3A_1182 = arith.select %gt3A_1179, %get3A_1177, %broadcast_in_dim3A_1181 : vector<16xi32>
      %add3A_1183 = arith.addi %add3A_1170, %select_n3A_1182 : vector<16xi32>
      %add3A_1184 = arith.addi %add3A_1171, %get3A_1177 : vector<16xi32>
      %mul3A_1185 = arith.constant 16 : i32
      %mul3A_1186 = arith.muli %add3A_1032, %mul3A_1185 : i32
      %add3A_1187 = arith.constant 3072 : i32
      %add3A_1188 = arith.addi %add3A_1187, %mul3A_1186 : i32
      %get3A_1189 = arith.index_cast %add3A_1188 : i32 to index
      %get3A_1190 = tpu.vector_load %arg10[%get3A_1189] {strides = array<i32>} : memref<4096xi32, #tpu.memory_space<vmem>>, vector<16xi32>,
      %gt3A_1191 = arith.constant 12 : i32
      %gt3A_1192 = arith.cmpi sgt, %arg1, %gt3A_1191 : i32
      %jit3A_1193 = arith.constant 0 : i32
      %broadcast_in_dim3A_1194 = vector.broadcast %jit3A_1193 : i32 to vector<16xi32>
      %select_n3A_1195 = arith.select %gt3A_1192, %get3A_1190, %broadcast_in_dim3A_1194 : vector<16xi32>
      %add3A_1196 = arith.addi %add3A_1183, %select_n3A_1195 : vector<16xi32>
      %add3A_1197 = arith.addi %add3A_1184, %get3A_1190 : vector<16xi32>
      %mul3A_1198 = arith.constant 16 : i32
      %mul3A_1199 = arith.muli %add3A_1032, %mul3A_1198 : i32
      %add3A_1200 = arith.constant 3328 : i32
      %add3A_1201 = arith.addi %add3A_1200, %mul3A_1199 : i32
      %get3A_1202 = arith.index_cast %add3A_1201 : i32 to index
      %get3A_1203 = tpu.vector_load %arg10[%get3A_1202] {strides = array<i32>} : memref<4096xi32, #tpu.memory_space<vmem>>, vector<16xi32>,
      %gt3A_1204 = arith.constant 13 : i32
      %gt3A_1205 = arith.cmpi sgt, %arg1, %gt3A_1204 : i32
      %jit3A_1206 = arith.constant 0 : i32
      %broadcast_in_dim3A_1207 = vector.broadcast %jit3A_1206 : i32 to vector<16xi32>
      %select_n3A_1208 = arith.select %gt3A_1205, %get3A_1203, %broadcast_in_dim3A_1207 : vector<16xi32>
      %add3A_1209 = arith.addi %add3A_1196, %select_n3A_1208 : vector<16xi32>
      %add3A_1210 = arith.addi %add3A_1197, %get3A_1203 : vector<16xi32>
      %mul3A_1211 = arith.constant 16 : i32
      %mul3A_1212 = arith.muli %add3A_1032, %mul3A_1211 : i32
      %add3A_1213 = arith.constant 3584 : i32
      %add3A_1214 = arith.addi %add3A_1213, %mul3A_1212 : i32
      %get3A_1215 = arith.index_cast %add3A_1214 : i32 to index
      %get3A_1216 = tpu.vector_load %arg10[%get3A_1215] {strides = array<i32>} : memref<4096xi32, #tpu.memory_space<vmem>>, vector<16xi32>,
      %gt3A_1217 = arith.constant 14 : i32
      %gt3A_1218 = arith.cmpi sgt, %arg1, %gt3A_1217 : i32
      %jit3A_1219 = arith.constant 0 : i32
      %broadcast_in_dim3A_1220 = vector.broadcast %jit3A_1219 : i32 to vector<16xi32>
      %select_n3A_1221 = arith.select %gt3A_1218, %get3A_1216, %broadcast_in_dim3A_1220 : vector<16xi32>
      %add3A_1222 = arith.addi %add3A_1209, %select_n3A_1221 : vector<16xi32>
      %add3A_1223 = arith.addi %add3A_1210, %get3A_1216 : vector<16xi32>
      %mul3A_1224 = arith.constant 16 : i32
      %mul3A_1225 = arith.muli %add3A_1032, %mul3A_1224 : i32
      %add3A_1226 = arith.constant 3840 : i32
      %add3A_1227 = arith.addi %add3A_1226, %mul3A_1225 : i32
      %get3A_1228 = arith.index_cast %add3A_1227 : i32 to index
      %get3A_1229 = tpu.vector_load %arg10[%get3A_1228] {strides = array<i32>} : memref<4096xi32, #tpu.memory_space<vmem>>, vector<16xi32>,
      %gt3A_1230 = arith.constant 15 : i32
      %gt3A_1231 = arith.cmpi sgt, %arg1, %gt3A_1230 : i32
      %jit3A_1232 = arith.constant 0 : i32
      %broadcast_in_dim3A_1233 = vector.broadcast %jit3A_1232 : i32 to vector<16xi32>
      %select_n3A_1234 = arith.select %gt3A_1231, %get3A_1229, %broadcast_in_dim3A_1233 : vector<16xi32>
      %add3A_1235 = arith.addi %add3A_1222, %select_n3A_1234 : vector<16xi32>
      %add3A_1236 = arith.addi %add3A_1223, %get3A_1229 : vector<16xi32>
      %mul3A_1237 = arith.constant 16 : i32
      %mul3A_1238 = arith.muli %add3A_1032, %mul3A_1237 : i32
      %swap3A_1239 = arith.index_cast %mul3A_1238 : i32 to index
      %swap3A_1240 = tpu.vector_load %arg11[%swap3A_1239] {strides = array<i32>} : memref<256xi32, #tpu.memory_space<vmem>>, vector<16xi32>,
      tpu.vector_store %arg11[%swap3A_1239], %add3A_1236 {strides = array<i32>} : memref<256xi32, #tpu.memory_space<vmem>>, vector<16xi32>,
      %mul3A_1241 = arith.constant 16 : i32
      %mul3A_1242 = arith.muli %add3A_1032, %mul3A_1241 : i32
      %swap3A_1243 = arith.index_cast %mul3A_1242 : i32 to index
      %swap3A_1244 = tpu.vector_load %arg12[%swap3A_1243] {strides = array<i32>} : memref<256xi32, #tpu.memory_space<vmem>>, vector<16xi32>,
      tpu.vector_store %arg12[%swap3A_1243], %add3A_1235 {strides = array<i32>} : memref<256xi32, #tpu.memory_space<vmem>>, vector<16xi32>,
    }
    %scan3A_52 = arith.constant 16 : i32
    %scan3A_53 = arith.constant 0 : i32
    %scan3A_54 = arith.constant 16 : i32
    %scan3A_55 = arith.addi %scan3A_53, %scan3A_54 : i32
    %scan3A_56 = arith.constant 1 : i32
    scf.for %scan3A_1028 = %scan3A_53 to %scan3A_55 step %scan3A_56  : i32 {
      %mul3A_1029 = arith.constant 1 : i32
      %mul3A_1030 = arith.muli %scan3A_1028, %mul3A_1029 : i32
      %add3A_1031 = arith.constant 0 : i32
      %add3A_1032 = arith.addi %add3A_1031, %mul3A_1030 : i32
      %mul3A_1033 = arith.constant 16 : i32
      %mul3A_1034 = arith.muli %add3A_1032, %mul3A_1033 : i32
      %get3A = arith.index_cast %mul3A_1034 : i32 to index
      %get3A_1035 = tpu.vector_load %arg11[%get3A] {strides = array<i32>} : memref<256xi32, #tpu.memory_space<vmem>>, vector<16xi32>,
      %broadcast_in_dim3A_1036 = arith.constant true
      %broadcast_in_dim3A_1037 = vector.broadcast %broadcast_in_dim3A_1036 : i1 to vector<16xi1>
      %masked_cumsum3A_1038 = tpu.scan <sum>, %get3A_1035 masked %broadcast_in_dim3A_1037 : vector<16xi32>, vector<16xi1> -> vector<16xi32>
      %mul3A_1039 = arith.constant 16 : i32
      %mul3A_1040 = arith.muli %add3A_1032, %mul3A_1039 : i32
      %swap3A_1041 = arith.index_cast %mul3A_1040 : i32 to index
      %swap3A_1042 = tpu.vector_load %arg13[%swap3A_1041] {strides = array<i32>} : memref<256xi32, #tpu.memory_space<vmem>>, vector<16xi32>,
      tpu.vector_store %arg13[%swap3A_1041], %masked_cumsum3A_1038 {strides = array<i32>} : memref<256xi32, #tpu.memory_space<vmem>>, vector<16xi32>,
    }
    %scan3A_57 = arith.constant 16 : i32
    %mul3A_58 = arith.constant 16 : i32
    %mul3A_59 = vector.broadcast %mul3A_58 : i32 to vector<16xi32>
    %mul3A_60 = arith.muli %iota3A, %mul3A_59 : vector<16xi32>
    %add3A = arith.constant 15 : i32
    %add3A_61 = vector.broadcast %add3A : i32 to vector<16xi32>
    %add3A_62 = arith.addi %mul3A_60, %add3A_61 : vector<16xi32>
    %gather3A = tpu.vector_load_idx %arg13[%add3A_62] : memref<256xi32, #tpu.memory_space<vmem>>[vector<16xi32>], vector<16xi32>,
    %broadcast_in_dim3A_63 = arith.constant true
    %broadcast_in_dim3A_64 = vector.broadcast %broadcast_in_dim3A_63 : i1 to vector<16xi1>
    %masked_cumsum3A = tpu.scan <sum>, %gather3A masked %broadcast_in_dim3A_64 : vector<16xi32>, vector<16xi1> -> vector<16xi32>
    %sub3A = arith.subi %masked_cumsum3A, %gather3A : vector<16xi32>
    %swap3A_65 = arith.constant 0 : index
    %swap3A_66 = tpu.vector_load %arg14[%swap3A_65] {strides = array<i32>} : memref<16xi32, #tpu.memory_space<vmem>>, vector<16xi32>,
    tpu.vector_store %arg14[%swap3A_65], %sub3A {strides = array<i32>} : memref<16xi32, #tpu.memory_space<vmem>>, vector<16xi32>,
    %scan3A_67 = arith.constant 0 : i32
    %scan3A_68 = arith.constant 16 : i32
    %scan3A_69 = arith.addi %scan3A_67, %scan3A_68 : i32
    %scan3A_70 = arith.constant 1 : i32
    scf.for %scan3A_1028 = %scan3A_67 to %scan3A_69 step %scan3A_70  : i32 {
      %mul3A_1029 = arith.constant 1 : i32
      %mul3A_1030 = arith.muli %scan3A_1028, %mul3A_1029 : i32
      %add3A_1031 = arith.constant 0 : i32
      %add3A_1032 = arith.addi %add3A_1031, %mul3A_1030 : i32
      %mul3A_1033 = arith.constant 16 : i32
      %mul3A_1034 = arith.muli %add3A_1032, %mul3A_1033 : i32
      %broadcast_in_dim3A_1035 = vector.broadcast %add3A_1032 : i32 to vector<16xi32>
      %get3A = arith.index_cast %mul3A_1034 : i32 to index
      %get3A_1036 = tpu.vector_load %arg13[%get3A] {strides = array<i32>} : memref<256xi32, #tpu.memory_space<vmem>>, vector<16xi32>,
      %get3A_1037 = arith.index_cast %mul3A_1034 : i32 to index
      %get3A_1038 = tpu.vector_load %arg11[%get3A_1037] {strides = array<i32>} : memref<256xi32, #tpu.memory_space<vmem>>, vector<16xi32>,
      %sub3A_1039 = arith.subi %get3A_1036, %get3A_1038 : vector<16xi32>
      %get3A_1040 = arith.index_cast %mul3A_1034 : i32 to index
      %get3A_1041 = tpu.vector_load %arg12[%get3A_1040] {strides = array<i32>} : memref<256xi32, #tpu.memory_space<vmem>>, vector<16xi32>,
      %add3A_1042 = arith.addi %sub3A_1039, %get3A_1041 : vector<16xi32>
      %gather3A_1043 = tpu.vector_load_idx %arg14[%broadcast_in_dim3A_1035] : memref<16xi32, #tpu.memory_space<vmem>>[vector<16xi32>], vector<16xi32>,
      %add3A_1044 = arith.addi %add3A_1042, %gather3A_1043 : vector<16xi32>
      %swap3A_1045 = arith.index_cast %mul3A_1034 : i32 to index
      %swap3A_1046 = tpu.vector_load %arg9[%swap3A_1045] {strides = array<i32>} : memref<256xi32, #tpu.memory_space<vmem>>, vector<16xi32>,
      tpu.vector_store %arg9[%swap3A_1045], %add3A_1044 {strides = array<i32>} : memref<256xi32, #tpu.memory_space<vmem>>, vector<16xi32>,
    }
    %scan3A_71 = arith.constant 16 : i32
    %scan3A_72 = arith.constant 0 : i32
    %scan3A_73 = arith.constant 16 : i32
    %scan3A_74 = arith.addi %scan3A_72, %scan3A_73 : i32
    %scan3A_75 = arith.constant 1 : i32
    scf.for %scan3A_1028 = %scan3A_72 to %scan3A_74 step %scan3A_75  : i32 {
      %mul3A_1029 = arith.constant 1 : i32
      %mul3A_1030 = arith.muli %scan3A_1028, %mul3A_1029 : i32
      %add3A_1031 = arith.constant 0 : i32
      %add3A_1032 = arith.addi %add3A_1031, %mul3A_1030 : i32
      %mul3A_1033 = arith.constant 8 : i32
      %mul3A_1034 = arith.muli %add3A_1032, %mul3A_1033 : i32
      %add3A_1035 = arith.constant 0 : i32
      %add3A_1036 = arith.addi %mul3A_1034, %add3A_1035 : i32
      %mul3A_1037 = arith.constant 16 : i32
      %mul3A_1038 = arith.muli %add3A_1036, %mul3A_1037 : i32
      %get3A = arith.index_cast %mul3A_1038 : i32 to index
      %get3A_1039 = tpu.vector_load %arg6[%get3A] {strides = array<i32>} : memref<2048xi32, #tpu.memory_space<vmem>>, vector<16xi32>,
      %shift_right_logical3A = arith.constant 0 : i32
      %shift_right_logical3A_1040 = vector.broadcast %shift_right_logical3A : i32 to vector<16xi32>
      %shift_right_logical3A_1041 = arith.shrui %get3A_1039, %shift_right_logical3A_1040 : vector<16xi32>
      %and3A = arith.constant 255 : i32
      %and3A_1042 = vector.broadcast %and3A : i32 to vector<16xi32>
      %and3A_1043 = arith.andi %shift_right_logical3A_1041, %and3A_1042 : vector<16xi32>
      %broadcast_in_dim3A_1044 = arith.constant true
      %broadcast_in_dim3A_1045 = vector.broadcast %broadcast_in_dim3A_1044 : i1 to vector<16xi1>
      %unique3A, %unique3A_1046 = tpu.scan_count mask(%broadcast_in_dim3A_1045 : vector<16xi1>) value(%and3A_1043 : vector<16xi32>) : vector<16xi1>, vector<16xi32>
      %gather3A_1047 = tpu.vector_load_idx %arg9[%and3A_1043] : memref<256xi32, #tpu.memory_space<vmem>>[vector<16xi32>], vector<16xi32>,
      %add3A_1048 = arith.addi %gather3A_1047, %unique3A_1046 : vector<16xi32>
      %sub3A_1049 = arith.subi %add3A_1048, %broadcast_in_dim3A_1 : vector<16xi32>
      tpu.vector_store_idx %arg9[%and3A_1043], %unique3A_1046 masked %unique3A {add = true} : memref<256xi32, #tpu.memory_space<vmem>>[vector<16xi32>], vector<16xi32>, vector<16xi1>
      %swap3A_1050 = arith.index_cast %add3A_1032 : i32 to index
      %swap3A_1051 = arith.constant 0 : index
      %swap3A_1052 = tpu.vector_load %arg15[%swap3A_1050, %swap3A_1051] {strides = array<i32>} : memref<16x128xi32, #tpu.memory_space<vmem>>, vector<16xi32>,
      tpu.vector_store %arg15[%swap3A_1050, %swap3A_1051], %sub3A_1049 {strides = array<i32>} : memref<16x128xi32, #tpu.memory_space<vmem>>, vector<16xi32>,
      %shift_right_logical3A_1053 = arith.constant 8 : i32
      %shift_right_logical3A_1054 = vector.broadcast %shift_right_logical3A_1053 : i32 to vector<16xi32>
      %shift_right_logical3A_1055 = arith.shrui %get3A_1039, %shift_right_logical3A_1054 : vector<16xi32>
      %and3A_1056 = arith.constant 255 : i32
      %and3A_1057 = vector.broadcast %and3A_1056 : i32 to vector<16xi32>
      %and3A_1058 = arith.andi %shift_right_logical3A_1055, %and3A_1057 : vector<16xi32>
      %shift_right_logical3A_1059 = arith.constant 11 : i32
      %shift_right_logical3A_1060 = vector.broadcast %shift_right_logical3A_1059 : i32 to vector<16xi32>
      %shift_right_logical3A_1061 = arith.shrui %sub3A_1049, %shift_right_logical3A_1060 : vector<16xi32>
      %shift_left3A = arith.constant 8 : i32
      %shift_left3A_1062 = vector.broadcast %shift_left3A : i32 to vector<16xi32>
      %shift_left3A_1063 = arith.shli %shift_right_logical3A_1061, %shift_left3A_1062 : vector<16xi32>
      %or3A = arith.ori %shift_left3A_1063, %and3A_1058 : vector<16xi32>
      %swap3A_1064 = arith.index_cast %add3A_1032 : i32 to index
      %swap3A_1065 = arith.constant 0 : index
      %swap3A_1066 = tpu.vector_load %arg22[%swap3A_1064, %swap3A_1065] {strides = array<i32>} : memref<16x128xi32, #tpu.memory_space<vmem>>, vector<16xi32>,
      tpu.vector_store %arg22[%swap3A_1064, %swap3A_1065], %or3A {strides = array<i32>} : memref<16x128xi32, #tpu.memory_space<vmem>>, vector<16xi32>,
      %mul3A_1067 = arith.constant 8 : i32
      %mul3A_1068 = arith.muli %add3A_1032, %mul3A_1067 : i32
      %add3A_1069 = arith.constant 1 : i32
      %add3A_1070 = arith.addi %mul3A_1068, %add3A_1069 : i32
      %mul3A_1071 = arith.constant 16 : i32
      %mul3A_1072 = arith.muli %add3A_1070, %mul3A_1071 : i32
      %get3A_1073 = arith.index_cast %mul3A_1072 : i32 to index
      %get3A_1074 = tpu.vector_load %arg6[%get3A_1073] {strides = array<i32>} : memref<2048xi32, #tpu.memory_space<vmem>>, vector<16xi32>,
      %shift_right_logical3A_1075 = arith.constant 0 : i32
      %shift_right_logical3A_1076 = vector.broadcast %shift_right_logical3A_1075 : i32 to vector<16xi32>
      %shift_right_logical3A_1077 = arith.shrui %get3A_1074, %shift_right_logical3A_1076 : vector<16xi32>
      %and3A_1078 = arith.constant 255 : i32
      %and3A_1079 = vector.broadcast %and3A_1078 : i32 to vector<16xi32>
      %and3A_1080 = arith.andi %shift_right_logical3A_1077, %and3A_1079 : vector<16xi32>
      %broadcast_in_dim3A_1081 = arith.constant true
      %broadcast_in_dim3A_1082 = vector.broadcast %broadcast_in_dim3A_1081 : i1 to vector<16xi1>
      %unique3A_1083, %unique3A_1084 = tpu.scan_count mask(%broadcast_in_dim3A_1082 : vector<16xi1>) value(%and3A_1080 : vector<16xi32>) : vector<16xi1>, vector<16xi32>
      %gather3A_1085 = tpu.vector_load_idx %arg9[%and3A_1080] : memref<256xi32, #tpu.memory_space<vmem>>[vector<16xi32>], vector<16xi32>,
      %add3A_1086 = arith.addi %gather3A_1085, %unique3A_1084 : vector<16xi32>
      %sub3A_1087 = arith.subi %add3A_1086, %broadcast_in_dim3A_1 : vector<16xi32>
      tpu.vector_store_idx %arg9[%and3A_1080], %unique3A_1084 masked %unique3A_1083 {add = true} : memref<256xi32, #tpu.memory_space<vmem>>[vector<16xi32>], vector<16xi32>, vector<16xi1>
      %swap3A_1088 = arith.index_cast %add3A_1032 : i32 to index
      %swap3A_1089 = arith.constant 16 : index
      %swap3A_1090 = tpu.vector_load %arg15[%swap3A_1088, %swap3A_1089] {strides = array<i32>} : memref<16x128xi32, #tpu.memory_space<vmem>>, vector<16xi32>,
      tpu.vector_store %arg15[%swap3A_1088, %swap3A_1089], %sub3A_1087 {strides = array<i32>} : memref<16x128xi32, #tpu.memory_space<vmem>>, vector<16xi32>,
      %shift_right_logical3A_1091 = arith.constant 8 : i32
      %shift_right_logical3A_1092 = vector.broadcast %shift_right_logical3A_1091 : i32 to vector<16xi32>
      %shift_right_logical3A_1093 = arith.shrui %get3A_1074, %shift_right_logical3A_1092 : vector<16xi32>
      %and3A_1094 = arith.constant 255 : i32
      %and3A_1095 = vector.broadcast %and3A_1094 : i32 to vector<16xi32>
      %and3A_1096 = arith.andi %shift_right_logical3A_1093, %and3A_1095 : vector<16xi32>
      %shift_right_logical3A_1097 = arith.constant 11 : i32
      %shift_right_logical3A_1098 = vector.broadcast %shift_right_logical3A_1097 : i32 to vector<16xi32>
      %shift_right_logical3A_1099 = arith.shrui %sub3A_1087, %shift_right_logical3A_1098 : vector<16xi32>
      %shift_left3A_1100 = arith.constant 8 : i32
      %shift_left3A_1101 = vector.broadcast %shift_left3A_1100 : i32 to vector<16xi32>
      %shift_left3A_1102 = arith.shli %shift_right_logical3A_1099, %shift_left3A_1101 : vector<16xi32>
      %or3A_1103 = arith.ori %shift_left3A_1102, %and3A_1096 : vector<16xi32>
      %swap3A_1104 = arith.index_cast %add3A_1032 : i32 to index
      %swap3A_1105 = arith.constant 16 : index
      %swap3A_1106 = tpu.vector_load %arg22[%swap3A_1104, %swap3A_1105] {strides = array<i32>} : memref<16x128xi32, #tpu.memory_space<vmem>>, vector<16xi32>,
      tpu.vector_store %arg22[%swap3A_1104, %swap3A_1105], %or3A_1103 {strides = array<i32>} : memref<16x128xi32, #tpu.memory_space<vmem>>, vector<16xi32>,
      %mul3A_1107 = arith.constant 8 : i32
      %mul3A_1108 = arith.muli %add3A_1032, %mul3A_1107 : i32
      %add3A_1109 = arith.constant 2 : i32
      %add3A_1110 = arith.addi %mul3A_1108, %add3A_1109 : i32
      %mul3A_1111 = arith.constant 16 : i32
      %mul3A_1112 = arith.muli %add3A_1110, %mul3A_1111 : i32
      %get3A_1113 = arith.index_cast %mul3A_1112 : i32 to index
      %get3A_1114 = tpu.vector_load %arg6[%get3A_1113] {strides = array<i32>} : memref<2048xi32, #tpu.memory_space<vmem>>, vector<16xi32>,
      %shift_right_logical3A_1115 = arith.constant 0 : i32
      %shift_right_logical3A_1116 = vector.broadcast %shift_right_logical3A_1115 : i32 to vector<16xi32>
      %shift_right_logical3A_1117 = arith.shrui %get3A_1114, %shift_right_logical3A_1116 : vector<16xi32>
      %and3A_1118 = arith.constant 255 : i32
      %and3A_1119 = vector.broadcast %and3A_1118 : i32 to vector<16xi32>
      %and3A_1120 = arith.andi %shift_right_logical3A_1117, %and3A_1119 : vector<16xi32>
      %broadcast_in_dim3A_1121 = arith.constant true
      %broadcast_in_dim3A_1122 = vector.broadcast %broadcast_in_dim3A_1121 : i1 to vector<16xi1>
      %unique3A_1123, %unique3A_1124 = tpu.scan_count mask(%broadcast_in_dim3A_1122 : vector<16xi1>) value(%and3A_1120 : vector<16xi32>) : vector<16xi1>, vector<16xi32>
      %gather3A_1125 = tpu.vector_load_idx %arg9[%and3A_1120] : memref<256xi32, #tpu.memory_space<vmem>>[vector<16xi32>], vector<16xi32>,
      %add3A_1126 = arith.addi %gather3A_1125, %unique3A_1124 : vector<16xi32>
      %sub3A_1127 = arith.subi %add3A_1126, %broadcast_in_dim3A_1 : vector<16xi32>
      tpu.vector_store_idx %arg9[%and3A_1120], %unique3A_1124 masked %unique3A_1123 {add = true} : memref<256xi32, #tpu.memory_space<vmem>>[vector<16xi32>], vector<16xi32>, vector<16xi1>
      %swap3A_1128 = arith.index_cast %add3A_1032 : i32 to index
      %swap3A_1129 = arith.constant 32 : index
      %swap3A_1130 = tpu.vector_load %arg15[%swap3A_1128, %swap3A_1129] {strides = array<i32>} : memref<16x128xi32, #tpu.memory_space<vmem>>, vector<16xi32>,
      tpu.vector_store %arg15[%swap3A_1128, %swap3A_1129], %sub3A_1127 {strides = array<i32>} : memref<16x128xi32, #tpu.memory_space<vmem>>, vector<16xi32>,
      %shift_right_logical3A_1131 = arith.constant 8 : i32
      %shift_right_logical3A_1132 = vector.broadcast %shift_right_logical3A_1131 : i32 to vector<16xi32>
      %shift_right_logical3A_1133 = arith.shrui %get3A_1114, %shift_right_logical3A_1132 : vector<16xi32>
      %and3A_1134 = arith.constant 255 : i32
      %and3A_1135 = vector.broadcast %and3A_1134 : i32 to vector<16xi32>
      %and3A_1136 = arith.andi %shift_right_logical3A_1133, %and3A_1135 : vector<16xi32>
      %shift_right_logical3A_1137 = arith.constant 11 : i32
      %shift_right_logical3A_1138 = vector.broadcast %shift_right_logical3A_1137 : i32 to vector<16xi32>
      %shift_right_logical3A_1139 = arith.shrui %sub3A_1127, %shift_right_logical3A_1138 : vector<16xi32>
      %shift_left3A_1140 = arith.constant 8 : i32
      %shift_left3A_1141 = vector.broadcast %shift_left3A_1140 : i32 to vector<16xi32>
      %shift_left3A_1142 = arith.shli %shift_right_logical3A_1139, %shift_left3A_1141 : vector<16xi32>
      %or3A_1143 = arith.ori %shift_left3A_1142, %and3A_1136 : vector<16xi32>
      %swap3A_1144 = arith.index_cast %add3A_1032 : i32 to index
      %swap3A_1145 = arith.constant 32 : index
      %swap3A_1146 = tpu.vector_load %arg22[%swap3A_1144, %swap3A_1145] {strides = array<i32>} : memref<16x128xi32, #tpu.memory_space<vmem>>, vector<16xi32>,
      tpu.vector_store %arg22[%swap3A_1144, %swap3A_1145], %or3A_1143 {strides = array<i32>} : memref<16x128xi32, #tpu.memory_space<vmem>>, vector<16xi32>,
      %mul3A_1147 = arith.constant 8 : i32
      %mul3A_1148 = arith.muli %add3A_1032, %mul3A_1147 : i32
      %add3A_1149 = arith.constant 3 : i32
      %add3A_1150 = arith.addi %mul3A_1148, %add3A_1149 : i32
      %mul3A_1151 = arith.constant 16 : i32
      %mul3A_1152 = arith.muli %add3A_1150, %mul3A_1151 : i32
      %get3A_1153 = arith.index_cast %mul3A_1152 : i32 to index
      %get3A_1154 = tpu.vector_load %arg6[%get3A_1153] {strides = array<i32>} : memref<2048xi32, #tpu.memory_space<vmem>>, vector<16xi32>,
      %shift_right_logical3A_1155 = arith.constant 0 : i32
      %shift_right_logical3A_1156 = vector.broadcast %shift_right_logical3A_1155 : i32 to vector<16xi32>
      %shift_right_logical3A_1157 = arith.shrui %get3A_1154, %shift_right_logical3A_1156 : vector<16xi32>
      %and3A_1158 = arith.constant 255 : i32
      %and3A_1159 = vector.broadcast %and3A_1158 : i32 to vector<16xi32>
      %and3A_1160 = arith.andi %shift_right_logical3A_1157, %and3A_1159 : vector<16xi32>
      %broadcast_in_dim3A_1161 = arith.constant true
      %broadcast_in_dim3A_1162 = vector.broadcast %broadcast_in_dim3A_1161 : i1 to vector<16xi1>
      %unique3A_1163, %unique3A_1164 = tpu.scan_count mask(%broadcast_in_dim3A_1162 : vector<16xi1>) value(%and3A_1160 : vector<16xi32>) : vector<16xi1>, vector<16xi32>
      %gather3A_1165 = tpu.vector_load_idx %arg9[%and3A_1160] : memref<256xi32, #tpu.memory_space<vmem>>[vector<16xi32>], vector<16xi32>,
      %add3A_1166 = arith.addi %gather3A_1165, %unique3A_1164 : vector<16xi32>
      %sub3A_1167 = arith.subi %add3A_1166, %broadcast_in_dim3A_1 : vector<16xi32>
      tpu.vector_store_idx %arg9[%and3A_1160], %unique3A_1164 masked %unique3A_1163 {add = true} : memref<256xi32, #tpu.memory_space<vmem>>[vector<16xi32>], vector<16xi32>, vector<16xi1>
      %swap3A_1168 = arith.index_cast %add3A_1032 : i32 to index
      %swap3A_1169 = arith.constant 48 : index
      %swap3A_1170 = tpu.vector_load %arg15[%swap3A_1168, %swap3A_1169] {strides = array<i32>} : memref<16x128xi32, #tpu.memory_space<vmem>>, vector<16xi32>,
      tpu.vector_store %arg15[%swap3A_1168, %swap3A_1169], %sub3A_1167 {strides = array<i32>} : memref<16x128xi32, #tpu.memory_space<vmem>>, vector<16xi32>,
      %shift_right_logical3A_1171 = arith.constant 8 : i32
      %shift_right_logical3A_1172 = vector.broadcast %shift_right_logical3A_1171 : i32 to vector<16xi32>
      %shift_right_logical3A_1173 = arith.shrui %get3A_1154, %shift_right_logical3A_1172 : vector<16xi32>
      %and3A_1174 = arith.constant 255 : i32
      %and3A_1175 = vector.broadcast %and3A_1174 : i32 to vector<16xi32>
      %and3A_1176 = arith.andi %shift_right_logical3A_1173, %and3A_1175 : vector<16xi32>
      %shift_right_logical3A_1177 = arith.constant 11 : i32
      %shift_right_logical3A_1178 = vector.broadcast %shift_right_logical3A_1177 : i32 to vector<16xi32>
      %shift_right_logical3A_1179 = arith.shrui %sub3A_1167, %shift_right_logical3A_1178 : vector<16xi32>
      %shift_left3A_1180 = arith.constant 8 : i32
      %shift_left3A_1181 = vector.broadcast %shift_left3A_1180 : i32 to vector<16xi32>
      %shift_left3A_1182 = arith.shli %shift_right_logical3A_1179, %shift_left3A_1181 : vector<16xi32>
      %or3A_1183 = arith.ori %shift_left3A_1182, %and3A_1176 : vector<16xi32>
      %swap3A_1184 = arith.index_cast %add3A_1032 : i32 to index
      %swap3A_1185 = arith.constant 48 : index
      %swap3A_1186 = tpu.vector_load %arg22[%swap3A_1184, %swap3A_1185] {strides = array<i32>} : memref<16x128xi32, #tpu.memory_space<vmem>>, vector<16xi32>,
      tpu.vector_store %arg22[%swap3A_1184, %swap3A_1185], %or3A_1183 {strides = array<i32>} : memref<16x128xi32, #tpu.memory_space<vmem>>, vector<16xi32>,
      %mul3A_1187 = arith.constant 8 : i32
      %mul3A_1188 = arith.muli %add3A_1032, %mul3A_1187 : i32
      %add3A_1189 = arith.constant 4 : i32
      %add3A_1190 = arith.addi %mul3A_1188, %add3A_1189 : i32
      %mul3A_1191 = arith.constant 16 : i32
      %mul3A_1192 = arith.muli %add3A_1190, %mul3A_1191 : i32
      %get3A_1193 = arith.index_cast %mul3A_1192 : i32 to index
      %get3A_1194 = tpu.vector_load %arg6[%get3A_1193] {strides = array<i32>} : memref<2048xi32, #tpu.memory_space<vmem>>, vector<16xi32>,
      %shift_right_logical3A_1195 = arith.constant 0 : i32
      %shift_right_logical3A_1196 = vector.broadcast %shift_right_logical3A_1195 : i32 to vector<16xi32>
      %shift_right_logical3A_1197 = arith.shrui %get3A_1194, %shift_right_logical3A_1196 : vector<16xi32>
      %and3A_1198 = arith.constant 255 : i32
      %and3A_1199 = vector.broadcast %and3A_1198 : i32 to vector<16xi32>
      %and3A_1200 = arith.andi %shift_right_logical3A_1197, %and3A_1199 : vector<16xi32>
      %broadcast_in_dim3A_1201 = arith.constant true
      %broadcast_in_dim3A_1202 = vector.broadcast %broadcast_in_dim3A_1201 : i1 to vector<16xi1>
      %unique3A_1203, %unique3A_1204 = tpu.scan_count mask(%broadcast_in_dim3A_1202 : vector<16xi1>) value(%and3A_1200 : vector<16xi32>) : vector<16xi1>, vector<16xi32>
      %gather3A_1205 = tpu.vector_load_idx %arg9[%and3A_1200] : memref<256xi32, #tpu.memory_space<vmem>>[vector<16xi32>], vector<16xi32>,
      %add3A_1206 = arith.addi %gather3A_1205, %unique3A_1204 : vector<16xi32>
      %sub3A_1207 = arith.subi %add3A_1206, %broadcast_in_dim3A_1 : vector<16xi32>
      tpu.vector_store_idx %arg9[%and3A_1200], %unique3A_1204 masked %unique3A_1203 {add = true} : memref<256xi32, #tpu.memory_space<vmem>>[vector<16xi32>], vector<16xi32>, vector<16xi1>
      %swap3A_1208 = arith.index_cast %add3A_1032 : i32 to index
      %swap3A_1209 = arith.constant 64 : index
      %swap3A_1210 = tpu.vector_load %arg15[%swap3A_1208, %swap3A_1209] {strides = array<i32>} : memref<16x128xi32, #tpu.memory_space<vmem>>, vector<16xi32>,
      tpu.vector_store %arg15[%swap3A_1208, %swap3A_1209], %sub3A_1207 {strides = array<i32>} : memref<16x128xi32, #tpu.memory_space<vmem>>, vector<16xi32>,
      %shift_right_logical3A_1211 = arith.constant 8 : i32
      %shift_right_logical3A_1212 = vector.broadcast %shift_right_logical3A_1211 : i32 to vector<16xi32>
      %shift_right_logical3A_1213 = arith.shrui %get3A_1194, %shift_right_logical3A_1212 : vector<16xi32>
      %and3A_1214 = arith.constant 255 : i32
      %and3A_1215 = vector.broadcast %and3A_1214 : i32 to vector<16xi32>
      %and3A_1216 = arith.andi %shift_right_logical3A_1213, %and3A_1215 : vector<16xi32>
      %shift_right_logical3A_1217 = arith.constant 11 : i32
      %shift_right_logical3A_1218 = vector.broadcast %shift_right_logical3A_1217 : i32 to vector<16xi32>
      %shift_right_logical3A_1219 = arith.shrui %sub3A_1207, %shift_right_logical3A_1218 : vector<16xi32>
      %shift_left3A_1220 = arith.constant 8 : i32
      %shift_left3A_1221 = vector.broadcast %shift_left3A_1220 : i32 to vector<16xi32>
      %shift_left3A_1222 = arith.shli %shift_right_logical3A_1219, %shift_left3A_1221 : vector<16xi32>
      %or3A_1223 = arith.ori %shift_left3A_1222, %and3A_1216 : vector<16xi32>
      %swap3A_1224 = arith.index_cast %add3A_1032 : i32 to index
      %swap3A_1225 = arith.constant 64 : index
      %swap3A_1226 = tpu.vector_load %arg22[%swap3A_1224, %swap3A_1225] {strides = array<i32>} : memref<16x128xi32, #tpu.memory_space<vmem>>, vector<16xi32>,
      tpu.vector_store %arg22[%swap3A_1224, %swap3A_1225], %or3A_1223 {strides = array<i32>} : memref<16x128xi32, #tpu.memory_space<vmem>>, vector<16xi32>,
      %mul3A_1227 = arith.constant 8 : i32
      %mul3A_1228 = arith.muli %add3A_1032, %mul3A_1227 : i32
      %add3A_1229 = arith.constant 5 : i32
      %add3A_1230 = arith.addi %mul3A_1228, %add3A_1229 : i32
      %mul3A_1231 = arith.constant 16 : i32
      %mul3A_1232 = arith.muli %add3A_1230, %mul3A_1231 : i32
      %get3A_1233 = arith.index_cast %mul3A_1232 : i32 to index
      %get3A_1234 = tpu.vector_load %arg6[%get3A_1233] {strides = array<i32>} : memref<2048xi32, #tpu.memory_space<vmem>>, vector<16xi32>,
      %shift_right_logical3A_1235 = arith.constant 0 : i32
      %shift_right_logical3A_1236 = vector.broadcast %shift_right_logical3A_1235 : i32 to vector<16xi32>
      %shift_right_logical3A_1237 = arith.shrui %get3A_1234, %shift_right_logical3A_1236 : vector<16xi32>
      %and3A_1238 = arith.constant 255 : i32
      %and3A_1239 = vector.broadcast %and3A_1238 : i32 to vector<16xi32>
      %and3A_1240 = arith.andi %shift_right_logical3A_1237, %and3A_1239 : vector<16xi32>
      %broadcast_in_dim3A_1241 = arith.constant true
      %broadcast_in_dim3A_1242 = vector.broadcast %broadcast_in_dim3A_1241 : i1 to vector<16xi1>
      %unique3A_1243, %unique3A_1244 = tpu.scan_count mask(%broadcast_in_dim3A_1242 : vector<16xi1>) value(%and3A_1240 : vector<16xi32>) : vector<16xi1>, vector<16xi32>
      %gather3A_1245 = tpu.vector_load_idx %arg9[%and3A_1240] : memref<256xi32, #tpu.memory_space<vmem>>[vector<16xi32>], vector<16xi32>,
      %add3A_1246 = arith.addi %gather3A_1245, %unique3A_1244 : vector<16xi32>
      %sub3A_1247 = arith.subi %add3A_1246, %broadcast_in_dim3A_1 : vector<16xi32>
      tpu.vector_store_idx %arg9[%and3A_1240], %unique3A_1244 masked %unique3A_1243 {add = true} : memref<256xi32, #tpu.memory_space<vmem>>[vector<16xi32>], vector<16xi32>, vector<16xi1>
      %swap3A_1248 = arith.index_cast %add3A_1032 : i32 to index
      %swap3A_1249 = arith.constant 80 : index
      %swap3A_1250 = tpu.vector_load %arg15[%swap3A_1248, %swap3A_1249] {strides = array<i32>} : memref<16x128xi32, #tpu.memory_space<vmem>>, vector<16xi32>,
      tpu.vector_store %arg15[%swap3A_1248, %swap3A_1249], %sub3A_1247 {strides = array<i32>} : memref<16x128xi32, #tpu.memory_space<vmem>>, vector<16xi32>,
      %shift_right_logical3A_1251 = arith.constant 8 : i32
      %shift_right_logical3A_1252 = vector.broadcast %shift_right_logical3A_1251 : i32 to vector<16xi32>
      %shift_right_logical3A_1253 = arith.shrui %get3A_1234, %shift_right_logical3A_1252 : vector<16xi32>
      %and3A_1254 = arith.constant 255 : i32
      %and3A_1255 = vector.broadcast %and3A_1254 : i32 to vector<16xi32>
      %and3A_1256 = arith.andi %shift_right_logical3A_1253, %and3A_1255 : vector<16xi32>
      %shift_right_logical3A_1257 = arith.constant 11 : i32
      %shift_right_logical3A_1258 = vector.broadcast %shift_right_logical3A_1257 : i32 to vector<16xi32>
      %shift_right_logical3A_1259 = arith.shrui %sub3A_1247, %shift_right_logical3A_1258 : vector<16xi32>
      %shift_left3A_1260 = arith.constant 8 : i32
      %shift_left3A_1261 = vector.broadcast %shift_left3A_1260 : i32 to vector<16xi32>
      %shift_left3A_1262 = arith.shli %shift_right_logical3A_1259, %shift_left3A_1261 : vector<16xi32>
      %or3A_1263 = arith.ori %shift_left3A_1262, %and3A_1256 : vector<16xi32>
      %swap3A_1264 = arith.index_cast %add3A_1032 : i32 to index
      %swap3A_1265 = arith.constant 80 : index
      %swap3A_1266 = tpu.vector_load %arg22[%swap3A_1264, %swap3A_1265] {strides = array<i32>} : memref<16x128xi32, #tpu.memory_space<vmem>>, vector<16xi32>,
      tpu.vector_store %arg22[%swap3A_1264, %swap3A_1265], %or3A_1263 {strides = array<i32>} : memref<16x128xi32, #tpu.memory_space<vmem>>, vector<16xi32>,
      %mul3A_1267 = arith.constant 8 : i32
      %mul3A_1268 = arith.muli %add3A_1032, %mul3A_1267 : i32
      %add3A_1269 = arith.constant 6 : i32
      %add3A_1270 = arith.addi %mul3A_1268, %add3A_1269 : i32
      %mul3A_1271 = arith.constant 16 : i32
      %mul3A_1272 = arith.muli %add3A_1270, %mul3A_1271 : i32
      %get3A_1273 = arith.index_cast %mul3A_1272 : i32 to index
      %get3A_1274 = tpu.vector_load %arg6[%get3A_1273] {strides = array<i32>} : memref<2048xi32, #tpu.memory_space<vmem>>, vector<16xi32>,
      %shift_right_logical3A_1275 = arith.constant 0 : i32
      %shift_right_logical3A_1276 = vector.broadcast %shift_right_logical3A_1275 : i32 to vector<16xi32>
      %shift_right_logical3A_1277 = arith.shrui %get3A_1274, %shift_right_logical3A_1276 : vector<16xi32>
      %and3A_1278 = arith.constant 255 : i32
      %and3A_1279 = vector.broadcast %and3A_1278 : i32 to vector<16xi32>
      %and3A_1280 = arith.andi %shift_right_logical3A_1277, %and3A_1279 : vector<16xi32>
      %broadcast_in_dim3A_1281 = arith.constant true
      %broadcast_in_dim3A_1282 = vector.broadcast %broadcast_in_dim3A_1281 : i1 to vector<16xi1>
      %unique3A_1283, %unique3A_1284 = tpu.scan_count mask(%broadcast_in_dim3A_1282 : vector<16xi1>) value(%and3A_1280 : vector<16xi32>) : vector<16xi1>, vector<16xi32>
      %gather3A_1285 = tpu.vector_load_idx %arg9[%and3A_1280] : memref<256xi32, #tpu.memory_space<vmem>>[vector<16xi32>], vector<16xi32>,
      %add3A_1286 = arith.addi %gather3A_1285, %unique3A_1284 : vector<16xi32>
      %sub3A_1287 = arith.subi %add3A_1286, %broadcast_in_dim3A_1 : vector<16xi32>
      tpu.vector_store_idx %arg9[%and3A_1280], %unique3A_1284 masked %unique3A_1283 {add = true} : memref<256xi32, #tpu.memory_space<vmem>>[vector<16xi32>], vector<16xi32>, vector<16xi1>
      %swap3A_1288 = arith.index_cast %add3A_1032 : i32 to index
      %swap3A_1289 = arith.constant 96 : index
      %swap3A_1290 = tpu.vector_load %arg15[%swap3A_1288, %swap3A_1289] {strides = array<i32>} : memref<16x128xi32, #tpu.memory_space<vmem>>, vector<16xi32>,
      tpu.vector_store %arg15[%swap3A_1288, %swap3A_1289], %sub3A_1287 {strides = array<i32>} : memref<16x128xi32, #tpu.memory_space<vmem>>, vector<16xi32>,
      %shift_right_logical3A_1291 = arith.constant 8 : i32
      %shift_right_logical3A_1292 = vector.broadcast %shift_right_logical3A_1291 : i32 to vector<16xi32>
      %shift_right_logical3A_1293 = arith.shrui %get3A_1274, %shift_right_logical3A_1292 : vector<16xi32>
      %and3A_1294 = arith.constant 255 : i32
      %and3A_1295 = vector.broadcast %and3A_1294 : i32 to vector<16xi32>
      %and3A_1296 = arith.andi %shift_right_logical3A_1293, %and3A_1295 : vector<16xi32>
      %shift_right_logical3A_1297 = arith.constant 11 : i32
      %shift_right_logical3A_1298 = vector.broadcast %shift_right_logical3A_1297 : i32 to vector<16xi32>
      %shift_right_logical3A_1299 = arith.shrui %sub3A_1287, %shift_right_logical3A_1298 : vector<16xi32>
      %shift_left3A_1300 = arith.constant 8 : i32
      %shift_left3A_1301 = vector.broadcast %shift_left3A_1300 : i32 to vector<16xi32>
      %shift_left3A_1302 = arith.shli %shift_right_logical3A_1299, %shift_left3A_1301 : vector<16xi32>
      %or3A_1303 = arith.ori %shift_left3A_1302, %and3A_1296 : vector<16xi32>
      %swap3A_1304 = arith.index_cast %add3A_1032 : i32 to index
      %swap3A_1305 = arith.constant 96 : index
      %swap3A_1306 = tpu.vector_load %arg22[%swap3A_1304, %swap3A_1305] {strides = array<i32>} : memref<16x128xi32, #tpu.memory_space<vmem>>, vector<16xi32>,
      tpu.vector_store %arg22[%swap3A_1304, %swap3A_1305], %or3A_1303 {strides = array<i32>} : memref<16x128xi32, #tpu.memory_space<vmem>>, vector<16xi32>,
      %mul3A_1307 = arith.constant 8 : i32
      %mul3A_1308 = arith.muli %add3A_1032, %mul3A_1307 : i32
      %add3A_1309 = arith.constant 7 : i32
      %add3A_1310 = arith.addi %mul3A_1308, %add3A_1309 : i32
      %mul3A_1311 = arith.constant 16 : i32
      %mul3A_1312 = arith.muli %add3A_1310, %mul3A_1311 : i32
      %get3A_1313 = arith.index_cast %mul3A_1312 : i32 to index
      %get3A_1314 = tpu.vector_load %arg6[%get3A_1313] {strides = array<i32>} : memref<2048xi32, #tpu.memory_space<vmem>>, vector<16xi32>,
      %shift_right_logical3A_1315 = arith.constant 0 : i32
      %shift_right_logical3A_1316 = vector.broadcast %shift_right_logical3A_1315 : i32 to vector<16xi32>
      %shift_right_logical3A_1317 = arith.shrui %get3A_1314, %shift_right_logical3A_1316 : vector<16xi32>
      %and3A_1318 = arith.constant 255 : i32
      %and3A_1319 = vector.broadcast %and3A_1318 : i32 to vector<16xi32>
      %and3A_1320 = arith.andi %shift_right_logical3A_1317, %and3A_1319 : vector<16xi32>
      %broadcast_in_dim3A_1321 = arith.constant true
      %broadcast_in_dim3A_1322 = vector.broadcast %broadcast_in_dim3A_1321 : i1 to vector<16xi1>
      %unique3A_1323, %unique3A_1324 = tpu.scan_count mask(%broadcast_in_dim3A_1322 : vector<16xi1>) value(%and3A_1320 : vector<16xi32>) : vector<16xi1>, vector<16xi32>
      %gather3A_1325 = tpu.vector_load_idx %arg9[%and3A_1320] : memref<256xi32, #tpu.memory_space<vmem>>[vector<16xi32>], vector<16xi32>,
      %add3A_1326 = arith.addi %gather3A_1325, %unique3A_1324 : vector<16xi32>
      %sub3A_1327 = arith.subi %add3A_1326, %broadcast_in_dim3A_1 : vector<16xi32>
      tpu.vector_store_idx %arg9[%and3A_1320], %unique3A_1324 masked %unique3A_1323 {add = true} : memref<256xi32, #tpu.memory_space<vmem>>[vector<16xi32>], vector<16xi32>, vector<16xi1>
      %swap3A_1328 = arith.index_cast %add3A_1032 : i32 to index
      %swap3A_1329 = arith.constant 112 : index
      %swap3A_1330 = tpu.vector_load %arg15[%swap3A_1328, %swap3A_1329] {strides = array<i32>} : memref<16x128xi32, #tpu.memory_space<vmem>>, vector<16xi32>,
      tpu.vector_store %arg15[%swap3A_1328, %swap3A_1329], %sub3A_1327 {strides = array<i32>} : memref<16x128xi32, #tpu.memory_space<vmem>>, vector<16xi32>,
      %shift_right_logical3A_1331 = arith.constant 8 : i32
      %shift_right_logical3A_1332 = vector.broadcast %shift_right_logical3A_1331 : i32 to vector<16xi32>
      %shift_right_logical3A_1333 = arith.shrui %get3A_1314, %shift_right_logical3A_1332 : vector<16xi32>
      %and3A_1334 = arith.constant 255 : i32
      %and3A_1335 = vector.broadcast %and3A_1334 : i32 to vector<16xi32>
      %and3A_1336 = arith.andi %shift_right_logical3A_1333, %and3A_1335 : vector<16xi32>
      %shift_right_logical3A_1337 = arith.constant 11 : i32
      %shift_right_logical3A_1338 = vector.broadcast %shift_right_logical3A_1337 : i32 to vector<16xi32>
      %shift_right_logical3A_1339 = arith.shrui %sub3A_1327, %shift_right_logical3A_1338 : vector<16xi32>
      %shift_left3A_1340 = arith.constant 8 : i32
      %shift_left3A_1341 = vector.broadcast %shift_left3A_1340 : i32 to vector<16xi32>
      %shift_left3A_1342 = arith.shli %shift_right_logical3A_1339, %shift_left3A_1341 : vector<16xi32>
      %or3A_1343 = arith.ori %shift_left3A_1342, %and3A_1336 : vector<16xi32>
      %swap3A_1344 = arith.index_cast %add3A_1032 : i32 to index
      %swap3A_1345 = arith.constant 112 : index
      %swap3A_1346 = tpu.vector_load %arg22[%swap3A_1344, %swap3A_1345] {strides = array<i32>} : memref<16x128xi32, #tpu.memory_space<vmem>>, vector<16xi32>,
      tpu.vector_store %arg22[%swap3A_1344, %swap3A_1345], %or3A_1343 {strides = array<i32>} : memref<16x128xi32, #tpu.memory_space<vmem>>, vector<16xi32>,
      %mul3A_1347 = arith.constant 128 : i32
      %mul3A_1348 = arith.muli %add3A_1032, %mul3A_1347 : i32
      %dma_start3A_1349 = tpu.memref_slice %arg6[%mul3A_1348] : memref<2048xi32, #tpu.memory_space<vmem>> -> memref<128xi32, #tpu.memory_space<vmem>>
      %dma_start3A_1350 = arith.constant 0 : i32
      %dma_start3A_1351 = tpu.memref_slice %arg15[%add3A_1032, %dma_start3A_1350] : memref<16x128xi32, #tpu.memory_space<vmem>> -> memref<1x128xi32, #tpu.memory_space<vmem>>
      %dma_start3A_1352 = tpu.memref_squeeze %dma_start3A_1351 : memref<1x128xi32, #tpu.memory_space<vmem>> -> memref<128xi32, #tpu.memory_space<vmem>>
      %dma_start3A_1353 = arith.constant 0 : i32
      %dma_start3A_1354 = tpu.memref_slice %arg24[%dma_start3A_1353] : memref<32768xi32, #tpu.memory_space<vmem_shared>> -> memref<32768xi32, #tpu.memory_space<vmem_shared>>
      tpu.enqueue_indirect_dma source(%dma_start3A_1349 : memref<128xi32, #tpu.memory_space<vmem>>) target(%dma_start3A_1354 : memref<32768xi32, #tpu.memory_space<vmem_shared>>) offsets(%dma_start3A_1352 : memref<128xi32, #tpu.memory_space<vmem>>) semaphore(%arg33 : memref<!tpu.dma_semaphore, #tpu.memory_space<semaphore_mem>>)
      %dma_start3A_1355 = tpu.memref_slice %arg7[%mul3A_1348] : memref<2048xi32, #tpu.memory_space<vmem>> -> memref<128xi32, #tpu.memory_space<vmem>>
      %dma_start3A_1356 = arith.constant 0 : i32
      %dma_start3A_1357 = tpu.memref_slice %arg15[%add3A_1032, %dma_start3A_1356] : memref<16x128xi32, #tpu.memory_space<vmem>> -> memref<1x128xi32, #tpu.memory_space<vmem>>
      %dma_start3A_1358 = tpu.memref_squeeze %dma_start3A_1357 : memref<1x128xi32, #tpu.memory_space<vmem>> -> memref<128xi32, #tpu.memory_space<vmem>>
      %dma_start3A_1359 = arith.constant 0 : i32
      %dma_start3A_1360 = tpu.memref_slice %arg26[%dma_start3A_1359] : memref<32768xi32, #tpu.memory_space<vmem_shared>> -> memref<32768xi32, #tpu.memory_space<vmem_shared>>
      tpu.enqueue_indirect_dma source(%dma_start3A_1355 : memref<128xi32, #tpu.memory_space<vmem>>) target(%dma_start3A_1360 : memref<32768xi32, #tpu.memory_space<vmem_shared>>) offsets(%dma_start3A_1358 : memref<128xi32, #tpu.memory_space<vmem>>) semaphore(%arg33 : memref<!tpu.dma_semaphore, #tpu.memory_space<semaphore_mem>>)
      %dma_start3A_1361 = arith.constant 0 : i32
      %dma_start3A_1362 = tpu.memref_slice %arg22[%add3A_1032, %dma_start3A_1361] : memref<16x128xi32, #tpu.memory_space<vmem>> -> memref<1x128xi32, #tpu.memory_space<vmem>>
      %dma_start3A_1363 = tpu.memref_squeeze %dma_start3A_1362 : memref<1x128xi32, #tpu.memory_space<vmem>> -> memref<128xi32, #tpu.memory_space<vmem>>
      %dma_start3A_1364 = arith.constant 0 : i32
      %dma_start3A_1365 = tpu.memref_slice %arg30[%dma_start3A_1364] : memref<4096xi32, #tpu.memory_space<vmem_shared>> -> memref<4096xi32, #tpu.memory_space<vmem_shared>>
      tpu.enqueue_indirect_dma source(%arg20 : memref<128xi32, #tpu.memory_space<vmem>>) target(%dma_start3A_1365 : memref<4096xi32, #tpu.memory_space<vmem_shared>>) offsets(%dma_start3A_1363 : memref<128xi32, #tpu.memory_space<vmem>>) semaphore(%arg33 : memref<!tpu.dma_semaphore, #tpu.memory_space<semaphore_mem>>) {add = true}
    }
    %scan3A_76 = arith.constant 16 : i32
    %dma_wait3A_77 = arith.constant 0 : i32
    %dma_wait3A_78 = tpu.memref_slice %arg2[%dma_wait3A_77] : memref<32768xf32, #tpu.memory_space<hbm>> -> memref<128xf32, #tpu.memory_space<hbm>>
    %dma_wait3A_79 = arith.constant 0 : i32
    %dma_wait3A_80 = tpu.memref_slice %arg2[%dma_wait3A_79] : memref<32768xf32, #tpu.memory_space<hbm>> -> memref<128xf32, #tpu.memory_space<hbm>>
    tpu.wait_dma2 semaphore(%arg33 : memref<!tpu.dma_semaphore, #tpu.memory_space<semaphore_mem>>) src(%dma_wait3A_80 : memref<128xf32, #tpu.memory_space<hbm>>) dst(%arg19 : memref<128xi32, #tpu.memory_space<vmem>>)
    %dma_wait3A_81 = arith.constant 0 : i32
    %dma_wait3A_82 = tpu.memref_slice %arg2[%dma_wait3A_81] : memref<32768xf32, #tpu.memory_space<hbm>> -> memref<128xf32, #tpu.memory_space<hbm>>
    %dma_wait3A_83 = arith.constant 0 : i32
    %dma_wait3A_84 = tpu.memref_slice %arg2[%dma_wait3A_83] : memref<32768xf32, #tpu.memory_space<hbm>> -> memref<128xf32, #tpu.memory_space<hbm>>
    tpu.wait_dma2 semaphore(%arg33 : memref<!tpu.dma_semaphore, #tpu.memory_space<semaphore_mem>>) src(%dma_wait3A_84 : memref<128xf32, #tpu.memory_space<hbm>>) dst(%arg19 : memref<128xi32, #tpu.memory_space<vmem>>)
    %dma_wait3A_85 = arith.constant 0 : i32
    %dma_wait3A_86 = tpu.memref_slice %arg2[%dma_wait3A_85] : memref<32768xf32, #tpu.memory_space<hbm>> -> memref<128xf32, #tpu.memory_space<hbm>>
    %dma_wait3A_87 = arith.constant 0 : i32
    %dma_wait3A_88 = tpu.memref_slice %arg2[%dma_wait3A_87] : memref<32768xf32, #tpu.memory_space<hbm>> -> memref<128xf32, #tpu.memory_space<hbm>>
    tpu.wait_dma2 semaphore(%arg33 : memref<!tpu.dma_semaphore, #tpu.memory_space<semaphore_mem>>) src(%dma_wait3A_88 : memref<128xf32, #tpu.memory_space<hbm>>) dst(%arg19 : memref<128xi32, #tpu.memory_space<vmem>>)
    %dma_wait3A_89 = arith.constant 0 : i32
    %dma_wait3A_90 = tpu.memref_slice %arg2[%dma_wait3A_89] : memref<32768xf32, #tpu.memory_space<hbm>> -> memref<128xf32, #tpu.memory_space<hbm>>
    %dma_wait3A_91 = arith.constant 0 : i32
    %dma_wait3A_92 = tpu.memref_slice %arg2[%dma_wait3A_91] : memref<32768xf32, #tpu.memory_space<hbm>> -> memref<128xf32, #tpu.memory_space<hbm>>
    tpu.wait_dma2 semaphore(%arg33 : memref<!tpu.dma_semaphore, #tpu.memory_space<semaphore_mem>>) src(%dma_wait3A_92 : memref<128xf32, #tpu.memory_space<hbm>>) dst(%arg19 : memref<128xi32, #tpu.memory_space<vmem>>)
    %dma_wait3A_93 = arith.constant 0 : i32
    %dma_wait3A_94 = tpu.memref_slice %arg2[%dma_wait3A_93] : memref<32768xf32, #tpu.memory_space<hbm>> -> memref<128xf32, #tpu.memory_space<hbm>>
    %dma_wait3A_95 = arith.constant 0 : i32
    %dma_wait3A_96 = tpu.memref_slice %arg2[%dma_wait3A_95] : memref<32768xf32, #tpu.memory_space<hbm>> -> memref<128xf32, #tpu.memory_space<hbm>>
    tpu.wait_dma2 semaphore(%arg33 : memref<!tpu.dma_semaphore, #tpu.memory_space<semaphore_mem>>) src(%dma_wait3A_96 : memref<128xf32, #tpu.memory_space<hbm>>) dst(%arg19 : memref<128xi32, #tpu.memory_space<vmem>>)
    %dma_wait3A_97 = arith.constant 0 : i32
    %dma_wait3A_98 = tpu.memref_slice %arg2[%dma_wait3A_97] : memref<32768xf32, #tpu.memory_space<hbm>> -> memref<128xf32, #tpu.memory_space<hbm>>
    %dma_wait3A_99 = arith.constant 0 : i32
    %dma_wait3A_100 = tpu.memref_slice %arg2[%dma_wait3A_99] : memref<32768xf32, #tpu.memory_space<hbm>> -> memref<128xf32, #tpu.memory_space<hbm>>
    tpu.wait_dma2 semaphore(%arg33 : memref<!tpu.dma_semaphore, #tpu.memory_space<semaphore_mem>>) src(%dma_wait3A_100 : memref<128xf32, #tpu.memory_space<hbm>>) dst(%arg19 : memref<128xi32, #tpu.memory_space<vmem>>)
    %dma_wait3A_101 = arith.constant 0 : i32
    %dma_wait3A_102 = tpu.memref_slice %arg2[%dma_wait3A_101] : memref<32768xf32, #tpu.memory_space<hbm>> -> memref<128xf32, #tpu.memory_space<hbm>>
    %dma_wait3A_103 = arith.constant 0 : i32
    %dma_wait3A_104 = tpu.memref_slice %arg2[%dma_wait3A_103] : memref<32768xf32, #tpu.memory_space<hbm>> -> memref<128xf32, #tpu.memory_space<hbm>>
    tpu.wait_dma2 semaphore(%arg33 : memref<!tpu.dma_semaphore, #tpu.memory_space<semaphore_mem>>) src(%dma_wait3A_104 : memref<128xf32, #tpu.memory_space<hbm>>) dst(%arg19 : memref<128xi32, #tpu.memory_space<vmem>>)
    %dma_wait3A_105 = arith.constant 0 : i32
    %dma_wait3A_106 = tpu.memref_slice %arg2[%dma_wait3A_105] : memref<32768xf32, #tpu.memory_space<hbm>> -> memref<128xf32, #tpu.memory_space<hbm>>
    %dma_wait3A_107 = arith.constant 0 : i32
    %dma_wait3A_108 = tpu.memref_slice %arg2[%dma_wait3A_107] : memref<32768xf32, #tpu.memory_space<hbm>> -> memref<128xf32, #tpu.memory_space<hbm>>
    tpu.wait_dma2 semaphore(%arg33 : memref<!tpu.dma_semaphore, #tpu.memory_space<semaphore_mem>>) src(%dma_wait3A_108 : memref<128xf32, #tpu.memory_space<hbm>>) dst(%arg19 : memref<128xi32, #tpu.memory_space<vmem>>)
    %dma_wait3A_109 = arith.constant 0 : i32
    %dma_wait3A_110 = tpu.memref_slice %arg2[%dma_wait3A_109] : memref<32768xf32, #tpu.memory_space<hbm>> -> memref<128xf32, #tpu.memory_space<hbm>>
    %dma_wait3A_111 = arith.constant 0 : i32
    %dma_wait3A_112 = tpu.memref_slice %arg2[%dma_wait3A_111] : memref<32768xf32, #tpu.memory_space<hbm>> -> memref<128xf32, #tpu.memory_space<hbm>>
    tpu.wait_dma2 semaphore(%arg33 : memref<!tpu.dma_semaphore, #tpu.memory_space<semaphore_mem>>) src(%dma_wait3A_112 : memref<128xf32, #tpu.memory_space<hbm>>) dst(%arg19 : memref<128xi32, #tpu.memory_space<vmem>>)
    %dma_wait3A_113 = arith.constant 0 : i32
    %dma_wait3A_114 = tpu.memref_slice %arg2[%dma_wait3A_113] : memref<32768xf32, #tpu.memory_space<hbm>> -> memref<128xf32, #tpu.memory_space<hbm>>
    %dma_wait3A_115 = arith.constant 0 : i32
    %dma_wait3A_116 = tpu.memref_slice %arg2[%dma_wait3A_115] : memref<32768xf32, #tpu.memory_space<hbm>> -> memref<128xf32, #tpu.memory_space<hbm>>
    tpu.wait_dma2 semaphore(%arg33 : memref<!tpu.dma_semaphore, #tpu.memory_space<semaphore_mem>>) src(%dma_wait3A_116 : memref<128xf32, #tpu.memory_space<hbm>>) dst(%arg19 : memref<128xi32, #tpu.memory_space<vmem>>)
    %dma_wait3A_117 = arith.constant 0 : i32
    %dma_wait3A_118 = tpu.memref_slice %arg2[%dma_wait3A_117] : memref<32768xf32, #tpu.memory_space<hbm>> -> memref<128xf32, #tpu.memory_space<hbm>>
    %dma_wait3A_119 = arith.constant 0 : i32
    %dma_wait3A_120 = tpu.memref_slice %arg2[%dma_wait3A_119] : memref<32768xf32, #tpu.memory_space<hbm>> -> memref<128xf32, #tpu.memory_space<hbm>>
    tpu.wait_dma2 semaphore(%arg33 : memref<!tpu.dma_semaphore, #tpu.memory_space<semaphore_mem>>) src(%dma_wait3A_120 : memref<128xf32, #tpu.memory_space<hbm>>) dst(%arg19 : memref<128xi32, #tpu.memory_space<vmem>>)
    %dma_wait3A_121 = arith.constant 0 : i32
    %dma_wait3A_122 = tpu.memref_slice %arg2[%dma_wait3A_121] : memref<32768xf32, #tpu.memory_space<hbm>> -> memref<128xf32, #tpu.memory_space<hbm>>
    %dma_wait3A_123 = arith.constant 0 : i32
    %dma_wait3A_124 = tpu.memref_slice %arg2[%dma_wait3A_123] : memref<32768xf32, #tpu.memory_space<hbm>> -> memref<128xf32, #tpu.memory_space<hbm>>
    tpu.wait_dma2 semaphore(%arg33 : memref<!tpu.dma_semaphore, #tpu.memory_space<semaphore_mem>>) src(%dma_wait3A_124 : memref<128xf32, #tpu.memory_space<hbm>>) dst(%arg19 : memref<128xi32, #tpu.memory_space<vmem>>)
    %dma_wait3A_125 = arith.constant 0 : i32
    %dma_wait3A_126 = tpu.memref_slice %arg2[%dma_wait3A_125] : memref<32768xf32, #tpu.memory_space<hbm>> -> memref<128xf32, #tpu.memory_space<hbm>>
    %dma_wait3A_127 = arith.constant 0 : i32
    %dma_wait3A_128 = tpu.memref_slice %arg2[%dma_wait3A_127] : memref<32768xf32, #tpu.memory_space<hbm>> -> memref<128xf32, #tpu.memory_space<hbm>>
    tpu.wait_dma2 semaphore(%arg33 : memref<!tpu.dma_semaphore, #tpu.memory_space<semaphore_mem>>) src(%dma_wait3A_128 : memref<128xf32, #tpu.memory_space<hbm>>) dst(%arg19 : memref<128xi32, #tpu.memory_space<vmem>>)
    %dma_wait3A_129 = arith.constant 0 : i32
    %dma_wait3A_130 = tpu.memref_slice %arg2[%dma_wait3A_129] : memref<32768xf32, #tpu.memory_space<hbm>> -> memref<128xf32, #tpu.memory_space<hbm>>
    %dma_wait3A_131 = arith.constant 0 : i32
    %dma_wait3A_132 = tpu.memref_slice %arg2[%dma_wait3A_131] : memref<32768xf32, #tpu.memory_space<hbm>> -> memref<128xf32, #tpu.memory_space<hbm>>
    tpu.wait_dma2 semaphore(%arg33 : memref<!tpu.dma_semaphore, #tpu.memory_space<semaphore_mem>>) src(%dma_wait3A_132 : memref<128xf32, #tpu.memory_space<hbm>>) dst(%arg19 : memref<128xi32, #tpu.memory_space<vmem>>)
    %dma_wait3A_133 = arith.constant 0 : i32
    %dma_wait3A_134 = tpu.memref_slice %arg2[%dma_wait3A_133] : memref<32768xf32, #tpu.memory_space<hbm>> -> memref<128xf32, #tpu.memory_space<hbm>>
    %dma_wait3A_135 = arith.constant 0 : i32
    %dma_wait3A_136 = tpu.memref_slice %arg2[%dma_wait3A_135] : memref<32768xf32, #tpu.memory_space<hbm>> -> memref<128xf32, #tpu.memory_space<hbm>>
    tpu.wait_dma2 semaphore(%arg33 : memref<!tpu.dma_semaphore, #tpu.memory_space<semaphore_mem>>) src(%dma_wait3A_136 : memref<128xf32, #tpu.memory_space<hbm>>) dst(%arg19 : memref<128xi32, #tpu.memory_space<vmem>>)
    %dma_wait3A_137 = arith.constant 0 : i32
    %dma_wait3A_138 = tpu.memref_slice %arg2[%dma_wait3A_137] : memref<32768xf32, #tpu.memory_space<hbm>> -> memref<128xf32, #tpu.memory_space<hbm>>
    %dma_wait3A_139 = arith.constant 0 : i32
    %dma_wait3A_140 = tpu.memref_slice %arg2[%dma_wait3A_139] : memref<32768xf32, #tpu.memory_space<hbm>> -> memref<128xf32, #tpu.memory_space<hbm>>
    tpu.wait_dma2 semaphore(%arg33 : memref<!tpu.dma_semaphore, #tpu.memory_space<semaphore_mem>>) src(%dma_wait3A_140 : memref<128xf32, #tpu.memory_space<hbm>>) dst(%arg19 : memref<128xi32, #tpu.memory_space<vmem>>)
    %dma_wait3A_141 = arith.constant 0 : i32
    %dma_wait3A_142 = tpu.memref_slice %arg2[%dma_wait3A_141] : memref<32768xf32, #tpu.memory_space<hbm>> -> memref<128xf32, #tpu.memory_space<hbm>>
    %dma_wait3A_143 = arith.constant 0 : i32
    %dma_wait3A_144 = tpu.memref_slice %arg2[%dma_wait3A_143] : memref<32768xf32, #tpu.memory_space<hbm>> -> memref<128xf32, #tpu.memory_space<hbm>>
    tpu.wait_dma2 semaphore(%arg33 : memref<!tpu.dma_semaphore, #tpu.memory_space<semaphore_mem>>) src(%dma_wait3A_144 : memref<128xf32, #tpu.memory_space<hbm>>) dst(%arg19 : memref<128xi32, #tpu.memory_space<vmem>>)
    %dma_wait3A_145 = arith.constant 0 : i32
    %dma_wait3A_146 = tpu.memref_slice %arg2[%dma_wait3A_145] : memref<32768xf32, #tpu.memory_space<hbm>> -> memref<128xf32, #tpu.memory_space<hbm>>
    %dma_wait3A_147 = arith.constant 0 : i32
    %dma_wait3A_148 = tpu.memref_slice %arg2[%dma_wait3A_147] : memref<32768xf32, #tpu.memory_space<hbm>> -> memref<128xf32, #tpu.memory_space<hbm>>
    tpu.wait_dma2 semaphore(%arg33 : memref<!tpu.dma_semaphore, #tpu.memory_space<semaphore_mem>>) src(%dma_wait3A_148 : memref<128xf32, #tpu.memory_space<hbm>>) dst(%arg19 : memref<128xi32, #tpu.memory_space<vmem>>)
    %dma_wait3A_149 = arith.constant 0 : i32
    %dma_wait3A_150 = tpu.memref_slice %arg2[%dma_wait3A_149] : memref<32768xf32, #tpu.memory_space<hbm>> -> memref<128xf32, #tpu.memory_space<hbm>>
    %dma_wait3A_151 = arith.constant 0 : i32
    %dma_wait3A_152 = tpu.memref_slice %arg2[%dma_wait3A_151] : memref<32768xf32, #tpu.memory_space<hbm>> -> memref<128xf32, #tpu.memory_space<hbm>>
    tpu.wait_dma2 semaphore(%arg33 : memref<!tpu.dma_semaphore, #tpu.memory_space<semaphore_mem>>) src(%dma_wait3A_152 : memref<128xf32, #tpu.memory_space<hbm>>) dst(%arg19 : memref<128xi32, #tpu.memory_space<vmem>>)
    %dma_wait3A_153 = arith.constant 0 : i32
    %dma_wait3A_154 = tpu.memref_slice %arg2[%dma_wait3A_153] : memref<32768xf32, #tpu.memory_space<hbm>> -> memref<128xf32, #tpu.memory_space<hbm>>
    %dma_wait3A_155 = arith.constant 0 : i32
    %dma_wait3A_156 = tpu.memref_slice %arg2[%dma_wait3A_155] : memref<32768xf32, #tpu.memory_space<hbm>> -> memref<128xf32, #tpu.memory_space<hbm>>
    tpu.wait_dma2 semaphore(%arg33 : memref<!tpu.dma_semaphore, #tpu.memory_space<semaphore_mem>>) src(%dma_wait3A_156 : memref<128xf32, #tpu.memory_space<hbm>>) dst(%arg19 : memref<128xi32, #tpu.memory_space<vmem>>)
    %dma_wait3A_157 = arith.constant 0 : i32
    %dma_wait3A_158 = tpu.memref_slice %arg2[%dma_wait3A_157] : memref<32768xf32, #tpu.memory_space<hbm>> -> memref<128xf32, #tpu.memory_space<hbm>>
    %dma_wait3A_159 = arith.constant 0 : i32
    %dma_wait3A_160 = tpu.memref_slice %arg2[%dma_wait3A_159] : memref<32768xf32, #tpu.memory_space<hbm>> -> memref<128xf32, #tpu.memory_space<hbm>>
    tpu.wait_dma2 semaphore(%arg33 : memref<!tpu.dma_semaphore, #tpu.memory_space<semaphore_mem>>) src(%dma_wait3A_160 : memref<128xf32, #tpu.memory_space<hbm>>) dst(%arg19 : memref<128xi32, #tpu.memory_space<vmem>>)
    %dma_wait3A_161 = arith.constant 0 : i32
    %dma_wait3A_162 = tpu.memref_slice %arg2[%dma_wait3A_161] : memref<32768xf32, #tpu.memory_space<hbm>> -> memref<128xf32, #tpu.memory_space<hbm>>
    %dma_wait3A_163 = arith.constant 0 : i32
    %dma_wait3A_164 = tpu.memref_slice %arg2[%dma_wait3A_163] : memref<32768xf32, #tpu.memory_space<hbm>> -> memref<128xf32, #tpu.memory_space<hbm>>
    tpu.wait_dma2 semaphore(%arg33 : memref<!tpu.dma_semaphore, #tpu.memory_space<semaphore_mem>>) src(%dma_wait3A_164 : memref<128xf32, #tpu.memory_space<hbm>>) dst(%arg19 : memref<128xi32, #tpu.memory_space<vmem>>)
    %dma_wait3A_165 = arith.constant 0 : i32
    %dma_wait3A_166 = tpu.memref_slice %arg2[%dma_wait3A_165] : memref<32768xf32, #tpu.memory_space<hbm>> -> memref<128xf32, #tpu.memory_space<hbm>>
    %dma_wait3A_167 = arith.constant 0 : i32
    %dma_wait3A_168 = tpu.memref_slice %arg2[%dma_wait3A_167] : memref<32768xf32, #tpu.memory_space<hbm>> -> memref<128xf32, #tpu.memory_space<hbm>>
    tpu.wait_dma2 semaphore(%arg33 : memref<!tpu.dma_semaphore, #tpu.memory_space<semaphore_mem>>) src(%dma_wait3A_168 : memref<128xf32, #tpu.memory_space<hbm>>) dst(%arg19 : memref<128xi32, #tpu.memory_space<vmem>>)
    %dma_wait3A_169 = arith.constant 0 : i32
    %dma_wait3A_170 = tpu.memref_slice %arg2[%dma_wait3A_169] : memref<32768xf32, #tpu.memory_space<hbm>> -> memref<128xf32, #tpu.memory_space<hbm>>
    %dma_wait3A_171 = arith.constant 0 : i32
    %dma_wait3A_172 = tpu.memref_slice %arg2[%dma_wait3A_171] : memref<32768xf32, #tpu.memory_space<hbm>> -> memref<128xf32, #tpu.memory_space<hbm>>
    tpu.wait_dma2 semaphore(%arg33 : memref<!tpu.dma_semaphore, #tpu.memory_space<semaphore_mem>>) src(%dma_wait3A_172 : memref<128xf32, #tpu.memory_space<hbm>>) dst(%arg19 : memref<128xi32, #tpu.memory_space<vmem>>)
    %dma_wait3A_173 = arith.constant 0 : i32
    %dma_wait3A_174 = tpu.memref_slice %arg2[%dma_wait3A_173] : memref<32768xf32, #tpu.memory_space<hbm>> -> memref<128xf32, #tpu.memory_space<hbm>>
    %dma_wait3A_175 = arith.constant 0 : i32
    %dma_wait3A_176 = tpu.memref_slice %arg2[%dma_wait3A_175] : memref<32768xf32, #tpu.memory_space<hbm>> -> memref<128xf32, #tpu.memory_space<hbm>>
    tpu.wait_dma2 semaphore(%arg33 : memref<!tpu.dma_semaphore, #tpu.memory_space<semaphore_mem>>) src(%dma_wait3A_176 : memref<128xf32, #tpu.memory_space<hbm>>) dst(%arg19 : memref<128xi32, #tpu.memory_space<vmem>>)
    %dma_wait3A_177 = arith.constant 0 : i32
    %dma_wait3A_178 = tpu.memref_slice %arg2[%dma_wait3A_177] : memref<32768xf32, #tpu.memory_space<hbm>> -> memref<128xf32, #tpu.memory_space<hbm>>
    %dma_wait3A_179 = arith.constant 0 : i32
    %dma_wait3A_180 = tpu.memref_slice %arg2[%dma_wait3A_179] : memref<32768xf32, #tpu.memory_space<hbm>> -> memref<128xf32, #tpu.memory_space<hbm>>
    tpu.wait_dma2 semaphore(%arg33 : memref<!tpu.dma_semaphore, #tpu.memory_space<semaphore_mem>>) src(%dma_wait3A_180 : memref<128xf32, #tpu.memory_space<hbm>>) dst(%arg19 : memref<128xi32, #tpu.memory_space<vmem>>)
    %dma_wait3A_181 = arith.constant 0 : i32
    %dma_wait3A_182 = tpu.memref_slice %arg2[%dma_wait3A_181] : memref<32768xf32, #tpu.memory_space<hbm>> -> memref<128xf32, #tpu.memory_space<hbm>>
    %dma_wait3A_183 = arith.constant 0 : i32
    %dma_wait3A_184 = tpu.memref_slice %arg2[%dma_wait3A_183] : memref<32768xf32, #tpu.memory_space<hbm>> -> memref<128xf32, #tpu.memory_space<hbm>>
    tpu.wait_dma2 semaphore(%arg33 : memref<!tpu.dma_semaphore, #tpu.memory_space<semaphore_mem>>) src(%dma_wait3A_184 : memref<128xf32, #tpu.memory_space<hbm>>) dst(%arg19 : memref<128xi32, #tpu.memory_space<vmem>>)
    %dma_wait3A_185 = arith.constant 0 : i32
    %dma_wait3A_186 = tpu.memref_slice %arg2[%dma_wait3A_185] : memref<32768xf32, #tpu.memory_space<hbm>> -> memref<128xf32, #tpu.memory_space<hbm>>
    %dma_wait3A_187 = arith.constant 0 : i32
    %dma_wait3A_188 = tpu.memref_slice %arg2[%dma_wait3A_187] : memref<32768xf32, #tpu.memory_space<hbm>> -> memref<128xf32, #tpu.memory_space<hbm>>
    tpu.wait_dma2 semaphore(%arg33 : memref<!tpu.dma_semaphore, #tpu.memory_space<semaphore_mem>>) src(%dma_wait3A_188 : memref<128xf32, #tpu.memory_space<hbm>>) dst(%arg19 : memref<128xi32, #tpu.memory_space<vmem>>)
    %dma_wait3A_189 = arith.constant 0 : i32
    %dma_wait3A_190 = tpu.memref_slice %arg2[%dma_wait3A_189] : memref<32768xf32, #tpu.memory_space<hbm>> -> memref<128xf32, #tpu.memory_space<hbm>>
    %dma_wait3A_191 = arith.constant 0 : i32
    %dma_wait3A_192 = tpu.memref_slice %arg2[%dma_wait3A_191] : memref<32768xf32, #tpu.memory_space<hbm>> -> memref<128xf32, #tpu.memory_space<hbm>>
    tpu.wait_dma2 semaphore(%arg33 : memref<!tpu.dma_semaphore, #tpu.memory_space<semaphore_mem>>) src(%dma_wait3A_192 : memref<128xf32, #tpu.memory_space<hbm>>) dst(%arg19 : memref<128xi32, #tpu.memory_space<vmem>>)
    %dma_wait3A_193 = arith.constant 0 : i32
    %dma_wait3A_194 = tpu.memref_slice %arg2[%dma_wait3A_193] : memref<32768xf32, #tpu.memory_space<hbm>> -> memref<128xf32, #tpu.memory_space<hbm>>
    %dma_wait3A_195 = arith.constant 0 : i32
    %dma_wait3A_196 = tpu.memref_slice %arg2[%dma_wait3A_195] : memref<32768xf32, #tpu.memory_space<hbm>> -> memref<128xf32, #tpu.memory_space<hbm>>
    tpu.wait_dma2 semaphore(%arg33 : memref<!tpu.dma_semaphore, #tpu.memory_space<semaphore_mem>>) src(%dma_wait3A_196 : memref<128xf32, #tpu.memory_space<hbm>>) dst(%arg19 : memref<128xi32, #tpu.memory_space<vmem>>)
    %dma_wait3A_197 = arith.constant 0 : i32
    %dma_wait3A_198 = tpu.memref_slice %arg2[%dma_wait3A_197] : memref<32768xf32, #tpu.memory_space<hbm>> -> memref<128xf32, #tpu.memory_space<hbm>>
    %dma_wait3A_199 = arith.constant 0 : i32
    %dma_wait3A_200 = tpu.memref_slice %arg2[%dma_wait3A_199] : memref<32768xf32, #tpu.memory_space<hbm>> -> memref<128xf32, #tpu.memory_space<hbm>>
    tpu.wait_dma2 semaphore(%arg33 : memref<!tpu.dma_semaphore, #tpu.memory_space<semaphore_mem>>) src(%dma_wait3A_200 : memref<128xf32, #tpu.memory_space<hbm>>) dst(%arg19 : memref<128xi32, #tpu.memory_space<vmem>>)
    %dma_wait3A_201 = arith.constant 0 : i32
    %dma_wait3A_202 = tpu.memref_slice %arg2[%dma_wait3A_201] : memref<32768xf32, #tpu.memory_space<hbm>> -> memref<128xf32, #tpu.memory_space<hbm>>
    %dma_wait3A_203 = arith.constant 0 : i32
    %dma_wait3A_204 = tpu.memref_slice %arg2[%dma_wait3A_203] : memref<32768xf32, #tpu.memory_space<hbm>> -> memref<128xf32, #tpu.memory_space<hbm>>
    tpu.wait_dma2 semaphore(%arg33 : memref<!tpu.dma_semaphore, #tpu.memory_space<semaphore_mem>>) src(%dma_wait3A_204 : memref<128xf32, #tpu.memory_space<hbm>>) dst(%arg19 : memref<128xi32, #tpu.memory_space<vmem>>)
    %dma_wait3A_205 = arith.constant 0 : i32
    %dma_wait3A_206 = tpu.memref_slice %arg2[%dma_wait3A_205] : memref<32768xf32, #tpu.memory_space<hbm>> -> memref<128xf32, #tpu.memory_space<hbm>>
    %dma_wait3A_207 = arith.constant 0 : i32
    %dma_wait3A_208 = tpu.memref_slice %arg2[%dma_wait3A_207] : memref<32768xf32, #tpu.memory_space<hbm>> -> memref<128xf32, #tpu.memory_space<hbm>>
    tpu.wait_dma2 semaphore(%arg33 : memref<!tpu.dma_semaphore, #tpu.memory_space<semaphore_mem>>) src(%dma_wait3A_208 : memref<128xf32, #tpu.memory_space<hbm>>) dst(%arg19 : memref<128xi32, #tpu.memory_space<vmem>>)
    %dma_wait3A_209 = arith.constant 0 : i32
    %dma_wait3A_210 = tpu.memref_slice %arg2[%dma_wait3A_209] : memref<32768xf32, #tpu.memory_space<hbm>> -> memref<128xf32, #tpu.memory_space<hbm>>
    %dma_wait3A_211 = arith.constant 0 : i32
    %dma_wait3A_212 = tpu.memref_slice %arg2[%dma_wait3A_211] : memref<32768xf32, #tpu.memory_space<hbm>> -> memref<128xf32, #tpu.memory_space<hbm>>
    tpu.wait_dma2 semaphore(%arg33 : memref<!tpu.dma_semaphore, #tpu.memory_space<semaphore_mem>>) src(%dma_wait3A_212 : memref<128xf32, #tpu.memory_space<hbm>>) dst(%arg19 : memref<128xi32, #tpu.memory_space<vmem>>)
    %dma_wait3A_213 = arith.constant 0 : i32
    %dma_wait3A_214 = tpu.memref_slice %arg2[%dma_wait3A_213] : memref<32768xf32, #tpu.memory_space<hbm>> -> memref<128xf32, #tpu.memory_space<hbm>>
    %dma_wait3A_215 = arith.constant 0 : i32
    %dma_wait3A_216 = tpu.memref_slice %arg2[%dma_wait3A_215] : memref<32768xf32, #tpu.memory_space<hbm>> -> memref<128xf32, #tpu.memory_space<hbm>>
    tpu.wait_dma2 semaphore(%arg33 : memref<!tpu.dma_semaphore, #tpu.memory_space<semaphore_mem>>) src(%dma_wait3A_216 : memref<128xf32, #tpu.memory_space<hbm>>) dst(%arg19 : memref<128xi32, #tpu.memory_space<vmem>>)
    %dma_wait3A_217 = arith.constant 0 : i32
    %dma_wait3A_218 = tpu.memref_slice %arg2[%dma_wait3A_217] : memref<32768xf32, #tpu.memory_space<hbm>> -> memref<128xf32, #tpu.memory_space<hbm>>
    %dma_wait3A_219 = arith.constant 0 : i32
    %dma_wait3A_220 = tpu.memref_slice %arg2[%dma_wait3A_219] : memref<32768xf32, #tpu.memory_space<hbm>> -> memref<128xf32, #tpu.memory_space<hbm>>
    tpu.wait_dma2 semaphore(%arg33 : memref<!tpu.dma_semaphore, #tpu.memory_space<semaphore_mem>>) src(%dma_wait3A_220 : memref<128xf32, #tpu.memory_space<hbm>>) dst(%arg19 : memref<128xi32, #tpu.memory_space<vmem>>)
    %dma_wait3A_221 = arith.constant 0 : i32
    %dma_wait3A_222 = tpu.memref_slice %arg2[%dma_wait3A_221] : memref<32768xf32, #tpu.memory_space<hbm>> -> memref<128xf32, #tpu.memory_space<hbm>>
    %dma_wait3A_223 = arith.constant 0 : i32
    %dma_wait3A_224 = tpu.memref_slice %arg2[%dma_wait3A_223] : memref<32768xf32, #tpu.memory_space<hbm>> -> memref<128xf32, #tpu.memory_space<hbm>>
    tpu.wait_dma2 semaphore(%arg33 : memref<!tpu.dma_semaphore, #tpu.memory_space<semaphore_mem>>) src(%dma_wait3A_224 : memref<128xf32, #tpu.memory_space<hbm>>) dst(%arg19 : memref<128xi32, #tpu.memory_space<vmem>>)
    %dma_wait3A_225 = arith.constant 0 : i32
    %dma_wait3A_226 = tpu.memref_slice %arg2[%dma_wait3A_225] : memref<32768xf32, #tpu.memory_space<hbm>> -> memref<128xf32, #tpu.memory_space<hbm>>
    %dma_wait3A_227 = arith.constant 0 : i32
    %dma_wait3A_228 = tpu.memref_slice %arg2[%dma_wait3A_227] : memref<32768xf32, #tpu.memory_space<hbm>> -> memref<128xf32, #tpu.memory_space<hbm>>
    tpu.wait_dma2 semaphore(%arg33 : memref<!tpu.dma_semaphore, #tpu.memory_space<semaphore_mem>>) src(%dma_wait3A_228 : memref<128xf32, #tpu.memory_space<hbm>>) dst(%arg19 : memref<128xi32, #tpu.memory_space<vmem>>)
    %dma_wait3A_229 = arith.constant 0 : i32
    %dma_wait3A_230 = tpu.memref_slice %arg2[%dma_wait3A_229] : memref<32768xf32, #tpu.memory_space<hbm>> -> memref<128xf32, #tpu.memory_space<hbm>>
    %dma_wait3A_231 = arith.constant 0 : i32
    %dma_wait3A_232 = tpu.memref_slice %arg2[%dma_wait3A_231] : memref<32768xf32, #tpu.memory_space<hbm>> -> memref<128xf32, #tpu.memory_space<hbm>>
    tpu.wait_dma2 semaphore(%arg33 : memref<!tpu.dma_semaphore, #tpu.memory_space<semaphore_mem>>) src(%dma_wait3A_232 : memref<128xf32, #tpu.memory_space<hbm>>) dst(%arg19 : memref<128xi32, #tpu.memory_space<vmem>>)
    %dma_wait3A_233 = arith.constant 0 : i32
    %dma_wait3A_234 = tpu.memref_slice %arg2[%dma_wait3A_233] : memref<32768xf32, #tpu.memory_space<hbm>> -> memref<128xf32, #tpu.memory_space<hbm>>
    %dma_wait3A_235 = arith.constant 0 : i32
    %dma_wait3A_236 = tpu.memref_slice %arg2[%dma_wait3A_235] : memref<32768xf32, #tpu.memory_space<hbm>> -> memref<128xf32, #tpu.memory_space<hbm>>
    tpu.wait_dma2 semaphore(%arg33 : memref<!tpu.dma_semaphore, #tpu.memory_space<semaphore_mem>>) src(%dma_wait3A_236 : memref<128xf32, #tpu.memory_space<hbm>>) dst(%arg19 : memref<128xi32, #tpu.memory_space<vmem>>)
    %dma_wait3A_237 = arith.constant 0 : i32
    %dma_wait3A_238 = tpu.memref_slice %arg2[%dma_wait3A_237] : memref<32768xf32, #tpu.memory_space<hbm>> -> memref<128xf32, #tpu.memory_space<hbm>>
    %dma_wait3A_239 = arith.constant 0 : i32
    %dma_wait3A_240 = tpu.memref_slice %arg2[%dma_wait3A_239] : memref<32768xf32, #tpu.memory_space<hbm>> -> memref<128xf32, #tpu.memory_space<hbm>>
    tpu.wait_dma2 semaphore(%arg33 : memref<!tpu.dma_semaphore, #tpu.memory_space<semaphore_mem>>) src(%dma_wait3A_240 : memref<128xf32, #tpu.memory_space<hbm>>) dst(%arg19 : memref<128xi32, #tpu.memory_space<vmem>>)
    %dma_wait3A_241 = arith.constant 0 : i32
    %dma_wait3A_242 = tpu.memref_slice %arg2[%dma_wait3A_241] : memref<32768xf32, #tpu.memory_space<hbm>> -> memref<128xf32, #tpu.memory_space<hbm>>
    %dma_wait3A_243 = arith.constant 0 : i32
    %dma_wait3A_244 = tpu.memref_slice %arg2[%dma_wait3A_243] : memref<32768xf32, #tpu.memory_space<hbm>> -> memref<128xf32, #tpu.memory_space<hbm>>
    tpu.wait_dma2 semaphore(%arg33 : memref<!tpu.dma_semaphore, #tpu.memory_space<semaphore_mem>>) src(%dma_wait3A_244 : memref<128xf32, #tpu.memory_space<hbm>>) dst(%arg19 : memref<128xi32, #tpu.memory_space<vmem>>)
    %dma_wait3A_245 = arith.constant 0 : i32
    %dma_wait3A_246 = tpu.memref_slice %arg2[%dma_wait3A_245] : memref<32768xf32, #tpu.memory_space<hbm>> -> memref<128xf32, #tpu.memory_space<hbm>>
    %dma_wait3A_247 = arith.constant 0 : i32
    %dma_wait3A_248 = tpu.memref_slice %arg2[%dma_wait3A_247] : memref<32768xf32, #tpu.memory_space<hbm>> -> memref<128xf32, #tpu.memory_space<hbm>>
    tpu.wait_dma2 semaphore(%arg33 : memref<!tpu.dma_semaphore, #tpu.memory_space<semaphore_mem>>) src(%dma_wait3A_248 : memref<128xf32, #tpu.memory_space<hbm>>) dst(%arg19 : memref<128xi32, #tpu.memory_space<vmem>>)
    %dma_wait3A_249 = arith.constant 0 : i32
    %dma_wait3A_250 = tpu.memref_slice %arg2[%dma_wait3A_249] : memref<32768xf32, #tpu.memory_space<hbm>> -> memref<128xf32, #tpu.memory_space<hbm>>
    %dma_wait3A_251 = arith.constant 0 : i32
    %dma_wait3A_252 = tpu.memref_slice %arg2[%dma_wait3A_251] : memref<32768xf32, #tpu.memory_space<hbm>> -> memref<128xf32, #tpu.memory_space<hbm>>
    tpu.wait_dma2 semaphore(%arg33 : memref<!tpu.dma_semaphore, #tpu.memory_space<semaphore_mem>>) src(%dma_wait3A_252 : memref<128xf32, #tpu.memory_space<hbm>>) dst(%arg19 : memref<128xi32, #tpu.memory_space<vmem>>)
    %dma_wait3A_253 = arith.constant 0 : i32
    %dma_wait3A_254 = tpu.memref_slice %arg2[%dma_wait3A_253] : memref<32768xf32, #tpu.memory_space<hbm>> -> memref<128xf32, #tpu.memory_space<hbm>>
    %dma_wait3A_255 = arith.constant 0 : i32
    %dma_wait3A_256 = tpu.memref_slice %arg2[%dma_wait3A_255] : memref<32768xf32, #tpu.memory_space<hbm>> -> memref<128xf32, #tpu.memory_space<hbm>>
    tpu.wait_dma2 semaphore(%arg33 : memref<!tpu.dma_semaphore, #tpu.memory_space<semaphore_mem>>) src(%dma_wait3A_256 : memref<128xf32, #tpu.memory_space<hbm>>) dst(%arg19 : memref<128xi32, #tpu.memory_space<vmem>>)
    %dma_wait3A_257 = arith.constant 0 : i32
    %dma_wait3A_258 = tpu.memref_slice %arg2[%dma_wait3A_257] : memref<32768xf32, #tpu.memory_space<hbm>> -> memref<128xf32, #tpu.memory_space<hbm>>
    %dma_wait3A_259 = arith.constant 0 : i32
    %dma_wait3A_260 = tpu.memref_slice %arg2[%dma_wait3A_259] : memref<32768xf32, #tpu.memory_space<hbm>> -> memref<128xf32, #tpu.memory_space<hbm>>
    tpu.wait_dma2 semaphore(%arg33 : memref<!tpu.dma_semaphore, #tpu.memory_space<semaphore_mem>>) src(%dma_wait3A_260 : memref<128xf32, #tpu.memory_space<hbm>>) dst(%arg19 : memref<128xi32, #tpu.memory_space<vmem>>)
    %dma_wait3A_261 = arith.constant 0 : i32
    %dma_wait3A_262 = tpu.memref_slice %arg2[%dma_wait3A_261] : memref<32768xf32, #tpu.memory_space<hbm>> -> memref<128xf32, #tpu.memory_space<hbm>>
    %dma_wait3A_263 = arith.constant 0 : i32
    %dma_wait3A_264 = tpu.memref_slice %arg2[%dma_wait3A_263] : memref<32768xf32, #tpu.memory_space<hbm>> -> memref<128xf32, #tpu.memory_space<hbm>>
    tpu.wait_dma2 semaphore(%arg33 : memref<!tpu.dma_semaphore, #tpu.memory_space<semaphore_mem>>) src(%dma_wait3A_264 : memref<128xf32, #tpu.memory_space<hbm>>) dst(%arg19 : memref<128xi32, #tpu.memory_space<vmem>>)
    %dma_wait3A_265 = arith.constant 0 : i32
    %dma_wait3A_266 = tpu.memref_slice %arg2[%dma_wait3A_265] : memref<32768xf32, #tpu.memory_space<hbm>> -> memref<128xf32, #tpu.memory_space<hbm>>
    %dma_wait3A_267 = arith.constant 0 : i32
    %dma_wait3A_268 = tpu.memref_slice %arg2[%dma_wait3A_267] : memref<32768xf32, #tpu.memory_space<hbm>> -> memref<128xf32, #tpu.memory_space<hbm>>
    tpu.wait_dma2 semaphore(%arg33 : memref<!tpu.dma_semaphore, #tpu.memory_space<semaphore_mem>>) src(%dma_wait3A_268 : memref<128xf32, #tpu.memory_space<hbm>>) dst(%arg19 : memref<128xi32, #tpu.memory_space<vmem>>)
    %barrier3A_269 = arith.constant 0 : index
    tpu.barrier barrier_id(%barrier3A_269)
    %dma_start3A_270 = tpu.memref_slice %arg24[%mul3A_0] : memref<32768xi32, #tpu.memory_space<vmem_shared>> -> memref<2048xi32, #tpu.memory_space<vmem_shared>>
    %dma_start3A_271 = tpu.memref_slice %arg24[%mul3A_0] : memref<32768xi32, #tpu.memory_space<vmem_shared>> -> memref<2048xi32, #tpu.memory_space<vmem_shared>>
    tpu.enqueue_dma source(%dma_start3A_271 : memref<2048xi32, #tpu.memory_space<vmem_shared>>) target(%arg6 : memref<2048xi32, #tpu.memory_space<vmem>>) target_semaphore(%arg34 : memref<!tpu.dma_semaphore, #tpu.memory_space<semaphore_mem>>)
    %dma_start3A_272 = tpu.memref_slice %arg26[%mul3A_0] : memref<32768xi32, #tpu.memory_space<vmem_shared>> -> memref<2048xi32, #tpu.memory_space<vmem_shared>>
    %dma_start3A_273 = tpu.memref_slice %arg26[%mul3A_0] : memref<32768xi32, #tpu.memory_space<vmem_shared>> -> memref<2048xi32, #tpu.memory_space<vmem_shared>>
    tpu.enqueue_dma source(%dma_start3A_273 : memref<2048xi32, #tpu.memory_space<vmem_shared>>) target(%arg7 : memref<2048xi32, #tpu.memory_space<vmem>>) target_semaphore(%arg34 : memref<!tpu.dma_semaphore, #tpu.memory_space<semaphore_mem>>)
    "tpu.region"() ({
      %run_scoped3A = tpu.sem_alloc : memref<!tpu.dma_semaphore, #tpu.memory_space<semaphore_mem>>
      tpu.enqueue_dma source(%arg30 : memref<4096xi32, #tpu.memory_space<vmem_shared>>) target(%arg10 : memref<4096xi32, #tpu.memory_space<vmem>>) target_semaphore(%run_scoped3A : memref<!tpu.dma_semaphore, #tpu.memory_space<semaphore_mem>>)
      tpu.wait_dma2 semaphore(%run_scoped3A : memref<!tpu.dma_semaphore, #tpu.memory_space<semaphore_mem>>) src(%arg30 : memref<4096xi32, #tpu.memory_space<vmem_shared>>) dst(%arg10 : memref<4096xi32, #tpu.memory_space<vmem>>)
      tpu.yield
    }) : () -> ()
    %scan3A_274 = arith.constant 0 : i32
    %scan3A_275 = arith.constant 16 : i32
    %scan3A_276 = arith.addi %scan3A_274, %scan3A_275 : i32
    %scan3A_277 = arith.constant 1 : i32
    scf.for %scan3A_1028 = %scan3A_274 to %scan3A_276 step %scan3A_277  : i32 {
      %mul3A_1029 = arith.constant 1 : i32
      %mul3A_1030 = arith.muli %scan3A_1028, %mul3A_1029 : i32
      %add3A_1031 = arith.constant 0 : i32
      %add3A_1032 = arith.addi %add3A_1031, %mul3A_1030 : i32
      %mul3A_1033 = arith.constant 16 : i32
      %mul3A_1034 = arith.muli %add3A_1032, %mul3A_1033 : i32
      %add3A_1035 = arith.constant 0 : i32
      %add3A_1036 = arith.addi %add3A_1035, %mul3A_1034 : i32
      %get3A = arith.index_cast %add3A_1036 : i32 to index
      %get3A_1037 = tpu.vector_load %arg10[%get3A] {strides = array<i32>} : memref<4096xi32, #tpu.memory_space<vmem>>, vector<16xi32>,
      %gt3A = arith.constant 0 : i32
      %gt3A_1038 = arith.cmpi sgt, %arg1, %gt3A : i32
      %jit3A = arith.constant 0 : i32
      %broadcast_in_dim3A_1039 = vector.broadcast %jit3A : i32 to vector<16xi32>
      %select_n3A = arith.select %gt3A_1038, %get3A_1037, %broadcast_in_dim3A_1039 : vector<16xi32>
      %add3A_1040 = arith.addi %broadcast_in_dim3A_3, %select_n3A : vector<16xi32>
      %add3A_1041 = arith.addi %broadcast_in_dim3A_3, %get3A_1037 : vector<16xi32>
      %mul3A_1042 = arith.constant 16 : i32
      %mul3A_1043 = arith.muli %add3A_1032, %mul3A_1042 : i32
      %add3A_1044 = arith.constant 256 : i32
      %add3A_1045 = arith.addi %add3A_1044, %mul3A_1043 : i32
      %get3A_1046 = arith.index_cast %add3A_1045 : i32 to index
      %get3A_1047 = tpu.vector_load %arg10[%get3A_1046] {strides = array<i32>} : memref<4096xi32, #tpu.memory_space<vmem>>, vector<16xi32>,
      %gt3A_1048 = arith.constant 1 : i32
      %gt3A_1049 = arith.cmpi sgt, %arg1, %gt3A_1048 : i32
      %jit3A_1050 = arith.constant 0 : i32
      %broadcast_in_dim3A_1051 = vector.broadcast %jit3A_1050 : i32 to vector<16xi32>
      %select_n3A_1052 = arith.select %gt3A_1049, %get3A_1047, %broadcast_in_dim3A_1051 : vector<16xi32>
      %add3A_1053 = arith.addi %add3A_1040, %select_n3A_1052 : vector<16xi32>
      %add3A_1054 = arith.addi %add3A_1041, %get3A_1047 : vector<16xi32>
      %mul3A_1055 = arith.constant 16 : i32
      %mul3A_1056 = arith.muli %add3A_1032, %mul3A_1055 : i32
      %add3A_1057 = arith.constant 512 : i32
      %add3A_1058 = arith.addi %add3A_1057, %mul3A_1056 : i32
      %get3A_1059 = arith.index_cast %add3A_1058 : i32 to index
      %get3A_1060 = tpu.vector_load %arg10[%get3A_1059] {strides = array<i32>} : memref<4096xi32, #tpu.memory_space<vmem>>, vector<16xi32>,
      %gt3A_1061 = arith.constant 2 : i32
      %gt3A_1062 = arith.cmpi sgt, %arg1, %gt3A_1061 : i32
      %jit3A_1063 = arith.constant 0 : i32
      %broadcast_in_dim3A_1064 = vector.broadcast %jit3A_1063 : i32 to vector<16xi32>
      %select_n3A_1065 = arith.select %gt3A_1062, %get3A_1060, %broadcast_in_dim3A_1064 : vector<16xi32>
      %add3A_1066 = arith.addi %add3A_1053, %select_n3A_1065 : vector<16xi32>
      %add3A_1067 = arith.addi %add3A_1054, %get3A_1060 : vector<16xi32>
      %mul3A_1068 = arith.constant 16 : i32
      %mul3A_1069 = arith.muli %add3A_1032, %mul3A_1068 : i32
      %add3A_1070 = arith.constant 768 : i32
      %add3A_1071 = arith.addi %add3A_1070, %mul3A_1069 : i32
      %get3A_1072 = arith.index_cast %add3A_1071 : i32 to index
      %get3A_1073 = tpu.vector_load %arg10[%get3A_1072] {strides = array<i32>} : memref<4096xi32, #tpu.memory_space<vmem>>, vector<16xi32>,
      %gt3A_1074 = arith.constant 3 : i32
      %gt3A_1075 = arith.cmpi sgt, %arg1, %gt3A_1074 : i32
      %jit3A_1076 = arith.constant 0 : i32
      %broadcast_in_dim3A_1077 = vector.broadcast %jit3A_1076 : i32 to vector<16xi32>
      %select_n3A_1078 = arith.select %gt3A_1075, %get3A_1073, %broadcast_in_dim3A_1077 : vector<16xi32>
      %add3A_1079 = arith.addi %add3A_1066, %select_n3A_1078 : vector<16xi32>
      %add3A_1080 = arith.addi %add3A_1067, %get3A_1073 : vector<16xi32>
      %mul3A_1081 = arith.constant 16 : i32
      %mul3A_1082 = arith.muli %add3A_1032, %mul3A_1081 : i32
      %add3A_1083 = arith.constant 1024 : i32
      %add3A_1084 = arith.addi %add3A_1083, %mul3A_1082 : i32
      %get3A_1085 = arith.index_cast %add3A_1084 : i32 to index
      %get3A_1086 = tpu.vector_load %arg10[%get3A_1085] {strides = array<i32>} : memref<4096xi32, #tpu.memory_space<vmem>>, vector<16xi32>,
      %gt3A_1087 = arith.constant 4 : i32
      %gt3A_1088 = arith.cmpi sgt, %arg1, %gt3A_1087 : i32
      %jit3A_1089 = arith.constant 0 : i32
      %broadcast_in_dim3A_1090 = vector.broadcast %jit3A_1089 : i32 to vector<16xi32>
      %select_n3A_1091 = arith.select %gt3A_1088, %get3A_1086, %broadcast_in_dim3A_1090 : vector<16xi32>
      %add3A_1092 = arith.addi %add3A_1079, %select_n3A_1091 : vector<16xi32>
      %add3A_1093 = arith.addi %add3A_1080, %get3A_1086 : vector<16xi32>
      %mul3A_1094 = arith.constant 16 : i32
      %mul3A_1095 = arith.muli %add3A_1032, %mul3A_1094 : i32
      %add3A_1096 = arith.constant 1280 : i32
      %add3A_1097 = arith.addi %add3A_1096, %mul3A_1095 : i32
      %get3A_1098 = arith.index_cast %add3A_1097 : i32 to index
      %get3A_1099 = tpu.vector_load %arg10[%get3A_1098] {strides = array<i32>} : memref<4096xi32, #tpu.memory_space<vmem>>, vector<16xi32>,
      %gt3A_1100 = arith.constant 5 : i32
      %gt3A_1101 = arith.cmpi sgt, %arg1, %gt3A_1100 : i32
      %jit3A_1102 = arith.constant 0 : i32
      %broadcast_in_dim3A_1103 = vector.broadcast %jit3A_1102 : i32 to vector<16xi32>
      %select_n3A_1104 = arith.select %gt3A_1101, %get3A_1099, %broadcast_in_dim3A_1103 : vector<16xi32>
      %add3A_1105 = arith.addi %add3A_1092, %select_n3A_1104 : vector<16xi32>
      %add3A_1106 = arith.addi %add3A_1093, %get3A_1099 : vector<16xi32>
      %mul3A_1107 = arith.constant 16 : i32
      %mul3A_1108 = arith.muli %add3A_1032, %mul3A_1107 : i32
      %add3A_1109 = arith.constant 1536 : i32
      %add3A_1110 = arith.addi %add3A_1109, %mul3A_1108 : i32
      %get3A_1111 = arith.index_cast %add3A_1110 : i32 to index
      %get3A_1112 = tpu.vector_load %arg10[%get3A_1111] {strides = array<i32>} : memref<4096xi32, #tpu.memory_space<vmem>>, vector<16xi32>,
      %gt3A_1113 = arith.constant 6 : i32
      %gt3A_1114 = arith.cmpi sgt, %arg1, %gt3A_1113 : i32
      %jit3A_1115 = arith.constant 0 : i32
      %broadcast_in_dim3A_1116 = vector.broadcast %jit3A_1115 : i32 to vector<16xi32>
      %select_n3A_1117 = arith.select %gt3A_1114, %get3A_1112, %broadcast_in_dim3A_1116 : vector<16xi32>
      %add3A_1118 = arith.addi %add3A_1105, %select_n3A_1117 : vector<16xi32>
      %add3A_1119 = arith.addi %add3A_1106, %get3A_1112 : vector<16xi32>
      %mul3A_1120 = arith.constant 16 : i32
      %mul3A_1121 = arith.muli %add3A_1032, %mul3A_1120 : i32
      %add3A_1122 = arith.constant 1792 : i32
      %add3A_1123 = arith.addi %add3A_1122, %mul3A_1121 : i32
      %get3A_1124 = arith.index_cast %add3A_1123 : i32 to index
      %get3A_1125 = tpu.vector_load %arg10[%get3A_1124] {strides = array<i32>} : memref<4096xi32, #tpu.memory_space<vmem>>, vector<16xi32>,
      %gt3A_1126 = arith.constant 7 : i32
      %gt3A_1127 = arith.cmpi sgt, %arg1, %gt3A_1126 : i32
      %jit3A_1128 = arith.constant 0 : i32
      %broadcast_in_dim3A_1129 = vector.broadcast %jit3A_1128 : i32 to vector<16xi32>
      %select_n3A_1130 = arith.select %gt3A_1127, %get3A_1125, %broadcast_in_dim3A_1129 : vector<16xi32>
      %add3A_1131 = arith.addi %add3A_1118, %select_n3A_1130 : vector<16xi32>
      %add3A_1132 = arith.addi %add3A_1119, %get3A_1125 : vector<16xi32>
      %mul3A_1133 = arith.constant 16 : i32
      %mul3A_1134 = arith.muli %add3A_1032, %mul3A_1133 : i32
      %add3A_1135 = arith.constant 2048 : i32
      %add3A_1136 = arith.addi %add3A_1135, %mul3A_1134 : i32
      %get3A_1137 = arith.index_cast %add3A_1136 : i32 to index
      %get3A_1138 = tpu.vector_load %arg10[%get3A_1137] {strides = array<i32>} : memref<4096xi32, #tpu.memory_space<vmem>>, vector<16xi32>,
      %gt3A_1139 = arith.constant 8 : i32
      %gt3A_1140 = arith.cmpi sgt, %arg1, %gt3A_1139 : i32
      %jit3A_1141 = arith.constant 0 : i32
      %broadcast_in_dim3A_1142 = vector.broadcast %jit3A_1141 : i32 to vector<16xi32>
      %select_n3A_1143 = arith.select %gt3A_1140, %get3A_1138, %broadcast_in_dim3A_1142 : vector<16xi32>
      %add3A_1144 = arith.addi %add3A_1131, %select_n3A_1143 : vector<16xi32>
      %add3A_1145 = arith.addi %add3A_1132, %get3A_1138 : vector<16xi32>
      %mul3A_1146 = arith.constant 16 : i32
      %mul3A_1147 = arith.muli %add3A_1032, %mul3A_1146 : i32
      %add3A_1148 = arith.constant 2304 : i32
      %add3A_1149 = arith.addi %add3A_1148, %mul3A_1147 : i32
      %get3A_1150 = arith.index_cast %add3A_1149 : i32 to index
      %get3A_1151 = tpu.vector_load %arg10[%get3A_1150] {strides = array<i32>} : memref<4096xi32, #tpu.memory_space<vmem>>, vector<16xi32>,
      %gt3A_1152 = arith.constant 9 : i32
      %gt3A_1153 = arith.cmpi sgt, %arg1, %gt3A_1152 : i32
      %jit3A_1154 = arith.constant 0 : i32
      %broadcast_in_dim3A_1155 = vector.broadcast %jit3A_1154 : i32 to vector<16xi32>
      %select_n3A_1156 = arith.select %gt3A_1153, %get3A_1151, %broadcast_in_dim3A_1155 : vector<16xi32>
      %add3A_1157 = arith.addi %add3A_1144, %select_n3A_1156 : vector<16xi32>
      %add3A_1158 = arith.addi %add3A_1145, %get3A_1151 : vector<16xi32>
      %mul3A_1159 = arith.constant 16 : i32
      %mul3A_1160 = arith.muli %add3A_1032, %mul3A_1159 : i32
      %add3A_1161 = arith.constant 2560 : i32
      %add3A_1162 = arith.addi %add3A_1161, %mul3A_1160 : i32
      %get3A_1163 = arith.index_cast %add3A_1162 : i32 to index
      %get3A_1164 = tpu.vector_load %arg10[%get3A_1163] {strides = array<i32>} : memref<4096xi32, #tpu.memory_space<vmem>>, vector<16xi32>,
      %gt3A_1165 = arith.constant 10 : i32
      %gt3A_1166 = arith.cmpi sgt, %arg1, %gt3A_1165 : i32
      %jit3A_1167 = arith.constant 0 : i32
      %broadcast_in_dim3A_1168 = vector.broadcast %jit3A_1167 : i32 to vector<16xi32>
      %select_n3A_1169 = arith.select %gt3A_1166, %get3A_1164, %broadcast_in_dim3A_1168 : vector<16xi32>
      %add3A_1170 = arith.addi %add3A_1157, %select_n3A_1169 : vector<16xi32>
      %add3A_1171 = arith.addi %add3A_1158, %get3A_1164 : vector<16xi32>
      %mul3A_1172 = arith.constant 16 : i32
      %mul3A_1173 = arith.muli %add3A_1032, %mul3A_1172 : i32
      %add3A_1174 = arith.constant 2816 : i32
      %add3A_1175 = arith.addi %add3A_1174, %mul3A_1173 : i32
      %get3A_1176 = arith.index_cast %add3A_1175 : i32 to index
      %get3A_1177 = tpu.vector_load %arg10[%get3A_1176] {strides = array<i32>} : memref<4096xi32, #tpu.memory_space<vmem>>, vector<16xi32>,
      %gt3A_1178 = arith.constant 11 : i32
      %gt3A_1179 = arith.cmpi sgt, %arg1, %gt3A_1178 : i32
      %jit3A_1180 = arith.constant 0 : i32
      %broadcast_in_dim3A_1181 = vector.broadcast %jit3A_1180 : i32 to vector<16xi32>
      %select_n3A_1182 = arith.select %gt3A_1179, %get3A_1177, %broadcast_in_dim3A_1181 : vector<16xi32>
      %add3A_1183 = arith.addi %add3A_1170, %select_n3A_1182 : vector<16xi32>
      %add3A_1184 = arith.addi %add3A_1171, %get3A_1177 : vector<16xi32>
      %mul3A_1185 = arith.constant 16 : i32
      %mul3A_1186 = arith.muli %add3A_1032, %mul3A_1185 : i32
      %add3A_1187 = arith.constant 3072 : i32
      %add3A_1188 = arith.addi %add3A_1187, %mul3A_1186 : i32
      %get3A_1189 = arith.index_cast %add3A_1188 : i32 to index
      %get3A_1190 = tpu.vector_load %arg10[%get3A_1189] {strides = array<i32>} : memref<4096xi32, #tpu.memory_space<vmem>>, vector<16xi32>,
      %gt3A_1191 = arith.constant 12 : i32
      %gt3A_1192 = arith.cmpi sgt, %arg1, %gt3A_1191 : i32
      %jit3A_1193 = arith.constant 0 : i32
      %broadcast_in_dim3A_1194 = vector.broadcast %jit3A_1193 : i32 to vector<16xi32>
      %select_n3A_1195 = arith.select %gt3A_1192, %get3A_1190, %broadcast_in_dim3A_1194 : vector<16xi32>
      %add3A_1196 = arith.addi %add3A_1183, %select_n3A_1195 : vector<16xi32>
      %add3A_1197 = arith.addi %add3A_1184, %get3A_1190 : vector<16xi32>
      %mul3A_1198 = arith.constant 16 : i32
      %mul3A_1199 = arith.muli %add3A_1032, %mul3A_1198 : i32
      %add3A_1200 = arith.constant 3328 : i32
      %add3A_1201 = arith.addi %add3A_1200, %mul3A_1199 : i32
      %get3A_1202 = arith.index_cast %add3A_1201 : i32 to index
      %get3A_1203 = tpu.vector_load %arg10[%get3A_1202] {strides = array<i32>} : memref<4096xi32, #tpu.memory_space<vmem>>, vector<16xi32>,
      %gt3A_1204 = arith.constant 13 : i32
      %gt3A_1205 = arith.cmpi sgt, %arg1, %gt3A_1204 : i32
      %jit3A_1206 = arith.constant 0 : i32
      %broadcast_in_dim3A_1207 = vector.broadcast %jit3A_1206 : i32 to vector<16xi32>
      %select_n3A_1208 = arith.select %gt3A_1205, %get3A_1203, %broadcast_in_dim3A_1207 : vector<16xi32>
      %add3A_1209 = arith.addi %add3A_1196, %select_n3A_1208 : vector<16xi32>
      %add3A_1210 = arith.addi %add3A_1197, %get3A_1203 : vector<16xi32>
      %mul3A_1211 = arith.constant 16 : i32
      %mul3A_1212 = arith.muli %add3A_1032, %mul3A_1211 : i32
      %add3A_1213 = arith.constant 3584 : i32
      %add3A_1214 = arith.addi %add3A_1213, %mul3A_1212 : i32
      %get3A_1215 = arith.index_cast %add3A_1214 : i32 to index
      %get3A_1216 = tpu.vector_load %arg10[%get3A_1215] {strides = array<i32>} : memref<4096xi32, #tpu.memory_space<vmem>>, vector<16xi32>,
      %gt3A_1217 = arith.constant 14 : i32
      %gt3A_1218 = arith.cmpi sgt, %arg1, %gt3A_1217 : i32
      %jit3A_1219 = arith.constant 0 : i32
      %broadcast_in_dim3A_1220 = vector.broadcast %jit3A_1219 : i32 to vector<16xi32>
      %select_n3A_1221 = arith.select %gt3A_1218, %get3A_1216, %broadcast_in_dim3A_1220 : vector<16xi32>
      %add3A_1222 = arith.addi %add3A_1209, %select_n3A_1221 : vector<16xi32>
      %add3A_1223 = arith.addi %add3A_1210, %get3A_1216 : vector<16xi32>
      %mul3A_1224 = arith.constant 16 : i32
      %mul3A_1225 = arith.muli %add3A_1032, %mul3A_1224 : i32
      %add3A_1226 = arith.constant 3840 : i32
      %add3A_1227 = arith.addi %add3A_1226, %mul3A_1225 : i32
      %get3A_1228 = arith.index_cast %add3A_1227 : i32 to index
      %get3A_1229 = tpu.vector_load %arg10[%get3A_1228] {strides = array<i32>} : memref<4096xi32, #tpu.memory_space<vmem>>, vector<16xi32>,
      %gt3A_1230 = arith.constant 15 : i32
      %gt3A_1231 = arith.cmpi sgt, %arg1, %gt3A_1230 : i32
      %jit3A_1232 = arith.constant 0 : i32
      %broadcast_in_dim3A_1233 = vector.broadcast %jit3A_1232 : i32 to vector<16xi32>
      %select_n3A_1234 = arith.select %gt3A_1231, %get3A_1229, %broadcast_in_dim3A_1233 : vector<16xi32>
      %add3A_1235 = arith.addi %add3A_1222, %select_n3A_1234 : vector<16xi32>
      %add3A_1236 = arith.addi %add3A_1223, %get3A_1229 : vector<16xi32>
      %mul3A_1237 = arith.constant 16 : i32
      %mul3A_1238 = arith.muli %add3A_1032, %mul3A_1237 : i32
      %swap3A_1239 = arith.index_cast %mul3A_1238 : i32 to index
      %swap3A_1240 = tpu.vector_load %arg11[%swap3A_1239] {strides = array<i32>} : memref<256xi32, #tpu.memory_space<vmem>>, vector<16xi32>,
      tpu.vector_store %arg11[%swap3A_1239], %add3A_1236 {strides = array<i32>} : memref<256xi32, #tpu.memory_space<vmem>>, vector<16xi32>,
      %mul3A_1241 = arith.constant 16 : i32
      %mul3A_1242 = arith.muli %add3A_1032, %mul3A_1241 : i32
      %swap3A_1243 = arith.index_cast %mul3A_1242 : i32 to index
      %swap3A_1244 = tpu.vector_load %arg12[%swap3A_1243] {strides = array<i32>} : memref<256xi32, #tpu.memory_space<vmem>>, vector<16xi32>,
      tpu.vector_store %arg12[%swap3A_1243], %add3A_1235 {strides = array<i32>} : memref<256xi32, #tpu.memory_space<vmem>>, vector<16xi32>,
    }
    %scan3A_278 = arith.constant 16 : i32
    %scan3A_279 = arith.constant 0 : i32
    %scan3A_280 = arith.constant 16 : i32
    %scan3A_281 = arith.addi %scan3A_279, %scan3A_280 : i32
    %scan3A_282 = arith.constant 1 : i32
    scf.for %scan3A_1028 = %scan3A_279 to %scan3A_281 step %scan3A_282  : i32 {
      %mul3A_1029 = arith.constant 1 : i32
      %mul3A_1030 = arith.muli %scan3A_1028, %mul3A_1029 : i32
      %add3A_1031 = arith.constant 0 : i32
      %add3A_1032 = arith.addi %add3A_1031, %mul3A_1030 : i32
      %mul3A_1033 = arith.constant 16 : i32
      %mul3A_1034 = arith.muli %add3A_1032, %mul3A_1033 : i32
      %get3A = arith.index_cast %mul3A_1034 : i32 to index
      %get3A_1035 = tpu.vector_load %arg11[%get3A] {strides = array<i32>} : memref<256xi32, #tpu.memory_space<vmem>>, vector<16xi32>,
      %broadcast_in_dim3A_1036 = arith.constant true
      %broadcast_in_dim3A_1037 = vector.broadcast %broadcast_in_dim3A_1036 : i1 to vector<16xi1>
      %masked_cumsum3A_1038 = tpu.scan <sum>, %get3A_1035 masked %broadcast_in_dim3A_1037 : vector<16xi32>, vector<16xi1> -> vector<16xi32>
      %mul3A_1039 = arith.constant 16 : i32
      %mul3A_1040 = arith.muli %add3A_1032, %mul3A_1039 : i32
      %swap3A_1041 = arith.index_cast %mul3A_1040 : i32 to index
      %swap3A_1042 = tpu.vector_load %arg13[%swap3A_1041] {strides = array<i32>} : memref<256xi32, #tpu.memory_space<vmem>>, vector<16xi32>,
      tpu.vector_store %arg13[%swap3A_1041], %masked_cumsum3A_1038 {strides = array<i32>} : memref<256xi32, #tpu.memory_space<vmem>>, vector<16xi32>,
    }
    %scan3A_283 = arith.constant 16 : i32
    %mul3A_284 = arith.constant 16 : i32
    %mul3A_285 = vector.broadcast %mul3A_284 : i32 to vector<16xi32>
    %mul3A_286 = arith.muli %iota3A, %mul3A_285 : vector<16xi32>
    %add3A_287 = arith.constant 15 : i32
    %add3A_288 = vector.broadcast %add3A_287 : i32 to vector<16xi32>
    %add3A_289 = arith.addi %mul3A_286, %add3A_288 : vector<16xi32>
    %gather3A_290 = tpu.vector_load_idx %arg13[%add3A_289] : memref<256xi32, #tpu.memory_space<vmem>>[vector<16xi32>], vector<16xi32>,
    %broadcast_in_dim3A_291 = arith.constant true
    %broadcast_in_dim3A_292 = vector.broadcast %broadcast_in_dim3A_291 : i1 to vector<16xi1>
    %masked_cumsum3A_293 = tpu.scan <sum>, %gather3A_290 masked %broadcast_in_dim3A_292 : vector<16xi32>, vector<16xi1> -> vector<16xi32>
    %sub3A_294 = arith.subi %masked_cumsum3A_293, %gather3A_290 : vector<16xi32>
    %swap3A_295 = arith.constant 0 : index
    %swap3A_296 = tpu.vector_load %arg14[%swap3A_295] {strides = array<i32>} : memref<16xi32, #tpu.memory_space<vmem>>, vector<16xi32>,
    tpu.vector_store %arg14[%swap3A_295], %sub3A_294 {strides = array<i32>} : memref<16xi32, #tpu.memory_space<vmem>>, vector<16xi32>,
    %scan3A_297 = arith.constant 0 : i32
    %scan3A_298 = arith.constant 16 : i32
    %scan3A_299 = arith.addi %scan3A_297, %scan3A_298 : i32
    %scan3A_300 = arith.constant 1 : i32
    scf.for %scan3A_1028 = %scan3A_297 to %scan3A_299 step %scan3A_300  : i32 {
      %mul3A_1029 = arith.constant 1 : i32
      %mul3A_1030 = arith.muli %scan3A_1028, %mul3A_1029 : i32
      %add3A_1031 = arith.constant 0 : i32
      %add3A_1032 = arith.addi %add3A_1031, %mul3A_1030 : i32
      %mul3A_1033 = arith.constant 16 : i32
      %mul3A_1034 = arith.muli %add3A_1032, %mul3A_1033 : i32
      %broadcast_in_dim3A_1035 = vector.broadcast %add3A_1032 : i32 to vector<16xi32>
      %get3A = arith.index_cast %mul3A_1034 : i32 to index
      %get3A_1036 = tpu.vector_load %arg13[%get3A] {strides = array<i32>} : memref<256xi32, #tpu.memory_space<vmem>>, vector<16xi32>,
      %get3A_1037 = arith.index_cast %mul3A_1034 : i32 to index
      %get3A_1038 = tpu.vector_load %arg11[%get3A_1037] {strides = array<i32>} : memref<256xi32, #tpu.memory_space<vmem>>, vector<16xi32>,
      %sub3A_1039 = arith.subi %get3A_1036, %get3A_1038 : vector<16xi32>
      %get3A_1040 = arith.index_cast %mul3A_1034 : i32 to index
      %get3A_1041 = tpu.vector_load %arg12[%get3A_1040] {strides = array<i32>} : memref<256xi32, #tpu.memory_space<vmem>>, vector<16xi32>,
      %add3A_1042 = arith.addi %sub3A_1039, %get3A_1041 : vector<16xi32>
      %gather3A_1043 = tpu.vector_load_idx %arg14[%broadcast_in_dim3A_1035] : memref<16xi32, #tpu.memory_space<vmem>>[vector<16xi32>], vector<16xi32>,
      %add3A_1044 = arith.addi %add3A_1042, %gather3A_1043 : vector<16xi32>
      %swap3A_1045 = arith.index_cast %mul3A_1034 : i32 to index
      %swap3A_1046 = tpu.vector_load %arg9[%swap3A_1045] {strides = array<i32>} : memref<256xi32, #tpu.memory_space<vmem>>, vector<16xi32>,
      tpu.vector_store %arg9[%swap3A_1045], %add3A_1044 {strides = array<i32>} : memref<256xi32, #tpu.memory_space<vmem>>, vector<16xi32>,
    }
    %scan3A_301 = arith.constant 16 : i32
    %dma_wait3A_302 = tpu.memref_slice %arg24[%mul3A_0] : memref<32768xi32, #tpu.memory_space<vmem_shared>> -> memref<2048xi32, #tpu.memory_space<vmem_shared>>
    %dma_wait3A_303 = tpu.memref_slice %arg24[%mul3A_0] : memref<32768xi32, #tpu.memory_space<vmem_shared>> -> memref<2048xi32, #tpu.memory_space<vmem_shared>>
    tpu.wait_dma2 semaphore(%arg34 : memref<!tpu.dma_semaphore, #tpu.memory_space<semaphore_mem>>) src(%dma_wait3A_303 : memref<2048xi32, #tpu.memory_space<vmem_shared>>) dst(%arg6 : memref<2048xi32, #tpu.memory_space<vmem>>)
    %dma_wait3A_304 = tpu.memref_slice %arg26[%mul3A_0] : memref<32768xi32, #tpu.memory_space<vmem_shared>> -> memref<2048xi32, #tpu.memory_space<vmem_shared>>
    %dma_wait3A_305 = tpu.memref_slice %arg26[%mul3A_0] : memref<32768xi32, #tpu.memory_space<vmem_shared>> -> memref<2048xi32, #tpu.memory_space<vmem_shared>>
    tpu.wait_dma2 semaphore(%arg34 : memref<!tpu.dma_semaphore, #tpu.memory_space<semaphore_mem>>) src(%dma_wait3A_305 : memref<2048xi32, #tpu.memory_space<vmem_shared>>) dst(%arg7 : memref<2048xi32, #tpu.memory_space<vmem>>)
    %scan3A_306 = arith.constant 0 : i32
    %scan3A_307 = arith.constant 16 : i32
    %scan3A_308 = arith.addi %scan3A_306, %scan3A_307 : i32
    %scan3A_309 = arith.constant 1 : i32
    scf.for %scan3A_1028 = %scan3A_306 to %scan3A_308 step %scan3A_309  : i32 {
      %mul3A_1029 = arith.constant 1 : i32
      %mul3A_1030 = arith.muli %scan3A_1028, %mul3A_1029 : i32
      %add3A_1031 = arith.constant 0 : i32
      %add3A_1032 = arith.addi %add3A_1031, %mul3A_1030 : i32
      %mul3A_1033 = arith.constant 8 : i32
      %mul3A_1034 = arith.muli %add3A_1032, %mul3A_1033 : i32
      %add3A_1035 = arith.constant 0 : i32
      %add3A_1036 = arith.addi %mul3A_1034, %add3A_1035 : i32
      %mul3A_1037 = arith.constant 16 : i32
      %mul3A_1038 = arith.muli %add3A_1036, %mul3A_1037 : i32
      %get3A = arith.index_cast %mul3A_1038 : i32 to index
      %get3A_1039 = tpu.vector_load %arg6[%get3A] {strides = array<i32>} : memref<2048xi32, #tpu.memory_space<vmem>>, vector<16xi32>,
      %shift_right_logical3A = arith.constant 8 : i32
      %shift_right_logical3A_1040 = vector.broadcast %shift_right_logical3A : i32 to vector<16xi32>
      %shift_right_logical3A_1041 = arith.shrui %get3A_1039, %shift_right_logical3A_1040 : vector<16xi32>
      %and3A = arith.constant 255 : i32
      %and3A_1042 = vector.broadcast %and3A : i32 to vector<16xi32>
      %and3A_1043 = arith.andi %shift_right_logical3A_1041, %and3A_1042 : vector<16xi32>
      %broadcast_in_dim3A_1044 = arith.constant true
      %broadcast_in_dim3A_1045 = vector.broadcast %broadcast_in_dim3A_1044 : i1 to vector<16xi1>
      %unique3A, %unique3A_1046 = tpu.scan_count mask(%broadcast_in_dim3A_1045 : vector<16xi1>) value(%and3A_1043 : vector<16xi32>) : vector<16xi1>, vector<16xi32>
      %gather3A_1047 = tpu.vector_load_idx %arg9[%and3A_1043] : memref<256xi32, #tpu.memory_space<vmem>>[vector<16xi32>], vector<16xi32>,
      %add3A_1048 = arith.addi %gather3A_1047, %unique3A_1046 : vector<16xi32>
      %sub3A_1049 = arith.subi %add3A_1048, %broadcast_in_dim3A_1 : vector<16xi32>
      tpu.vector_store_idx %arg9[%and3A_1043], %unique3A_1046 masked %unique3A {add = true} : memref<256xi32, #tpu.memory_space<vmem>>[vector<16xi32>], vector<16xi32>, vector<16xi1>
      %swap3A_1050 = arith.index_cast %add3A_1032 : i32 to index
      %swap3A_1051 = arith.constant 0 : index
      %swap3A_1052 = tpu.vector_load %arg15[%swap3A_1050, %swap3A_1051] {strides = array<i32>} : memref<16x128xi32, #tpu.memory_space<vmem>>, vector<16xi32>,
      tpu.vector_store %arg15[%swap3A_1050, %swap3A_1051], %sub3A_1049 {strides = array<i32>} : memref<16x128xi32, #tpu.memory_space<vmem>>, vector<16xi32>,
      %and3A_1053 = arith.constant -65536 : i32
      %and3A_1054 = vector.broadcast %and3A_1053 : i32 to vector<16xi32>
      %and3A_1055 = arith.andi %get3A_1039, %and3A_1054 : vector<16xi32>
      %get3A_1056 = arith.index_cast %mul3A_1038 : i32 to index
      %get3A_1057 = tpu.vector_load %arg7[%get3A_1056] {strides = array<i32>} : memref<2048xi32, #tpu.memory_space<vmem>>, vector<16xi32>,
      %or3A = arith.ori %and3A_1055, %get3A_1057 : vector<16xi32>
      %swap3A_1058 = arith.index_cast %mul3A_1038 : i32 to index
      %swap3A_1059 = tpu.vector_load %arg18[%swap3A_1058] {strides = array<i32>} : memref<2048xi32, #tpu.memory_space<vmem>>, vector<16xi32>,
      tpu.vector_store %arg18[%swap3A_1058], %or3A {strides = array<i32>} : memref<2048xi32, #tpu.memory_space<vmem>>, vector<16xi32>,
      %shift_right_logical3A_1060 = arith.constant 16 : i32
      %shift_right_logical3A_1061 = vector.broadcast %shift_right_logical3A_1060 : i32 to vector<16xi32>
      %shift_right_logical3A_1062 = arith.shrui %or3A, %shift_right_logical3A_1061 : vector<16xi32>
      %and3A_1063 = arith.constant 255 : i32
      %and3A_1064 = vector.broadcast %and3A_1063 : i32 to vector<16xi32>
      %and3A_1065 = arith.andi %shift_right_logical3A_1062, %and3A_1064 : vector<16xi32>
      %shift_right_logical3A_1066 = arith.constant 11 : i32
      %shift_right_logical3A_1067 = vector.broadcast %shift_right_logical3A_1066 : i32 to vector<16xi32>
      %shift_right_logical3A_1068 = arith.shrui %sub3A_1049, %shift_right_logical3A_1067 : vector<16xi32>
      %shift_left3A = arith.constant 8 : i32
      %shift_left3A_1069 = vector.broadcast %shift_left3A : i32 to vector<16xi32>
      %shift_left3A_1070 = arith.shli %shift_right_logical3A_1068, %shift_left3A_1069 : vector<16xi32>
      %or3A_1071 = arith.ori %shift_left3A_1070, %and3A_1065 : vector<16xi32>
      %swap3A_1072 = arith.index_cast %add3A_1032 : i32 to index
      %swap3A_1073 = arith.constant 0 : index
      %swap3A_1074 = tpu.vector_load %arg22[%swap3A_1072, %swap3A_1073] {strides = array<i32>} : memref<16x128xi32, #tpu.memory_space<vmem>>, vector<16xi32>,
      tpu.vector_store %arg22[%swap3A_1072, %swap3A_1073], %or3A_1071 {strides = array<i32>} : memref<16x128xi32, #tpu.memory_space<vmem>>, vector<16xi32>,
      %mul3A_1075 = arith.constant 8 : i32
      %mul3A_1076 = arith.muli %add3A_1032, %mul3A_1075 : i32
      %add3A_1077 = arith.constant 1 : i32
      %add3A_1078 = arith.addi %mul3A_1076, %add3A_1077 : i32
      %mul3A_1079 = arith.constant 16 : i32
      %mul3A_1080 = arith.muli %add3A_1078, %mul3A_1079 : i32
      %get3A_1081 = arith.index_cast %mul3A_1080 : i32 to index
      %get3A_1082 = tpu.vector_load %arg6[%get3A_1081] {strides = array<i32>} : memref<2048xi32, #tpu.memory_space<vmem>>, vector<16xi32>,
      %shift_right_logical3A_1083 = arith.constant 8 : i32
      %shift_right_logical3A_1084 = vector.broadcast %shift_right_logical3A_1083 : i32 to vector<16xi32>
      %shift_right_logical3A_1085 = arith.shrui %get3A_1082, %shift_right_logical3A_1084 : vector<16xi32>
      %and3A_1086 = arith.constant 255 : i32
      %and3A_1087 = vector.broadcast %and3A_1086 : i32 to vector<16xi32>
      %and3A_1088 = arith.andi %shift_right_logical3A_1085, %and3A_1087 : vector<16xi32>
      %broadcast_in_dim3A_1089 = arith.constant true
      %broadcast_in_dim3A_1090 = vector.broadcast %broadcast_in_dim3A_1089 : i1 to vector<16xi1>
      %unique3A_1091, %unique3A_1092 = tpu.scan_count mask(%broadcast_in_dim3A_1090 : vector<16xi1>) value(%and3A_1088 : vector<16xi32>) : vector<16xi1>, vector<16xi32>
      %gather3A_1093 = tpu.vector_load_idx %arg9[%and3A_1088] : memref<256xi32, #tpu.memory_space<vmem>>[vector<16xi32>], vector<16xi32>,
      %add3A_1094 = arith.addi %gather3A_1093, %unique3A_1092 : vector<16xi32>
      %sub3A_1095 = arith.subi %add3A_1094, %broadcast_in_dim3A_1 : vector<16xi32>
      tpu.vector_store_idx %arg9[%and3A_1088], %unique3A_1092 masked %unique3A_1091 {add = true} : memref<256xi32, #tpu.memory_space<vmem>>[vector<16xi32>], vector<16xi32>, vector<16xi1>
      %swap3A_1096 = arith.index_cast %add3A_1032 : i32 to index
      %swap3A_1097 = arith.constant 16 : index
      %swap3A_1098 = tpu.vector_load %arg15[%swap3A_1096, %swap3A_1097] {strides = array<i32>} : memref<16x128xi32, #tpu.memory_space<vmem>>, vector<16xi32>,
      tpu.vector_store %arg15[%swap3A_1096, %swap3A_1097], %sub3A_1095 {strides = array<i32>} : memref<16x128xi32, #tpu.memory_space<vmem>>, vector<16xi32>,
      %and3A_1099 = arith.constant -65536 : i32
      %and3A_1100 = vector.broadcast %and3A_1099 : i32 to vector<16xi32>
      %and3A_1101 = arith.andi %get3A_1082, %and3A_1100 : vector<16xi32>
      %get3A_1102 = arith.index_cast %mul3A_1080 : i32 to index
      %get3A_1103 = tpu.vector_load %arg7[%get3A_1102] {strides = array<i32>} : memref<2048xi32, #tpu.memory_space<vmem>>, vector<16xi32>,
      %or3A_1104 = arith.ori %and3A_1101, %get3A_1103 : vector<16xi32>
      %swap3A_1105 = arith.index_cast %mul3A_1080 : i32 to index
      %swap3A_1106 = tpu.vector_load %arg18[%swap3A_1105] {strides = array<i32>} : memref<2048xi32, #tpu.memory_space<vmem>>, vector<16xi32>,
      tpu.vector_store %arg18[%swap3A_1105], %or3A_1104 {strides = array<i32>} : memref<2048xi32, #tpu.memory_space<vmem>>, vector<16xi32>,
      %shift_right_logical3A_1107 = arith.constant 16 : i32
      %shift_right_logical3A_1108 = vector.broadcast %shift_right_logical3A_1107 : i32 to vector<16xi32>
      %shift_right_logical3A_1109 = arith.shrui %or3A_1104, %shift_right_logical3A_1108 : vector<16xi32>
      %and3A_1110 = arith.constant 255 : i32
      %and3A_1111 = vector.broadcast %and3A_1110 : i32 to vector<16xi32>
      %and3A_1112 = arith.andi %shift_right_logical3A_1109, %and3A_1111 : vector<16xi32>
      %shift_right_logical3A_1113 = arith.constant 11 : i32
      %shift_right_logical3A_1114 = vector.broadcast %shift_right_logical3A_1113 : i32 to vector<16xi32>
      %shift_right_logical3A_1115 = arith.shrui %sub3A_1095, %shift_right_logical3A_1114 : vector<16xi32>
      %shift_left3A_1116 = arith.constant 8 : i32
      %shift_left3A_1117 = vector.broadcast %shift_left3A_1116 : i32 to vector<16xi32>
      %shift_left3A_1118 = arith.shli %shift_right_logical3A_1115, %shift_left3A_1117 : vector<16xi32>
      %or3A_1119 = arith.ori %shift_left3A_1118, %and3A_1112 : vector<16xi32>
      %swap3A_1120 = arith.index_cast %add3A_1032 : i32 to index
      %swap3A_1121 = arith.constant 16 : index
      %swap3A_1122 = tpu.vector_load %arg22[%swap3A_1120, %swap3A_1121] {strides = array<i32>} : memref<16x128xi32, #tpu.memory_space<vmem>>, vector<16xi32>,
      tpu.vector_store %arg22[%swap3A_1120, %swap3A_1121], %or3A_1119 {strides = array<i32>} : memref<16x128xi32, #tpu.memory_space<vmem>>, vector<16xi32>,
      %mul3A_1123 = arith.constant 8 : i32
      %mul3A_1124 = arith.muli %add3A_1032, %mul3A_1123 : i32
      %add3A_1125 = arith.constant 2 : i32
      %add3A_1126 = arith.addi %mul3A_1124, %add3A_1125 : i32
      %mul3A_1127 = arith.constant 16 : i32
      %mul3A_1128 = arith.muli %add3A_1126, %mul3A_1127 : i32
      %get3A_1129 = arith.index_cast %mul3A_1128 : i32 to index
      %get3A_1130 = tpu.vector_load %arg6[%get3A_1129] {strides = array<i32>} : memref<2048xi32, #tpu.memory_space<vmem>>, vector<16xi32>,
      %shift_right_logical3A_1131 = arith.constant 8 : i32
      %shift_right_logical3A_1132 = vector.broadcast %shift_right_logical3A_1131 : i32 to vector<16xi32>
      %shift_right_logical3A_1133 = arith.shrui %get3A_1130, %shift_right_logical3A_1132 : vector<16xi32>
      %and3A_1134 = arith.constant 255 : i32
      %and3A_1135 = vector.broadcast %and3A_1134 : i32 to vector<16xi32>
      %and3A_1136 = arith.andi %shift_right_logical3A_1133, %and3A_1135 : vector<16xi32>
      %broadcast_in_dim3A_1137 = arith.constant true
      %broadcast_in_dim3A_1138 = vector.broadcast %broadcast_in_dim3A_1137 : i1 to vector<16xi1>
      %unique3A_1139, %unique3A_1140 = tpu.scan_count mask(%broadcast_in_dim3A_1138 : vector<16xi1>) value(%and3A_1136 : vector<16xi32>) : vector<16xi1>, vector<16xi32>
      %gather3A_1141 = tpu.vector_load_idx %arg9[%and3A_1136] : memref<256xi32, #tpu.memory_space<vmem>>[vector<16xi32>], vector<16xi32>,
      %add3A_1142 = arith.addi %gather3A_1141, %unique3A_1140 : vector<16xi32>
      %sub3A_1143 = arith.subi %add3A_1142, %broadcast_in_dim3A_1 : vector<16xi32>
      tpu.vector_store_idx %arg9[%and3A_1136], %unique3A_1140 masked %unique3A_1139 {add = true} : memref<256xi32, #tpu.memory_space<vmem>>[vector<16xi32>], vector<16xi32>, vector<16xi1>
      %swap3A_1144 = arith.index_cast %add3A_1032 : i32 to index
      %swap3A_1145 = arith.constant 32 : index
      %swap3A_1146 = tpu.vector_load %arg15[%swap3A_1144, %swap3A_1145] {strides = array<i32>} : memref<16x128xi32, #tpu.memory_space<vmem>>, vector<16xi32>,
      tpu.vector_store %arg15[%swap3A_1144, %swap3A_1145], %sub3A_1143 {strides = array<i32>} : memref<16x128xi32, #tpu.memory_space<vmem>>, vector<16xi32>,
      %and3A_1147 = arith.constant -65536 : i32
      %and3A_1148 = vector.broadcast %and3A_1147 : i32 to vector<16xi32>
      %and3A_1149 = arith.andi %get3A_1130, %and3A_1148 : vector<16xi32>
      %get3A_1150 = arith.index_cast %mul3A_1128 : i32 to index
      %get3A_1151 = tpu.vector_load %arg7[%get3A_1150] {strides = array<i32>} : memref<2048xi32, #tpu.memory_space<vmem>>, vector<16xi32>,
      %or3A_1152 = arith.ori %and3A_1149, %get3A_1151 : vector<16xi32>
      %swap3A_1153 = arith.index_cast %mul3A_1128 : i32 to index
      %swap3A_1154 = tpu.vector_load %arg18[%swap3A_1153] {strides = array<i32>} : memref<2048xi32, #tpu.memory_space<vmem>>, vector<16xi32>,
      tpu.vector_store %arg18[%swap3A_1153], %or3A_1152 {strides = array<i32>} : memref<2048xi32, #tpu.memory_space<vmem>>, vector<16xi32>,
      %shift_right_logical3A_1155 = arith.constant 16 : i32
      %shift_right_logical3A_1156 = vector.broadcast %shift_right_logical3A_1155 : i32 to vector<16xi32>
      %shift_right_logical3A_1157 = arith.shrui %or3A_1152, %shift_right_logical3A_1156 : vector<16xi32>
      %and3A_1158 = arith.constant 255 : i32
      %and3A_1159 = vector.broadcast %and3A_1158 : i32 to vector<16xi32>
      %and3A_1160 = arith.andi %shift_right_logical3A_1157, %and3A_1159 : vector<16xi32>
      %shift_right_logical3A_1161 = arith.constant 11 : i32
      %shift_right_logical3A_1162 = vector.broadcast %shift_right_logical3A_1161 : i32 to vector<16xi32>
      %shift_right_logical3A_1163 = arith.shrui %sub3A_1143, %shift_right_logical3A_1162 : vector<16xi32>
      %shift_left3A_1164 = arith.constant 8 : i32
      %shift_left3A_1165 = vector.broadcast %shift_left3A_1164 : i32 to vector<16xi32>
      %shift_left3A_1166 = arith.shli %shift_right_logical3A_1163, %shift_left3A_1165 : vector<16xi32>
      %or3A_1167 = arith.ori %shift_left3A_1166, %and3A_1160 : vector<16xi32>
      %swap3A_1168 = arith.index_cast %add3A_1032 : i32 to index
      %swap3A_1169 = arith.constant 32 : index
      %swap3A_1170 = tpu.vector_load %arg22[%swap3A_1168, %swap3A_1169] {strides = array<i32>} : memref<16x128xi32, #tpu.memory_space<vmem>>, vector<16xi32>,
      tpu.vector_store %arg22[%swap3A_1168, %swap3A_1169], %or3A_1167 {strides = array<i32>} : memref<16x128xi32, #tpu.memory_space<vmem>>, vector<16xi32>,
      %mul3A_1171 = arith.constant 8 : i32
      %mul3A_1172 = arith.muli %add3A_1032, %mul3A_1171 : i32
      %add3A_1173 = arith.constant 3 : i32
      %add3A_1174 = arith.addi %mul3A_1172, %add3A_1173 : i32
      %mul3A_1175 = arith.constant 16 : i32
      %mul3A_1176 = arith.muli %add3A_1174, %mul3A_1175 : i32
      %get3A_1177 = arith.index_cast %mul3A_1176 : i32 to index
      %get3A_1178 = tpu.vector_load %arg6[%get3A_1177] {strides = array<i32>} : memref<2048xi32, #tpu.memory_space<vmem>>, vector<16xi32>,
      %shift_right_logical3A_1179 = arith.constant 8 : i32
      %shift_right_logical3A_1180 = vector.broadcast %shift_right_logical3A_1179 : i32 to vector<16xi32>
      %shift_right_logical3A_1181 = arith.shrui %get3A_1178, %shift_right_logical3A_1180 : vector<16xi32>
      %and3A_1182 = arith.constant 255 : i32
      %and3A_1183 = vector.broadcast %and3A_1182 : i32 to vector<16xi32>
      %and3A_1184 = arith.andi %shift_right_logical3A_1181, %and3A_1183 : vector<16xi32>
      %broadcast_in_dim3A_1185 = arith.constant true
      %broadcast_in_dim3A_1186 = vector.broadcast %broadcast_in_dim3A_1185 : i1 to vector<16xi1>
      %unique3A_1187, %unique3A_1188 = tpu.scan_count mask(%broadcast_in_dim3A_1186 : vector<16xi1>) value(%and3A_1184 : vector<16xi32>) : vector<16xi1>, vector<16xi32>
      %gather3A_1189 = tpu.vector_load_idx %arg9[%and3A_1184] : memref<256xi32, #tpu.memory_space<vmem>>[vector<16xi32>], vector<16xi32>,
      %add3A_1190 = arith.addi %gather3A_1189, %unique3A_1188 : vector<16xi32>
      %sub3A_1191 = arith.subi %add3A_1190, %broadcast_in_dim3A_1 : vector<16xi32>
      tpu.vector_store_idx %arg9[%and3A_1184], %unique3A_1188 masked %unique3A_1187 {add = true} : memref<256xi32, #tpu.memory_space<vmem>>[vector<16xi32>], vector<16xi32>, vector<16xi1>
      %swap3A_1192 = arith.index_cast %add3A_1032 : i32 to index
      %swap3A_1193 = arith.constant 48 : index
      %swap3A_1194 = tpu.vector_load %arg15[%swap3A_1192, %swap3A_1193] {strides = array<i32>} : memref<16x128xi32, #tpu.memory_space<vmem>>, vector<16xi32>,
      tpu.vector_store %arg15[%swap3A_1192, %swap3A_1193], %sub3A_1191 {strides = array<i32>} : memref<16x128xi32, #tpu.memory_space<vmem>>, vector<16xi32>,
      %and3A_1195 = arith.constant -65536 : i32
      %and3A_1196 = vector.broadcast %and3A_1195 : i32 to vector<16xi32>
      %and3A_1197 = arith.andi %get3A_1178, %and3A_1196 : vector<16xi32>
      %get3A_1198 = arith.index_cast %mul3A_1176 : i32 to index
      %get3A_1199 = tpu.vector_load %arg7[%get3A_1198] {strides = array<i32>} : memref<2048xi32, #tpu.memory_space<vmem>>, vector<16xi32>,
      %or3A_1200 = arith.ori %and3A_1197, %get3A_1199 : vector<16xi32>
      %swap3A_1201 = arith.index_cast %mul3A_1176 : i32 to index
      %swap3A_1202 = tpu.vector_load %arg18[%swap3A_1201] {strides = array<i32>} : memref<2048xi32, #tpu.memory_space<vmem>>, vector<16xi32>,
      tpu.vector_store %arg18[%swap3A_1201], %or3A_1200 {strides = array<i32>} : memref<2048xi32, #tpu.memory_space<vmem>>, vector<16xi32>,
      %shift_right_logical3A_1203 = arith.constant 16 : i32
      %shift_right_logical3A_1204 = vector.broadcast %shift_right_logical3A_1203 : i32 to vector<16xi32>
      %shift_right_logical3A_1205 = arith.shrui %or3A_1200, %shift_right_logical3A_1204 : vector<16xi32>
      %and3A_1206 = arith.constant 255 : i32
      %and3A_1207 = vector.broadcast %and3A_1206 : i32 to vector<16xi32>
      %and3A_1208 = arith.andi %shift_right_logical3A_1205, %and3A_1207 : vector<16xi32>
      %shift_right_logical3A_1209 = arith.constant 11 : i32
      %shift_right_logical3A_1210 = vector.broadcast %shift_right_logical3A_1209 : i32 to vector<16xi32>
      %shift_right_logical3A_1211 = arith.shrui %sub3A_1191, %shift_right_logical3A_1210 : vector<16xi32>
      %shift_left3A_1212 = arith.constant 8 : i32
      %shift_left3A_1213 = vector.broadcast %shift_left3A_1212 : i32 to vector<16xi32>
      %shift_left3A_1214 = arith.shli %shift_right_logical3A_1211, %shift_left3A_1213 : vector<16xi32>
      %or3A_1215 = arith.ori %shift_left3A_1214, %and3A_1208 : vector<16xi32>
      %swap3A_1216 = arith.index_cast %add3A_1032 : i32 to index
      %swap3A_1217 = arith.constant 48 : index
      %swap3A_1218 = tpu.vector_load %arg22[%swap3A_1216, %swap3A_1217] {strides = array<i32>} : memref<16x128xi32, #tpu.memory_space<vmem>>, vector<16xi32>,
      tpu.vector_store %arg22[%swap3A_1216, %swap3A_1217], %or3A_1215 {strides = array<i32>} : memref<16x128xi32, #tpu.memory_space<vmem>>, vector<16xi32>,
      %mul3A_1219 = arith.constant 8 : i32
      %mul3A_1220 = arith.muli %add3A_1032, %mul3A_1219 : i32
      %add3A_1221 = arith.constant 4 : i32
      %add3A_1222 = arith.addi %mul3A_1220, %add3A_1221 : i32
      %mul3A_1223 = arith.constant 16 : i32
      %mul3A_1224 = arith.muli %add3A_1222, %mul3A_1223 : i32
      %get3A_1225 = arith.index_cast %mul3A_1224 : i32 to index
      %get3A_1226 = tpu.vector_load %arg6[%get3A_1225] {strides = array<i32>} : memref<2048xi32, #tpu.memory_space<vmem>>, vector<16xi32>,
      %shift_right_logical3A_1227 = arith.constant 8 : i32
      %shift_right_logical3A_1228 = vector.broadcast %shift_right_logical3A_1227 : i32 to vector<16xi32>
      %shift_right_logical3A_1229 = arith.shrui %get3A_1226, %shift_right_logical3A_1228 : vector<16xi32>
      %and3A_1230 = arith.constant 255 : i32
      %and3A_1231 = vector.broadcast %and3A_1230 : i32 to vector<16xi32>
      %and3A_1232 = arith.andi %shift_right_logical3A_1229, %and3A_1231 : vector<16xi32>
      %broadcast_in_dim3A_1233 = arith.constant true
      %broadcast_in_dim3A_1234 = vector.broadcast %broadcast_in_dim3A_1233 : i1 to vector<16xi1>
      %unique3A_1235, %unique3A_1236 = tpu.scan_count mask(%broadcast_in_dim3A_1234 : vector<16xi1>) value(%and3A_1232 : vector<16xi32>) : vector<16xi1>, vector<16xi32>
      %gather3A_1237 = tpu.vector_load_idx %arg9[%and3A_1232] : memref<256xi32, #tpu.memory_space<vmem>>[vector<16xi32>], vector<16xi32>,
      %add3A_1238 = arith.addi %gather3A_1237, %unique3A_1236 : vector<16xi32>
      %sub3A_1239 = arith.subi %add3A_1238, %broadcast_in_dim3A_1 : vector<16xi32>
      tpu.vector_store_idx %arg9[%and3A_1232], %unique3A_1236 masked %unique3A_1235 {add = true} : memref<256xi32, #tpu.memory_space<vmem>>[vector<16xi32>], vector<16xi32>, vector<16xi1>
      %swap3A_1240 = arith.index_cast %add3A_1032 : i32 to index
      %swap3A_1241 = arith.constant 64 : index
      %swap3A_1242 = tpu.vector_load %arg15[%swap3A_1240, %swap3A_1241] {strides = array<i32>} : memref<16x128xi32, #tpu.memory_space<vmem>>, vector<16xi32>,
      tpu.vector_store %arg15[%swap3A_1240, %swap3A_1241], %sub3A_1239 {strides = array<i32>} : memref<16x128xi32, #tpu.memory_space<vmem>>, vector<16xi32>,
      %and3A_1243 = arith.constant -65536 : i32
      %and3A_1244 = vector.broadcast %and3A_1243 : i32 to vector<16xi32>
      %and3A_1245 = arith.andi %get3A_1226, %and3A_1244 : vector<16xi32>
      %get3A_1246 = arith.index_cast %mul3A_1224 : i32 to index
      %get3A_1247 = tpu.vector_load %arg7[%get3A_1246] {strides = array<i32>} : memref<2048xi32, #tpu.memory_space<vmem>>, vector<16xi32>,
      %or3A_1248 = arith.ori %and3A_1245, %get3A_1247 : vector<16xi32>
      %swap3A_1249 = arith.index_cast %mul3A_1224 : i32 to index
      %swap3A_1250 = tpu.vector_load %arg18[%swap3A_1249] {strides = array<i32>} : memref<2048xi32, #tpu.memory_space<vmem>>, vector<16xi32>,
      tpu.vector_store %arg18[%swap3A_1249], %or3A_1248 {strides = array<i32>} : memref<2048xi32, #tpu.memory_space<vmem>>, vector<16xi32>,
      %shift_right_logical3A_1251 = arith.constant 16 : i32
      %shift_right_logical3A_1252 = vector.broadcast %shift_right_logical3A_1251 : i32 to vector<16xi32>
      %shift_right_logical3A_1253 = arith.shrui %or3A_1248, %shift_right_logical3A_1252 : vector<16xi32>
      %and3A_1254 = arith.constant 255 : i32
      %and3A_1255 = vector.broadcast %and3A_1254 : i32 to vector<16xi32>
      %and3A_1256 = arith.andi %shift_right_logical3A_1253, %and3A_1255 : vector<16xi32>
      %shift_right_logical3A_1257 = arith.constant 11 : i32
      %shift_right_logical3A_1258 = vector.broadcast %shift_right_logical3A_1257 : i32 to vector<16xi32>
      %shift_right_logical3A_1259 = arith.shrui %sub3A_1239, %shift_right_logical3A_1258 : vector<16xi32>
      %shift_left3A_1260 = arith.constant 8 : i32
      %shift_left3A_1261 = vector.broadcast %shift_left3A_1260 : i32 to vector<16xi32>
      %shift_left3A_1262 = arith.shli %shift_right_logical3A_1259, %shift_left3A_1261 : vector<16xi32>
      %or3A_1263 = arith.ori %shift_left3A_1262, %and3A_1256 : vector<16xi32>
      %swap3A_1264 = arith.index_cast %add3A_1032 : i32 to index
      %swap3A_1265 = arith.constant 64 : index
      %swap3A_1266 = tpu.vector_load %arg22[%swap3A_1264, %swap3A_1265] {strides = array<i32>} : memref<16x128xi32, #tpu.memory_space<vmem>>, vector<16xi32>,
      tpu.vector_store %arg22[%swap3A_1264, %swap3A_1265], %or3A_1263 {strides = array<i32>} : memref<16x128xi32, #tpu.memory_space<vmem>>, vector<16xi32>,
      %mul3A_1267 = arith.constant 8 : i32
      %mul3A_1268 = arith.muli %add3A_1032, %mul3A_1267 : i32
      %add3A_1269 = arith.constant 5 : i32
      %add3A_1270 = arith.addi %mul3A_1268, %add3A_1269 : i32
      %mul3A_1271 = arith.constant 16 : i32
      %mul3A_1272 = arith.muli %add3A_1270, %mul3A_1271 : i32
      %get3A_1273 = arith.index_cast %mul3A_1272 : i32 to index
      %get3A_1274 = tpu.vector_load %arg6[%get3A_1273] {strides = array<i32>} : memref<2048xi32, #tpu.memory_space<vmem>>, vector<16xi32>,
      %shift_right_logical3A_1275 = arith.constant 8 : i32
      %shift_right_logical3A_1276 = vector.broadcast %shift_right_logical3A_1275 : i32 to vector<16xi32>
      %shift_right_logical3A_1277 = arith.shrui %get3A_1274, %shift_right_logical3A_1276 : vector<16xi32>
      %and3A_1278 = arith.constant 255 : i32
      %and3A_1279 = vector.broadcast %and3A_1278 : i32 to vector<16xi32>
      %and3A_1280 = arith.andi %shift_right_logical3A_1277, %and3A_1279 : vector<16xi32>
      %broadcast_in_dim3A_1281 = arith.constant true
      %broadcast_in_dim3A_1282 = vector.broadcast %broadcast_in_dim3A_1281 : i1 to vector<16xi1>
      %unique3A_1283, %unique3A_1284 = tpu.scan_count mask(%broadcast_in_dim3A_1282 : vector<16xi1>) value(%and3A_1280 : vector<16xi32>) : vector<16xi1>, vector<16xi32>
      %gather3A_1285 = tpu.vector_load_idx %arg9[%and3A_1280] : memref<256xi32, #tpu.memory_space<vmem>>[vector<16xi32>], vector<16xi32>,
      %add3A_1286 = arith.addi %gather3A_1285, %unique3A_1284 : vector<16xi32>
      %sub3A_1287 = arith.subi %add3A_1286, %broadcast_in_dim3A_1 : vector<16xi32>
      tpu.vector_store_idx %arg9[%and3A_1280], %unique3A_1284 masked %unique3A_1283 {add = true} : memref<256xi32, #tpu.memory_space<vmem>>[vector<16xi32>], vector<16xi32>, vector<16xi1>
      %swap3A_1288 = arith.index_cast %add3A_1032 : i32 to index
      %swap3A_1289 = arith.constant 80 : index
      %swap3A_1290 = tpu.vector_load %arg15[%swap3A_1288, %swap3A_1289] {strides = array<i32>} : memref<16x128xi32, #tpu.memory_space<vmem>>, vector<16xi32>,
      tpu.vector_store %arg15[%swap3A_1288, %swap3A_1289], %sub3A_1287 {strides = array<i32>} : memref<16x128xi32, #tpu.memory_space<vmem>>, vector<16xi32>,
      %and3A_1291 = arith.constant -65536 : i32
      %and3A_1292 = vector.broadcast %and3A_1291 : i32 to vector<16xi32>
      %and3A_1293 = arith.andi %get3A_1274, %and3A_1292 : vector<16xi32>
      %get3A_1294 = arith.index_cast %mul3A_1272 : i32 to index
      %get3A_1295 = tpu.vector_load %arg7[%get3A_1294] {strides = array<i32>} : memref<2048xi32, #tpu.memory_space<vmem>>, vector<16xi32>,
      %or3A_1296 = arith.ori %and3A_1293, %get3A_1295 : vector<16xi32>
      %swap3A_1297 = arith.index_cast %mul3A_1272 : i32 to index
      %swap3A_1298 = tpu.vector_load %arg18[%swap3A_1297] {strides = array<i32>} : memref<2048xi32, #tpu.memory_space<vmem>>, vector<16xi32>,
      tpu.vector_store %arg18[%swap3A_1297], %or3A_1296 {strides = array<i32>} : memref<2048xi32, #tpu.memory_space<vmem>>, vector<16xi32>,
      %shift_right_logical3A_1299 = arith.constant 16 : i32
      %shift_right_logical3A_1300 = vector.broadcast %shift_right_logical3A_1299 : i32 to vector<16xi32>
      %shift_right_logical3A_1301 = arith.shrui %or3A_1296, %shift_right_logical3A_1300 : vector<16xi32>
      %and3A_1302 = arith.constant 255 : i32
      %and3A_1303 = vector.broadcast %and3A_1302 : i32 to vector<16xi32>
      %and3A_1304 = arith.andi %shift_right_logical3A_1301, %and3A_1303 : vector<16xi32>
      %shift_right_logical3A_1305 = arith.constant 11 : i32
      %shift_right_logical3A_1306 = vector.broadcast %shift_right_logical3A_1305 : i32 to vector<16xi32>
      %shift_right_logical3A_1307 = arith.shrui %sub3A_1287, %shift_right_logical3A_1306 : vector<16xi32>
      %shift_left3A_1308 = arith.constant 8 : i32
      %shift_left3A_1309 = vector.broadcast %shift_left3A_1308 : i32 to vector<16xi32>
      %shift_left3A_1310 = arith.shli %shift_right_logical3A_1307, %shift_left3A_1309 : vector<16xi32>
      %or3A_1311 = arith.ori %shift_left3A_1310, %and3A_1304 : vector<16xi32>
      %swap3A_1312 = arith.index_cast %add3A_1032 : i32 to index
      %swap3A_1313 = arith.constant 80 : index
      %swap3A_1314 = tpu.vector_load %arg22[%swap3A_1312, %swap3A_1313] {strides = array<i32>} : memref<16x128xi32, #tpu.memory_space<vmem>>, vector<16xi32>,
      tpu.vector_store %arg22[%swap3A_1312, %swap3A_1313], %or3A_1311 {strides = array<i32>} : memref<16x128xi32, #tpu.memory_space<vmem>>, vector<16xi32>,
      %mul3A_1315 = arith.constant 8 : i32
      %mul3A_1316 = arith.muli %add3A_1032, %mul3A_1315 : i32
      %add3A_1317 = arith.constant 6 : i32
      %add3A_1318 = arith.addi %mul3A_1316, %add3A_1317 : i32
      %mul3A_1319 = arith.constant 16 : i32
      %mul3A_1320 = arith.muli %add3A_1318, %mul3A_1319 : i32
      %get3A_1321 = arith.index_cast %mul3A_1320 : i32 to index
      %get3A_1322 = tpu.vector_load %arg6[%get3A_1321] {strides = array<i32>} : memref<2048xi32, #tpu.memory_space<vmem>>, vector<16xi32>,
      %shift_right_logical3A_1323 = arith.constant 8 : i32
      %shift_right_logical3A_1324 = vector.broadcast %shift_right_logical3A_1323 : i32 to vector<16xi32>
      %shift_right_logical3A_1325 = arith.shrui %get3A_1322, %shift_right_logical3A_1324 : vector<16xi32>
      %and3A_1326 = arith.constant 255 : i32
      %and3A_1327 = vector.broadcast %and3A_1326 : i32 to vector<16xi32>
      %and3A_1328 = arith.andi %shift_right_logical3A_1325, %and3A_1327 : vector<16xi32>
      %broadcast_in_dim3A_1329 = arith.constant true
      %broadcast_in_dim3A_1330 = vector.broadcast %broadcast_in_dim3A_1329 : i1 to vector<16xi1>
      %unique3A_1331, %unique3A_1332 = tpu.scan_count mask(%broadcast_in_dim3A_1330 : vector<16xi1>) value(%and3A_1328 : vector<16xi32>) : vector<16xi1>, vector<16xi32>
      %gather3A_1333 = tpu.vector_load_idx %arg9[%and3A_1328] : memref<256xi32, #tpu.memory_space<vmem>>[vector<16xi32>], vector<16xi32>,
      %add3A_1334 = arith.addi %gather3A_1333, %unique3A_1332 : vector<16xi32>
      %sub3A_1335 = arith.subi %add3A_1334, %broadcast_in_dim3A_1 : vector<16xi32>
      tpu.vector_store_idx %arg9[%and3A_1328], %unique3A_1332 masked %unique3A_1331 {add = true} : memref<256xi32, #tpu.memory_space<vmem>>[vector<16xi32>], vector<16xi32>, vector<16xi1>
      %swap3A_1336 = arith.index_cast %add3A_1032 : i32 to index
      %swap3A_1337 = arith.constant 96 : index
      %swap3A_1338 = tpu.vector_load %arg15[%swap3A_1336, %swap3A_1337] {strides = array<i32>} : memref<16x128xi32, #tpu.memory_space<vmem>>, vector<16xi32>,
      tpu.vector_store %arg15[%swap3A_1336, %swap3A_1337], %sub3A_1335 {strides = array<i32>} : memref<16x128xi32, #tpu.memory_space<vmem>>, vector<16xi32>,
      %and3A_1339 = arith.constant -65536 : i32
      %and3A_1340 = vector.broadcast %and3A_1339 : i32 to vector<16xi32>
      %and3A_1341 = arith.andi %get3A_1322, %and3A_1340 : vector<16xi32>
      %get3A_1342 = arith.index_cast %mul3A_1320 : i32 to index
      %get3A_1343 = tpu.vector_load %arg7[%get3A_1342] {strides = array<i32>} : memref<2048xi32, #tpu.memory_space<vmem>>, vector<16xi32>,
      %or3A_1344 = arith.ori %and3A_1341, %get3A_1343 : vector<16xi32>
      %swap3A_1345 = arith.index_cast %mul3A_1320 : i32 to index
      %swap3A_1346 = tpu.vector_load %arg18[%swap3A_1345] {strides = array<i32>} : memref<2048xi32, #tpu.memory_space<vmem>>, vector<16xi32>,
      tpu.vector_store %arg18[%swap3A_1345], %or3A_1344 {strides = array<i32>} : memref<2048xi32, #tpu.memory_space<vmem>>, vector<16xi32>,
      %shift_right_logical3A_1347 = arith.constant 16 : i32
      %shift_right_logical3A_1348 = vector.broadcast %shift_right_logical3A_1347 : i32 to vector<16xi32>
      %shift_right_logical3A_1349 = arith.shrui %or3A_1344, %shift_right_logical3A_1348 : vector<16xi32>
      %and3A_1350 = arith.constant 255 : i32
      %and3A_1351 = vector.broadcast %and3A_1350 : i32 to vector<16xi32>
      %and3A_1352 = arith.andi %shift_right_logical3A_1349, %and3A_1351 : vector<16xi32>
      %shift_right_logical3A_1353 = arith.constant 11 : i32
      %shift_right_logical3A_1354 = vector.broadcast %shift_right_logical3A_1353 : i32 to vector<16xi32>
      %shift_right_logical3A_1355 = arith.shrui %sub3A_1335, %shift_right_logical3A_1354 : vector<16xi32>
      %shift_left3A_1356 = arith.constant 8 : i32
      %shift_left3A_1357 = vector.broadcast %shift_left3A_1356 : i32 to vector<16xi32>
      %shift_left3A_1358 = arith.shli %shift_right_logical3A_1355, %shift_left3A_1357 : vector<16xi32>
      %or3A_1359 = arith.ori %shift_left3A_1358, %and3A_1352 : vector<16xi32>
      %swap3A_1360 = arith.index_cast %add3A_1032 : i32 to index
      %swap3A_1361 = arith.constant 96 : index
      %swap3A_1362 = tpu.vector_load %arg22[%swap3A_1360, %swap3A_1361] {strides = array<i32>} : memref<16x128xi32, #tpu.memory_space<vmem>>, vector<16xi32>,
      tpu.vector_store %arg22[%swap3A_1360, %swap3A_1361], %or3A_1359 {strides = array<i32>} : memref<16x128xi32, #tpu.memory_space<vmem>>, vector<16xi32>,
      %mul3A_1363 = arith.constant 8 : i32
      %mul3A_1364 = arith.muli %add3A_1032, %mul3A_1363 : i32
      %add3A_1365 = arith.constant 7 : i32
      %add3A_1366 = arith.addi %mul3A_1364, %add3A_1365 : i32
      %mul3A_1367 = arith.constant 16 : i32
      %mul3A_1368 = arith.muli %add3A_1366, %mul3A_1367 : i32
      %get3A_1369 = arith.index_cast %mul3A_1368 : i32 to index
      %get3A_1370 = tpu.vector_load %arg6[%get3A_1369] {strides = array<i32>} : memref<2048xi32, #tpu.memory_space<vmem>>, vector<16xi32>,
      %shift_right_logical3A_1371 = arith.constant 8 : i32
      %shift_right_logical3A_1372 = vector.broadcast %shift_right_logical3A_1371 : i32 to vector<16xi32>
      %shift_right_logical3A_1373 = arith.shrui %get3A_1370, %shift_right_logical3A_1372 : vector<16xi32>
      %and3A_1374 = arith.constant 255 : i32
      %and3A_1375 = vector.broadcast %and3A_1374 : i32 to vector<16xi32>
      %and3A_1376 = arith.andi %shift_right_logical3A_1373, %and3A_1375 : vector<16xi32>
      %broadcast_in_dim3A_1377 = arith.constant true
      %broadcast_in_dim3A_1378 = vector.broadcast %broadcast_in_dim3A_1377 : i1 to vector<16xi1>
      %unique3A_1379, %unique3A_1380 = tpu.scan_count mask(%broadcast_in_dim3A_1378 : vector<16xi1>) value(%and3A_1376 : vector<16xi32>) : vector<16xi1>, vector<16xi32>
      %gather3A_1381 = tpu.vector_load_idx %arg9[%and3A_1376] : memref<256xi32, #tpu.memory_space<vmem>>[vector<16xi32>], vector<16xi32>,
      %add3A_1382 = arith.addi %gather3A_1381, %unique3A_1380 : vector<16xi32>
      %sub3A_1383 = arith.subi %add3A_1382, %broadcast_in_dim3A_1 : vector<16xi32>
      tpu.vector_store_idx %arg9[%and3A_1376], %unique3A_1380 masked %unique3A_1379 {add = true} : memref<256xi32, #tpu.memory_space<vmem>>[vector<16xi32>], vector<16xi32>, vector<16xi1>
      %swap3A_1384 = arith.index_cast %add3A_1032 : i32 to index
      %swap3A_1385 = arith.constant 112 : index
      %swap3A_1386 = tpu.vector_load %arg15[%swap3A_1384, %swap3A_1385] {strides = array<i32>} : memref<16x128xi32, #tpu.memory_space<vmem>>, vector<16xi32>,
      tpu.vector_store %arg15[%swap3A_1384, %swap3A_1385], %sub3A_1383 {strides = array<i32>} : memref<16x128xi32, #tpu.memory_space<vmem>>, vector<16xi32>,
      %and3A_1387 = arith.constant -65536 : i32
      %and3A_1388 = vector.broadcast %and3A_1387 : i32 to vector<16xi32>
      %and3A_1389 = arith.andi %get3A_1370, %and3A_1388 : vector<16xi32>
      %get3A_1390 = arith.index_cast %mul3A_1368 : i32 to index
      %get3A_1391 = tpu.vector_load %arg7[%get3A_1390] {strides = array<i32>} : memref<2048xi32, #tpu.memory_space<vmem>>, vector<16xi32>,
      %or3A_1392 = arith.ori %and3A_1389, %get3A_1391 : vector<16xi32>
      %swap3A_1393 = arith.index_cast %mul3A_1368 : i32 to index
      %swap3A_1394 = tpu.vector_load %arg18[%swap3A_1393] {strides = array<i32>} : memref<2048xi32, #tpu.memory_space<vmem>>, vector<16xi32>,
      tpu.vector_store %arg18[%swap3A_1393], %or3A_1392 {strides = array<i32>} : memref<2048xi32, #tpu.memory_space<vmem>>, vector<16xi32>,
      %shift_right_logical3A_1395 = arith.constant 16 : i32
      %shift_right_logical3A_1396 = vector.broadcast %shift_right_logical3A_1395 : i32 to vector<16xi32>
      %shift_right_logical3A_1397 = arith.shrui %or3A_1392, %shift_right_logical3A_1396 : vector<16xi32>
      %and3A_1398 = arith.constant 255 : i32
      %and3A_1399 = vector.broadcast %and3A_1398 : i32 to vector<16xi32>
      %and3A_1400 = arith.andi %shift_right_logical3A_1397, %and3A_1399 : vector<16xi32>
      %shift_right_logical3A_1401 = arith.constant 11 : i32
      %shift_right_logical3A_1402 = vector.broadcast %shift_right_logical3A_1401 : i32 to vector<16xi32>
      %shift_right_logical3A_1403 = arith.shrui %sub3A_1383, %shift_right_logical3A_1402 : vector<16xi32>
      %shift_left3A_1404 = arith.constant 8 : i32
      %shift_left3A_1405 = vector.broadcast %shift_left3A_1404 : i32 to vector<16xi32>
      %shift_left3A_1406 = arith.shli %shift_right_logical3A_1403, %shift_left3A_1405 : vector<16xi32>
      %or3A_1407 = arith.ori %shift_left3A_1406, %and3A_1400 : vector<16xi32>
      %swap3A_1408 = arith.index_cast %add3A_1032 : i32 to index
      %swap3A_1409 = arith.constant 112 : index
      %swap3A_1410 = tpu.vector_load %arg22[%swap3A_1408, %swap3A_1409] {strides = array<i32>} : memref<16x128xi32, #tpu.memory_space<vmem>>, vector<16xi32>,
      tpu.vector_store %arg22[%swap3A_1408, %swap3A_1409], %or3A_1407 {strides = array<i32>} : memref<16x128xi32, #tpu.memory_space<vmem>>, vector<16xi32>,
      %mul3A_1411 = arith.constant 128 : i32
      %mul3A_1412 = arith.muli %add3A_1032, %mul3A_1411 : i32
      %dma_start3A_1413 = tpu.memref_slice %arg18[%mul3A_1412] : memref<2048xi32, #tpu.memory_space<vmem>> -> memref<128xi32, #tpu.memory_space<vmem>>
      %dma_start3A_1414 = arith.constant 0 : i32
      %dma_start3A_1415 = tpu.memref_slice %arg15[%add3A_1032, %dma_start3A_1414] : memref<16x128xi32, #tpu.memory_space<vmem>> -> memref<1x128xi32, #tpu.memory_space<vmem>>
      %dma_start3A_1416 = tpu.memref_squeeze %dma_start3A_1415 : memref<1x128xi32, #tpu.memory_space<vmem>> -> memref<128xi32, #tpu.memory_space<vmem>>
      %dma_start3A_1417 = arith.constant 0 : i32
      %dma_start3A_1418 = tpu.memref_slice %arg23[%dma_start3A_1417] : memref<32768xi32, #tpu.memory_space<vmem_shared>> -> memref<32768xi32, #tpu.memory_space<vmem_shared>>
      tpu.enqueue_indirect_dma source(%dma_start3A_1413 : memref<128xi32, #tpu.memory_space<vmem>>) target(%dma_start3A_1418 : memref<32768xi32, #tpu.memory_space<vmem_shared>>) offsets(%dma_start3A_1416 : memref<128xi32, #tpu.memory_space<vmem>>) semaphore(%arg33 : memref<!tpu.dma_semaphore, #tpu.memory_space<semaphore_mem>>)
      %dma_start3A_1419 = arith.constant 0 : i32
      %dma_start3A_1420 = tpu.memref_slice %arg22[%add3A_1032, %dma_start3A_1419] : memref<16x128xi32, #tpu.memory_space<vmem>> -> memref<1x128xi32, #tpu.memory_space<vmem>>
      %dma_start3A_1421 = tpu.memref_squeeze %dma_start3A_1420 : memref<1x128xi32, #tpu.memory_space<vmem>> -> memref<128xi32, #tpu.memory_space<vmem>>
      %dma_start3A_1422 = arith.constant 0 : i32
      %dma_start3A_1423 = tpu.memref_slice %arg31[%dma_start3A_1422] : memref<4096xi32, #tpu.memory_space<vmem_shared>> -> memref<4096xi32, #tpu.memory_space<vmem_shared>>
      tpu.enqueue_indirect_dma source(%arg20 : memref<128xi32, #tpu.memory_space<vmem>>) target(%dma_start3A_1423 : memref<4096xi32, #tpu.memory_space<vmem_shared>>) offsets(%dma_start3A_1421 : memref<128xi32, #tpu.memory_space<vmem>>) semaphore(%arg33 : memref<!tpu.dma_semaphore, #tpu.memory_space<semaphore_mem>>) {add = true}
    }
    %scan3A_310 = arith.constant 16 : i32
    %dma_wait3A_311 = arith.constant 0 : i32
    %dma_wait3A_312 = tpu.memref_slice %arg2[%dma_wait3A_311] : memref<32768xf32, #tpu.memory_space<hbm>> -> memref<128xf32, #tpu.memory_space<hbm>>
    %dma_wait3A_313 = arith.constant 0 : i32
    %dma_wait3A_314 = tpu.memref_slice %arg2[%dma_wait3A_313] : memref<32768xf32, #tpu.memory_space<hbm>> -> memref<128xf32, #tpu.memory_space<hbm>>
    tpu.wait_dma2 semaphore(%arg33 : memref<!tpu.dma_semaphore, #tpu.memory_space<semaphore_mem>>) src(%dma_wait3A_314 : memref<128xf32, #tpu.memory_space<hbm>>) dst(%arg19 : memref<128xi32, #tpu.memory_space<vmem>>)
    %dma_wait3A_315 = arith.constant 0 : i32
    %dma_wait3A_316 = tpu.memref_slice %arg2[%dma_wait3A_315] : memref<32768xf32, #tpu.memory_space<hbm>> -> memref<128xf32, #tpu.memory_space<hbm>>
    %dma_wait3A_317 = arith.constant 0 : i32
    %dma_wait3A_318 = tpu.memref_slice %arg2[%dma_wait3A_317] : memref<32768xf32, #tpu.memory_space<hbm>> -> memref<128xf32, #tpu.memory_space<hbm>>
    tpu.wait_dma2 semaphore(%arg33 : memref<!tpu.dma_semaphore, #tpu.memory_space<semaphore_mem>>) src(%dma_wait3A_318 : memref<128xf32, #tpu.memory_space<hbm>>) dst(%arg19 : memref<128xi32, #tpu.memory_space<vmem>>)
    %dma_wait3A_319 = arith.constant 0 : i32
    %dma_wait3A_320 = tpu.memref_slice %arg2[%dma_wait3A_319] : memref<32768xf32, #tpu.memory_space<hbm>> -> memref<128xf32, #tpu.memory_space<hbm>>
    %dma_wait3A_321 = arith.constant 0 : i32
    %dma_wait3A_322 = tpu.memref_slice %arg2[%dma_wait3A_321] : memref<32768xf32, #tpu.memory_space<hbm>> -> memref<128xf32, #tpu.memory_space<hbm>>
    tpu.wait_dma2 semaphore(%arg33 : memref<!tpu.dma_semaphore, #tpu.memory_space<semaphore_mem>>) src(%dma_wait3A_322 : memref<128xf32, #tpu.memory_space<hbm>>) dst(%arg19 : memref<128xi32, #tpu.memory_space<vmem>>)
    %dma_wait3A_323 = arith.constant 0 : i32
    %dma_wait3A_324 = tpu.memref_slice %arg2[%dma_wait3A_323] : memref<32768xf32, #tpu.memory_space<hbm>> -> memref<128xf32, #tpu.memory_space<hbm>>
    %dma_wait3A_325 = arith.constant 0 : i32
    %dma_wait3A_326 = tpu.memref_slice %arg2[%dma_wait3A_325] : memref<32768xf32, #tpu.memory_space<hbm>> -> memref<128xf32, #tpu.memory_space<hbm>>
    tpu.wait_dma2 semaphore(%arg33 : memref<!tpu.dma_semaphore, #tpu.memory_space<semaphore_mem>>) src(%dma_wait3A_326 : memref<128xf32, #tpu.memory_space<hbm>>) dst(%arg19 : memref<128xi32, #tpu.memory_space<vmem>>)
    %dma_wait3A_327 = arith.constant 0 : i32
    %dma_wait3A_328 = tpu.memref_slice %arg2[%dma_wait3A_327] : memref<32768xf32, #tpu.memory_space<hbm>> -> memref<128xf32, #tpu.memory_space<hbm>>
    %dma_wait3A_329 = arith.constant 0 : i32
    %dma_wait3A_330 = tpu.memref_slice %arg2[%dma_wait3A_329] : memref<32768xf32, #tpu.memory_space<hbm>> -> memref<128xf32, #tpu.memory_space<hbm>>
    tpu.wait_dma2 semaphore(%arg33 : memref<!tpu.dma_semaphore, #tpu.memory_space<semaphore_mem>>) src(%dma_wait3A_330 : memref<128xf32, #tpu.memory_space<hbm>>) dst(%arg19 : memref<128xi32, #tpu.memory_space<vmem>>)
    %dma_wait3A_331 = arith.constant 0 : i32
    %dma_wait3A_332 = tpu.memref_slice %arg2[%dma_wait3A_331] : memref<32768xf32, #tpu.memory_space<hbm>> -> memref<128xf32, #tpu.memory_space<hbm>>
    %dma_wait3A_333 = arith.constant 0 : i32
    %dma_wait3A_334 = tpu.memref_slice %arg2[%dma_wait3A_333] : memref<32768xf32, #tpu.memory_space<hbm>> -> memref<128xf32, #tpu.memory_space<hbm>>
    tpu.wait_dma2 semaphore(%arg33 : memref<!tpu.dma_semaphore, #tpu.memory_space<semaphore_mem>>) src(%dma_wait3A_334 : memref<128xf32, #tpu.memory_space<hbm>>) dst(%arg19 : memref<128xi32, #tpu.memory_space<vmem>>)
    %dma_wait3A_335 = arith.constant 0 : i32
    %dma_wait3A_336 = tpu.memref_slice %arg2[%dma_wait3A_335] : memref<32768xf32, #tpu.memory_space<hbm>> -> memref<128xf32, #tpu.memory_space<hbm>>
    %dma_wait3A_337 = arith.constant 0 : i32
    %dma_wait3A_338 = tpu.memref_slice %arg2[%dma_wait3A_337] : memref<32768xf32, #tpu.memory_space<hbm>> -> memref<128xf32, #tpu.memory_space<hbm>>
    tpu.wait_dma2 semaphore(%arg33 : memref<!tpu.dma_semaphore, #tpu.memory_space<semaphore_mem>>) src(%dma_wait3A_338 : memref<128xf32, #tpu.memory_space<hbm>>) dst(%arg19 : memref<128xi32, #tpu.memory_space<vmem>>)
    %dma_wait3A_339 = arith.constant 0 : i32
    %dma_wait3A_340 = tpu.memref_slice %arg2[%dma_wait3A_339] : memref<32768xf32, #tpu.memory_space<hbm>> -> memref<128xf32, #tpu.memory_space<hbm>>
    %dma_wait3A_341 = arith.constant 0 : i32
    %dma_wait3A_342 = tpu.memref_slice %arg2[%dma_wait3A_341] : memref<32768xf32, #tpu.memory_space<hbm>> -> memref<128xf32, #tpu.memory_space<hbm>>
    tpu.wait_dma2 semaphore(%arg33 : memref<!tpu.dma_semaphore, #tpu.memory_space<semaphore_mem>>) src(%dma_wait3A_342 : memref<128xf32, #tpu.memory_space<hbm>>) dst(%arg19 : memref<128xi32, #tpu.memory_space<vmem>>)
    %dma_wait3A_343 = arith.constant 0 : i32
    %dma_wait3A_344 = tpu.memref_slice %arg2[%dma_wait3A_343] : memref<32768xf32, #tpu.memory_space<hbm>> -> memref<128xf32, #tpu.memory_space<hbm>>
    %dma_wait3A_345 = arith.constant 0 : i32
    %dma_wait3A_346 = tpu.memref_slice %arg2[%dma_wait3A_345] : memref<32768xf32, #tpu.memory_space<hbm>> -> memref<128xf32, #tpu.memory_space<hbm>>
    tpu.wait_dma2 semaphore(%arg33 : memref<!tpu.dma_semaphore, #tpu.memory_space<semaphore_mem>>) src(%dma_wait3A_346 : memref<128xf32, #tpu.memory_space<hbm>>) dst(%arg19 : memref<128xi32, #tpu.memory_space<vmem>>)
    %dma_wait3A_347 = arith.constant 0 : i32
    %dma_wait3A_348 = tpu.memref_slice %arg2[%dma_wait3A_347] : memref<32768xf32, #tpu.memory_space<hbm>> -> memref<128xf32, #tpu.memory_space<hbm>>
    %dma_wait3A_349 = arith.constant 0 : i32
    %dma_wait3A_350 = tpu.memref_slice %arg2[%dma_wait3A_349] : memref<32768xf32, #tpu.memory_space<hbm>> -> memref<128xf32, #tpu.memory_space<hbm>>
    tpu.wait_dma2 semaphore(%arg33 : memref<!tpu.dma_semaphore, #tpu.memory_space<semaphore_mem>>) src(%dma_wait3A_350 : memref<128xf32, #tpu.memory_space<hbm>>) dst(%arg19 : memref<128xi32, #tpu.memory_space<vmem>>)
    %dma_wait3A_351 = arith.constant 0 : i32
    %dma_wait3A_352 = tpu.memref_slice %arg2[%dma_wait3A_351] : memref<32768xf32, #tpu.memory_space<hbm>> -> memref<128xf32, #tpu.memory_space<hbm>>
    %dma_wait3A_353 = arith.constant 0 : i32
    %dma_wait3A_354 = tpu.memref_slice %arg2[%dma_wait3A_353] : memref<32768xf32, #tpu.memory_space<hbm>> -> memref<128xf32, #tpu.memory_space<hbm>>
    tpu.wait_dma2 semaphore(%arg33 : memref<!tpu.dma_semaphore, #tpu.memory_space<semaphore_mem>>) src(%dma_wait3A_354 : memref<128xf32, #tpu.memory_space<hbm>>) dst(%arg19 : memref<128xi32, #tpu.memory_space<vmem>>)
    %dma_wait3A_355 = arith.constant 0 : i32
    %dma_wait3A_356 = tpu.memref_slice %arg2[%dma_wait3A_355] : memref<32768xf32, #tpu.memory_space<hbm>> -> memref<128xf32, #tpu.memory_space<hbm>>
    %dma_wait3A_357 = arith.constant 0 : i32
    %dma_wait3A_358 = tpu.memref_slice %arg2[%dma_wait3A_357] : memref<32768xf32, #tpu.memory_space<hbm>> -> memref<128xf32, #tpu.memory_space<hbm>>
    tpu.wait_dma2 semaphore(%arg33 : memref<!tpu.dma_semaphore, #tpu.memory_space<semaphore_mem>>) src(%dma_wait3A_358 : memref<128xf32, #tpu.memory_space<hbm>>) dst(%arg19 : memref<128xi32, #tpu.memory_space<vmem>>)
    %dma_wait3A_359 = arith.constant 0 : i32
    %dma_wait3A_360 = tpu.memref_slice %arg2[%dma_wait3A_359] : memref<32768xf32, #tpu.memory_space<hbm>> -> memref<128xf32, #tpu.memory_space<hbm>>
    %dma_wait3A_361 = arith.constant 0 : i32
    %dma_wait3A_362 = tpu.memref_slice %arg2[%dma_wait3A_361] : memref<32768xf32, #tpu.memory_space<hbm>> -> memref<128xf32, #tpu.memory_space<hbm>>
    tpu.wait_dma2 semaphore(%arg33 : memref<!tpu.dma_semaphore, #tpu.memory_space<semaphore_mem>>) src(%dma_wait3A_362 : memref<128xf32, #tpu.memory_space<hbm>>) dst(%arg19 : memref<128xi32, #tpu.memory_space<vmem>>)
    %dma_wait3A_363 = arith.constant 0 : i32
    %dma_wait3A_364 = tpu.memref_slice %arg2[%dma_wait3A_363] : memref<32768xf32, #tpu.memory_space<hbm>> -> memref<128xf32, #tpu.memory_space<hbm>>
    %dma_wait3A_365 = arith.constant 0 : i32
    %dma_wait3A_366 = tpu.memref_slice %arg2[%dma_wait3A_365] : memref<32768xf32, #tpu.memory_space<hbm>> -> memref<128xf32, #tpu.memory_space<hbm>>
    tpu.wait_dma2 semaphore(%arg33 : memref<!tpu.dma_semaphore, #tpu.memory_space<semaphore_mem>>) src(%dma_wait3A_366 : memref<128xf32, #tpu.memory_space<hbm>>) dst(%arg19 : memref<128xi32, #tpu.memory_space<vmem>>)
    %dma_wait3A_367 = arith.constant 0 : i32
    %dma_wait3A_368 = tpu.memref_slice %arg2[%dma_wait3A_367] : memref<32768xf32, #tpu.memory_space<hbm>> -> memref<128xf32, #tpu.memory_space<hbm>>
    %dma_wait3A_369 = arith.constant 0 : i32
    %dma_wait3A_370 = tpu.memref_slice %arg2[%dma_wait3A_369] : memref<32768xf32, #tpu.memory_space<hbm>> -> memref<128xf32, #tpu.memory_space<hbm>>
    tpu.wait_dma2 semaphore(%arg33 : memref<!tpu.dma_semaphore, #tpu.memory_space<semaphore_mem>>) src(%dma_wait3A_370 : memref<128xf32, #tpu.memory_space<hbm>>) dst(%arg19 : memref<128xi32, #tpu.memory_space<vmem>>)
    %dma_wait3A_371 = arith.constant 0 : i32
    %dma_wait3A_372 = tpu.memref_slice %arg2[%dma_wait3A_371] : memref<32768xf32, #tpu.memory_space<hbm>> -> memref<128xf32, #tpu.memory_space<hbm>>
    %dma_wait3A_373 = arith.constant 0 : i32
    %dma_wait3A_374 = tpu.memref_slice %arg2[%dma_wait3A_373] : memref<32768xf32, #tpu.memory_space<hbm>> -> memref<128xf32, #tpu.memory_space<hbm>>
    tpu.wait_dma2 semaphore(%arg33 : memref<!tpu.dma_semaphore, #tpu.memory_space<semaphore_mem>>) src(%dma_wait3A_374 : memref<128xf32, #tpu.memory_space<hbm>>) dst(%arg19 : memref<128xi32, #tpu.memory_space<vmem>>)
    %dma_wait3A_375 = arith.constant 0 : i32
    %dma_wait3A_376 = tpu.memref_slice %arg2[%dma_wait3A_375] : memref<32768xf32, #tpu.memory_space<hbm>> -> memref<128xf32, #tpu.memory_space<hbm>>
    %dma_wait3A_377 = arith.constant 0 : i32
    %dma_wait3A_378 = tpu.memref_slice %arg2[%dma_wait3A_377] : memref<32768xf32, #tpu.memory_space<hbm>> -> memref<128xf32, #tpu.memory_space<hbm>>
    tpu.wait_dma2 semaphore(%arg33 : memref<!tpu.dma_semaphore, #tpu.memory_space<semaphore_mem>>) src(%dma_wait3A_378 : memref<128xf32, #tpu.memory_space<hbm>>) dst(%arg19 : memref<128xi32, #tpu.memory_space<vmem>>)
    %dma_wait3A_379 = arith.constant 0 : i32
    %dma_wait3A_380 = tpu.memref_slice %arg2[%dma_wait3A_379] : memref<32768xf32, #tpu.memory_space<hbm>> -> memref<128xf32, #tpu.memory_space<hbm>>
    %dma_wait3A_381 = arith.constant 0 : i32
    %dma_wait3A_382 = tpu.memref_slice %arg2[%dma_wait3A_381] : memref<32768xf32, #tpu.memory_space<hbm>> -> memref<128xf32, #tpu.memory_space<hbm>>
    tpu.wait_dma2 semaphore(%arg33 : memref<!tpu.dma_semaphore, #tpu.memory_space<semaphore_mem>>) src(%dma_wait3A_382 : memref<128xf32, #tpu.memory_space<hbm>>) dst(%arg19 : memref<128xi32, #tpu.memory_space<vmem>>)
    %dma_wait3A_383 = arith.constant 0 : i32
    %dma_wait3A_384 = tpu.memref_slice %arg2[%dma_wait3A_383] : memref<32768xf32, #tpu.memory_space<hbm>> -> memref<128xf32, #tpu.memory_space<hbm>>
    %dma_wait3A_385 = arith.constant 0 : i32
    %dma_wait3A_386 = tpu.memref_slice %arg2[%dma_wait3A_385] : memref<32768xf32, #tpu.memory_space<hbm>> -> memref<128xf32, #tpu.memory_space<hbm>>
    tpu.wait_dma2 semaphore(%arg33 : memref<!tpu.dma_semaphore, #tpu.memory_space<semaphore_mem>>) src(%dma_wait3A_386 : memref<128xf32, #tpu.memory_space<hbm>>) dst(%arg19 : memref<128xi32, #tpu.memory_space<vmem>>)
    %dma_wait3A_387 = arith.constant 0 : i32
    %dma_wait3A_388 = tpu.memref_slice %arg2[%dma_wait3A_387] : memref<32768xf32, #tpu.memory_space<hbm>> -> memref<128xf32, #tpu.memory_space<hbm>>
    %dma_wait3A_389 = arith.constant 0 : i32
    %dma_wait3A_390 = tpu.memref_slice %arg2[%dma_wait3A_389] : memref<32768xf32, #tpu.memory_space<hbm>> -> memref<128xf32, #tpu.memory_space<hbm>>
    tpu.wait_dma2 semaphore(%arg33 : memref<!tpu.dma_semaphore, #tpu.memory_space<semaphore_mem>>) src(%dma_wait3A_390 : memref<128xf32, #tpu.memory_space<hbm>>) dst(%arg19 : memref<128xi32, #tpu.memory_space<vmem>>)
    %dma_wait3A_391 = arith.constant 0 : i32
    %dma_wait3A_392 = tpu.memref_slice %arg2[%dma_wait3A_391] : memref<32768xf32, #tpu.memory_space<hbm>> -> memref<128xf32, #tpu.memory_space<hbm>>
    %dma_wait3A_393 = arith.constant 0 : i32
    %dma_wait3A_394 = tpu.memref_slice %arg2[%dma_wait3A_393] : memref<32768xf32, #tpu.memory_space<hbm>> -> memref<128xf32, #tpu.memory_space<hbm>>
    tpu.wait_dma2 semaphore(%arg33 : memref<!tpu.dma_semaphore, #tpu.memory_space<semaphore_mem>>) src(%dma_wait3A_394 : memref<128xf32, #tpu.memory_space<hbm>>) dst(%arg19 : memref<128xi32, #tpu.memory_space<vmem>>)
    %dma_wait3A_395 = arith.constant 0 : i32
    %dma_wait3A_396 = tpu.memref_slice %arg2[%dma_wait3A_395] : memref<32768xf32, #tpu.memory_space<hbm>> -> memref<128xf32, #tpu.memory_space<hbm>>
    %dma_wait3A_397 = arith.constant 0 : i32
    %dma_wait3A_398 = tpu.memref_slice %arg2[%dma_wait3A_397] : memref<32768xf32, #tpu.memory_space<hbm>> -> memref<128xf32, #tpu.memory_space<hbm>>
    tpu.wait_dma2 semaphore(%arg33 : memref<!tpu.dma_semaphore, #tpu.memory_space<semaphore_mem>>) src(%dma_wait3A_398 : memref<128xf32, #tpu.memory_space<hbm>>) dst(%arg19 : memref<128xi32, #tpu.memory_space<vmem>>)
    %dma_wait3A_399 = arith.constant 0 : i32
    %dma_wait3A_400 = tpu.memref_slice %arg2[%dma_wait3A_399] : memref<32768xf32, #tpu.memory_space<hbm>> -> memref<128xf32, #tpu.memory_space<hbm>>
    %dma_wait3A_401 = arith.constant 0 : i32
    %dma_wait3A_402 = tpu.memref_slice %arg2[%dma_wait3A_401] : memref<32768xf32, #tpu.memory_space<hbm>> -> memref<128xf32, #tpu.memory_space<hbm>>
    tpu.wait_dma2 semaphore(%arg33 : memref<!tpu.dma_semaphore, #tpu.memory_space<semaphore_mem>>) src(%dma_wait3A_402 : memref<128xf32, #tpu.memory_space<hbm>>) dst(%arg19 : memref<128xi32, #tpu.memory_space<vmem>>)
    %dma_wait3A_403 = arith.constant 0 : i32
    %dma_wait3A_404 = tpu.memref_slice %arg2[%dma_wait3A_403] : memref<32768xf32, #tpu.memory_space<hbm>> -> memref<128xf32, #tpu.memory_space<hbm>>
    %dma_wait3A_405 = arith.constant 0 : i32
    %dma_wait3A_406 = tpu.memref_slice %arg2[%dma_wait3A_405] : memref<32768xf32, #tpu.memory_space<hbm>> -> memref<128xf32, #tpu.memory_space<hbm>>
    tpu.wait_dma2 semaphore(%arg33 : memref<!tpu.dma_semaphore, #tpu.memory_space<semaphore_mem>>) src(%dma_wait3A_406 : memref<128xf32, #tpu.memory_space<hbm>>) dst(%arg19 : memref<128xi32, #tpu.memory_space<vmem>>)
    %dma_wait3A_407 = arith.constant 0 : i32
    %dma_wait3A_408 = tpu.memref_slice %arg2[%dma_wait3A_407] : memref<32768xf32, #tpu.memory_space<hbm>> -> memref<128xf32, #tpu.memory_space<hbm>>
    %dma_wait3A_409 = arith.constant 0 : i32
    %dma_wait3A_410 = tpu.memref_slice %arg2[%dma_wait3A_409] : memref<32768xf32, #tpu.memory_space<hbm>> -> memref<128xf32, #tpu.memory_space<hbm>>
    tpu.wait_dma2 semaphore(%arg33 : memref<!tpu.dma_semaphore, #tpu.memory_space<semaphore_mem>>) src(%dma_wait3A_410 : memref<128xf32, #tpu.memory_space<hbm>>) dst(%arg19 : memref<128xi32, #tpu.memory_space<vmem>>)
    %dma_wait3A_411 = arith.constant 0 : i32
    %dma_wait3A_412 = tpu.memref_slice %arg2[%dma_wait3A_411] : memref<32768xf32, #tpu.memory_space<hbm>> -> memref<128xf32, #tpu.memory_space<hbm>>
    %dma_wait3A_413 = arith.constant 0 : i32
    %dma_wait3A_414 = tpu.memref_slice %arg2[%dma_wait3A_413] : memref<32768xf32, #tpu.memory_space<hbm>> -> memref<128xf32, #tpu.memory_space<hbm>>
    tpu.wait_dma2 semaphore(%arg33 : memref<!tpu.dma_semaphore, #tpu.memory_space<semaphore_mem>>) src(%dma_wait3A_414 : memref<128xf32, #tpu.memory_space<hbm>>) dst(%arg19 : memref<128xi32, #tpu.memory_space<vmem>>)
    %dma_wait3A_415 = arith.constant 0 : i32
    %dma_wait3A_416 = tpu.memref_slice %arg2[%dma_wait3A_415] : memref<32768xf32, #tpu.memory_space<hbm>> -> memref<128xf32, #tpu.memory_space<hbm>>
    %dma_wait3A_417 = arith.constant 0 : i32
    %dma_wait3A_418 = tpu.memref_slice %arg2[%dma_wait3A_417] : memref<32768xf32, #tpu.memory_space<hbm>> -> memref<128xf32, #tpu.memory_space<hbm>>
    tpu.wait_dma2 semaphore(%arg33 : memref<!tpu.dma_semaphore, #tpu.memory_space<semaphore_mem>>) src(%dma_wait3A_418 : memref<128xf32, #tpu.memory_space<hbm>>) dst(%arg19 : memref<128xi32, #tpu.memory_space<vmem>>)
    %dma_wait3A_419 = arith.constant 0 : i32
    %dma_wait3A_420 = tpu.memref_slice %arg2[%dma_wait3A_419] : memref<32768xf32, #tpu.memory_space<hbm>> -> memref<128xf32, #tpu.memory_space<hbm>>
    %dma_wait3A_421 = arith.constant 0 : i32
    %dma_wait3A_422 = tpu.memref_slice %arg2[%dma_wait3A_421] : memref<32768xf32, #tpu.memory_space<hbm>> -> memref<128xf32, #tpu.memory_space<hbm>>
    tpu.wait_dma2 semaphore(%arg33 : memref<!tpu.dma_semaphore, #tpu.memory_space<semaphore_mem>>) src(%dma_wait3A_422 : memref<128xf32, #tpu.memory_space<hbm>>) dst(%arg19 : memref<128xi32, #tpu.memory_space<vmem>>)
    %dma_wait3A_423 = arith.constant 0 : i32
    %dma_wait3A_424 = tpu.memref_slice %arg2[%dma_wait3A_423] : memref<32768xf32, #tpu.memory_space<hbm>> -> memref<128xf32, #tpu.memory_space<hbm>>
    %dma_wait3A_425 = arith.constant 0 : i32
    %dma_wait3A_426 = tpu.memref_slice %arg2[%dma_wait3A_425] : memref<32768xf32, #tpu.memory_space<hbm>> -> memref<128xf32, #tpu.memory_space<hbm>>
    tpu.wait_dma2 semaphore(%arg33 : memref<!tpu.dma_semaphore, #tpu.memory_space<semaphore_mem>>) src(%dma_wait3A_426 : memref<128xf32, #tpu.memory_space<hbm>>) dst(%arg19 : memref<128xi32, #tpu.memory_space<vmem>>)
    %dma_wait3A_427 = arith.constant 0 : i32
    %dma_wait3A_428 = tpu.memref_slice %arg2[%dma_wait3A_427] : memref<32768xf32, #tpu.memory_space<hbm>> -> memref<128xf32, #tpu.memory_space<hbm>>
    %dma_wait3A_429 = arith.constant 0 : i32
    %dma_wait3A_430 = tpu.memref_slice %arg2[%dma_wait3A_429] : memref<32768xf32, #tpu.memory_space<hbm>> -> memref<128xf32, #tpu.memory_space<hbm>>
    tpu.wait_dma2 semaphore(%arg33 : memref<!tpu.dma_semaphore, #tpu.memory_space<semaphore_mem>>) src(%dma_wait3A_430 : memref<128xf32, #tpu.memory_space<hbm>>) dst(%arg19 : memref<128xi32, #tpu.memory_space<vmem>>)
    %dma_wait3A_431 = arith.constant 0 : i32
    %dma_wait3A_432 = tpu.memref_slice %arg2[%dma_wait3A_431] : memref<32768xf32, #tpu.memory_space<hbm>> -> memref<128xf32, #tpu.memory_space<hbm>>
    %dma_wait3A_433 = arith.constant 0 : i32
    %dma_wait3A_434 = tpu.memref_slice %arg2[%dma_wait3A_433] : memref<32768xf32, #tpu.memory_space<hbm>> -> memref<128xf32, #tpu.memory_space<hbm>>
    tpu.wait_dma2 semaphore(%arg33 : memref<!tpu.dma_semaphore, #tpu.memory_space<semaphore_mem>>) src(%dma_wait3A_434 : memref<128xf32, #tpu.memory_space<hbm>>) dst(%arg19 : memref<128xi32, #tpu.memory_space<vmem>>)
    %dma_wait3A_435 = arith.constant 0 : i32
    %dma_wait3A_436 = tpu.memref_slice %arg2[%dma_wait3A_435] : memref<32768xf32, #tpu.memory_space<hbm>> -> memref<128xf32, #tpu.memory_space<hbm>>
    %dma_wait3A_437 = arith.constant 0 : i32
    %dma_wait3A_438 = tpu.memref_slice %arg2[%dma_wait3A_437] : memref<32768xf32, #tpu.memory_space<hbm>> -> memref<128xf32, #tpu.memory_space<hbm>>
    tpu.wait_dma2 semaphore(%arg33 : memref<!tpu.dma_semaphore, #tpu.memory_space<semaphore_mem>>) src(%dma_wait3A_438 : memref<128xf32, #tpu.memory_space<hbm>>) dst(%arg19 : memref<128xi32, #tpu.memory_space<vmem>>)
    %barrier3A_439 = arith.constant 0 : index
    tpu.barrier barrier_id(%barrier3A_439)
    %dma_start3A_440 = tpu.memref_slice %arg23[%mul3A_0] : memref<32768xi32, #tpu.memory_space<vmem_shared>> -> memref<2048xi32, #tpu.memory_space<vmem_shared>>
    %dma_start3A_441 = tpu.memref_slice %arg23[%mul3A_0] : memref<32768xi32, #tpu.memory_space<vmem_shared>> -> memref<2048xi32, #tpu.memory_space<vmem_shared>>
    tpu.enqueue_dma source(%dma_start3A_441 : memref<2048xi32, #tpu.memory_space<vmem_shared>>) target(%arg6 : memref<2048xi32, #tpu.memory_space<vmem>>) target_semaphore(%arg34 : memref<!tpu.dma_semaphore, #tpu.memory_space<semaphore_mem>>)
    "tpu.region"() ({
      %run_scoped3A = tpu.sem_alloc : memref<!tpu.dma_semaphore, #tpu.memory_space<semaphore_mem>>
      tpu.enqueue_dma source(%arg31 : memref<4096xi32, #tpu.memory_space<vmem_shared>>) target(%arg10 : memref<4096xi32, #tpu.memory_space<vmem>>) target_semaphore(%run_scoped3A : memref<!tpu.dma_semaphore, #tpu.memory_space<semaphore_mem>>)
      tpu.wait_dma2 semaphore(%run_scoped3A : memref<!tpu.dma_semaphore, #tpu.memory_space<semaphore_mem>>) src(%arg31 : memref<4096xi32, #tpu.memory_space<vmem_shared>>) dst(%arg10 : memref<4096xi32, #tpu.memory_space<vmem>>)
      tpu.yield
    }) : () -> ()
    %scan3A_442 = arith.constant 0 : i32
    %scan3A_443 = arith.constant 16 : i32
    %scan3A_444 = arith.addi %scan3A_442, %scan3A_443 : i32
    %scan3A_445 = arith.constant 1 : i32
    scf.for %scan3A_1028 = %scan3A_442 to %scan3A_444 step %scan3A_445  : i32 {
      %mul3A_1029 = arith.constant 1 : i32
      %mul3A_1030 = arith.muli %scan3A_1028, %mul3A_1029 : i32
      %add3A_1031 = arith.constant 0 : i32
      %add3A_1032 = arith.addi %add3A_1031, %mul3A_1030 : i32
      %mul3A_1033 = arith.constant 16 : i32
      %mul3A_1034 = arith.muli %add3A_1032, %mul3A_1033 : i32
      %add3A_1035 = arith.constant 0 : i32
      %add3A_1036 = arith.addi %add3A_1035, %mul3A_1034 : i32
      %get3A = arith.index_cast %add3A_1036 : i32 to index
      %get3A_1037 = tpu.vector_load %arg10[%get3A] {strides = array<i32>} : memref<4096xi32, #tpu.memory_space<vmem>>, vector<16xi32>,
      %gt3A = arith.constant 0 : i32
      %gt3A_1038 = arith.cmpi sgt, %arg1, %gt3A : i32
      %jit3A = arith.constant 0 : i32
      %broadcast_in_dim3A_1039 = vector.broadcast %jit3A : i32 to vector<16xi32>
      %select_n3A = arith.select %gt3A_1038, %get3A_1037, %broadcast_in_dim3A_1039 : vector<16xi32>
      %add3A_1040 = arith.addi %broadcast_in_dim3A_3, %select_n3A : vector<16xi32>
      %add3A_1041 = arith.addi %broadcast_in_dim3A_3, %get3A_1037 : vector<16xi32>
      %mul3A_1042 = arith.constant 16 : i32
      %mul3A_1043 = arith.muli %add3A_1032, %mul3A_1042 : i32
      %add3A_1044 = arith.constant 256 : i32
      %add3A_1045 = arith.addi %add3A_1044, %mul3A_1043 : i32
      %get3A_1046 = arith.index_cast %add3A_1045 : i32 to index
      %get3A_1047 = tpu.vector_load %arg10[%get3A_1046] {strides = array<i32>} : memref<4096xi32, #tpu.memory_space<vmem>>, vector<16xi32>,
      %gt3A_1048 = arith.constant 1 : i32
      %gt3A_1049 = arith.cmpi sgt, %arg1, %gt3A_1048 : i32
      %jit3A_1050 = arith.constant 0 : i32
      %broadcast_in_dim3A_1051 = vector.broadcast %jit3A_1050 : i32 to vector<16xi32>
      %select_n3A_1052 = arith.select %gt3A_1049, %get3A_1047, %broadcast_in_dim3A_1051 : vector<16xi32>
      %add3A_1053 = arith.addi %add3A_1040, %select_n3A_1052 : vector<16xi32>
      %add3A_1054 = arith.addi %add3A_1041, %get3A_1047 : vector<16xi32>
      %mul3A_1055 = arith.constant 16 : i32
      %mul3A_1056 = arith.muli %add3A_1032, %mul3A_1055 : i32
      %add3A_1057 = arith.constant 512 : i32
      %add3A_1058 = arith.addi %add3A_1057, %mul3A_1056 : i32
      %get3A_1059 = arith.index_cast %add3A_1058 : i32 to index
      %get3A_1060 = tpu.vector_load %arg10[%get3A_1059] {strides = array<i32>} : memref<4096xi32, #tpu.memory_space<vmem>>, vector<16xi32>,
      %gt3A_1061 = arith.constant 2 : i32
      %gt3A_1062 = arith.cmpi sgt, %arg1, %gt3A_1061 : i32
      %jit3A_1063 = arith.constant 0 : i32
      %broadcast_in_dim3A_1064 = vector.broadcast %jit3A_1063 : i32 to vector<16xi32>
      %select_n3A_1065 = arith.select %gt3A_1062, %get3A_1060, %broadcast_in_dim3A_1064 : vector<16xi32>
      %add3A_1066 = arith.addi %add3A_1053, %select_n3A_1065 : vector<16xi32>
      %add3A_1067 = arith.addi %add3A_1054, %get3A_1060 : vector<16xi32>
      %mul3A_1068 = arith.constant 16 : i32
      %mul3A_1069 = arith.muli %add3A_1032, %mul3A_1068 : i32
      %add3A_1070 = arith.constant 768 : i32
      %add3A_1071 = arith.addi %add3A_1070, %mul3A_1069 : i32
      %get3A_1072 = arith.index_cast %add3A_1071 : i32 to index
      %get3A_1073 = tpu.vector_load %arg10[%get3A_1072] {strides = array<i32>} : memref<4096xi32, #tpu.memory_space<vmem>>, vector<16xi32>,
      %gt3A_1074 = arith.constant 3 : i32
      %gt3A_1075 = arith.cmpi sgt, %arg1, %gt3A_1074 : i32
      %jit3A_1076 = arith.constant 0 : i32
      %broadcast_in_dim3A_1077 = vector.broadcast %jit3A_1076 : i32 to vector<16xi32>
      %select_n3A_1078 = arith.select %gt3A_1075, %get3A_1073, %broadcast_in_dim3A_1077 : vector<16xi32>
      %add3A_1079 = arith.addi %add3A_1066, %select_n3A_1078 : vector<16xi32>
      %add3A_1080 = arith.addi %add3A_1067, %get3A_1073 : vector<16xi32>
      %mul3A_1081 = arith.constant 16 : i32
      %mul3A_1082 = arith.muli %add3A_1032, %mul3A_1081 : i32
      %add3A_1083 = arith.constant 1024 : i32
      %add3A_1084 = arith.addi %add3A_1083, %mul3A_1082 : i32
      %get3A_1085 = arith.index_cast %add3A_1084 : i32 to index
      %get3A_1086 = tpu.vector_load %arg10[%get3A_1085] {strides = array<i32>} : memref<4096xi32, #tpu.memory_space<vmem>>, vector<16xi32>,
      %gt3A_1087 = arith.constant 4 : i32
      %gt3A_1088 = arith.cmpi sgt, %arg1, %gt3A_1087 : i32
      %jit3A_1089 = arith.constant 0 : i32
      %broadcast_in_dim3A_1090 = vector.broadcast %jit3A_1089 : i32 to vector<16xi32>
      %select_n3A_1091 = arith.select %gt3A_1088, %get3A_1086, %broadcast_in_dim3A_1090 : vector<16xi32>
      %add3A_1092 = arith.addi %add3A_1079, %select_n3A_1091 : vector<16xi32>
      %add3A_1093 = arith.addi %add3A_1080, %get3A_1086 : vector<16xi32>
      %mul3A_1094 = arith.constant 16 : i32
      %mul3A_1095 = arith.muli %add3A_1032, %mul3A_1094 : i32
      %add3A_1096 = arith.constant 1280 : i32
      %add3A_1097 = arith.addi %add3A_1096, %mul3A_1095 : i32
      %get3A_1098 = arith.index_cast %add3A_1097 : i32 to index
      %get3A_1099 = tpu.vector_load %arg10[%get3A_1098] {strides = array<i32>} : memref<4096xi32, #tpu.memory_space<vmem>>, vector<16xi32>,
      %gt3A_1100 = arith.constant 5 : i32
      %gt3A_1101 = arith.cmpi sgt, %arg1, %gt3A_1100 : i32
      %jit3A_1102 = arith.constant 0 : i32
      %broadcast_in_dim3A_1103 = vector.broadcast %jit3A_1102 : i32 to vector<16xi32>
      %select_n3A_1104 = arith.select %gt3A_1101, %get3A_1099, %broadcast_in_dim3A_1103 : vector<16xi32>
      %add3A_1105 = arith.addi %add3A_1092, %select_n3A_1104 : vector<16xi32>
      %add3A_1106 = arith.addi %add3A_1093, %get3A_1099 : vector<16xi32>
      %mul3A_1107 = arith.constant 16 : i32
      %mul3A_1108 = arith.muli %add3A_1032, %mul3A_1107 : i32
      %add3A_1109 = arith.constant 1536 : i32
      %add3A_1110 = arith.addi %add3A_1109, %mul3A_1108 : i32
      %get3A_1111 = arith.index_cast %add3A_1110 : i32 to index
      %get3A_1112 = tpu.vector_load %arg10[%get3A_1111] {strides = array<i32>} : memref<4096xi32, #tpu.memory_space<vmem>>, vector<16xi32>,
      %gt3A_1113 = arith.constant 6 : i32
      %gt3A_1114 = arith.cmpi sgt, %arg1, %gt3A_1113 : i32
      %jit3A_1115 = arith.constant 0 : i32
      %broadcast_in_dim3A_1116 = vector.broadcast %jit3A_1115 : i32 to vector<16xi32>
      %select_n3A_1117 = arith.select %gt3A_1114, %get3A_1112, %broadcast_in_dim3A_1116 : vector<16xi32>
      %add3A_1118 = arith.addi %add3A_1105, %select_n3A_1117 : vector<16xi32>
      %add3A_1119 = arith.addi %add3A_1106, %get3A_1112 : vector<16xi32>
      %mul3A_1120 = arith.constant 16 : i32
      %mul3A_1121 = arith.muli %add3A_1032, %mul3A_1120 : i32
      %add3A_1122 = arith.constant 1792 : i32
      %add3A_1123 = arith.addi %add3A_1122, %mul3A_1121 : i32
      %get3A_1124 = arith.index_cast %add3A_1123 : i32 to index
      %get3A_1125 = tpu.vector_load %arg10[%get3A_1124] {strides = array<i32>} : memref<4096xi32, #tpu.memory_space<vmem>>, vector<16xi32>,
      %gt3A_1126 = arith.constant 7 : i32
      %gt3A_1127 = arith.cmpi sgt, %arg1, %gt3A_1126 : i32
      %jit3A_1128 = arith.constant 0 : i32
      %broadcast_in_dim3A_1129 = vector.broadcast %jit3A_1128 : i32 to vector<16xi32>
      %select_n3A_1130 = arith.select %gt3A_1127, %get3A_1125, %broadcast_in_dim3A_1129 : vector<16xi32>
      %add3A_1131 = arith.addi %add3A_1118, %select_n3A_1130 : vector<16xi32>
      %add3A_1132 = arith.addi %add3A_1119, %get3A_1125 : vector<16xi32>
      %mul3A_1133 = arith.constant 16 : i32
      %mul3A_1134 = arith.muli %add3A_1032, %mul3A_1133 : i32
      %add3A_1135 = arith.constant 2048 : i32
      %add3A_1136 = arith.addi %add3A_1135, %mul3A_1134 : i32
      %get3A_1137 = arith.index_cast %add3A_1136 : i32 to index
      %get3A_1138 = tpu.vector_load %arg10[%get3A_1137] {strides = array<i32>} : memref<4096xi32, #tpu.memory_space<vmem>>, vector<16xi32>,
      %gt3A_1139 = arith.constant 8 : i32
      %gt3A_1140 = arith.cmpi sgt, %arg1, %gt3A_1139 : i32
      %jit3A_1141 = arith.constant 0 : i32
      %broadcast_in_dim3A_1142 = vector.broadcast %jit3A_1141 : i32 to vector<16xi32>
      %select_n3A_1143 = arith.select %gt3A_1140, %get3A_1138, %broadcast_in_dim3A_1142 : vector<16xi32>
      %add3A_1144 = arith.addi %add3A_1131, %select_n3A_1143 : vector<16xi32>
      %add3A_1145 = arith.addi %add3A_1132, %get3A_1138 : vector<16xi32>
      %mul3A_1146 = arith.constant 16 : i32
      %mul3A_1147 = arith.muli %add3A_1032, %mul3A_1146 : i32
      %add3A_1148 = arith.constant 2304 : i32
      %add3A_1149 = arith.addi %add3A_1148, %mul3A_1147 : i32
      %get3A_1150 = arith.index_cast %add3A_1149 : i32 to index
      %get3A_1151 = tpu.vector_load %arg10[%get3A_1150] {strides = array<i32>} : memref<4096xi32, #tpu.memory_space<vmem>>, vector<16xi32>,
      %gt3A_1152 = arith.constant 9 : i32
      %gt3A_1153 = arith.cmpi sgt, %arg1, %gt3A_1152 : i32
      %jit3A_1154 = arith.constant 0 : i32
      %broadcast_in_dim3A_1155 = vector.broadcast %jit3A_1154 : i32 to vector<16xi32>
      %select_n3A_1156 = arith.select %gt3A_1153, %get3A_1151, %broadcast_in_dim3A_1155 : vector<16xi32>
      %add3A_1157 = arith.addi %add3A_1144, %select_n3A_1156 : vector<16xi32>
      %add3A_1158 = arith.addi %add3A_1145, %get3A_1151 : vector<16xi32>
      %mul3A_1159 = arith.constant 16 : i32
      %mul3A_1160 = arith.muli %add3A_1032, %mul3A_1159 : i32
      %add3A_1161 = arith.constant 2560 : i32
      %add3A_1162 = arith.addi %add3A_1161, %mul3A_1160 : i32
      %get3A_1163 = arith.index_cast %add3A_1162 : i32 to index
      %get3A_1164 = tpu.vector_load %arg10[%get3A_1163] {strides = array<i32>} : memref<4096xi32, #tpu.memory_space<vmem>>, vector<16xi32>,
      %gt3A_1165 = arith.constant 10 : i32
      %gt3A_1166 = arith.cmpi sgt, %arg1, %gt3A_1165 : i32
      %jit3A_1167 = arith.constant 0 : i32
      %broadcast_in_dim3A_1168 = vector.broadcast %jit3A_1167 : i32 to vector<16xi32>
      %select_n3A_1169 = arith.select %gt3A_1166, %get3A_1164, %broadcast_in_dim3A_1168 : vector<16xi32>
      %add3A_1170 = arith.addi %add3A_1157, %select_n3A_1169 : vector<16xi32>
      %add3A_1171 = arith.addi %add3A_1158, %get3A_1164 : vector<16xi32>
      %mul3A_1172 = arith.constant 16 : i32
      %mul3A_1173 = arith.muli %add3A_1032, %mul3A_1172 : i32
      %add3A_1174 = arith.constant 2816 : i32
      %add3A_1175 = arith.addi %add3A_1174, %mul3A_1173 : i32
      %get3A_1176 = arith.index_cast %add3A_1175 : i32 to index
      %get3A_1177 = tpu.vector_load %arg10[%get3A_1176] {strides = array<i32>} : memref<4096xi32, #tpu.memory_space<vmem>>, vector<16xi32>,
      %gt3A_1178 = arith.constant 11 : i32
      %gt3A_1179 = arith.cmpi sgt, %arg1, %gt3A_1178 : i32
      %jit3A_1180 = arith.constant 0 : i32
      %broadcast_in_dim3A_1181 = vector.broadcast %jit3A_1180 : i32 to vector<16xi32>
      %select_n3A_1182 = arith.select %gt3A_1179, %get3A_1177, %broadcast_in_dim3A_1181 : vector<16xi32>
      %add3A_1183 = arith.addi %add3A_1170, %select_n3A_1182 : vector<16xi32>
      %add3A_1184 = arith.addi %add3A_1171, %get3A_1177 : vector<16xi32>
      %mul3A_1185 = arith.constant 16 : i32
      %mul3A_1186 = arith.muli %add3A_1032, %mul3A_1185 : i32
      %add3A_1187 = arith.constant 3072 : i32
      %add3A_1188 = arith.addi %add3A_1187, %mul3A_1186 : i32
      %get3A_1189 = arith.index_cast %add3A_1188 : i32 to index
      %get3A_1190 = tpu.vector_load %arg10[%get3A_1189] {strides = array<i32>} : memref<4096xi32, #tpu.memory_space<vmem>>, vector<16xi32>,
      %gt3A_1191 = arith.constant 12 : i32
      %gt3A_1192 = arith.cmpi sgt, %arg1, %gt3A_1191 : i32
      %jit3A_1193 = arith.constant 0 : i32
      %broadcast_in_dim3A_1194 = vector.broadcast %jit3A_1193 : i32 to vector<16xi32>
      %select_n3A_1195 = arith.select %gt3A_1192, %get3A_1190, %broadcast_in_dim3A_1194 : vector<16xi32>
      %add3A_1196 = arith.addi %add3A_1183, %select_n3A_1195 : vector<16xi32>
      %add3A_1197 = arith.addi %add3A_1184, %get3A_1190 : vector<16xi32>
      %mul3A_1198 = arith.constant 16 : i32
      %mul3A_1199 = arith.muli %add3A_1032, %mul3A_1198 : i32
      %add3A_1200 = arith.constant 3328 : i32
      %add3A_1201 = arith.addi %add3A_1200, %mul3A_1199 : i32
      %get3A_1202 = arith.index_cast %add3A_1201 : i32 to index
      %get3A_1203 = tpu.vector_load %arg10[%get3A_1202] {strides = array<i32>} : memref<4096xi32, #tpu.memory_space<vmem>>, vector<16xi32>,
      %gt3A_1204 = arith.constant 13 : i32
      %gt3A_1205 = arith.cmpi sgt, %arg1, %gt3A_1204 : i32
      %jit3A_1206 = arith.constant 0 : i32
      %broadcast_in_dim3A_1207 = vector.broadcast %jit3A_1206 : i32 to vector<16xi32>
      %select_n3A_1208 = arith.select %gt3A_1205, %get3A_1203, %broadcast_in_dim3A_1207 : vector<16xi32>
      %add3A_1209 = arith.addi %add3A_1196, %select_n3A_1208 : vector<16xi32>
      %add3A_1210 = arith.addi %add3A_1197, %get3A_1203 : vector<16xi32>
      %mul3A_1211 = arith.constant 16 : i32
      %mul3A_1212 = arith.muli %add3A_1032, %mul3A_1211 : i32
      %add3A_1213 = arith.constant 3584 : i32
      %add3A_1214 = arith.addi %add3A_1213, %mul3A_1212 : i32
      %get3A_1215 = arith.index_cast %add3A_1214 : i32 to index
      %get3A_1216 = tpu.vector_load %arg10[%get3A_1215] {strides = array<i32>} : memref<4096xi32, #tpu.memory_space<vmem>>, vector<16xi32>,
      %gt3A_1217 = arith.constant 14 : i32
      %gt3A_1218 = arith.cmpi sgt, %arg1, %gt3A_1217 : i32
      %jit3A_1219 = arith.constant 0 : i32
      %broadcast_in_dim3A_1220 = vector.broadcast %jit3A_1219 : i32 to vector<16xi32>
      %select_n3A_1221 = arith.select %gt3A_1218, %get3A_1216, %broadcast_in_dim3A_1220 : vector<16xi32>
      %add3A_1222 = arith.addi %add3A_1209, %select_n3A_1221 : vector<16xi32>
      %add3A_1223 = arith.addi %add3A_1210, %get3A_1216 : vector<16xi32>
      %mul3A_1224 = arith.constant 16 : i32
      %mul3A_1225 = arith.muli %add3A_1032, %mul3A_1224 : i32
      %add3A_1226 = arith.constant 3840 : i32
      %add3A_1227 = arith.addi %add3A_1226, %mul3A_1225 : i32
      %get3A_1228 = arith.index_cast %add3A_1227 : i32 to index
      %get3A_1229 = tpu.vector_load %arg10[%get3A_1228] {strides = array<i32>} : memref<4096xi32, #tpu.memory_space<vmem>>, vector<16xi32>,
      %gt3A_1230 = arith.constant 15 : i32
      %gt3A_1231 = arith.cmpi sgt, %arg1, %gt3A_1230 : i32
      %jit3A_1232 = arith.constant 0 : i32
      %broadcast_in_dim3A_1233 = vector.broadcast %jit3A_1232 : i32 to vector<16xi32>
      %select_n3A_1234 = arith.select %gt3A_1231, %get3A_1229, %broadcast_in_dim3A_1233 : vector<16xi32>
      %add3A_1235 = arith.addi %add3A_1222, %select_n3A_1234 : vector<16xi32>
      %add3A_1236 = arith.addi %add3A_1223, %get3A_1229 : vector<16xi32>
      %mul3A_1237 = arith.constant 16 : i32
      %mul3A_1238 = arith.muli %add3A_1032, %mul3A_1237 : i32
      %swap3A_1239 = arith.index_cast %mul3A_1238 : i32 to index
      %swap3A_1240 = tpu.vector_load %arg11[%swap3A_1239] {strides = array<i32>} : memref<256xi32, #tpu.memory_space<vmem>>, vector<16xi32>,
      tpu.vector_store %arg11[%swap3A_1239], %add3A_1236 {strides = array<i32>} : memref<256xi32, #tpu.memory_space<vmem>>, vector<16xi32>,
      %mul3A_1241 = arith.constant 16 : i32
      %mul3A_1242 = arith.muli %add3A_1032, %mul3A_1241 : i32
      %swap3A_1243 = arith.index_cast %mul3A_1242 : i32 to index
      %swap3A_1244 = tpu.vector_load %arg12[%swap3A_1243] {strides = array<i32>} : memref<256xi32, #tpu.memory_space<vmem>>, vector<16xi32>,
      tpu.vector_store %arg12[%swap3A_1243], %add3A_1235 {strides = array<i32>} : memref<256xi32, #tpu.memory_space<vmem>>, vector<16xi32>,
    }
    %scan3A_446 = arith.constant 16 : i32
    %scan3A_447 = arith.constant 0 : i32
    %scan3A_448 = arith.constant 16 : i32
    %scan3A_449 = arith.addi %scan3A_447, %scan3A_448 : i32
    %scan3A_450 = arith.constant 1 : i32
    scf.for %scan3A_1028 = %scan3A_447 to %scan3A_449 step %scan3A_450  : i32 {
      %mul3A_1029 = arith.constant 1 : i32
      %mul3A_1030 = arith.muli %scan3A_1028, %mul3A_1029 : i32
      %add3A_1031 = arith.constant 0 : i32
      %add3A_1032 = arith.addi %add3A_1031, %mul3A_1030 : i32
      %mul3A_1033 = arith.constant 16 : i32
      %mul3A_1034 = arith.muli %add3A_1032, %mul3A_1033 : i32
      %get3A = arith.index_cast %mul3A_1034 : i32 to index
      %get3A_1035 = tpu.vector_load %arg11[%get3A] {strides = array<i32>} : memref<256xi32, #tpu.memory_space<vmem>>, vector<16xi32>,
      %broadcast_in_dim3A_1036 = arith.constant true
      %broadcast_in_dim3A_1037 = vector.broadcast %broadcast_in_dim3A_1036 : i1 to vector<16xi1>
      %masked_cumsum3A_1038 = tpu.scan <sum>, %get3A_1035 masked %broadcast_in_dim3A_1037 : vector<16xi32>, vector<16xi1> -> vector<16xi32>
      %mul3A_1039 = arith.constant 16 : i32
      %mul3A_1040 = arith.muli %add3A_1032, %mul3A_1039 : i32
      %swap3A_1041 = arith.index_cast %mul3A_1040 : i32 to index
      %swap3A_1042 = tpu.vector_load %arg13[%swap3A_1041] {strides = array<i32>} : memref<256xi32, #tpu.memory_space<vmem>>, vector<16xi32>,
      tpu.vector_store %arg13[%swap3A_1041], %masked_cumsum3A_1038 {strides = array<i32>} : memref<256xi32, #tpu.memory_space<vmem>>, vector<16xi32>,
    }
    %scan3A_451 = arith.constant 16 : i32
    %mul3A_452 = arith.constant 16 : i32
    %mul3A_453 = vector.broadcast %mul3A_452 : i32 to vector<16xi32>
    %mul3A_454 = arith.muli %iota3A, %mul3A_453 : vector<16xi32>
    %add3A_455 = arith.constant 15 : i32
    %add3A_456 = vector.broadcast %add3A_455 : i32 to vector<16xi32>
    %add3A_457 = arith.addi %mul3A_454, %add3A_456 : vector<16xi32>
    %gather3A_458 = tpu.vector_load_idx %arg13[%add3A_457] : memref<256xi32, #tpu.memory_space<vmem>>[vector<16xi32>], vector<16xi32>,
    %broadcast_in_dim3A_459 = arith.constant true
    %broadcast_in_dim3A_460 = vector.broadcast %broadcast_in_dim3A_459 : i1 to vector<16xi1>
    %masked_cumsum3A_461 = tpu.scan <sum>, %gather3A_458 masked %broadcast_in_dim3A_460 : vector<16xi32>, vector<16xi1> -> vector<16xi32>
    %sub3A_462 = arith.subi %masked_cumsum3A_461, %gather3A_458 : vector<16xi32>
    %swap3A_463 = arith.constant 0 : index
    %swap3A_464 = tpu.vector_load %arg14[%swap3A_463] {strides = array<i32>} : memref<16xi32, #tpu.memory_space<vmem>>, vector<16xi32>,
    tpu.vector_store %arg14[%swap3A_463], %sub3A_462 {strides = array<i32>} : memref<16xi32, #tpu.memory_space<vmem>>, vector<16xi32>,
    %scan3A_465 = arith.constant 0 : i32
    %scan3A_466 = arith.constant 16 : i32
    %scan3A_467 = arith.addi %scan3A_465, %scan3A_466 : i32
    %scan3A_468 = arith.constant 1 : i32
    scf.for %scan3A_1028 = %scan3A_465 to %scan3A_467 step %scan3A_468  : i32 {
      %mul3A_1029 = arith.constant 1 : i32
      %mul3A_1030 = arith.muli %scan3A_1028, %mul3A_1029 : i32
      %add3A_1031 = arith.constant 0 : i32
      %add3A_1032 = arith.addi %add3A_1031, %mul3A_1030 : i32
      %mul3A_1033 = arith.constant 16 : i32
      %mul3A_1034 = arith.muli %add3A_1032, %mul3A_1033 : i32
      %broadcast_in_dim3A_1035 = vector.broadcast %add3A_1032 : i32 to vector<16xi32>
      %get3A = arith.index_cast %mul3A_1034 : i32 to index
      %get3A_1036 = tpu.vector_load %arg13[%get3A] {strides = array<i32>} : memref<256xi32, #tpu.memory_space<vmem>>, vector<16xi32>,
      %get3A_1037 = arith.index_cast %mul3A_1034 : i32 to index
      %get3A_1038 = tpu.vector_load %arg11[%get3A_1037] {strides = array<i32>} : memref<256xi32, #tpu.memory_space<vmem>>, vector<16xi32>,
      %sub3A_1039 = arith.subi %get3A_1036, %get3A_1038 : vector<16xi32>
      %get3A_1040 = arith.index_cast %mul3A_1034 : i32 to index
      %get3A_1041 = tpu.vector_load %arg12[%get3A_1040] {strides = array<i32>} : memref<256xi32, #tpu.memory_space<vmem>>, vector<16xi32>,
      %add3A_1042 = arith.addi %sub3A_1039, %get3A_1041 : vector<16xi32>
      %gather3A_1043 = tpu.vector_load_idx %arg14[%broadcast_in_dim3A_1035] : memref<16xi32, #tpu.memory_space<vmem>>[vector<16xi32>], vector<16xi32>,
      %add3A_1044 = arith.addi %add3A_1042, %gather3A_1043 : vector<16xi32>
      %swap3A_1045 = arith.index_cast %mul3A_1034 : i32 to index
      %swap3A_1046 = tpu.vector_load %arg9[%swap3A_1045] {strides = array<i32>} : memref<256xi32, #tpu.memory_space<vmem>>, vector<16xi32>,
      tpu.vector_store %arg9[%swap3A_1045], %add3A_1044 {strides = array<i32>} : memref<256xi32, #tpu.memory_space<vmem>>, vector<16xi32>,
    }
    %scan3A_469 = arith.constant 16 : i32
    %dma_wait3A_470 = tpu.memref_slice %arg23[%mul3A_0] : memref<32768xi32, #tpu.memory_space<vmem_shared>> -> memref<2048xi32, #tpu.memory_space<vmem_shared>>
    %dma_wait3A_471 = tpu.memref_slice %arg23[%mul3A_0] : memref<32768xi32, #tpu.memory_space<vmem_shared>> -> memref<2048xi32, #tpu.memory_space<vmem_shared>>
    tpu.wait_dma2 semaphore(%arg34 : memref<!tpu.dma_semaphore, #tpu.memory_space<semaphore_mem>>) src(%dma_wait3A_471 : memref<2048xi32, #tpu.memory_space<vmem_shared>>) dst(%arg6 : memref<2048xi32, #tpu.memory_space<vmem>>)
    %scan3A_472 = arith.constant 0 : i32
    %scan3A_473 = arith.constant 16 : i32
    %scan3A_474 = arith.addi %scan3A_472, %scan3A_473 : i32
    %scan3A_475 = arith.constant 1 : i32
    scf.for %scan3A_1028 = %scan3A_472 to %scan3A_474 step %scan3A_475  : i32 {
      %mul3A_1029 = arith.constant 1 : i32
      %mul3A_1030 = arith.muli %scan3A_1028, %mul3A_1029 : i32
      %add3A_1031 = arith.constant 0 : i32
      %add3A_1032 = arith.addi %add3A_1031, %mul3A_1030 : i32
      %mul3A_1033 = arith.constant 8 : i32
      %mul3A_1034 = arith.muli %add3A_1032, %mul3A_1033 : i32
      %add3A_1035 = arith.constant 0 : i32
      %add3A_1036 = arith.addi %mul3A_1034, %add3A_1035 : i32
      %mul3A_1037 = arith.constant 16 : i32
      %mul3A_1038 = arith.muli %add3A_1036, %mul3A_1037 : i32
      %get3A = arith.index_cast %mul3A_1038 : i32 to index
      %get3A_1039 = tpu.vector_load %arg6[%get3A] {strides = array<i32>} : memref<2048xi32, #tpu.memory_space<vmem>>, vector<16xi32>,
      %shift_right_logical3A = arith.constant 16 : i32
      %shift_right_logical3A_1040 = vector.broadcast %shift_right_logical3A : i32 to vector<16xi32>
      %shift_right_logical3A_1041 = arith.shrui %get3A_1039, %shift_right_logical3A_1040 : vector<16xi32>
      %and3A = arith.constant 255 : i32
      %and3A_1042 = vector.broadcast %and3A : i32 to vector<16xi32>
      %and3A_1043 = arith.andi %shift_right_logical3A_1041, %and3A_1042 : vector<16xi32>
      %broadcast_in_dim3A_1044 = arith.constant true
      %broadcast_in_dim3A_1045 = vector.broadcast %broadcast_in_dim3A_1044 : i1 to vector<16xi1>
      %unique3A, %unique3A_1046 = tpu.scan_count mask(%broadcast_in_dim3A_1045 : vector<16xi1>) value(%and3A_1043 : vector<16xi32>) : vector<16xi1>, vector<16xi32>
      %gather3A_1047 = tpu.vector_load_idx %arg9[%and3A_1043] : memref<256xi32, #tpu.memory_space<vmem>>[vector<16xi32>], vector<16xi32>,
      %add3A_1048 = arith.addi %gather3A_1047, %unique3A_1046 : vector<16xi32>
      %sub3A_1049 = arith.subi %add3A_1048, %broadcast_in_dim3A_1 : vector<16xi32>
      tpu.vector_store_idx %arg9[%and3A_1043], %unique3A_1046 masked %unique3A {add = true} : memref<256xi32, #tpu.memory_space<vmem>>[vector<16xi32>], vector<16xi32>, vector<16xi1>
      %swap3A_1050 = arith.index_cast %add3A_1032 : i32 to index
      %swap3A_1051 = arith.constant 0 : index
      %swap3A_1052 = tpu.vector_load %arg15[%swap3A_1050, %swap3A_1051] {strides = array<i32>} : memref<16x128xi32, #tpu.memory_space<vmem>>, vector<16xi32>,
      tpu.vector_store %arg15[%swap3A_1050, %swap3A_1051], %sub3A_1049 {strides = array<i32>} : memref<16x128xi32, #tpu.memory_space<vmem>>, vector<16xi32>,
      %shift_right_logical3A_1053 = arith.constant 24 : i32
      %shift_right_logical3A_1054 = vector.broadcast %shift_right_logical3A_1053 : i32 to vector<16xi32>
      %shift_right_logical3A_1055 = arith.shrui %get3A_1039, %shift_right_logical3A_1054 : vector<16xi32>
      %and3A_1056 = arith.constant 255 : i32
      %and3A_1057 = vector.broadcast %and3A_1056 : i32 to vector<16xi32>
      %and3A_1058 = arith.andi %shift_right_logical3A_1055, %and3A_1057 : vector<16xi32>
      %shift_right_logical3A_1059 = arith.constant 11 : i32
      %shift_right_logical3A_1060 = vector.broadcast %shift_right_logical3A_1059 : i32 to vector<16xi32>
      %shift_right_logical3A_1061 = arith.shrui %sub3A_1049, %shift_right_logical3A_1060 : vector<16xi32>
      %shift_left3A = arith.constant 8 : i32
      %shift_left3A_1062 = vector.broadcast %shift_left3A : i32 to vector<16xi32>
      %shift_left3A_1063 = arith.shli %shift_right_logical3A_1061, %shift_left3A_1062 : vector<16xi32>
      %or3A = arith.ori %shift_left3A_1063, %and3A_1058 : vector<16xi32>
      %swap3A_1064 = arith.index_cast %add3A_1032 : i32 to index
      %swap3A_1065 = arith.constant 0 : index
      %swap3A_1066 = tpu.vector_load %arg22[%swap3A_1064, %swap3A_1065] {strides = array<i32>} : memref<16x128xi32, #tpu.memory_space<vmem>>, vector<16xi32>,
      tpu.vector_store %arg22[%swap3A_1064, %swap3A_1065], %or3A {strides = array<i32>} : memref<16x128xi32, #tpu.memory_space<vmem>>, vector<16xi32>,
      %mul3A_1067 = arith.constant 8 : i32
      %mul3A_1068 = arith.muli %add3A_1032, %mul3A_1067 : i32
      %add3A_1069 = arith.constant 1 : i32
      %add3A_1070 = arith.addi %mul3A_1068, %add3A_1069 : i32
      %mul3A_1071 = arith.constant 16 : i32
      %mul3A_1072 = arith.muli %add3A_1070, %mul3A_1071 : i32
      %get3A_1073 = arith.index_cast %mul3A_1072 : i32 to index
      %get3A_1074 = tpu.vector_load %arg6[%get3A_1073] {strides = array<i32>} : memref<2048xi32, #tpu.memory_space<vmem>>, vector<16xi32>,
      %shift_right_logical3A_1075 = arith.constant 16 : i32
      %shift_right_logical3A_1076 = vector.broadcast %shift_right_logical3A_1075 : i32 to vector<16xi32>
      %shift_right_logical3A_1077 = arith.shrui %get3A_1074, %shift_right_logical3A_1076 : vector<16xi32>
      %and3A_1078 = arith.constant 255 : i32
      %and3A_1079 = vector.broadcast %and3A_1078 : i32 to vector<16xi32>
      %and3A_1080 = arith.andi %shift_right_logical3A_1077, %and3A_1079 : vector<16xi32>
      %broadcast_in_dim3A_1081 = arith.constant true
      %broadcast_in_dim3A_1082 = vector.broadcast %broadcast_in_dim3A_1081 : i1 to vector<16xi1>
      %unique3A_1083, %unique3A_1084 = tpu.scan_count mask(%broadcast_in_dim3A_1082 : vector<16xi1>) value(%and3A_1080 : vector<16xi32>) : vector<16xi1>, vector<16xi32>
      %gather3A_1085 = tpu.vector_load_idx %arg9[%and3A_1080] : memref<256xi32, #tpu.memory_space<vmem>>[vector<16xi32>], vector<16xi32>,
      %add3A_1086 = arith.addi %gather3A_1085, %unique3A_1084 : vector<16xi32>
      %sub3A_1087 = arith.subi %add3A_1086, %broadcast_in_dim3A_1 : vector<16xi32>
      tpu.vector_store_idx %arg9[%and3A_1080], %unique3A_1084 masked %unique3A_1083 {add = true} : memref<256xi32, #tpu.memory_space<vmem>>[vector<16xi32>], vector<16xi32>, vector<16xi1>
      %swap3A_1088 = arith.index_cast %add3A_1032 : i32 to index
      %swap3A_1089 = arith.constant 16 : index
      %swap3A_1090 = tpu.vector_load %arg15[%swap3A_1088, %swap3A_1089] {strides = array<i32>} : memref<16x128xi32, #tpu.memory_space<vmem>>, vector<16xi32>,
      tpu.vector_store %arg15[%swap3A_1088, %swap3A_1089], %sub3A_1087 {strides = array<i32>} : memref<16x128xi32, #tpu.memory_space<vmem>>, vector<16xi32>,
      %shift_right_logical3A_1091 = arith.constant 24 : i32
      %shift_right_logical3A_1092 = vector.broadcast %shift_right_logical3A_1091 : i32 to vector<16xi32>
      %shift_right_logical3A_1093 = arith.shrui %get3A_1074, %shift_right_logical3A_1092 : vector<16xi32>
      %and3A_1094 = arith.constant 255 : i32
      %and3A_1095 = vector.broadcast %and3A_1094 : i32 to vector<16xi32>
      %and3A_1096 = arith.andi %shift_right_logical3A_1093, %and3A_1095 : vector<16xi32>
      %shift_right_logical3A_1097 = arith.constant 11 : i32
      %shift_right_logical3A_1098 = vector.broadcast %shift_right_logical3A_1097 : i32 to vector<16xi32>
      %shift_right_logical3A_1099 = arith.shrui %sub3A_1087, %shift_right_logical3A_1098 : vector<16xi32>
      %shift_left3A_1100 = arith.constant 8 : i32
      %shift_left3A_1101 = vector.broadcast %shift_left3A_1100 : i32 to vector<16xi32>
      %shift_left3A_1102 = arith.shli %shift_right_logical3A_1099, %shift_left3A_1101 : vector<16xi32>
      %or3A_1103 = arith.ori %shift_left3A_1102, %and3A_1096 : vector<16xi32>
      %swap3A_1104 = arith.index_cast %add3A_1032 : i32 to index
      %swap3A_1105 = arith.constant 16 : index
      %swap3A_1106 = tpu.vector_load %arg22[%swap3A_1104, %swap3A_1105] {strides = array<i32>} : memref<16x128xi32, #tpu.memory_space<vmem>>, vector<16xi32>,
      tpu.vector_store %arg22[%swap3A_1104, %swap3A_1105], %or3A_1103 {strides = array<i32>} : memref<16x128xi32, #tpu.memory_space<vmem>>, vector<16xi32>,
      %mul3A_1107 = arith.constant 8 : i32
      %mul3A_1108 = arith.muli %add3A_1032, %mul3A_1107 : i32
      %add3A_1109 = arith.constant 2 : i32
      %add3A_1110 = arith.addi %mul3A_1108, %add3A_1109 : i32
      %mul3A_1111 = arith.constant 16 : i32
      %mul3A_1112 = arith.muli %add3A_1110, %mul3A_1111 : i32
      %get3A_1113 = arith.index_cast %mul3A_1112 : i32 to index
      %get3A_1114 = tpu.vector_load %arg6[%get3A_1113] {strides = array<i32>} : memref<2048xi32, #tpu.memory_space<vmem>>, vector<16xi32>,
      %shift_right_logical3A_1115 = arith.constant 16 : i32
      %shift_right_logical3A_1116 = vector.broadcast %shift_right_logical3A_1115 : i32 to vector<16xi32>
      %shift_right_logical3A_1117 = arith.shrui %get3A_1114, %shift_right_logical3A_1116 : vector<16xi32>
      %and3A_1118 = arith.constant 255 : i32
      %and3A_1119 = vector.broadcast %and3A_1118 : i32 to vector<16xi32>
      %and3A_1120 = arith.andi %shift_right_logical3A_1117, %and3A_1119 : vector<16xi32>
      %broadcast_in_dim3A_1121 = arith.constant true
      %broadcast_in_dim3A_1122 = vector.broadcast %broadcast_in_dim3A_1121 : i1 to vector<16xi1>
      %unique3A_1123, %unique3A_1124 = tpu.scan_count mask(%broadcast_in_dim3A_1122 : vector<16xi1>) value(%and3A_1120 : vector<16xi32>) : vector<16xi1>, vector<16xi32>
      %gather3A_1125 = tpu.vector_load_idx %arg9[%and3A_1120] : memref<256xi32, #tpu.memory_space<vmem>>[vector<16xi32>], vector<16xi32>,
      %add3A_1126 = arith.addi %gather3A_1125, %unique3A_1124 : vector<16xi32>
      %sub3A_1127 = arith.subi %add3A_1126, %broadcast_in_dim3A_1 : vector<16xi32>
      tpu.vector_store_idx %arg9[%and3A_1120], %unique3A_1124 masked %unique3A_1123 {add = true} : memref<256xi32, #tpu.memory_space<vmem>>[vector<16xi32>], vector<16xi32>, vector<16xi1>
      %swap3A_1128 = arith.index_cast %add3A_1032 : i32 to index
      %swap3A_1129 = arith.constant 32 : index
      %swap3A_1130 = tpu.vector_load %arg15[%swap3A_1128, %swap3A_1129] {strides = array<i32>} : memref<16x128xi32, #tpu.memory_space<vmem>>, vector<16xi32>,
      tpu.vector_store %arg15[%swap3A_1128, %swap3A_1129], %sub3A_1127 {strides = array<i32>} : memref<16x128xi32, #tpu.memory_space<vmem>>, vector<16xi32>,
      %shift_right_logical3A_1131 = arith.constant 24 : i32
      %shift_right_logical3A_1132 = vector.broadcast %shift_right_logical3A_1131 : i32 to vector<16xi32>
      %shift_right_logical3A_1133 = arith.shrui %get3A_1114, %shift_right_logical3A_1132 : vector<16xi32>
      %and3A_1134 = arith.constant 255 : i32
      %and3A_1135 = vector.broadcast %and3A_1134 : i32 to vector<16xi32>
      %and3A_1136 = arith.andi %shift_right_logical3A_1133, %and3A_1135 : vector<16xi32>
      %shift_right_logical3A_1137 = arith.constant 11 : i32
      %shift_right_logical3A_1138 = vector.broadcast %shift_right_logical3A_1137 : i32 to vector<16xi32>
      %shift_right_logical3A_1139 = arith.shrui %sub3A_1127, %shift_right_logical3A_1138 : vector<16xi32>
      %shift_left3A_1140 = arith.constant 8 : i32
      %shift_left3A_1141 = vector.broadcast %shift_left3A_1140 : i32 to vector<16xi32>
      %shift_left3A_1142 = arith.shli %shift_right_logical3A_1139, %shift_left3A_1141 : vector<16xi32>
      %or3A_1143 = arith.ori %shift_left3A_1142, %and3A_1136 : vector<16xi32>
      %swap3A_1144 = arith.index_cast %add3A_1032 : i32 to index
      %swap3A_1145 = arith.constant 32 : index
      %swap3A_1146 = tpu.vector_load %arg22[%swap3A_1144, %swap3A_1145] {strides = array<i32>} : memref<16x128xi32, #tpu.memory_space<vmem>>, vector<16xi32>,
      tpu.vector_store %arg22[%swap3A_1144, %swap3A_1145], %or3A_1143 {strides = array<i32>} : memref<16x128xi32, #tpu.memory_space<vmem>>, vector<16xi32>,
      %mul3A_1147 = arith.constant 8 : i32
      %mul3A_1148 = arith.muli %add3A_1032, %mul3A_1147 : i32
      %add3A_1149 = arith.constant 3 : i32
      %add3A_1150 = arith.addi %mul3A_1148, %add3A_1149 : i32
      %mul3A_1151 = arith.constant 16 : i32
      %mul3A_1152 = arith.muli %add3A_1150, %mul3A_1151 : i32
      %get3A_1153 = arith.index_cast %mul3A_1152 : i32 to index
      %get3A_1154 = tpu.vector_load %arg6[%get3A_1153] {strides = array<i32>} : memref<2048xi32, #tpu.memory_space<vmem>>, vector<16xi32>,
      %shift_right_logical3A_1155 = arith.constant 16 : i32
      %shift_right_logical3A_1156 = vector.broadcast %shift_right_logical3A_1155 : i32 to vector<16xi32>
      %shift_right_logical3A_1157 = arith.shrui %get3A_1154, %shift_right_logical3A_1156 : vector<16xi32>
      %and3A_1158 = arith.constant 255 : i32
      %and3A_1159 = vector.broadcast %and3A_1158 : i32 to vector<16xi32>
      %and3A_1160 = arith.andi %shift_right_logical3A_1157, %and3A_1159 : vector<16xi32>
      %broadcast_in_dim3A_1161 = arith.constant true
      %broadcast_in_dim3A_1162 = vector.broadcast %broadcast_in_dim3A_1161 : i1 to vector<16xi1>
      %unique3A_1163, %unique3A_1164 = tpu.scan_count mask(%broadcast_in_dim3A_1162 : vector<16xi1>) value(%and3A_1160 : vector<16xi32>) : vector<16xi1>, vector<16xi32>
      %gather3A_1165 = tpu.vector_load_idx %arg9[%and3A_1160] : memref<256xi32, #tpu.memory_space<vmem>>[vector<16xi32>], vector<16xi32>,
      %add3A_1166 = arith.addi %gather3A_1165, %unique3A_1164 : vector<16xi32>
      %sub3A_1167 = arith.subi %add3A_1166, %broadcast_in_dim3A_1 : vector<16xi32>
      tpu.vector_store_idx %arg9[%and3A_1160], %unique3A_1164 masked %unique3A_1163 {add = true} : memref<256xi32, #tpu.memory_space<vmem>>[vector<16xi32>], vector<16xi32>, vector<16xi1>
      %swap3A_1168 = arith.index_cast %add3A_1032 : i32 to index
      %swap3A_1169 = arith.constant 48 : index
      %swap3A_1170 = tpu.vector_load %arg15[%swap3A_1168, %swap3A_1169] {strides = array<i32>} : memref<16x128xi32, #tpu.memory_space<vmem>>, vector<16xi32>,
      tpu.vector_store %arg15[%swap3A_1168, %swap3A_1169], %sub3A_1167 {strides = array<i32>} : memref<16x128xi32, #tpu.memory_space<vmem>>, vector<16xi32>,
      %shift_right_logical3A_1171 = arith.constant 24 : i32
      %shift_right_logical3A_1172 = vector.broadcast %shift_right_logical3A_1171 : i32 to vector<16xi32>
      %shift_right_logical3A_1173 = arith.shrui %get3A_1154, %shift_right_logical3A_1172 : vector<16xi32>
      %and3A_1174 = arith.constant 255 : i32
      %and3A_1175 = vector.broadcast %and3A_1174 : i32 to vector<16xi32>
      %and3A_1176 = arith.andi %shift_right_logical3A_1173, %and3A_1175 : vector<16xi32>
      %shift_right_logical3A_1177 = arith.constant 11 : i32
      %shift_right_logical3A_1178 = vector.broadcast %shift_right_logical3A_1177 : i32 to vector<16xi32>
      %shift_right_logical3A_1179 = arith.shrui %sub3A_1167, %shift_right_logical3A_1178 : vector<16xi32>
      %shift_left3A_1180 = arith.constant 8 : i32
      %shift_left3A_1181 = vector.broadcast %shift_left3A_1180 : i32 to vector<16xi32>
      %shift_left3A_1182 = arith.shli %shift_right_logical3A_1179, %shift_left3A_1181 : vector<16xi32>
      %or3A_1183 = arith.ori %shift_left3A_1182, %and3A_1176 : vector<16xi32>
      %swap3A_1184 = arith.index_cast %add3A_1032 : i32 to index
      %swap3A_1185 = arith.constant 48 : index
      %swap3A_1186 = tpu.vector_load %arg22[%swap3A_1184, %swap3A_1185] {strides = array<i32>} : memref<16x128xi32, #tpu.memory_space<vmem>>, vector<16xi32>,
      tpu.vector_store %arg22[%swap3A_1184, %swap3A_1185], %or3A_1183 {strides = array<i32>} : memref<16x128xi32, #tpu.memory_space<vmem>>, vector<16xi32>,
      %mul3A_1187 = arith.constant 8 : i32
      %mul3A_1188 = arith.muli %add3A_1032, %mul3A_1187 : i32
      %add3A_1189 = arith.constant 4 : i32
      %add3A_1190 = arith.addi %mul3A_1188, %add3A_1189 : i32
      %mul3A_1191 = arith.constant 16 : i32
      %mul3A_1192 = arith.muli %add3A_1190, %mul3A_1191 : i32
      %get3A_1193 = arith.index_cast %mul3A_1192 : i32 to index
      %get3A_1194 = tpu.vector_load %arg6[%get3A_1193] {strides = array<i32>} : memref<2048xi32, #tpu.memory_space<vmem>>, vector<16xi32>,
      %shift_right_logical3A_1195 = arith.constant 16 : i32
      %shift_right_logical3A_1196 = vector.broadcast %shift_right_logical3A_1195 : i32 to vector<16xi32>
      %shift_right_logical3A_1197 = arith.shrui %get3A_1194, %shift_right_logical3A_1196 : vector<16xi32>
      %and3A_1198 = arith.constant 255 : i32
      %and3A_1199 = vector.broadcast %and3A_1198 : i32 to vector<16xi32>
      %and3A_1200 = arith.andi %shift_right_logical3A_1197, %and3A_1199 : vector<16xi32>
      %broadcast_in_dim3A_1201 = arith.constant true
      %broadcast_in_dim3A_1202 = vector.broadcast %broadcast_in_dim3A_1201 : i1 to vector<16xi1>
      %unique3A_1203, %unique3A_1204 = tpu.scan_count mask(%broadcast_in_dim3A_1202 : vector<16xi1>) value(%and3A_1200 : vector<16xi32>) : vector<16xi1>, vector<16xi32>
      %gather3A_1205 = tpu.vector_load_idx %arg9[%and3A_1200] : memref<256xi32, #tpu.memory_space<vmem>>[vector<16xi32>], vector<16xi32>,
      %add3A_1206 = arith.addi %gather3A_1205, %unique3A_1204 : vector<16xi32>
      %sub3A_1207 = arith.subi %add3A_1206, %broadcast_in_dim3A_1 : vector<16xi32>
      tpu.vector_store_idx %arg9[%and3A_1200], %unique3A_1204 masked %unique3A_1203 {add = true} : memref<256xi32, #tpu.memory_space<vmem>>[vector<16xi32>], vector<16xi32>, vector<16xi1>
      %swap3A_1208 = arith.index_cast %add3A_1032 : i32 to index
      %swap3A_1209 = arith.constant 64 : index
      %swap3A_1210 = tpu.vector_load %arg15[%swap3A_1208, %swap3A_1209] {strides = array<i32>} : memref<16x128xi32, #tpu.memory_space<vmem>>, vector<16xi32>,
      tpu.vector_store %arg15[%swap3A_1208, %swap3A_1209], %sub3A_1207 {strides = array<i32>} : memref<16x128xi32, #tpu.memory_space<vmem>>, vector<16xi32>,
      %shift_right_logical3A_1211 = arith.constant 24 : i32
      %shift_right_logical3A_1212 = vector.broadcast %shift_right_logical3A_1211 : i32 to vector<16xi32>
      %shift_right_logical3A_1213 = arith.shrui %get3A_1194, %shift_right_logical3A_1212 : vector<16xi32>
      %and3A_1214 = arith.constant 255 : i32
      %and3A_1215 = vector.broadcast %and3A_1214 : i32 to vector<16xi32>
      %and3A_1216 = arith.andi %shift_right_logical3A_1213, %and3A_1215 : vector<16xi32>
      %shift_right_logical3A_1217 = arith.constant 11 : i32
      %shift_right_logical3A_1218 = vector.broadcast %shift_right_logical3A_1217 : i32 to vector<16xi32>
      %shift_right_logical3A_1219 = arith.shrui %sub3A_1207, %shift_right_logical3A_1218 : vector<16xi32>
      %shift_left3A_1220 = arith.constant 8 : i32
      %shift_left3A_1221 = vector.broadcast %shift_left3A_1220 : i32 to vector<16xi32>
      %shift_left3A_1222 = arith.shli %shift_right_logical3A_1219, %shift_left3A_1221 : vector<16xi32>
      %or3A_1223 = arith.ori %shift_left3A_1222, %and3A_1216 : vector<16xi32>
      %swap3A_1224 = arith.index_cast %add3A_1032 : i32 to index
      %swap3A_1225 = arith.constant 64 : index
      %swap3A_1226 = tpu.vector_load %arg22[%swap3A_1224, %swap3A_1225] {strides = array<i32>} : memref<16x128xi32, #tpu.memory_space<vmem>>, vector<16xi32>,
      tpu.vector_store %arg22[%swap3A_1224, %swap3A_1225], %or3A_1223 {strides = array<i32>} : memref<16x128xi32, #tpu.memory_space<vmem>>, vector<16xi32>,
      %mul3A_1227 = arith.constant 8 : i32
      %mul3A_1228 = arith.muli %add3A_1032, %mul3A_1227 : i32
      %add3A_1229 = arith.constant 5 : i32
      %add3A_1230 = arith.addi %mul3A_1228, %add3A_1229 : i32
      %mul3A_1231 = arith.constant 16 : i32
      %mul3A_1232 = arith.muli %add3A_1230, %mul3A_1231 : i32
      %get3A_1233 = arith.index_cast %mul3A_1232 : i32 to index
      %get3A_1234 = tpu.vector_load %arg6[%get3A_1233] {strides = array<i32>} : memref<2048xi32, #tpu.memory_space<vmem>>, vector<16xi32>,
      %shift_right_logical3A_1235 = arith.constant 16 : i32
      %shift_right_logical3A_1236 = vector.broadcast %shift_right_logical3A_1235 : i32 to vector<16xi32>
      %shift_right_logical3A_1237 = arith.shrui %get3A_1234, %shift_right_logical3A_1236 : vector<16xi32>
      %and3A_1238 = arith.constant 255 : i32
      %and3A_1239 = vector.broadcast %and3A_1238 : i32 to vector<16xi32>
      %and3A_1240 = arith.andi %shift_right_logical3A_1237, %and3A_1239 : vector<16xi32>
      %broadcast_in_dim3A_1241 = arith.constant true
      %broadcast_in_dim3A_1242 = vector.broadcast %broadcast_in_dim3A_1241 : i1 to vector<16xi1>
      %unique3A_1243, %unique3A_1244 = tpu.scan_count mask(%broadcast_in_dim3A_1242 : vector<16xi1>) value(%and3A_1240 : vector<16xi32>) : vector<16xi1>, vector<16xi32>
      %gather3A_1245 = tpu.vector_load_idx %arg9[%and3A_1240] : memref<256xi32, #tpu.memory_space<vmem>>[vector<16xi32>], vector<16xi32>,
      %add3A_1246 = arith.addi %gather3A_1245, %unique3A_1244 : vector<16xi32>
      %sub3A_1247 = arith.subi %add3A_1246, %broadcast_in_dim3A_1 : vector<16xi32>
      tpu.vector_store_idx %arg9[%and3A_1240], %unique3A_1244 masked %unique3A_1243 {add = true} : memref<256xi32, #tpu.memory_space<vmem>>[vector<16xi32>], vector<16xi32>, vector<16xi1>
      %swap3A_1248 = arith.index_cast %add3A_1032 : i32 to index
      %swap3A_1249 = arith.constant 80 : index
      %swap3A_1250 = tpu.vector_load %arg15[%swap3A_1248, %swap3A_1249] {strides = array<i32>} : memref<16x128xi32, #tpu.memory_space<vmem>>, vector<16xi32>,
      tpu.vector_store %arg15[%swap3A_1248, %swap3A_1249], %sub3A_1247 {strides = array<i32>} : memref<16x128xi32, #tpu.memory_space<vmem>>, vector<16xi32>,
      %shift_right_logical3A_1251 = arith.constant 24 : i32
      %shift_right_logical3A_1252 = vector.broadcast %shift_right_logical3A_1251 : i32 to vector<16xi32>
      %shift_right_logical3A_1253 = arith.shrui %get3A_1234, %shift_right_logical3A_1252 : vector<16xi32>
      %and3A_1254 = arith.constant 255 : i32
      %and3A_1255 = vector.broadcast %and3A_1254 : i32 to vector<16xi32>
      %and3A_1256 = arith.andi %shift_right_logical3A_1253, %and3A_1255 : vector<16xi32>
      %shift_right_logical3A_1257 = arith.constant 11 : i32
      %shift_right_logical3A_1258 = vector.broadcast %shift_right_logical3A_1257 : i32 to vector<16xi32>
      %shift_right_logical3A_1259 = arith.shrui %sub3A_1247, %shift_right_logical3A_1258 : vector<16xi32>
      %shift_left3A_1260 = arith.constant 8 : i32
      %shift_left3A_1261 = vector.broadcast %shift_left3A_1260 : i32 to vector<16xi32>
      %shift_left3A_1262 = arith.shli %shift_right_logical3A_1259, %shift_left3A_1261 : vector<16xi32>
      %or3A_1263 = arith.ori %shift_left3A_1262, %and3A_1256 : vector<16xi32>
      %swap3A_1264 = arith.index_cast %add3A_1032 : i32 to index
      %swap3A_1265 = arith.constant 80 : index
      %swap3A_1266 = tpu.vector_load %arg22[%swap3A_1264, %swap3A_1265] {strides = array<i32>} : memref<16x128xi32, #tpu.memory_space<vmem>>, vector<16xi32>,
      tpu.vector_store %arg22[%swap3A_1264, %swap3A_1265], %or3A_1263 {strides = array<i32>} : memref<16x128xi32, #tpu.memory_space<vmem>>, vector<16xi32>,
      %mul3A_1267 = arith.constant 8 : i32
      %mul3A_1268 = arith.muli %add3A_1032, %mul3A_1267 : i32
      %add3A_1269 = arith.constant 6 : i32
      %add3A_1270 = arith.addi %mul3A_1268, %add3A_1269 : i32
      %mul3A_1271 = arith.constant 16 : i32
      %mul3A_1272 = arith.muli %add3A_1270, %mul3A_1271 : i32
      %get3A_1273 = arith.index_cast %mul3A_1272 : i32 to index
      %get3A_1274 = tpu.vector_load %arg6[%get3A_1273] {strides = array<i32>} : memref<2048xi32, #tpu.memory_space<vmem>>, vector<16xi32>,
      %shift_right_logical3A_1275 = arith.constant 16 : i32
      %shift_right_logical3A_1276 = vector.broadcast %shift_right_logical3A_1275 : i32 to vector<16xi32>
      %shift_right_logical3A_1277 = arith.shrui %get3A_1274, %shift_right_logical3A_1276 : vector<16xi32>
      %and3A_1278 = arith.constant 255 : i32
      %and3A_1279 = vector.broadcast %and3A_1278 : i32 to vector<16xi32>
      %and3A_1280 = arith.andi %shift_right_logical3A_1277, %and3A_1279 : vector<16xi32>
      %broadcast_in_dim3A_1281 = arith.constant true
      %broadcast_in_dim3A_1282 = vector.broadcast %broadcast_in_dim3A_1281 : i1 to vector<16xi1>
      %unique3A_1283, %unique3A_1284 = tpu.scan_count mask(%broadcast_in_dim3A_1282 : vector<16xi1>) value(%and3A_1280 : vector<16xi32>) : vector<16xi1>, vector<16xi32>
      %gather3A_1285 = tpu.vector_load_idx %arg9[%and3A_1280] : memref<256xi32, #tpu.memory_space<vmem>>[vector<16xi32>], vector<16xi32>,
      %add3A_1286 = arith.addi %gather3A_1285, %unique3A_1284 : vector<16xi32>
      %sub3A_1287 = arith.subi %add3A_1286, %broadcast_in_dim3A_1 : vector<16xi32>
      tpu.vector_store_idx %arg9[%and3A_1280], %unique3A_1284 masked %unique3A_1283 {add = true} : memref<256xi32, #tpu.memory_space<vmem>>[vector<16xi32>], vector<16xi32>, vector<16xi1>
      %swap3A_1288 = arith.index_cast %add3A_1032 : i32 to index
      %swap3A_1289 = arith.constant 96 : index
      %swap3A_1290 = tpu.vector_load %arg15[%swap3A_1288, %swap3A_1289] {strides = array<i32>} : memref<16x128xi32, #tpu.memory_space<vmem>>, vector<16xi32>,
      tpu.vector_store %arg15[%swap3A_1288, %swap3A_1289], %sub3A_1287 {strides = array<i32>} : memref<16x128xi32, #tpu.memory_space<vmem>>, vector<16xi32>,
      %shift_right_logical3A_1291 = arith.constant 24 : i32
      %shift_right_logical3A_1292 = vector.broadcast %shift_right_logical3A_1291 : i32 to vector<16xi32>
      %shift_right_logical3A_1293 = arith.shrui %get3A_1274, %shift_right_logical3A_1292 : vector<16xi32>
      %and3A_1294 = arith.constant 255 : i32
      %and3A_1295 = vector.broadcast %and3A_1294 : i32 to vector<16xi32>
      %and3A_1296 = arith.andi %shift_right_logical3A_1293, %and3A_1295 : vector<16xi32>
      %shift_right_logical3A_1297 = arith.constant 11 : i32
      %shift_right_logical3A_1298 = vector.broadcast %shift_right_logical3A_1297 : i32 to vector<16xi32>
      %shift_right_logical3A_1299 = arith.shrui %sub3A_1287, %shift_right_logical3A_1298 : vector<16xi32>
      %shift_left3A_1300 = arith.constant 8 : i32
      %shift_left3A_1301 = vector.broadcast %shift_left3A_1300 : i32 to vector<16xi32>
      %shift_left3A_1302 = arith.shli %shift_right_logical3A_1299, %shift_left3A_1301 : vector<16xi32>
      %or3A_1303 = arith.ori %shift_left3A_1302, %and3A_1296 : vector<16xi32>
      %swap3A_1304 = arith.index_cast %add3A_1032 : i32 to index
      %swap3A_1305 = arith.constant 96 : index
      %swap3A_1306 = tpu.vector_load %arg22[%swap3A_1304, %swap3A_1305] {strides = array<i32>} : memref<16x128xi32, #tpu.memory_space<vmem>>, vector<16xi32>,
      tpu.vector_store %arg22[%swap3A_1304, %swap3A_1305], %or3A_1303 {strides = array<i32>} : memref<16x128xi32, #tpu.memory_space<vmem>>, vector<16xi32>,
      %mul3A_1307 = arith.constant 8 : i32
      %mul3A_1308 = arith.muli %add3A_1032, %mul3A_1307 : i32
      %add3A_1309 = arith.constant 7 : i32
      %add3A_1310 = arith.addi %mul3A_1308, %add3A_1309 : i32
      %mul3A_1311 = arith.constant 16 : i32
      %mul3A_1312 = arith.muli %add3A_1310, %mul3A_1311 : i32
      %get3A_1313 = arith.index_cast %mul3A_1312 : i32 to index
      %get3A_1314 = tpu.vector_load %arg6[%get3A_1313] {strides = array<i32>} : memref<2048xi32, #tpu.memory_space<vmem>>, vector<16xi32>,
      %shift_right_logical3A_1315 = arith.constant 16 : i32
      %shift_right_logical3A_1316 = vector.broadcast %shift_right_logical3A_1315 : i32 to vector<16xi32>
      %shift_right_logical3A_1317 = arith.shrui %get3A_1314, %shift_right_logical3A_1316 : vector<16xi32>
      %and3A_1318 = arith.constant 255 : i32
      %and3A_1319 = vector.broadcast %and3A_1318 : i32 to vector<16xi32>
      %and3A_1320 = arith.andi %shift_right_logical3A_1317, %and3A_1319 : vector<16xi32>
      %broadcast_in_dim3A_1321 = arith.constant true
      %broadcast_in_dim3A_1322 = vector.broadcast %broadcast_in_dim3A_1321 : i1 to vector<16xi1>
      %unique3A_1323, %unique3A_1324 = tpu.scan_count mask(%broadcast_in_dim3A_1322 : vector<16xi1>) value(%and3A_1320 : vector<16xi32>) : vector<16xi1>, vector<16xi32>
      %gather3A_1325 = tpu.vector_load_idx %arg9[%and3A_1320] : memref<256xi32, #tpu.memory_space<vmem>>[vector<16xi32>], vector<16xi32>,
      %add3A_1326 = arith.addi %gather3A_1325, %unique3A_1324 : vector<16xi32>
      %sub3A_1327 = arith.subi %add3A_1326, %broadcast_in_dim3A_1 : vector<16xi32>
      tpu.vector_store_idx %arg9[%and3A_1320], %unique3A_1324 masked %unique3A_1323 {add = true} : memref<256xi32, #tpu.memory_space<vmem>>[vector<16xi32>], vector<16xi32>, vector<16xi1>
      %swap3A_1328 = arith.index_cast %add3A_1032 : i32 to index
      %swap3A_1329 = arith.constant 112 : index
      %swap3A_1330 = tpu.vector_load %arg15[%swap3A_1328, %swap3A_1329] {strides = array<i32>} : memref<16x128xi32, #tpu.memory_space<vmem>>, vector<16xi32>,
      tpu.vector_store %arg15[%swap3A_1328, %swap3A_1329], %sub3A_1327 {strides = array<i32>} : memref<16x128xi32, #tpu.memory_space<vmem>>, vector<16xi32>,
      %shift_right_logical3A_1331 = arith.constant 24 : i32
      %shift_right_logical3A_1332 = vector.broadcast %shift_right_logical3A_1331 : i32 to vector<16xi32>
      %shift_right_logical3A_1333 = arith.shrui %get3A_1314, %shift_right_logical3A_1332 : vector<16xi32>
      %and3A_1334 = arith.constant 255 : i32
      %and3A_1335 = vector.broadcast %and3A_1334 : i32 to vector<16xi32>
      %and3A_1336 = arith.andi %shift_right_logical3A_1333, %and3A_1335 : vector<16xi32>
      %shift_right_logical3A_1337 = arith.constant 11 : i32
      %shift_right_logical3A_1338 = vector.broadcast %shift_right_logical3A_1337 : i32 to vector<16xi32>
      %shift_right_logical3A_1339 = arith.shrui %sub3A_1327, %shift_right_logical3A_1338 : vector<16xi32>
      %shift_left3A_1340 = arith.constant 8 : i32
      %shift_left3A_1341 = vector.broadcast %shift_left3A_1340 : i32 to vector<16xi32>
      %shift_left3A_1342 = arith.shli %shift_right_logical3A_1339, %shift_left3A_1341 : vector<16xi32>
      %or3A_1343 = arith.ori %shift_left3A_1342, %and3A_1336 : vector<16xi32>
      %swap3A_1344 = arith.index_cast %add3A_1032 : i32 to index
      %swap3A_1345 = arith.constant 112 : index
      %swap3A_1346 = tpu.vector_load %arg22[%swap3A_1344, %swap3A_1345] {strides = array<i32>} : memref<16x128xi32, #tpu.memory_space<vmem>>, vector<16xi32>,
      tpu.vector_store %arg22[%swap3A_1344, %swap3A_1345], %or3A_1343 {strides = array<i32>} : memref<16x128xi32, #tpu.memory_space<vmem>>, vector<16xi32>,
      %mul3A_1347 = arith.constant 128 : i32
      %mul3A_1348 = arith.muli %add3A_1032, %mul3A_1347 : i32
      %dma_start3A_1349 = tpu.memref_slice %arg6[%mul3A_1348] : memref<2048xi32, #tpu.memory_space<vmem>> -> memref<128xi32, #tpu.memory_space<vmem>>
      %dma_start3A_1350 = arith.constant 0 : i32
      %dma_start3A_1351 = tpu.memref_slice %arg15[%add3A_1032, %dma_start3A_1350] : memref<16x128xi32, #tpu.memory_space<vmem>> -> memref<1x128xi32, #tpu.memory_space<vmem>>
      %dma_start3A_1352 = tpu.memref_squeeze %dma_start3A_1351 : memref<1x128xi32, #tpu.memory_space<vmem>> -> memref<128xi32, #tpu.memory_space<vmem>>
      %dma_start3A_1353 = arith.constant 0 : i32
      %dma_start3A_1354 = tpu.memref_slice %arg24[%dma_start3A_1353] : memref<32768xi32, #tpu.memory_space<vmem_shared>> -> memref<32768xi32, #tpu.memory_space<vmem_shared>>
      tpu.enqueue_indirect_dma source(%dma_start3A_1349 : memref<128xi32, #tpu.memory_space<vmem>>) target(%dma_start3A_1354 : memref<32768xi32, #tpu.memory_space<vmem_shared>>) offsets(%dma_start3A_1352 : memref<128xi32, #tpu.memory_space<vmem>>) semaphore(%arg33 : memref<!tpu.dma_semaphore, #tpu.memory_space<semaphore_mem>>)
      %dma_start3A_1355 = arith.constant 0 : i32
      %dma_start3A_1356 = tpu.memref_slice %arg22[%add3A_1032, %dma_start3A_1355] : memref<16x128xi32, #tpu.memory_space<vmem>> -> memref<1x128xi32, #tpu.memory_space<vmem>>
      %dma_start3A_1357 = tpu.memref_squeeze %dma_start3A_1356 : memref<1x128xi32, #tpu.memory_space<vmem>> -> memref<128xi32, #tpu.memory_space<vmem>>
      %dma_start3A_1358 = arith.constant 0 : i32
      %dma_start3A_1359 = tpu.memref_slice %arg32[%dma_start3A_1358] : memref<4096xi32, #tpu.memory_space<vmem_shared>> -> memref<4096xi32, #tpu.memory_space<vmem_shared>>
      tpu.enqueue_indirect_dma source(%arg20 : memref<128xi32, #tpu.memory_space<vmem>>) target(%dma_start3A_1359 : memref<4096xi32, #tpu.memory_space<vmem_shared>>) offsets(%dma_start3A_1357 : memref<128xi32, #tpu.memory_space<vmem>>) semaphore(%arg33 : memref<!tpu.dma_semaphore, #tpu.memory_space<semaphore_mem>>) {add = true}
    }
    %scan3A_476 = arith.constant 16 : i32
    %dma_wait3A_477 = arith.constant 0 : i32
    %dma_wait3A_478 = tpu.memref_slice %arg2[%dma_wait3A_477] : memref<32768xf32, #tpu.memory_space<hbm>> -> memref<128xf32, #tpu.memory_space<hbm>>
    %dma_wait3A_479 = arith.constant 0 : i32
    %dma_wait3A_480 = tpu.memref_slice %arg2[%dma_wait3A_479] : memref<32768xf32, #tpu.memory_space<hbm>> -> memref<128xf32, #tpu.memory_space<hbm>>
    tpu.wait_dma2 semaphore(%arg33 : memref<!tpu.dma_semaphore, #tpu.memory_space<semaphore_mem>>) src(%dma_wait3A_480 : memref<128xf32, #tpu.memory_space<hbm>>) dst(%arg19 : memref<128xi32, #tpu.memory_space<vmem>>)
    %dma_wait3A_481 = arith.constant 0 : i32
    %dma_wait3A_482 = tpu.memref_slice %arg2[%dma_wait3A_481] : memref<32768xf32, #tpu.memory_space<hbm>> -> memref<128xf32, #tpu.memory_space<hbm>>
    %dma_wait3A_483 = arith.constant 0 : i32
    %dma_wait3A_484 = tpu.memref_slice %arg2[%dma_wait3A_483] : memref<32768xf32, #tpu.memory_space<hbm>> -> memref<128xf32, #tpu.memory_space<hbm>>
    tpu.wait_dma2 semaphore(%arg33 : memref<!tpu.dma_semaphore, #tpu.memory_space<semaphore_mem>>) src(%dma_wait3A_484 : memref<128xf32, #tpu.memory_space<hbm>>) dst(%arg19 : memref<128xi32, #tpu.memory_space<vmem>>)
    %dma_wait3A_485 = arith.constant 0 : i32
    %dma_wait3A_486 = tpu.memref_slice %arg2[%dma_wait3A_485] : memref<32768xf32, #tpu.memory_space<hbm>> -> memref<128xf32, #tpu.memory_space<hbm>>
    %dma_wait3A_487 = arith.constant 0 : i32
    %dma_wait3A_488 = tpu.memref_slice %arg2[%dma_wait3A_487] : memref<32768xf32, #tpu.memory_space<hbm>> -> memref<128xf32, #tpu.memory_space<hbm>>
    tpu.wait_dma2 semaphore(%arg33 : memref<!tpu.dma_semaphore, #tpu.memory_space<semaphore_mem>>) src(%dma_wait3A_488 : memref<128xf32, #tpu.memory_space<hbm>>) dst(%arg19 : memref<128xi32, #tpu.memory_space<vmem>>)
    %dma_wait3A_489 = arith.constant 0 : i32
    %dma_wait3A_490 = tpu.memref_slice %arg2[%dma_wait3A_489] : memref<32768xf32, #tpu.memory_space<hbm>> -> memref<128xf32, #tpu.memory_space<hbm>>
    %dma_wait3A_491 = arith.constant 0 : i32
    %dma_wait3A_492 = tpu.memref_slice %arg2[%dma_wait3A_491] : memref<32768xf32, #tpu.memory_space<hbm>> -> memref<128xf32, #tpu.memory_space<hbm>>
    tpu.wait_dma2 semaphore(%arg33 : memref<!tpu.dma_semaphore, #tpu.memory_space<semaphore_mem>>) src(%dma_wait3A_492 : memref<128xf32, #tpu.memory_space<hbm>>) dst(%arg19 : memref<128xi32, #tpu.memory_space<vmem>>)
    %dma_wait3A_493 = arith.constant 0 : i32
    %dma_wait3A_494 = tpu.memref_slice %arg2[%dma_wait3A_493] : memref<32768xf32, #tpu.memory_space<hbm>> -> memref<128xf32, #tpu.memory_space<hbm>>
    %dma_wait3A_495 = arith.constant 0 : i32
    %dma_wait3A_496 = tpu.memref_slice %arg2[%dma_wait3A_495] : memref<32768xf32, #tpu.memory_space<hbm>> -> memref<128xf32, #tpu.memory_space<hbm>>
    tpu.wait_dma2 semaphore(%arg33 : memref<!tpu.dma_semaphore, #tpu.memory_space<semaphore_mem>>) src(%dma_wait3A_496 : memref<128xf32, #tpu.memory_space<hbm>>) dst(%arg19 : memref<128xi32, #tpu.memory_space<vmem>>)
    %dma_wait3A_497 = arith.constant 0 : i32
    %dma_wait3A_498 = tpu.memref_slice %arg2[%dma_wait3A_497] : memref<32768xf32, #tpu.memory_space<hbm>> -> memref<128xf32, #tpu.memory_space<hbm>>
    %dma_wait3A_499 = arith.constant 0 : i32
    %dma_wait3A_500 = tpu.memref_slice %arg2[%dma_wait3A_499] : memref<32768xf32, #tpu.memory_space<hbm>> -> memref<128xf32, #tpu.memory_space<hbm>>
    tpu.wait_dma2 semaphore(%arg33 : memref<!tpu.dma_semaphore, #tpu.memory_space<semaphore_mem>>) src(%dma_wait3A_500 : memref<128xf32, #tpu.memory_space<hbm>>) dst(%arg19 : memref<128xi32, #tpu.memory_space<vmem>>)
    %dma_wait3A_501 = arith.constant 0 : i32
    %dma_wait3A_502 = tpu.memref_slice %arg2[%dma_wait3A_501] : memref<32768xf32, #tpu.memory_space<hbm>> -> memref<128xf32, #tpu.memory_space<hbm>>
    %dma_wait3A_503 = arith.constant 0 : i32
    %dma_wait3A_504 = tpu.memref_slice %arg2[%dma_wait3A_503] : memref<32768xf32, #tpu.memory_space<hbm>> -> memref<128xf32, #tpu.memory_space<hbm>>
    tpu.wait_dma2 semaphore(%arg33 : memref<!tpu.dma_semaphore, #tpu.memory_space<semaphore_mem>>) src(%dma_wait3A_504 : memref<128xf32, #tpu.memory_space<hbm>>) dst(%arg19 : memref<128xi32, #tpu.memory_space<vmem>>)
    %dma_wait3A_505 = arith.constant 0 : i32
    %dma_wait3A_506 = tpu.memref_slice %arg2[%dma_wait3A_505] : memref<32768xf32, #tpu.memory_space<hbm>> -> memref<128xf32, #tpu.memory_space<hbm>>
    %dma_wait3A_507 = arith.constant 0 : i32
    %dma_wait3A_508 = tpu.memref_slice %arg2[%dma_wait3A_507] : memref<32768xf32, #tpu.memory_space<hbm>> -> memref<128xf32, #tpu.memory_space<hbm>>
    tpu.wait_dma2 semaphore(%arg33 : memref<!tpu.dma_semaphore, #tpu.memory_space<semaphore_mem>>) src(%dma_wait3A_508 : memref<128xf32, #tpu.memory_space<hbm>>) dst(%arg19 : memref<128xi32, #tpu.memory_space<vmem>>)
    %dma_wait3A_509 = arith.constant 0 : i32
    %dma_wait3A_510 = tpu.memref_slice %arg2[%dma_wait3A_509] : memref<32768xf32, #tpu.memory_space<hbm>> -> memref<128xf32, #tpu.memory_space<hbm>>
    %dma_wait3A_511 = arith.constant 0 : i32
    %dma_wait3A_512 = tpu.memref_slice %arg2[%dma_wait3A_511] : memref<32768xf32, #tpu.memory_space<hbm>> -> memref<128xf32, #tpu.memory_space<hbm>>
    tpu.wait_dma2 semaphore(%arg33 : memref<!tpu.dma_semaphore, #tpu.memory_space<semaphore_mem>>) src(%dma_wait3A_512 : memref<128xf32, #tpu.memory_space<hbm>>) dst(%arg19 : memref<128xi32, #tpu.memory_space<vmem>>)
    %dma_wait3A_513 = arith.constant 0 : i32
    %dma_wait3A_514 = tpu.memref_slice %arg2[%dma_wait3A_513] : memref<32768xf32, #tpu.memory_space<hbm>> -> memref<128xf32, #tpu.memory_space<hbm>>
    %dma_wait3A_515 = arith.constant 0 : i32
    %dma_wait3A_516 = tpu.memref_slice %arg2[%dma_wait3A_515] : memref<32768xf32, #tpu.memory_space<hbm>> -> memref<128xf32, #tpu.memory_space<hbm>>
    tpu.wait_dma2 semaphore(%arg33 : memref<!tpu.dma_semaphore, #tpu.memory_space<semaphore_mem>>) src(%dma_wait3A_516 : memref<128xf32, #tpu.memory_space<hbm>>) dst(%arg19 : memref<128xi32, #tpu.memory_space<vmem>>)
    %dma_wait3A_517 = arith.constant 0 : i32
    %dma_wait3A_518 = tpu.memref_slice %arg2[%dma_wait3A_517] : memref<32768xf32, #tpu.memory_space<hbm>> -> memref<128xf32, #tpu.memory_space<hbm>>
    %dma_wait3A_519 = arith.constant 0 : i32
    %dma_wait3A_520 = tpu.memref_slice %arg2[%dma_wait3A_519] : memref<32768xf32, #tpu.memory_space<hbm>> -> memref<128xf32, #tpu.memory_space<hbm>>
    tpu.wait_dma2 semaphore(%arg33 : memref<!tpu.dma_semaphore, #tpu.memory_space<semaphore_mem>>) src(%dma_wait3A_520 : memref<128xf32, #tpu.memory_space<hbm>>) dst(%arg19 : memref<128xi32, #tpu.memory_space<vmem>>)
    %dma_wait3A_521 = arith.constant 0 : i32
    %dma_wait3A_522 = tpu.memref_slice %arg2[%dma_wait3A_521] : memref<32768xf32, #tpu.memory_space<hbm>> -> memref<128xf32, #tpu.memory_space<hbm>>
    %dma_wait3A_523 = arith.constant 0 : i32
    %dma_wait3A_524 = tpu.memref_slice %arg2[%dma_wait3A_523] : memref<32768xf32, #tpu.memory_space<hbm>> -> memref<128xf32, #tpu.memory_space<hbm>>
    tpu.wait_dma2 semaphore(%arg33 : memref<!tpu.dma_semaphore, #tpu.memory_space<semaphore_mem>>) src(%dma_wait3A_524 : memref<128xf32, #tpu.memory_space<hbm>>) dst(%arg19 : memref<128xi32, #tpu.memory_space<vmem>>)
    %dma_wait3A_525 = arith.constant 0 : i32
    %dma_wait3A_526 = tpu.memref_slice %arg2[%dma_wait3A_525] : memref<32768xf32, #tpu.memory_space<hbm>> -> memref<128xf32, #tpu.memory_space<hbm>>
    %dma_wait3A_527 = arith.constant 0 : i32
    %dma_wait3A_528 = tpu.memref_slice %arg2[%dma_wait3A_527] : memref<32768xf32, #tpu.memory_space<hbm>> -> memref<128xf32, #tpu.memory_space<hbm>>
    tpu.wait_dma2 semaphore(%arg33 : memref<!tpu.dma_semaphore, #tpu.memory_space<semaphore_mem>>) src(%dma_wait3A_528 : memref<128xf32, #tpu.memory_space<hbm>>) dst(%arg19 : memref<128xi32, #tpu.memory_space<vmem>>)
    %dma_wait3A_529 = arith.constant 0 : i32
    %dma_wait3A_530 = tpu.memref_slice %arg2[%dma_wait3A_529] : memref<32768xf32, #tpu.memory_space<hbm>> -> memref<128xf32, #tpu.memory_space<hbm>>
    %dma_wait3A_531 = arith.constant 0 : i32
    %dma_wait3A_532 = tpu.memref_slice %arg2[%dma_wait3A_531] : memref<32768xf32, #tpu.memory_space<hbm>> -> memref<128xf32, #tpu.memory_space<hbm>>
    tpu.wait_dma2 semaphore(%arg33 : memref<!tpu.dma_semaphore, #tpu.memory_space<semaphore_mem>>) src(%dma_wait3A_532 : memref<128xf32, #tpu.memory_space<hbm>>) dst(%arg19 : memref<128xi32, #tpu.memory_space<vmem>>)
    %dma_wait3A_533 = arith.constant 0 : i32
    %dma_wait3A_534 = tpu.memref_slice %arg2[%dma_wait3A_533] : memref<32768xf32, #tpu.memory_space<hbm>> -> memref<128xf32, #tpu.memory_space<hbm>>
    %dma_wait3A_535 = arith.constant 0 : i32
    %dma_wait3A_536 = tpu.memref_slice %arg2[%dma_wait3A_535] : memref<32768xf32, #tpu.memory_space<hbm>> -> memref<128xf32, #tpu.memory_space<hbm>>
    tpu.wait_dma2 semaphore(%arg33 : memref<!tpu.dma_semaphore, #tpu.memory_space<semaphore_mem>>) src(%dma_wait3A_536 : memref<128xf32, #tpu.memory_space<hbm>>) dst(%arg19 : memref<128xi32, #tpu.memory_space<vmem>>)
    %dma_wait3A_537 = arith.constant 0 : i32
    %dma_wait3A_538 = tpu.memref_slice %arg2[%dma_wait3A_537] : memref<32768xf32, #tpu.memory_space<hbm>> -> memref<128xf32, #tpu.memory_space<hbm>>
    %dma_wait3A_539 = arith.constant 0 : i32
    %dma_wait3A_540 = tpu.memref_slice %arg2[%dma_wait3A_539] : memref<32768xf32, #tpu.memory_space<hbm>> -> memref<128xf32, #tpu.memory_space<hbm>>
    tpu.wait_dma2 semaphore(%arg33 : memref<!tpu.dma_semaphore, #tpu.memory_space<semaphore_mem>>) src(%dma_wait3A_540 : memref<128xf32, #tpu.memory_space<hbm>>) dst(%arg19 : memref<128xi32, #tpu.memory_space<vmem>>)
    %dma_wait3A_541 = arith.constant 0 : i32
    %dma_wait3A_542 = tpu.memref_slice %arg2[%dma_wait3A_541] : memref<32768xf32, #tpu.memory_space<hbm>> -> memref<128xf32, #tpu.memory_space<hbm>>
    %dma_wait3A_543 = arith.constant 0 : i32
    %dma_wait3A_544 = tpu.memref_slice %arg2[%dma_wait3A_543] : memref<32768xf32, #tpu.memory_space<hbm>> -> memref<128xf32, #tpu.memory_space<hbm>>
    tpu.wait_dma2 semaphore(%arg33 : memref<!tpu.dma_semaphore, #tpu.memory_space<semaphore_mem>>) src(%dma_wait3A_544 : memref<128xf32, #tpu.memory_space<hbm>>) dst(%arg19 : memref<128xi32, #tpu.memory_space<vmem>>)
    %dma_wait3A_545 = arith.constant 0 : i32
    %dma_wait3A_546 = tpu.memref_slice %arg2[%dma_wait3A_545] : memref<32768xf32, #tpu.memory_space<hbm>> -> memref<128xf32, #tpu.memory_space<hbm>>
    %dma_wait3A_547 = arith.constant 0 : i32
    %dma_wait3A_548 = tpu.memref_slice %arg2[%dma_wait3A_547] : memref<32768xf32, #tpu.memory_space<hbm>> -> memref<128xf32, #tpu.memory_space<hbm>>
    tpu.wait_dma2 semaphore(%arg33 : memref<!tpu.dma_semaphore, #tpu.memory_space<semaphore_mem>>) src(%dma_wait3A_548 : memref<128xf32, #tpu.memory_space<hbm>>) dst(%arg19 : memref<128xi32, #tpu.memory_space<vmem>>)
    %dma_wait3A_549 = arith.constant 0 : i32
    %dma_wait3A_550 = tpu.memref_slice %arg2[%dma_wait3A_549] : memref<32768xf32, #tpu.memory_space<hbm>> -> memref<128xf32, #tpu.memory_space<hbm>>
    %dma_wait3A_551 = arith.constant 0 : i32
    %dma_wait3A_552 = tpu.memref_slice %arg2[%dma_wait3A_551] : memref<32768xf32, #tpu.memory_space<hbm>> -> memref<128xf32, #tpu.memory_space<hbm>>
    tpu.wait_dma2 semaphore(%arg33 : memref<!tpu.dma_semaphore, #tpu.memory_space<semaphore_mem>>) src(%dma_wait3A_552 : memref<128xf32, #tpu.memory_space<hbm>>) dst(%arg19 : memref<128xi32, #tpu.memory_space<vmem>>)
    %dma_wait3A_553 = arith.constant 0 : i32
    %dma_wait3A_554 = tpu.memref_slice %arg2[%dma_wait3A_553] : memref<32768xf32, #tpu.memory_space<hbm>> -> memref<128xf32, #tpu.memory_space<hbm>>
    %dma_wait3A_555 = arith.constant 0 : i32
    %dma_wait3A_556 = tpu.memref_slice %arg2[%dma_wait3A_555] : memref<32768xf32, #tpu.memory_space<hbm>> -> memref<128xf32, #tpu.memory_space<hbm>>
    tpu.wait_dma2 semaphore(%arg33 : memref<!tpu.dma_semaphore, #tpu.memory_space<semaphore_mem>>) src(%dma_wait3A_556 : memref<128xf32, #tpu.memory_space<hbm>>) dst(%arg19 : memref<128xi32, #tpu.memory_space<vmem>>)
    %dma_wait3A_557 = arith.constant 0 : i32
    %dma_wait3A_558 = tpu.memref_slice %arg2[%dma_wait3A_557] : memref<32768xf32, #tpu.memory_space<hbm>> -> memref<128xf32, #tpu.memory_space<hbm>>
    %dma_wait3A_559 = arith.constant 0 : i32
    %dma_wait3A_560 = tpu.memref_slice %arg2[%dma_wait3A_559] : memref<32768xf32, #tpu.memory_space<hbm>> -> memref<128xf32, #tpu.memory_space<hbm>>
    tpu.wait_dma2 semaphore(%arg33 : memref<!tpu.dma_semaphore, #tpu.memory_space<semaphore_mem>>) src(%dma_wait3A_560 : memref<128xf32, #tpu.memory_space<hbm>>) dst(%arg19 : memref<128xi32, #tpu.memory_space<vmem>>)
    %dma_wait3A_561 = arith.constant 0 : i32
    %dma_wait3A_562 = tpu.memref_slice %arg2[%dma_wait3A_561] : memref<32768xf32, #tpu.memory_space<hbm>> -> memref<128xf32, #tpu.memory_space<hbm>>
    %dma_wait3A_563 = arith.constant 0 : i32
    %dma_wait3A_564 = tpu.memref_slice %arg2[%dma_wait3A_563] : memref<32768xf32, #tpu.memory_space<hbm>> -> memref<128xf32, #tpu.memory_space<hbm>>
    tpu.wait_dma2 semaphore(%arg33 : memref<!tpu.dma_semaphore, #tpu.memory_space<semaphore_mem>>) src(%dma_wait3A_564 : memref<128xf32, #tpu.memory_space<hbm>>) dst(%arg19 : memref<128xi32, #tpu.memory_space<vmem>>)
    %dma_wait3A_565 = arith.constant 0 : i32
    %dma_wait3A_566 = tpu.memref_slice %arg2[%dma_wait3A_565] : memref<32768xf32, #tpu.memory_space<hbm>> -> memref<128xf32, #tpu.memory_space<hbm>>
    %dma_wait3A_567 = arith.constant 0 : i32
    %dma_wait3A_568 = tpu.memref_slice %arg2[%dma_wait3A_567] : memref<32768xf32, #tpu.memory_space<hbm>> -> memref<128xf32, #tpu.memory_space<hbm>>
    tpu.wait_dma2 semaphore(%arg33 : memref<!tpu.dma_semaphore, #tpu.memory_space<semaphore_mem>>) src(%dma_wait3A_568 : memref<128xf32, #tpu.memory_space<hbm>>) dst(%arg19 : memref<128xi32, #tpu.memory_space<vmem>>)
    %dma_wait3A_569 = arith.constant 0 : i32
    %dma_wait3A_570 = tpu.memref_slice %arg2[%dma_wait3A_569] : memref<32768xf32, #tpu.memory_space<hbm>> -> memref<128xf32, #tpu.memory_space<hbm>>
    %dma_wait3A_571 = arith.constant 0 : i32
    %dma_wait3A_572 = tpu.memref_slice %arg2[%dma_wait3A_571] : memref<32768xf32, #tpu.memory_space<hbm>> -> memref<128xf32, #tpu.memory_space<hbm>>
    tpu.wait_dma2 semaphore(%arg33 : memref<!tpu.dma_semaphore, #tpu.memory_space<semaphore_mem>>) src(%dma_wait3A_572 : memref<128xf32, #tpu.memory_space<hbm>>) dst(%arg19 : memref<128xi32, #tpu.memory_space<vmem>>)
    %dma_wait3A_573 = arith.constant 0 : i32
    %dma_wait3A_574 = tpu.memref_slice %arg2[%dma_wait3A_573] : memref<32768xf32, #tpu.memory_space<hbm>> -> memref<128xf32, #tpu.memory_space<hbm>>
    %dma_wait3A_575 = arith.constant 0 : i32
    %dma_wait3A_576 = tpu.memref_slice %arg2[%dma_wait3A_575] : memref<32768xf32, #tpu.memory_space<hbm>> -> memref<128xf32, #tpu.memory_space<hbm>>
    tpu.wait_dma2 semaphore(%arg33 : memref<!tpu.dma_semaphore, #tpu.memory_space<semaphore_mem>>) src(%dma_wait3A_576 : memref<128xf32, #tpu.memory_space<hbm>>) dst(%arg19 : memref<128xi32, #tpu.memory_space<vmem>>)
    %dma_wait3A_577 = arith.constant 0 : i32
    %dma_wait3A_578 = tpu.memref_slice %arg2[%dma_wait3A_577] : memref<32768xf32, #tpu.memory_space<hbm>> -> memref<128xf32, #tpu.memory_space<hbm>>
    %dma_wait3A_579 = arith.constant 0 : i32
    %dma_wait3A_580 = tpu.memref_slice %arg2[%dma_wait3A_579] : memref<32768xf32, #tpu.memory_space<hbm>> -> memref<128xf32, #tpu.memory_space<hbm>>
    tpu.wait_dma2 semaphore(%arg33 : memref<!tpu.dma_semaphore, #tpu.memory_space<semaphore_mem>>) src(%dma_wait3A_580 : memref<128xf32, #tpu.memory_space<hbm>>) dst(%arg19 : memref<128xi32, #tpu.memory_space<vmem>>)
    %dma_wait3A_581 = arith.constant 0 : i32
    %dma_wait3A_582 = tpu.memref_slice %arg2[%dma_wait3A_581] : memref<32768xf32, #tpu.memory_space<hbm>> -> memref<128xf32, #tpu.memory_space<hbm>>
    %dma_wait3A_583 = arith.constant 0 : i32
    %dma_wait3A_584 = tpu.memref_slice %arg2[%dma_wait3A_583] : memref<32768xf32, #tpu.memory_space<hbm>> -> memref<128xf32, #tpu.memory_space<hbm>>
    tpu.wait_dma2 semaphore(%arg33 : memref<!tpu.dma_semaphore, #tpu.memory_space<semaphore_mem>>) src(%dma_wait3A_584 : memref<128xf32, #tpu.memory_space<hbm>>) dst(%arg19 : memref<128xi32, #tpu.memory_space<vmem>>)
    %dma_wait3A_585 = arith.constant 0 : i32
    %dma_wait3A_586 = tpu.memref_slice %arg2[%dma_wait3A_585] : memref<32768xf32, #tpu.memory_space<hbm>> -> memref<128xf32, #tpu.memory_space<hbm>>
    %dma_wait3A_587 = arith.constant 0 : i32
    %dma_wait3A_588 = tpu.memref_slice %arg2[%dma_wait3A_587] : memref<32768xf32, #tpu.memory_space<hbm>> -> memref<128xf32, #tpu.memory_space<hbm>>
    tpu.wait_dma2 semaphore(%arg33 : memref<!tpu.dma_semaphore, #tpu.memory_space<semaphore_mem>>) src(%dma_wait3A_588 : memref<128xf32, #tpu.memory_space<hbm>>) dst(%arg19 : memref<128xi32, #tpu.memory_space<vmem>>)
    %dma_wait3A_589 = arith.constant 0 : i32
    %dma_wait3A_590 = tpu.memref_slice %arg2[%dma_wait3A_589] : memref<32768xf32, #tpu.memory_space<hbm>> -> memref<128xf32, #tpu.memory_space<hbm>>
    %dma_wait3A_591 = arith.constant 0 : i32
    %dma_wait3A_592 = tpu.memref_slice %arg2[%dma_wait3A_591] : memref<32768xf32, #tpu.memory_space<hbm>> -> memref<128xf32, #tpu.memory_space<hbm>>
    tpu.wait_dma2 semaphore(%arg33 : memref<!tpu.dma_semaphore, #tpu.memory_space<semaphore_mem>>) src(%dma_wait3A_592 : memref<128xf32, #tpu.memory_space<hbm>>) dst(%arg19 : memref<128xi32, #tpu.memory_space<vmem>>)
    %dma_wait3A_593 = arith.constant 0 : i32
    %dma_wait3A_594 = tpu.memref_slice %arg2[%dma_wait3A_593] : memref<32768xf32, #tpu.memory_space<hbm>> -> memref<128xf32, #tpu.memory_space<hbm>>
    %dma_wait3A_595 = arith.constant 0 : i32
    %dma_wait3A_596 = tpu.memref_slice %arg2[%dma_wait3A_595] : memref<32768xf32, #tpu.memory_space<hbm>> -> memref<128xf32, #tpu.memory_space<hbm>>
    tpu.wait_dma2 semaphore(%arg33 : memref<!tpu.dma_semaphore, #tpu.memory_space<semaphore_mem>>) src(%dma_wait3A_596 : memref<128xf32, #tpu.memory_space<hbm>>) dst(%arg19 : memref<128xi32, #tpu.memory_space<vmem>>)
    %dma_wait3A_597 = arith.constant 0 : i32
    %dma_wait3A_598 = tpu.memref_slice %arg2[%dma_wait3A_597] : memref<32768xf32, #tpu.memory_space<hbm>> -> memref<128xf32, #tpu.memory_space<hbm>>
    %dma_wait3A_599 = arith.constant 0 : i32
    %dma_wait3A_600 = tpu.memref_slice %arg2[%dma_wait3A_599] : memref<32768xf32, #tpu.memory_space<hbm>> -> memref<128xf32, #tpu.memory_space<hbm>>
    tpu.wait_dma2 semaphore(%arg33 : memref<!tpu.dma_semaphore, #tpu.memory_space<semaphore_mem>>) src(%dma_wait3A_600 : memref<128xf32, #tpu.memory_space<hbm>>) dst(%arg19 : memref<128xi32, #tpu.memory_space<vmem>>)
    %dma_wait3A_601 = arith.constant 0 : i32
    %dma_wait3A_602 = tpu.memref_slice %arg2[%dma_wait3A_601] : memref<32768xf32, #tpu.memory_space<hbm>> -> memref<128xf32, #tpu.memory_space<hbm>>
    %dma_wait3A_603 = arith.constant 0 : i32
    %dma_wait3A_604 = tpu.memref_slice %arg2[%dma_wait3A_603] : memref<32768xf32, #tpu.memory_space<hbm>> -> memref<128xf32, #tpu.memory_space<hbm>>
    tpu.wait_dma2 semaphore(%arg33 : memref<!tpu.dma_semaphore, #tpu.memory_space<semaphore_mem>>) src(%dma_wait3A_604 : memref<128xf32, #tpu.memory_space<hbm>>) dst(%arg19 : memref<128xi32, #tpu.memory_space<vmem>>)
    %barrier3A_605 = arith.constant 0 : index
    tpu.barrier barrier_id(%barrier3A_605)
    %dma_start3A_606 = tpu.memref_slice %arg24[%mul3A_0] : memref<32768xi32, #tpu.memory_space<vmem_shared>> -> memref<2048xi32, #tpu.memory_space<vmem_shared>>
    %dma_start3A_607 = tpu.memref_slice %arg24[%mul3A_0] : memref<32768xi32, #tpu.memory_space<vmem_shared>> -> memref<2048xi32, #tpu.memory_space<vmem_shared>>
    tpu.enqueue_dma source(%dma_start3A_607 : memref<2048xi32, #tpu.memory_space<vmem_shared>>) target(%arg6 : memref<2048xi32, #tpu.memory_space<vmem>>) target_semaphore(%arg34 : memref<!tpu.dma_semaphore, #tpu.memory_space<semaphore_mem>>)
    "tpu.region"() ({
      %run_scoped3A = tpu.sem_alloc : memref<!tpu.dma_semaphore, #tpu.memory_space<semaphore_mem>>
      tpu.enqueue_dma source(%arg32 : memref<4096xi32, #tpu.memory_space<vmem_shared>>) target(%arg10 : memref<4096xi32, #tpu.memory_space<vmem>>) target_semaphore(%run_scoped3A : memref<!tpu.dma_semaphore, #tpu.memory_space<semaphore_mem>>)
      tpu.wait_dma2 semaphore(%run_scoped3A : memref<!tpu.dma_semaphore, #tpu.memory_space<semaphore_mem>>) src(%arg32 : memref<4096xi32, #tpu.memory_space<vmem_shared>>) dst(%arg10 : memref<4096xi32, #tpu.memory_space<vmem>>)
      tpu.yield
    }) : () -> ()
    %scan3A_608 = arith.constant 0 : i32
    %scan3A_609 = arith.constant 16 : i32
    %scan3A_610 = arith.addi %scan3A_608, %scan3A_609 : i32
    %scan3A_611 = arith.constant 1 : i32
    scf.for %scan3A_1028 = %scan3A_608 to %scan3A_610 step %scan3A_611  : i32 {
      %mul3A_1029 = arith.constant 1 : i32
      %mul3A_1030 = arith.muli %scan3A_1028, %mul3A_1029 : i32
      %add3A_1031 = arith.constant 0 : i32
      %add3A_1032 = arith.addi %add3A_1031, %mul3A_1030 : i32
      %mul3A_1033 = arith.constant 16 : i32
      %mul3A_1034 = arith.muli %add3A_1032, %mul3A_1033 : i32
      %add3A_1035 = arith.constant 0 : i32
      %add3A_1036 = arith.addi %add3A_1035, %mul3A_1034 : i32
      %get3A = arith.index_cast %add3A_1036 : i32 to index
      %get3A_1037 = tpu.vector_load %arg10[%get3A] {strides = array<i32>} : memref<4096xi32, #tpu.memory_space<vmem>>, vector<16xi32>,
      %gt3A = arith.constant 0 : i32
      %gt3A_1038 = arith.cmpi sgt, %arg1, %gt3A : i32
      %jit3A = arith.constant 0 : i32
      %broadcast_in_dim3A_1039 = vector.broadcast %jit3A : i32 to vector<16xi32>
      %select_n3A = arith.select %gt3A_1038, %get3A_1037, %broadcast_in_dim3A_1039 : vector<16xi32>
      %add3A_1040 = arith.addi %broadcast_in_dim3A_3, %select_n3A : vector<16xi32>
      %add3A_1041 = arith.addi %broadcast_in_dim3A_3, %get3A_1037 : vector<16xi32>
      %mul3A_1042 = arith.constant 16 : i32
      %mul3A_1043 = arith.muli %add3A_1032, %mul3A_1042 : i32
      %add3A_1044 = arith.constant 256 : i32
      %add3A_1045 = arith.addi %add3A_1044, %mul3A_1043 : i32
      %get3A_1046 = arith.index_cast %add3A_1045 : i32 to index
      %get3A_1047 = tpu.vector_load %arg10[%get3A_1046] {strides = array<i32>} : memref<4096xi32, #tpu.memory_space<vmem>>, vector<16xi32>,
      %gt3A_1048 = arith.constant 1 : i32
      %gt3A_1049 = arith.cmpi sgt, %arg1, %gt3A_1048 : i32
      %jit3A_1050 = arith.constant 0 : i32
      %broadcast_in_dim3A_1051 = vector.broadcast %jit3A_1050 : i32 to vector<16xi32>
      %select_n3A_1052 = arith.select %gt3A_1049, %get3A_1047, %broadcast_in_dim3A_1051 : vector<16xi32>
      %add3A_1053 = arith.addi %add3A_1040, %select_n3A_1052 : vector<16xi32>
      %add3A_1054 = arith.addi %add3A_1041, %get3A_1047 : vector<16xi32>
      %mul3A_1055 = arith.constant 16 : i32
      %mul3A_1056 = arith.muli %add3A_1032, %mul3A_1055 : i32
      %add3A_1057 = arith.constant 512 : i32
      %add3A_1058 = arith.addi %add3A_1057, %mul3A_1056 : i32
      %get3A_1059 = arith.index_cast %add3A_1058 : i32 to index
      %get3A_1060 = tpu.vector_load %arg10[%get3A_1059] {strides = array<i32>} : memref<4096xi32, #tpu.memory_space<vmem>>, vector<16xi32>,
      %gt3A_1061 = arith.constant 2 : i32
      %gt3A_1062 = arith.cmpi sgt, %arg1, %gt3A_1061 : i32
      %jit3A_1063 = arith.constant 0 : i32
      %broadcast_in_dim3A_1064 = vector.broadcast %jit3A_1063 : i32 to vector<16xi32>
      %select_n3A_1065 = arith.select %gt3A_1062, %get3A_1060, %broadcast_in_dim3A_1064 : vector<16xi32>
      %add3A_1066 = arith.addi %add3A_1053, %select_n3A_1065 : vector<16xi32>
      %add3A_1067 = arith.addi %add3A_1054, %get3A_1060 : vector<16xi32>
      %mul3A_1068 = arith.constant 16 : i32
      %mul3A_1069 = arith.muli %add3A_1032, %mul3A_1068 : i32
      %add3A_1070 = arith.constant 768 : i32
      %add3A_1071 = arith.addi %add3A_1070, %mul3A_1069 : i32
      %get3A_1072 = arith.index_cast %add3A_1071 : i32 to index
      %get3A_1073 = tpu.vector_load %arg10[%get3A_1072] {strides = array<i32>} : memref<4096xi32, #tpu.memory_space<vmem>>, vector<16xi32>,
      %gt3A_1074 = arith.constant 3 : i32
      %gt3A_1075 = arith.cmpi sgt, %arg1, %gt3A_1074 : i32
      %jit3A_1076 = arith.constant 0 : i32
      %broadcast_in_dim3A_1077 = vector.broadcast %jit3A_1076 : i32 to vector<16xi32>
      %select_n3A_1078 = arith.select %gt3A_1075, %get3A_1073, %broadcast_in_dim3A_1077 : vector<16xi32>
      %add3A_1079 = arith.addi %add3A_1066, %select_n3A_1078 : vector<16xi32>
      %add3A_1080 = arith.addi %add3A_1067, %get3A_1073 : vector<16xi32>
      %mul3A_1081 = arith.constant 16 : i32
      %mul3A_1082 = arith.muli %add3A_1032, %mul3A_1081 : i32
      %add3A_1083 = arith.constant 1024 : i32
      %add3A_1084 = arith.addi %add3A_1083, %mul3A_1082 : i32
      %get3A_1085 = arith.index_cast %add3A_1084 : i32 to index
      %get3A_1086 = tpu.vector_load %arg10[%get3A_1085] {strides = array<i32>} : memref<4096xi32, #tpu.memory_space<vmem>>, vector<16xi32>,
      %gt3A_1087 = arith.constant 4 : i32
      %gt3A_1088 = arith.cmpi sgt, %arg1, %gt3A_1087 : i32
      %jit3A_1089 = arith.constant 0 : i32
      %broadcast_in_dim3A_1090 = vector.broadcast %jit3A_1089 : i32 to vector<16xi32>
      %select_n3A_1091 = arith.select %gt3A_1088, %get3A_1086, %broadcast_in_dim3A_1090 : vector<16xi32>
      %add3A_1092 = arith.addi %add3A_1079, %select_n3A_1091 : vector<16xi32>
      %add3A_1093 = arith.addi %add3A_1080, %get3A_1086 : vector<16xi32>
      %mul3A_1094 = arith.constant 16 : i32
      %mul3A_1095 = arith.muli %add3A_1032, %mul3A_1094 : i32
      %add3A_1096 = arith.constant 1280 : i32
      %add3A_1097 = arith.addi %add3A_1096, %mul3A_1095 : i32
      %get3A_1098 = arith.index_cast %add3A_1097 : i32 to index
      %get3A_1099 = tpu.vector_load %arg10[%get3A_1098] {strides = array<i32>} : memref<4096xi32, #tpu.memory_space<vmem>>, vector<16xi32>,
      %gt3A_1100 = arith.constant 5 : i32
      %gt3A_1101 = arith.cmpi sgt, %arg1, %gt3A_1100 : i32
      %jit3A_1102 = arith.constant 0 : i32
      %broadcast_in_dim3A_1103 = vector.broadcast %jit3A_1102 : i32 to vector<16xi32>
      %select_n3A_1104 = arith.select %gt3A_1101, %get3A_1099, %broadcast_in_dim3A_1103 : vector<16xi32>
      %add3A_1105 = arith.addi %add3A_1092, %select_n3A_1104 : vector<16xi32>
      %add3A_1106 = arith.addi %add3A_1093, %get3A_1099 : vector<16xi32>
      %mul3A_1107 = arith.constant 16 : i32
      %mul3A_1108 = arith.muli %add3A_1032, %mul3A_1107 : i32
      %add3A_1109 = arith.constant 1536 : i32
      %add3A_1110 = arith.addi %add3A_1109, %mul3A_1108 : i32
      %get3A_1111 = arith.index_cast %add3A_1110 : i32 to index
      %get3A_1112 = tpu.vector_load %arg10[%get3A_1111] {strides = array<i32>} : memref<4096xi32, #tpu.memory_space<vmem>>, vector<16xi32>,
      %gt3A_1113 = arith.constant 6 : i32
      %gt3A_1114 = arith.cmpi sgt, %arg1, %gt3A_1113 : i32
      %jit3A_1115 = arith.constant 0 : i32
      %broadcast_in_dim3A_1116 = vector.broadcast %jit3A_1115 : i32 to vector<16xi32>
      %select_n3A_1117 = arith.select %gt3A_1114, %get3A_1112, %broadcast_in_dim3A_1116 : vector<16xi32>
      %add3A_1118 = arith.addi %add3A_1105, %select_n3A_1117 : vector<16xi32>
      %add3A_1119 = arith.addi %add3A_1106, %get3A_1112 : vector<16xi32>
      %mul3A_1120 = arith.constant 16 : i32
      %mul3A_1121 = arith.muli %add3A_1032, %mul3A_1120 : i32
      %add3A_1122 = arith.constant 1792 : i32
      %add3A_1123 = arith.addi %add3A_1122, %mul3A_1121 : i32
      %get3A_1124 = arith.index_cast %add3A_1123 : i32 to index
      %get3A_1125 = tpu.vector_load %arg10[%get3A_1124] {strides = array<i32>} : memref<4096xi32, #tpu.memory_space<vmem>>, vector<16xi32>,
      %gt3A_1126 = arith.constant 7 : i32
      %gt3A_1127 = arith.cmpi sgt, %arg1, %gt3A_1126 : i32
      %jit3A_1128 = arith.constant 0 : i32
      %broadcast_in_dim3A_1129 = vector.broadcast %jit3A_1128 : i32 to vector<16xi32>
      %select_n3A_1130 = arith.select %gt3A_1127, %get3A_1125, %broadcast_in_dim3A_1129 : vector<16xi32>
      %add3A_1131 = arith.addi %add3A_1118, %select_n3A_1130 : vector<16xi32>
      %add3A_1132 = arith.addi %add3A_1119, %get3A_1125 : vector<16xi32>
      %mul3A_1133 = arith.constant 16 : i32
      %mul3A_1134 = arith.muli %add3A_1032, %mul3A_1133 : i32
      %add3A_1135 = arith.constant 2048 : i32
      %add3A_1136 = arith.addi %add3A_1135, %mul3A_1134 : i32
      %get3A_1137 = arith.index_cast %add3A_1136 : i32 to index
      %get3A_1138 = tpu.vector_load %arg10[%get3A_1137] {strides = array<i32>} : memref<4096xi32, #tpu.memory_space<vmem>>, vector<16xi32>,
      %gt3A_1139 = arith.constant 8 : i32
      %gt3A_1140 = arith.cmpi sgt, %arg1, %gt3A_1139 : i32
      %jit3A_1141 = arith.constant 0 : i32
      %broadcast_in_dim3A_1142 = vector.broadcast %jit3A_1141 : i32 to vector<16xi32>
      %select_n3A_1143 = arith.select %gt3A_1140, %get3A_1138, %broadcast_in_dim3A_1142 : vector<16xi32>
      %add3A_1144 = arith.addi %add3A_1131, %select_n3A_1143 : vector<16xi32>
      %add3A_1145 = arith.addi %add3A_1132, %get3A_1138 : vector<16xi32>
      %mul3A_1146 = arith.constant 16 : i32
      %mul3A_1147 = arith.muli %add3A_1032, %mul3A_1146 : i32
      %add3A_1148 = arith.constant 2304 : i32
      %add3A_1149 = arith.addi %add3A_1148, %mul3A_1147 : i32
      %get3A_1150 = arith.index_cast %add3A_1149 : i32 to index
      %get3A_1151 = tpu.vector_load %arg10[%get3A_1150] {strides = array<i32>} : memref<4096xi32, #tpu.memory_space<vmem>>, vector<16xi32>,
      %gt3A_1152 = arith.constant 9 : i32
      %gt3A_1153 = arith.cmpi sgt, %arg1, %gt3A_1152 : i32
      %jit3A_1154 = arith.constant 0 : i32
      %broadcast_in_dim3A_1155 = vector.broadcast %jit3A_1154 : i32 to vector<16xi32>
      %select_n3A_1156 = arith.select %gt3A_1153, %get3A_1151, %broadcast_in_dim3A_1155 : vector<16xi32>
      %add3A_1157 = arith.addi %add3A_1144, %select_n3A_1156 : vector<16xi32>
      %add3A_1158 = arith.addi %add3A_1145, %get3A_1151 : vector<16xi32>
      %mul3A_1159 = arith.constant 16 : i32
      %mul3A_1160 = arith.muli %add3A_1032, %mul3A_1159 : i32
      %add3A_1161 = arith.constant 2560 : i32
      %add3A_1162 = arith.addi %add3A_1161, %mul3A_1160 : i32
      %get3A_1163 = arith.index_cast %add3A_1162 : i32 to index
      %get3A_1164 = tpu.vector_load %arg10[%get3A_1163] {strides = array<i32>} : memref<4096xi32, #tpu.memory_space<vmem>>, vector<16xi32>,
      %gt3A_1165 = arith.constant 10 : i32
      %gt3A_1166 = arith.cmpi sgt, %arg1, %gt3A_1165 : i32
      %jit3A_1167 = arith.constant 0 : i32
      %broadcast_in_dim3A_1168 = vector.broadcast %jit3A_1167 : i32 to vector<16xi32>
      %select_n3A_1169 = arith.select %gt3A_1166, %get3A_1164, %broadcast_in_dim3A_1168 : vector<16xi32>
      %add3A_1170 = arith.addi %add3A_1157, %select_n3A_1169 : vector<16xi32>
      %add3A_1171 = arith.addi %add3A_1158, %get3A_1164 : vector<16xi32>
      %mul3A_1172 = arith.constant 16 : i32
      %mul3A_1173 = arith.muli %add3A_1032, %mul3A_1172 : i32
      %add3A_1174 = arith.constant 2816 : i32
      %add3A_1175 = arith.addi %add3A_1174, %mul3A_1173 : i32
      %get3A_1176 = arith.index_cast %add3A_1175 : i32 to index
      %get3A_1177 = tpu.vector_load %arg10[%get3A_1176] {strides = array<i32>} : memref<4096xi32, #tpu.memory_space<vmem>>, vector<16xi32>,
      %gt3A_1178 = arith.constant 11 : i32
      %gt3A_1179 = arith.cmpi sgt, %arg1, %gt3A_1178 : i32
      %jit3A_1180 = arith.constant 0 : i32
      %broadcast_in_dim3A_1181 = vector.broadcast %jit3A_1180 : i32 to vector<16xi32>
      %select_n3A_1182 = arith.select %gt3A_1179, %get3A_1177, %broadcast_in_dim3A_1181 : vector<16xi32>
      %add3A_1183 = arith.addi %add3A_1170, %select_n3A_1182 : vector<16xi32>
      %add3A_1184 = arith.addi %add3A_1171, %get3A_1177 : vector<16xi32>
      %mul3A_1185 = arith.constant 16 : i32
      %mul3A_1186 = arith.muli %add3A_1032, %mul3A_1185 : i32
      %add3A_1187 = arith.constant 3072 : i32
      %add3A_1188 = arith.addi %add3A_1187, %mul3A_1186 : i32
      %get3A_1189 = arith.index_cast %add3A_1188 : i32 to index
      %get3A_1190 = tpu.vector_load %arg10[%get3A_1189] {strides = array<i32>} : memref<4096xi32, #tpu.memory_space<vmem>>, vector<16xi32>,
      %gt3A_1191 = arith.constant 12 : i32
      %gt3A_1192 = arith.cmpi sgt, %arg1, %gt3A_1191 : i32
      %jit3A_1193 = arith.constant 0 : i32
      %broadcast_in_dim3A_1194 = vector.broadcast %jit3A_1193 : i32 to vector<16xi32>
      %select_n3A_1195 = arith.select %gt3A_1192, %get3A_1190, %broadcast_in_dim3A_1194 : vector<16xi32>
      %add3A_1196 = arith.addi %add3A_1183, %select_n3A_1195 : vector<16xi32>
      %add3A_1197 = arith.addi %add3A_1184, %get3A_1190 : vector<16xi32>
      %mul3A_1198 = arith.constant 16 : i32
      %mul3A_1199 = arith.muli %add3A_1032, %mul3A_1198 : i32
      %add3A_1200 = arith.constant 3328 : i32
      %add3A_1201 = arith.addi %add3A_1200, %mul3A_1199 : i32
      %get3A_1202 = arith.index_cast %add3A_1201 : i32 to index
      %get3A_1203 = tpu.vector_load %arg10[%get3A_1202] {strides = array<i32>} : memref<4096xi32, #tpu.memory_space<vmem>>, vector<16xi32>,
      %gt3A_1204 = arith.constant 13 : i32
      %gt3A_1205 = arith.cmpi sgt, %arg1, %gt3A_1204 : i32
      %jit3A_1206 = arith.constant 0 : i32
      %broadcast_in_dim3A_1207 = vector.broadcast %jit3A_1206 : i32 to vector<16xi32>
      %select_n3A_1208 = arith.select %gt3A_1205, %get3A_1203, %broadcast_in_dim3A_1207 : vector<16xi32>
      %add3A_1209 = arith.addi %add3A_1196, %select_n3A_1208 : vector<16xi32>
      %add3A_1210 = arith.addi %add3A_1197, %get3A_1203 : vector<16xi32>
      %mul3A_1211 = arith.constant 16 : i32
      %mul3A_1212 = arith.muli %add3A_1032, %mul3A_1211 : i32
      %add3A_1213 = arith.constant 3584 : i32
      %add3A_1214 = arith.addi %add3A_1213, %mul3A_1212 : i32
      %get3A_1215 = arith.index_cast %add3A_1214 : i32 to index
      %get3A_1216 = tpu.vector_load %arg10[%get3A_1215] {strides = array<i32>} : memref<4096xi32, #tpu.memory_space<vmem>>, vector<16xi32>,
      %gt3A_1217 = arith.constant 14 : i32
      %gt3A_1218 = arith.cmpi sgt, %arg1, %gt3A_1217 : i32
      %jit3A_1219 = arith.constant 0 : i32
      %broadcast_in_dim3A_1220 = vector.broadcast %jit3A_1219 : i32 to vector<16xi32>
      %select_n3A_1221 = arith.select %gt3A_1218, %get3A_1216, %broadcast_in_dim3A_1220 : vector<16xi32>
      %add3A_1222 = arith.addi %add3A_1209, %select_n3A_1221 : vector<16xi32>
      %add3A_1223 = arith.addi %add3A_1210, %get3A_1216 : vector<16xi32>
      %mul3A_1224 = arith.constant 16 : i32
      %mul3A_1225 = arith.muli %add3A_1032, %mul3A_1224 : i32
      %add3A_1226 = arith.constant 3840 : i32
      %add3A_1227 = arith.addi %add3A_1226, %mul3A_1225 : i32
      %get3A_1228 = arith.index_cast %add3A_1227 : i32 to index
      %get3A_1229 = tpu.vector_load %arg10[%get3A_1228] {strides = array<i32>} : memref<4096xi32, #tpu.memory_space<vmem>>, vector<16xi32>,
      %gt3A_1230 = arith.constant 15 : i32
      %gt3A_1231 = arith.cmpi sgt, %arg1, %gt3A_1230 : i32
      %jit3A_1232 = arith.constant 0 : i32
      %broadcast_in_dim3A_1233 = vector.broadcast %jit3A_1232 : i32 to vector<16xi32>
      %select_n3A_1234 = arith.select %gt3A_1231, %get3A_1229, %broadcast_in_dim3A_1233 : vector<16xi32>
      %add3A_1235 = arith.addi %add3A_1222, %select_n3A_1234 : vector<16xi32>
      %add3A_1236 = arith.addi %add3A_1223, %get3A_1229 : vector<16xi32>
      %mul3A_1237 = arith.constant 16 : i32
      %mul3A_1238 = arith.muli %add3A_1032, %mul3A_1237 : i32
      %swap3A_1239 = arith.index_cast %mul3A_1238 : i32 to index
      %swap3A_1240 = tpu.vector_load %arg11[%swap3A_1239] {strides = array<i32>} : memref<256xi32, #tpu.memory_space<vmem>>, vector<16xi32>,
      tpu.vector_store %arg11[%swap3A_1239], %add3A_1236 {strides = array<i32>} : memref<256xi32, #tpu.memory_space<vmem>>, vector<16xi32>,
      %mul3A_1241 = arith.constant 16 : i32
      %mul3A_1242 = arith.muli %add3A_1032, %mul3A_1241 : i32
      %swap3A_1243 = arith.index_cast %mul3A_1242 : i32 to index
      %swap3A_1244 = tpu.vector_load %arg12[%swap3A_1243] {strides = array<i32>} : memref<256xi32, #tpu.memory_space<vmem>>, vector<16xi32>,
      tpu.vector_store %arg12[%swap3A_1243], %add3A_1235 {strides = array<i32>} : memref<256xi32, #tpu.memory_space<vmem>>, vector<16xi32>,
    }
    %scan3A_612 = arith.constant 16 : i32
    %scan3A_613 = arith.constant 0 : i32
    %scan3A_614 = arith.constant 16 : i32
    %scan3A_615 = arith.addi %scan3A_613, %scan3A_614 : i32
    %scan3A_616 = arith.constant 1 : i32
    scf.for %scan3A_1028 = %scan3A_613 to %scan3A_615 step %scan3A_616  : i32 {
      %mul3A_1029 = arith.constant 1 : i32
      %mul3A_1030 = arith.muli %scan3A_1028, %mul3A_1029 : i32
      %add3A_1031 = arith.constant 0 : i32
      %add3A_1032 = arith.addi %add3A_1031, %mul3A_1030 : i32
      %mul3A_1033 = arith.constant 16 : i32
      %mul3A_1034 = arith.muli %add3A_1032, %mul3A_1033 : i32
      %get3A = arith.index_cast %mul3A_1034 : i32 to index
      %get3A_1035 = tpu.vector_load %arg11[%get3A] {strides = array<i32>} : memref<256xi32, #tpu.memory_space<vmem>>, vector<16xi32>,
      %broadcast_in_dim3A_1036 = arith.constant true
      %broadcast_in_dim3A_1037 = vector.broadcast %broadcast_in_dim3A_1036 : i1 to vector<16xi1>
      %masked_cumsum3A_1038 = tpu.scan <sum>, %get3A_1035 masked %broadcast_in_dim3A_1037 : vector<16xi32>, vector<16xi1> -> vector<16xi32>
      %mul3A_1039 = arith.constant 16 : i32
      %mul3A_1040 = arith.muli %add3A_1032, %mul3A_1039 : i32
      %swap3A_1041 = arith.index_cast %mul3A_1040 : i32 to index
      %swap3A_1042 = tpu.vector_load %arg13[%swap3A_1041] {strides = array<i32>} : memref<256xi32, #tpu.memory_space<vmem>>, vector<16xi32>,
      tpu.vector_store %arg13[%swap3A_1041], %masked_cumsum3A_1038 {strides = array<i32>} : memref<256xi32, #tpu.memory_space<vmem>>, vector<16xi32>,
    }
    %scan3A_617 = arith.constant 16 : i32
    %mul3A_618 = arith.constant 16 : i32
    %mul3A_619 = vector.broadcast %mul3A_618 : i32 to vector<16xi32>
    %mul3A_620 = arith.muli %iota3A, %mul3A_619 : vector<16xi32>
    %add3A_621 = arith.constant 15 : i32
    %add3A_622 = vector.broadcast %add3A_621 : i32 to vector<16xi32>
    %add3A_623 = arith.addi %mul3A_620, %add3A_622 : vector<16xi32>
    %gather3A_624 = tpu.vector_load_idx %arg13[%add3A_623] : memref<256xi32, #tpu.memory_space<vmem>>[vector<16xi32>], vector<16xi32>,
    %broadcast_in_dim3A_625 = arith.constant true
    %broadcast_in_dim3A_626 = vector.broadcast %broadcast_in_dim3A_625 : i1 to vector<16xi1>
    %masked_cumsum3A_627 = tpu.scan <sum>, %gather3A_624 masked %broadcast_in_dim3A_626 : vector<16xi32>, vector<16xi1> -> vector<16xi32>
    %sub3A_628 = arith.subi %masked_cumsum3A_627, %gather3A_624 : vector<16xi32>
    %swap3A_629 = arith.constant 0 : index
    %swap3A_630 = tpu.vector_load %arg14[%swap3A_629] {strides = array<i32>} : memref<16xi32, #tpu.memory_space<vmem>>, vector<16xi32>,
    tpu.vector_store %arg14[%swap3A_629], %sub3A_628 {strides = array<i32>} : memref<16xi32, #tpu.memory_space<vmem>>, vector<16xi32>,
    %scan3A_631 = arith.constant 0 : i32
    %scan3A_632 = arith.constant 16 : i32
    %scan3A_633 = arith.addi %scan3A_631, %scan3A_632 : i32
    %scan3A_634 = arith.constant 1 : i32
    scf.for %scan3A_1028 = %scan3A_631 to %scan3A_633 step %scan3A_634  : i32 {
      %mul3A_1029 = arith.constant 1 : i32
      %mul3A_1030 = arith.muli %scan3A_1028, %mul3A_1029 : i32
      %add3A_1031 = arith.constant 0 : i32
      %add3A_1032 = arith.addi %add3A_1031, %mul3A_1030 : i32
      %mul3A_1033 = arith.constant 16 : i32
      %mul3A_1034 = arith.muli %add3A_1032, %mul3A_1033 : i32
      %broadcast_in_dim3A_1035 = vector.broadcast %add3A_1032 : i32 to vector<16xi32>
      %get3A = arith.index_cast %mul3A_1034 : i32 to index
      %get3A_1036 = tpu.vector_load %arg13[%get3A] {strides = array<i32>} : memref<256xi32, #tpu.memory_space<vmem>>, vector<16xi32>,
      %get3A_1037 = arith.index_cast %mul3A_1034 : i32 to index
      %get3A_1038 = tpu.vector_load %arg11[%get3A_1037] {strides = array<i32>} : memref<256xi32, #tpu.memory_space<vmem>>, vector<16xi32>,
      %sub3A_1039 = arith.subi %get3A_1036, %get3A_1038 : vector<16xi32>
      %get3A_1040 = arith.index_cast %mul3A_1034 : i32 to index
      %get3A_1041 = tpu.vector_load %arg12[%get3A_1040] {strides = array<i32>} : memref<256xi32, #tpu.memory_space<vmem>>, vector<16xi32>,
      %add3A_1042 = arith.addi %sub3A_1039, %get3A_1041 : vector<16xi32>
      %gather3A_1043 = tpu.vector_load_idx %arg14[%broadcast_in_dim3A_1035] : memref<16xi32, #tpu.memory_space<vmem>>[vector<16xi32>], vector<16xi32>,
      %add3A_1044 = arith.addi %add3A_1042, %gather3A_1043 : vector<16xi32>
      %swap3A_1045 = arith.index_cast %mul3A_1034 : i32 to index
      %swap3A_1046 = tpu.vector_load %arg9[%swap3A_1045] {strides = array<i32>} : memref<256xi32, #tpu.memory_space<vmem>>, vector<16xi32>,
      tpu.vector_store %arg9[%swap3A_1045], %add3A_1044 {strides = array<i32>} : memref<256xi32, #tpu.memory_space<vmem>>, vector<16xi32>,
    }
    %scan3A_635 = arith.constant 16 : i32
    %dma_wait3A_636 = tpu.memref_slice %arg24[%mul3A_0] : memref<32768xi32, #tpu.memory_space<vmem_shared>> -> memref<2048xi32, #tpu.memory_space<vmem_shared>>
    %dma_wait3A_637 = tpu.memref_slice %arg24[%mul3A_0] : memref<32768xi32, #tpu.memory_space<vmem_shared>> -> memref<2048xi32, #tpu.memory_space<vmem_shared>>
    tpu.wait_dma2 semaphore(%arg34 : memref<!tpu.dma_semaphore, #tpu.memory_space<semaphore_mem>>) src(%dma_wait3A_637 : memref<2048xi32, #tpu.memory_space<vmem_shared>>) dst(%arg6 : memref<2048xi32, #tpu.memory_space<vmem>>)
    %scan3A_638 = arith.constant 0 : i32
    %scan3A_639 = arith.constant 16 : i32
    %scan3A_640 = arith.addi %scan3A_638, %scan3A_639 : i32
    %scan3A_641 = arith.constant 1 : i32
    scf.for %scan3A_1028 = %scan3A_638 to %scan3A_640 step %scan3A_641  : i32 {
      %mul3A_1029 = arith.constant 1 : i32
      %mul3A_1030 = arith.muli %scan3A_1028, %mul3A_1029 : i32
      %add3A_1031 = arith.constant 0 : i32
      %add3A_1032 = arith.addi %add3A_1031, %mul3A_1030 : i32
      %mul3A_1033 = arith.constant 8 : i32
      %mul3A_1034 = arith.muli %add3A_1032, %mul3A_1033 : i32
      %add3A_1035 = arith.constant 0 : i32
      %add3A_1036 = arith.addi %mul3A_1034, %add3A_1035 : i32
      %mul3A_1037 = arith.constant 16 : i32
      %mul3A_1038 = arith.muli %add3A_1036, %mul3A_1037 : i32
      %get3A = arith.index_cast %mul3A_1038 : i32 to index
      %get3A_1039 = tpu.vector_load %arg6[%get3A] {strides = array<i32>} : memref<2048xi32, #tpu.memory_space<vmem>>, vector<16xi32>,
      %shift_right_logical3A = arith.constant 24 : i32
      %shift_right_logical3A_1040 = vector.broadcast %shift_right_logical3A : i32 to vector<16xi32>
      %shift_right_logical3A_1041 = arith.shrui %get3A_1039, %shift_right_logical3A_1040 : vector<16xi32>
      %and3A = arith.constant 255 : i32
      %and3A_1042 = vector.broadcast %and3A : i32 to vector<16xi32>
      %and3A_1043 = arith.andi %shift_right_logical3A_1041, %and3A_1042 : vector<16xi32>
      %broadcast_in_dim3A_1044 = arith.constant true
      %broadcast_in_dim3A_1045 = vector.broadcast %broadcast_in_dim3A_1044 : i1 to vector<16xi1>
      %unique3A, %unique3A_1046 = tpu.scan_count mask(%broadcast_in_dim3A_1045 : vector<16xi1>) value(%and3A_1043 : vector<16xi32>) : vector<16xi1>, vector<16xi32>
      %gather3A_1047 = tpu.vector_load_idx %arg9[%and3A_1043] : memref<256xi32, #tpu.memory_space<vmem>>[vector<16xi32>], vector<16xi32>,
      %add3A_1048 = arith.addi %gather3A_1047, %unique3A_1046 : vector<16xi32>
      %sub3A_1049 = arith.subi %add3A_1048, %broadcast_in_dim3A_1 : vector<16xi32>
      tpu.vector_store_idx %arg9[%and3A_1043], %unique3A_1046 masked %unique3A {add = true} : memref<256xi32, #tpu.memory_space<vmem>>[vector<16xi32>], vector<16xi32>, vector<16xi1>
      %swap3A_1050 = arith.index_cast %add3A_1032 : i32 to index
      %swap3A_1051 = arith.constant 0 : index
      %swap3A_1052 = tpu.vector_load %arg15[%swap3A_1050, %swap3A_1051] {strides = array<i32>} : memref<16x128xi32, #tpu.memory_space<vmem>>, vector<16xi32>,
      tpu.vector_store %arg15[%swap3A_1050, %swap3A_1051], %sub3A_1049 {strides = array<i32>} : memref<16x128xi32, #tpu.memory_space<vmem>>, vector<16xi32>,
      %and3A_1053 = arith.constant 32767 : i32
      %and3A_1054 = vector.broadcast %and3A_1053 : i32 to vector<16xi32>
      %and3A_1055 = arith.andi %get3A_1039, %and3A_1054 : vector<16xi32>
      %swap3A_1056 = arith.index_cast %mul3A_1038 : i32 to index
      %swap3A_1057 = tpu.vector_load %arg18[%swap3A_1056] {strides = array<i32>} : memref<2048xi32, #tpu.memory_space<vmem>>, vector<16xi32>,
      tpu.vector_store %arg18[%swap3A_1056], %and3A_1055 {strides = array<i32>} : memref<2048xi32, #tpu.memory_space<vmem>>, vector<16xi32>,
      %mul3A_1058 = arith.constant 8 : i32
      %mul3A_1059 = arith.muli %add3A_1032, %mul3A_1058 : i32
      %add3A_1060 = arith.constant 1 : i32
      %add3A_1061 = arith.addi %mul3A_1059, %add3A_1060 : i32
      %mul3A_1062 = arith.constant 16 : i32
      %mul3A_1063 = arith.muli %add3A_1061, %mul3A_1062 : i32
      %get3A_1064 = arith.index_cast %mul3A_1063 : i32 to index
      %get3A_1065 = tpu.vector_load %arg6[%get3A_1064] {strides = array<i32>} : memref<2048xi32, #tpu.memory_space<vmem>>, vector<16xi32>,
      %shift_right_logical3A_1066 = arith.constant 24 : i32
      %shift_right_logical3A_1067 = vector.broadcast %shift_right_logical3A_1066 : i32 to vector<16xi32>
      %shift_right_logical3A_1068 = arith.shrui %get3A_1065, %shift_right_logical3A_1067 : vector<16xi32>
      %and3A_1069 = arith.constant 255 : i32
      %and3A_1070 = vector.broadcast %and3A_1069 : i32 to vector<16xi32>
      %and3A_1071 = arith.andi %shift_right_logical3A_1068, %and3A_1070 : vector<16xi32>
      %broadcast_in_dim3A_1072 = arith.constant true
      %broadcast_in_dim3A_1073 = vector.broadcast %broadcast_in_dim3A_1072 : i1 to vector<16xi1>
      %unique3A_1074, %unique3A_1075 = tpu.scan_count mask(%broadcast_in_dim3A_1073 : vector<16xi1>) value(%and3A_1071 : vector<16xi32>) : vector<16xi1>, vector<16xi32>
      %gather3A_1076 = tpu.vector_load_idx %arg9[%and3A_1071] : memref<256xi32, #tpu.memory_space<vmem>>[vector<16xi32>], vector<16xi32>,
      %add3A_1077 = arith.addi %gather3A_1076, %unique3A_1075 : vector<16xi32>
      %sub3A_1078 = arith.subi %add3A_1077, %broadcast_in_dim3A_1 : vector<16xi32>
      tpu.vector_store_idx %arg9[%and3A_1071], %unique3A_1075 masked %unique3A_1074 {add = true} : memref<256xi32, #tpu.memory_space<vmem>>[vector<16xi32>], vector<16xi32>, vector<16xi1>
      %swap3A_1079 = arith.index_cast %add3A_1032 : i32 to index
      %swap3A_1080 = arith.constant 16 : index
      %swap3A_1081 = tpu.vector_load %arg15[%swap3A_1079, %swap3A_1080] {strides = array<i32>} : memref<16x128xi32, #tpu.memory_space<vmem>>, vector<16xi32>,
      tpu.vector_store %arg15[%swap3A_1079, %swap3A_1080], %sub3A_1078 {strides = array<i32>} : memref<16x128xi32, #tpu.memory_space<vmem>>, vector<16xi32>,
      %and3A_1082 = arith.constant 32767 : i32
      %and3A_1083 = vector.broadcast %and3A_1082 : i32 to vector<16xi32>
      %and3A_1084 = arith.andi %get3A_1065, %and3A_1083 : vector<16xi32>
      %swap3A_1085 = arith.index_cast %mul3A_1063 : i32 to index
      %swap3A_1086 = tpu.vector_load %arg18[%swap3A_1085] {strides = array<i32>} : memref<2048xi32, #tpu.memory_space<vmem>>, vector<16xi32>,
      tpu.vector_store %arg18[%swap3A_1085], %and3A_1084 {strides = array<i32>} : memref<2048xi32, #tpu.memory_space<vmem>>, vector<16xi32>,
      %mul3A_1087 = arith.constant 8 : i32
      %mul3A_1088 = arith.muli %add3A_1032, %mul3A_1087 : i32
      %add3A_1089 = arith.constant 2 : i32
      %add3A_1090 = arith.addi %mul3A_1088, %add3A_1089 : i32
      %mul3A_1091 = arith.constant 16 : i32
      %mul3A_1092 = arith.muli %add3A_1090, %mul3A_1091 : i32
      %get3A_1093 = arith.index_cast %mul3A_1092 : i32 to index
      %get3A_1094 = tpu.vector_load %arg6[%get3A_1093] {strides = array<i32>} : memref<2048xi32, #tpu.memory_space<vmem>>, vector<16xi32>,
      %shift_right_logical3A_1095 = arith.constant 24 : i32
      %shift_right_logical3A_1096 = vector.broadcast %shift_right_logical3A_1095 : i32 to vector<16xi32>
      %shift_right_logical3A_1097 = arith.shrui %get3A_1094, %shift_right_logical3A_1096 : vector<16xi32>
      %and3A_1098 = arith.constant 255 : i32
      %and3A_1099 = vector.broadcast %and3A_1098 : i32 to vector<16xi32>
      %and3A_1100 = arith.andi %shift_right_logical3A_1097, %and3A_1099 : vector<16xi32>
      %broadcast_in_dim3A_1101 = arith.constant true
      %broadcast_in_dim3A_1102 = vector.broadcast %broadcast_in_dim3A_1101 : i1 to vector<16xi1>
      %unique3A_1103, %unique3A_1104 = tpu.scan_count mask(%broadcast_in_dim3A_1102 : vector<16xi1>) value(%and3A_1100 : vector<16xi32>) : vector<16xi1>, vector<16xi32>
      %gather3A_1105 = tpu.vector_load_idx %arg9[%and3A_1100] : memref<256xi32, #tpu.memory_space<vmem>>[vector<16xi32>], vector<16xi32>,
      %add3A_1106 = arith.addi %gather3A_1105, %unique3A_1104 : vector<16xi32>
      %sub3A_1107 = arith.subi %add3A_1106, %broadcast_in_dim3A_1 : vector<16xi32>
      tpu.vector_store_idx %arg9[%and3A_1100], %unique3A_1104 masked %unique3A_1103 {add = true} : memref<256xi32, #tpu.memory_space<vmem>>[vector<16xi32>], vector<16xi32>, vector<16xi1>
      %swap3A_1108 = arith.index_cast %add3A_1032 : i32 to index
      %swap3A_1109 = arith.constant 32 : index
      %swap3A_1110 = tpu.vector_load %arg15[%swap3A_1108, %swap3A_1109] {strides = array<i32>} : memref<16x128xi32, #tpu.memory_space<vmem>>, vector<16xi32>,
      tpu.vector_store %arg15[%swap3A_1108, %swap3A_1109], %sub3A_1107 {strides = array<i32>} : memref<16x128xi32, #tpu.memory_space<vmem>>, vector<16xi32>,
      %and3A_1111 = arith.constant 32767 : i32
      %and3A_1112 = vector.broadcast %and3A_1111 : i32 to vector<16xi32>
      %and3A_1113 = arith.andi %get3A_1094, %and3A_1112 : vector<16xi32>
      %swap3A_1114 = arith.index_cast %mul3A_1092 : i32 to index
      %swap3A_1115 = tpu.vector_load %arg18[%swap3A_1114] {strides = array<i32>} : memref<2048xi32, #tpu.memory_space<vmem>>, vector<16xi32>,
      tpu.vector_store %arg18[%swap3A_1114], %and3A_1113 {strides = array<i32>} : memref<2048xi32, #tpu.memory_space<vmem>>, vector<16xi32>,
      %mul3A_1116 = arith.constant 8 : i32
      %mul3A_1117 = arith.muli %add3A_1032, %mul3A_1116 : i32
      %add3A_1118 = arith.constant 3 : i32
      %add3A_1119 = arith.addi %mul3A_1117, %add3A_1118 : i32
      %mul3A_1120 = arith.constant 16 : i32
      %mul3A_1121 = arith.muli %add3A_1119, %mul3A_1120 : i32
      %get3A_1122 = arith.index_cast %mul3A_1121 : i32 to index
      %get3A_1123 = tpu.vector_load %arg6[%get3A_1122] {strides = array<i32>} : memref<2048xi32, #tpu.memory_space<vmem>>, vector<16xi32>,
      %shift_right_logical3A_1124 = arith.constant 24 : i32
      %shift_right_logical3A_1125 = vector.broadcast %shift_right_logical3A_1124 : i32 to vector<16xi32>
      %shift_right_logical3A_1126 = arith.shrui %get3A_1123, %shift_right_logical3A_1125 : vector<16xi32>
      %and3A_1127 = arith.constant 255 : i32
      %and3A_1128 = vector.broadcast %and3A_1127 : i32 to vector<16xi32>
      %and3A_1129 = arith.andi %shift_right_logical3A_1126, %and3A_1128 : vector<16xi32>
      %broadcast_in_dim3A_1130 = arith.constant true
      %broadcast_in_dim3A_1131 = vector.broadcast %broadcast_in_dim3A_1130 : i1 to vector<16xi1>
      %unique3A_1132, %unique3A_1133 = tpu.scan_count mask(%broadcast_in_dim3A_1131 : vector<16xi1>) value(%and3A_1129 : vector<16xi32>) : vector<16xi1>, vector<16xi32>
      %gather3A_1134 = tpu.vector_load_idx %arg9[%and3A_1129] : memref<256xi32, #tpu.memory_space<vmem>>[vector<16xi32>], vector<16xi32>,
      %add3A_1135 = arith.addi %gather3A_1134, %unique3A_1133 : vector<16xi32>
      %sub3A_1136 = arith.subi %add3A_1135, %broadcast_in_dim3A_1 : vector<16xi32>
      tpu.vector_store_idx %arg9[%and3A_1129], %unique3A_1133 masked %unique3A_1132 {add = true} : memref<256xi32, #tpu.memory_space<vmem>>[vector<16xi32>], vector<16xi32>, vector<16xi1>
      %swap3A_1137 = arith.index_cast %add3A_1032 : i32 to index
      %swap3A_1138 = arith.constant 48 : index
      %swap3A_1139 = tpu.vector_load %arg15[%swap3A_1137, %swap3A_1138] {strides = array<i32>} : memref<16x128xi32, #tpu.memory_space<vmem>>, vector<16xi32>,
      tpu.vector_store %arg15[%swap3A_1137, %swap3A_1138], %sub3A_1136 {strides = array<i32>} : memref<16x128xi32, #tpu.memory_space<vmem>>, vector<16xi32>,
      %and3A_1140 = arith.constant 32767 : i32
      %and3A_1141 = vector.broadcast %and3A_1140 : i32 to vector<16xi32>
      %and3A_1142 = arith.andi %get3A_1123, %and3A_1141 : vector<16xi32>
      %swap3A_1143 = arith.index_cast %mul3A_1121 : i32 to index
      %swap3A_1144 = tpu.vector_load %arg18[%swap3A_1143] {strides = array<i32>} : memref<2048xi32, #tpu.memory_space<vmem>>, vector<16xi32>,
      tpu.vector_store %arg18[%swap3A_1143], %and3A_1142 {strides = array<i32>} : memref<2048xi32, #tpu.memory_space<vmem>>, vector<16xi32>,
      %mul3A_1145 = arith.constant 8 : i32
      %mul3A_1146 = arith.muli %add3A_1032, %mul3A_1145 : i32
      %add3A_1147 = arith.constant 4 : i32
      %add3A_1148 = arith.addi %mul3A_1146, %add3A_1147 : i32
      %mul3A_1149 = arith.constant 16 : i32
      %mul3A_1150 = arith.muli %add3A_1148, %mul3A_1149 : i32
      %get3A_1151 = arith.index_cast %mul3A_1150 : i32 to index
      %get3A_1152 = tpu.vector_load %arg6[%get3A_1151] {strides = array<i32>} : memref<2048xi32, #tpu.memory_space<vmem>>, vector<16xi32>,
      %shift_right_logical3A_1153 = arith.constant 24 : i32
      %shift_right_logical3A_1154 = vector.broadcast %shift_right_logical3A_1153 : i32 to vector<16xi32>
      %shift_right_logical3A_1155 = arith.shrui %get3A_1152, %shift_right_logical3A_1154 : vector<16xi32>
      %and3A_1156 = arith.constant 255 : i32
      %and3A_1157 = vector.broadcast %and3A_1156 : i32 to vector<16xi32>
      %and3A_1158 = arith.andi %shift_right_logical3A_1155, %and3A_1157 : vector<16xi32>
      %broadcast_in_dim3A_1159 = arith.constant true
      %broadcast_in_dim3A_1160 = vector.broadcast %broadcast_in_dim3A_1159 : i1 to vector<16xi1>
      %unique3A_1161, %unique3A_1162 = tpu.scan_count mask(%broadcast_in_dim3A_1160 : vector<16xi1>) value(%and3A_1158 : vector<16xi32>) : vector<16xi1>, vector<16xi32>
      %gather3A_1163 = tpu.vector_load_idx %arg9[%and3A_1158] : memref<256xi32, #tpu.memory_space<vmem>>[vector<16xi32>], vector<16xi32>,
      %add3A_1164 = arith.addi %gather3A_1163, %unique3A_1162 : vector<16xi32>
      %sub3A_1165 = arith.subi %add3A_1164, %broadcast_in_dim3A_1 : vector<16xi32>
      tpu.vector_store_idx %arg9[%and3A_1158], %unique3A_1162 masked %unique3A_1161 {add = true} : memref<256xi32, #tpu.memory_space<vmem>>[vector<16xi32>], vector<16xi32>, vector<16xi1>
      %swap3A_1166 = arith.index_cast %add3A_1032 : i32 to index
      %swap3A_1167 = arith.constant 64 : index
      %swap3A_1168 = tpu.vector_load %arg15[%swap3A_1166, %swap3A_1167] {strides = array<i32>} : memref<16x128xi32, #tpu.memory_space<vmem>>, vector<16xi32>,
      tpu.vector_store %arg15[%swap3A_1166, %swap3A_1167], %sub3A_1165 {strides = array<i32>} : memref<16x128xi32, #tpu.memory_space<vmem>>, vector<16xi32>,
      %and3A_1169 = arith.constant 32767 : i32
      %and3A_1170 = vector.broadcast %and3A_1169 : i32 to vector<16xi32>
      %and3A_1171 = arith.andi %get3A_1152, %and3A_1170 : vector<16xi32>
      %swap3A_1172 = arith.index_cast %mul3A_1150 : i32 to index
      %swap3A_1173 = tpu.vector_load %arg18[%swap3A_1172] {strides = array<i32>} : memref<2048xi32, #tpu.memory_space<vmem>>, vector<16xi32>,
      tpu.vector_store %arg18[%swap3A_1172], %and3A_1171 {strides = array<i32>} : memref<2048xi32, #tpu.memory_space<vmem>>, vector<16xi32>,
      %mul3A_1174 = arith.constant 8 : i32
      %mul3A_1175 = arith.muli %add3A_1032, %mul3A_1174 : i32
      %add3A_1176 = arith.constant 5 : i32
      %add3A_1177 = arith.addi %mul3A_1175, %add3A_1176 : i32
      %mul3A_1178 = arith.constant 16 : i32
      %mul3A_1179 = arith.muli %add3A_1177, %mul3A_1178 : i32
      %get3A_1180 = arith.index_cast %mul3A_1179 : i32 to index
      %get3A_1181 = tpu.vector_load %arg6[%get3A_1180] {strides = array<i32>} : memref<2048xi32, #tpu.memory_space<vmem>>, vector<16xi32>,
      %shift_right_logical3A_1182 = arith.constant 24 : i32
      %shift_right_logical3A_1183 = vector.broadcast %shift_right_logical3A_1182 : i32 to vector<16xi32>
      %shift_right_logical3A_1184 = arith.shrui %get3A_1181, %shift_right_logical3A_1183 : vector<16xi32>
      %and3A_1185 = arith.constant 255 : i32
      %and3A_1186 = vector.broadcast %and3A_1185 : i32 to vector<16xi32>
      %and3A_1187 = arith.andi %shift_right_logical3A_1184, %and3A_1186 : vector<16xi32>
      %broadcast_in_dim3A_1188 = arith.constant true
      %broadcast_in_dim3A_1189 = vector.broadcast %broadcast_in_dim3A_1188 : i1 to vector<16xi1>
      %unique3A_1190, %unique3A_1191 = tpu.scan_count mask(%broadcast_in_dim3A_1189 : vector<16xi1>) value(%and3A_1187 : vector<16xi32>) : vector<16xi1>, vector<16xi32>
      %gather3A_1192 = tpu.vector_load_idx %arg9[%and3A_1187] : memref<256xi32, #tpu.memory_space<vmem>>[vector<16xi32>], vector<16xi32>,
      %add3A_1193 = arith.addi %gather3A_1192, %unique3A_1191 : vector<16xi32>
      %sub3A_1194 = arith.subi %add3A_1193, %broadcast_in_dim3A_1 : vector<16xi32>
      tpu.vector_store_idx %arg9[%and3A_1187], %unique3A_1191 masked %unique3A_1190 {add = true} : memref<256xi32, #tpu.memory_space<vmem>>[vector<16xi32>], vector<16xi32>, vector<16xi1>
      %swap3A_1195 = arith.index_cast %add3A_1032 : i32 to index
      %swap3A_1196 = arith.constant 80 : index
      %swap3A_1197 = tpu.vector_load %arg15[%swap3A_1195, %swap3A_1196] {strides = array<i32>} : memref<16x128xi32, #tpu.memory_space<vmem>>, vector<16xi32>,
      tpu.vector_store %arg15[%swap3A_1195, %swap3A_1196], %sub3A_1194 {strides = array<i32>} : memref<16x128xi32, #tpu.memory_space<vmem>>, vector<16xi32>,
      %and3A_1198 = arith.constant 32767 : i32
      %and3A_1199 = vector.broadcast %and3A_1198 : i32 to vector<16xi32>
      %and3A_1200 = arith.andi %get3A_1181, %and3A_1199 : vector<16xi32>
      %swap3A_1201 = arith.index_cast %mul3A_1179 : i32 to index
      %swap3A_1202 = tpu.vector_load %arg18[%swap3A_1201] {strides = array<i32>} : memref<2048xi32, #tpu.memory_space<vmem>>, vector<16xi32>,
      tpu.vector_store %arg18[%swap3A_1201], %and3A_1200 {strides = array<i32>} : memref<2048xi32, #tpu.memory_space<vmem>>, vector<16xi32>,
      %mul3A_1203 = arith.constant 8 : i32
      %mul3A_1204 = arith.muli %add3A_1032, %mul3A_1203 : i32
      %add3A_1205 = arith.constant 6 : i32
      %add3A_1206 = arith.addi %mul3A_1204, %add3A_1205 : i32
      %mul3A_1207 = arith.constant 16 : i32
      %mul3A_1208 = arith.muli %add3A_1206, %mul3A_1207 : i32
      %get3A_1209 = arith.index_cast %mul3A_1208 : i32 to index
      %get3A_1210 = tpu.vector_load %arg6[%get3A_1209] {strides = array<i32>} : memref<2048xi32, #tpu.memory_space<vmem>>, vector<16xi32>,
      %shift_right_logical3A_1211 = arith.constant 24 : i32
      %shift_right_logical3A_1212 = vector.broadcast %shift_right_logical3A_1211 : i32 to vector<16xi32>
      %shift_right_logical3A_1213 = arith.shrui %get3A_1210, %shift_right_logical3A_1212 : vector<16xi32>
      %and3A_1214 = arith.constant 255 : i32
      %and3A_1215 = vector.broadcast %and3A_1214 : i32 to vector<16xi32>
      %and3A_1216 = arith.andi %shift_right_logical3A_1213, %and3A_1215 : vector<16xi32>
      %broadcast_in_dim3A_1217 = arith.constant true
      %broadcast_in_dim3A_1218 = vector.broadcast %broadcast_in_dim3A_1217 : i1 to vector<16xi1>
      %unique3A_1219, %unique3A_1220 = tpu.scan_count mask(%broadcast_in_dim3A_1218 : vector<16xi1>) value(%and3A_1216 : vector<16xi32>) : vector<16xi1>, vector<16xi32>
      %gather3A_1221 = tpu.vector_load_idx %arg9[%and3A_1216] : memref<256xi32, #tpu.memory_space<vmem>>[vector<16xi32>], vector<16xi32>,
      %add3A_1222 = arith.addi %gather3A_1221, %unique3A_1220 : vector<16xi32>
      %sub3A_1223 = arith.subi %add3A_1222, %broadcast_in_dim3A_1 : vector<16xi32>
      tpu.vector_store_idx %arg9[%and3A_1216], %unique3A_1220 masked %unique3A_1219 {add = true} : memref<256xi32, #tpu.memory_space<vmem>>[vector<16xi32>], vector<16xi32>, vector<16xi1>
      %swap3A_1224 = arith.index_cast %add3A_1032 : i32 to index
      %swap3A_1225 = arith.constant 96 : index
      %swap3A_1226 = tpu.vector_load %arg15[%swap3A_1224, %swap3A_1225] {strides = array<i32>} : memref<16x128xi32, #tpu.memory_space<vmem>>, vector<16xi32>,
      tpu.vector_store %arg15[%swap3A_1224, %swap3A_1225], %sub3A_1223 {strides = array<i32>} : memref<16x128xi32, #tpu.memory_space<vmem>>, vector<16xi32>,
      %and3A_1227 = arith.constant 32767 : i32
      %and3A_1228 = vector.broadcast %and3A_1227 : i32 to vector<16xi32>
      %and3A_1229 = arith.andi %get3A_1210, %and3A_1228 : vector<16xi32>
      %swap3A_1230 = arith.index_cast %mul3A_1208 : i32 to index
      %swap3A_1231 = tpu.vector_load %arg18[%swap3A_1230] {strides = array<i32>} : memref<2048xi32, #tpu.memory_space<vmem>>, vector<16xi32>,
      tpu.vector_store %arg18[%swap3A_1230], %and3A_1229 {strides = array<i32>} : memref<2048xi32, #tpu.memory_space<vmem>>, vector<16xi32>,
      %mul3A_1232 = arith.constant 8 : i32
      %mul3A_1233 = arith.muli %add3A_1032, %mul3A_1232 : i32
      %add3A_1234 = arith.constant 7 : i32
      %add3A_1235 = arith.addi %mul3A_1233, %add3A_1234 : i32
      %mul3A_1236 = arith.constant 16 : i32
      %mul3A_1237 = arith.muli %add3A_1235, %mul3A_1236 : i32
      %get3A_1238 = arith.index_cast %mul3A_1237 : i32 to index
      %get3A_1239 = tpu.vector_load %arg6[%get3A_1238] {strides = array<i32>} : memref<2048xi32, #tpu.memory_space<vmem>>, vector<16xi32>,
      %shift_right_logical3A_1240 = arith.constant 24 : i32
      %shift_right_logical3A_1241 = vector.broadcast %shift_right_logical3A_1240 : i32 to vector<16xi32>
      %shift_right_logical3A_1242 = arith.shrui %get3A_1239, %shift_right_logical3A_1241 : vector<16xi32>
      %and3A_1243 = arith.constant 255 : i32
      %and3A_1244 = vector.broadcast %and3A_1243 : i32 to vector<16xi32>
      %and3A_1245 = arith.andi %shift_right_logical3A_1242, %and3A_1244 : vector<16xi32>
      %broadcast_in_dim3A_1246 = arith.constant true
      %broadcast_in_dim3A_1247 = vector.broadcast %broadcast_in_dim3A_1246 : i1 to vector<16xi1>
      %unique3A_1248, %unique3A_1249 = tpu.scan_count mask(%broadcast_in_dim3A_1247 : vector<16xi1>) value(%and3A_1245 : vector<16xi32>) : vector<16xi1>, vector<16xi32>
      %gather3A_1250 = tpu.vector_load_idx %arg9[%and3A_1245] : memref<256xi32, #tpu.memory_space<vmem>>[vector<16xi32>], vector<16xi32>,
      %add3A_1251 = arith.addi %gather3A_1250, %unique3A_1249 : vector<16xi32>
      %sub3A_1252 = arith.subi %add3A_1251, %broadcast_in_dim3A_1 : vector<16xi32>
      tpu.vector_store_idx %arg9[%and3A_1245], %unique3A_1249 masked %unique3A_1248 {add = true} : memref<256xi32, #tpu.memory_space<vmem>>[vector<16xi32>], vector<16xi32>, vector<16xi1>
      %swap3A_1253 = arith.index_cast %add3A_1032 : i32 to index
      %swap3A_1254 = arith.constant 112 : index
      %swap3A_1255 = tpu.vector_load %arg15[%swap3A_1253, %swap3A_1254] {strides = array<i32>} : memref<16x128xi32, #tpu.memory_space<vmem>>, vector<16xi32>,
      tpu.vector_store %arg15[%swap3A_1253, %swap3A_1254], %sub3A_1252 {strides = array<i32>} : memref<16x128xi32, #tpu.memory_space<vmem>>, vector<16xi32>,
      %and3A_1256 = arith.constant 32767 : i32
      %and3A_1257 = vector.broadcast %and3A_1256 : i32 to vector<16xi32>
      %and3A_1258 = arith.andi %get3A_1239, %and3A_1257 : vector<16xi32>
      %swap3A_1259 = arith.index_cast %mul3A_1237 : i32 to index
      %swap3A_1260 = tpu.vector_load %arg18[%swap3A_1259] {strides = array<i32>} : memref<2048xi32, #tpu.memory_space<vmem>>, vector<16xi32>,
      tpu.vector_store %arg18[%swap3A_1259], %and3A_1258 {strides = array<i32>} : memref<2048xi32, #tpu.memory_space<vmem>>, vector<16xi32>,
      %mul3A_1261 = arith.constant 128 : i32
      %mul3A_1262 = arith.muli %add3A_1032, %mul3A_1261 : i32
      %dma_start3A_1263 = tpu.memref_slice %arg18[%mul3A_1262] : memref<2048xi32, #tpu.memory_space<vmem>> -> memref<128xi32, #tpu.memory_space<vmem>>
      %dma_start3A_1264 = arith.constant 0 : i32
      %dma_start3A_1265 = tpu.memref_slice %arg15[%add3A_1032, %dma_start3A_1264] : memref<16x128xi32, #tpu.memory_space<vmem>> -> memref<1x128xi32, #tpu.memory_space<vmem>>
      %dma_start3A_1266 = tpu.memref_squeeze %dma_start3A_1265 : memref<1x128xi32, #tpu.memory_space<vmem>> -> memref<128xi32, #tpu.memory_space<vmem>>
      %dma_start3A_1267 = arith.constant 0 : i32
      %dma_start3A_1268 = tpu.memref_slice %arg25[%dma_start3A_1267] : memref<32768xi32, #tpu.memory_space<vmem_shared>> -> memref<32768xi32, #tpu.memory_space<vmem_shared>>
      tpu.enqueue_indirect_dma source(%dma_start3A_1263 : memref<128xi32, #tpu.memory_space<vmem>>) target(%dma_start3A_1268 : memref<32768xi32, #tpu.memory_space<vmem_shared>>) offsets(%dma_start3A_1266 : memref<128xi32, #tpu.memory_space<vmem>>) semaphore(%arg33 : memref<!tpu.dma_semaphore, #tpu.memory_space<semaphore_mem>>)
    }
    %scan3A_642 = arith.constant 16 : i32
    %dma_wait3A_643 = arith.constant 0 : i32
    %dma_wait3A_644 = tpu.memref_slice %arg2[%dma_wait3A_643] : memref<32768xf32, #tpu.memory_space<hbm>> -> memref<128xf32, #tpu.memory_space<hbm>>
    %dma_wait3A_645 = arith.constant 0 : i32
    %dma_wait3A_646 = tpu.memref_slice %arg2[%dma_wait3A_645] : memref<32768xf32, #tpu.memory_space<hbm>> -> memref<128xf32, #tpu.memory_space<hbm>>
    tpu.wait_dma2 semaphore(%arg33 : memref<!tpu.dma_semaphore, #tpu.memory_space<semaphore_mem>>) src(%dma_wait3A_646 : memref<128xf32, #tpu.memory_space<hbm>>) dst(%arg19 : memref<128xi32, #tpu.memory_space<vmem>>)
    %dma_wait3A_647 = arith.constant 0 : i32
    %dma_wait3A_648 = tpu.memref_slice %arg2[%dma_wait3A_647] : memref<32768xf32, #tpu.memory_space<hbm>> -> memref<128xf32, #tpu.memory_space<hbm>>
    %dma_wait3A_649 = arith.constant 0 : i32
    %dma_wait3A_650 = tpu.memref_slice %arg2[%dma_wait3A_649] : memref<32768xf32, #tpu.memory_space<hbm>> -> memref<128xf32, #tpu.memory_space<hbm>>
    tpu.wait_dma2 semaphore(%arg33 : memref<!tpu.dma_semaphore, #tpu.memory_space<semaphore_mem>>) src(%dma_wait3A_650 : memref<128xf32, #tpu.memory_space<hbm>>) dst(%arg19 : memref<128xi32, #tpu.memory_space<vmem>>)
    %dma_wait3A_651 = arith.constant 0 : i32
    %dma_wait3A_652 = tpu.memref_slice %arg2[%dma_wait3A_651] : memref<32768xf32, #tpu.memory_space<hbm>> -> memref<128xf32, #tpu.memory_space<hbm>>
    %dma_wait3A_653 = arith.constant 0 : i32
    %dma_wait3A_654 = tpu.memref_slice %arg2[%dma_wait3A_653] : memref<32768xf32, #tpu.memory_space<hbm>> -> memref<128xf32, #tpu.memory_space<hbm>>
    tpu.wait_dma2 semaphore(%arg33 : memref<!tpu.dma_semaphore, #tpu.memory_space<semaphore_mem>>) src(%dma_wait3A_654 : memref<128xf32, #tpu.memory_space<hbm>>) dst(%arg19 : memref<128xi32, #tpu.memory_space<vmem>>)
    %dma_wait3A_655 = arith.constant 0 : i32
    %dma_wait3A_656 = tpu.memref_slice %arg2[%dma_wait3A_655] : memref<32768xf32, #tpu.memory_space<hbm>> -> memref<128xf32, #tpu.memory_space<hbm>>
    %dma_wait3A_657 = arith.constant 0 : i32
    %dma_wait3A_658 = tpu.memref_slice %arg2[%dma_wait3A_657] : memref<32768xf32, #tpu.memory_space<hbm>> -> memref<128xf32, #tpu.memory_space<hbm>>
    tpu.wait_dma2 semaphore(%arg33 : memref<!tpu.dma_semaphore, #tpu.memory_space<semaphore_mem>>) src(%dma_wait3A_658 : memref<128xf32, #tpu.memory_space<hbm>>) dst(%arg19 : memref<128xi32, #tpu.memory_space<vmem>>)
    %dma_wait3A_659 = arith.constant 0 : i32
    %dma_wait3A_660 = tpu.memref_slice %arg2[%dma_wait3A_659] : memref<32768xf32, #tpu.memory_space<hbm>> -> memref<128xf32, #tpu.memory_space<hbm>>
    %dma_wait3A_661 = arith.constant 0 : i32
    %dma_wait3A_662 = tpu.memref_slice %arg2[%dma_wait3A_661] : memref<32768xf32, #tpu.memory_space<hbm>> -> memref<128xf32, #tpu.memory_space<hbm>>
    tpu.wait_dma2 semaphore(%arg33 : memref<!tpu.dma_semaphore, #tpu.memory_space<semaphore_mem>>) src(%dma_wait3A_662 : memref<128xf32, #tpu.memory_space<hbm>>) dst(%arg19 : memref<128xi32, #tpu.memory_space<vmem>>)
    %dma_wait3A_663 = arith.constant 0 : i32
    %dma_wait3A_664 = tpu.memref_slice %arg2[%dma_wait3A_663] : memref<32768xf32, #tpu.memory_space<hbm>> -> memref<128xf32, #tpu.memory_space<hbm>>
    %dma_wait3A_665 = arith.constant 0 : i32
    %dma_wait3A_666 = tpu.memref_slice %arg2[%dma_wait3A_665] : memref<32768xf32, #tpu.memory_space<hbm>> -> memref<128xf32, #tpu.memory_space<hbm>>
    tpu.wait_dma2 semaphore(%arg33 : memref<!tpu.dma_semaphore, #tpu.memory_space<semaphore_mem>>) src(%dma_wait3A_666 : memref<128xf32, #tpu.memory_space<hbm>>) dst(%arg19 : memref<128xi32, #tpu.memory_space<vmem>>)
    %dma_wait3A_667 = arith.constant 0 : i32
    %dma_wait3A_668 = tpu.memref_slice %arg2[%dma_wait3A_667] : memref<32768xf32, #tpu.memory_space<hbm>> -> memref<128xf32, #tpu.memory_space<hbm>>
    %dma_wait3A_669 = arith.constant 0 : i32
    %dma_wait3A_670 = tpu.memref_slice %arg2[%dma_wait3A_669] : memref<32768xf32, #tpu.memory_space<hbm>> -> memref<128xf32, #tpu.memory_space<hbm>>
    tpu.wait_dma2 semaphore(%arg33 : memref<!tpu.dma_semaphore, #tpu.memory_space<semaphore_mem>>) src(%dma_wait3A_670 : memref<128xf32, #tpu.memory_space<hbm>>) dst(%arg19 : memref<128xi32, #tpu.memory_space<vmem>>)
    %dma_wait3A_671 = arith.constant 0 : i32
    %dma_wait3A_672 = tpu.memref_slice %arg2[%dma_wait3A_671] : memref<32768xf32, #tpu.memory_space<hbm>> -> memref<128xf32, #tpu.memory_space<hbm>>
    %dma_wait3A_673 = arith.constant 0 : i32
    %dma_wait3A_674 = tpu.memref_slice %arg2[%dma_wait3A_673] : memref<32768xf32, #tpu.memory_space<hbm>> -> memref<128xf32, #tpu.memory_space<hbm>>
    tpu.wait_dma2 semaphore(%arg33 : memref<!tpu.dma_semaphore, #tpu.memory_space<semaphore_mem>>) src(%dma_wait3A_674 : memref<128xf32, #tpu.memory_space<hbm>>) dst(%arg19 : memref<128xi32, #tpu.memory_space<vmem>>)
    %dma_wait3A_675 = arith.constant 0 : i32
    %dma_wait3A_676 = tpu.memref_slice %arg2[%dma_wait3A_675] : memref<32768xf32, #tpu.memory_space<hbm>> -> memref<128xf32, #tpu.memory_space<hbm>>
    %dma_wait3A_677 = arith.constant 0 : i32
    %dma_wait3A_678 = tpu.memref_slice %arg2[%dma_wait3A_677] : memref<32768xf32, #tpu.memory_space<hbm>> -> memref<128xf32, #tpu.memory_space<hbm>>
    tpu.wait_dma2 semaphore(%arg33 : memref<!tpu.dma_semaphore, #tpu.memory_space<semaphore_mem>>) src(%dma_wait3A_678 : memref<128xf32, #tpu.memory_space<hbm>>) dst(%arg19 : memref<128xi32, #tpu.memory_space<vmem>>)
    %dma_wait3A_679 = arith.constant 0 : i32
    %dma_wait3A_680 = tpu.memref_slice %arg2[%dma_wait3A_679] : memref<32768xf32, #tpu.memory_space<hbm>> -> memref<128xf32, #tpu.memory_space<hbm>>
    %dma_wait3A_681 = arith.constant 0 : i32
    %dma_wait3A_682 = tpu.memref_slice %arg2[%dma_wait3A_681] : memref<32768xf32, #tpu.memory_space<hbm>> -> memref<128xf32, #tpu.memory_space<hbm>>
    tpu.wait_dma2 semaphore(%arg33 : memref<!tpu.dma_semaphore, #tpu.memory_space<semaphore_mem>>) src(%dma_wait3A_682 : memref<128xf32, #tpu.memory_space<hbm>>) dst(%arg19 : memref<128xi32, #tpu.memory_space<vmem>>)
    %dma_wait3A_683 = arith.constant 0 : i32
    %dma_wait3A_684 = tpu.memref_slice %arg2[%dma_wait3A_683] : memref<32768xf32, #tpu.memory_space<hbm>> -> memref<128xf32, #tpu.memory_space<hbm>>
    %dma_wait3A_685 = arith.constant 0 : i32
    %dma_wait3A_686 = tpu.memref_slice %arg2[%dma_wait3A_685] : memref<32768xf32, #tpu.memory_space<hbm>> -> memref<128xf32, #tpu.memory_space<hbm>>
    tpu.wait_dma2 semaphore(%arg33 : memref<!tpu.dma_semaphore, #tpu.memory_space<semaphore_mem>>) src(%dma_wait3A_686 : memref<128xf32, #tpu.memory_space<hbm>>) dst(%arg19 : memref<128xi32, #tpu.memory_space<vmem>>)
    %dma_wait3A_687 = arith.constant 0 : i32
    %dma_wait3A_688 = tpu.memref_slice %arg2[%dma_wait3A_687] : memref<32768xf32, #tpu.memory_space<hbm>> -> memref<128xf32, #tpu.memory_space<hbm>>
    %dma_wait3A_689 = arith.constant 0 : i32
    %dma_wait3A_690 = tpu.memref_slice %arg2[%dma_wait3A_689] : memref<32768xf32, #tpu.memory_space<hbm>> -> memref<128xf32, #tpu.memory_space<hbm>>
    tpu.wait_dma2 semaphore(%arg33 : memref<!tpu.dma_semaphore, #tpu.memory_space<semaphore_mem>>) src(%dma_wait3A_690 : memref<128xf32, #tpu.memory_space<hbm>>) dst(%arg19 : memref<128xi32, #tpu.memory_space<vmem>>)
    %dma_wait3A_691 = arith.constant 0 : i32
    %dma_wait3A_692 = tpu.memref_slice %arg2[%dma_wait3A_691] : memref<32768xf32, #tpu.memory_space<hbm>> -> memref<128xf32, #tpu.memory_space<hbm>>
    %dma_wait3A_693 = arith.constant 0 : i32
    %dma_wait3A_694 = tpu.memref_slice %arg2[%dma_wait3A_693] : memref<32768xf32, #tpu.memory_space<hbm>> -> memref<128xf32, #tpu.memory_space<hbm>>
    tpu.wait_dma2 semaphore(%arg33 : memref<!tpu.dma_semaphore, #tpu.memory_space<semaphore_mem>>) src(%dma_wait3A_694 : memref<128xf32, #tpu.memory_space<hbm>>) dst(%arg19 : memref<128xi32, #tpu.memory_space<vmem>>)
    %dma_wait3A_695 = arith.constant 0 : i32
    %dma_wait3A_696 = tpu.memref_slice %arg2[%dma_wait3A_695] : memref<32768xf32, #tpu.memory_space<hbm>> -> memref<128xf32, #tpu.memory_space<hbm>>
    %dma_wait3A_697 = arith.constant 0 : i32
    %dma_wait3A_698 = tpu.memref_slice %arg2[%dma_wait3A_697] : memref<32768xf32, #tpu.memory_space<hbm>> -> memref<128xf32, #tpu.memory_space<hbm>>
    tpu.wait_dma2 semaphore(%arg33 : memref<!tpu.dma_semaphore, #tpu.memory_space<semaphore_mem>>) src(%dma_wait3A_698 : memref<128xf32, #tpu.memory_space<hbm>>) dst(%arg19 : memref<128xi32, #tpu.memory_space<vmem>>)
    %dma_wait3A_699 = arith.constant 0 : i32
    %dma_wait3A_700 = tpu.memref_slice %arg2[%dma_wait3A_699] : memref<32768xf32, #tpu.memory_space<hbm>> -> memref<128xf32, #tpu.memory_space<hbm>>
    %dma_wait3A_701 = arith.constant 0 : i32
    %dma_wait3A_702 = tpu.memref_slice %arg2[%dma_wait3A_701] : memref<32768xf32, #tpu.memory_space<hbm>> -> memref<128xf32, #tpu.memory_space<hbm>>
    tpu.wait_dma2 semaphore(%arg33 : memref<!tpu.dma_semaphore, #tpu.memory_space<semaphore_mem>>) src(%dma_wait3A_702 : memref<128xf32, #tpu.memory_space<hbm>>) dst(%arg19 : memref<128xi32, #tpu.memory_space<vmem>>)
    %dma_wait3A_703 = arith.constant 0 : i32
    %dma_wait3A_704 = tpu.memref_slice %arg2[%dma_wait3A_703] : memref<32768xf32, #tpu.memory_space<hbm>> -> memref<128xf32, #tpu.memory_space<hbm>>
    %dma_wait3A_705 = arith.constant 0 : i32
    %dma_wait3A_706 = tpu.memref_slice %arg2[%dma_wait3A_705] : memref<32768xf32, #tpu.memory_space<hbm>> -> memref<128xf32, #tpu.memory_space<hbm>>
    tpu.wait_dma2 semaphore(%arg33 : memref<!tpu.dma_semaphore, #tpu.memory_space<semaphore_mem>>) src(%dma_wait3A_706 : memref<128xf32, #tpu.memory_space<hbm>>) dst(%arg19 : memref<128xi32, #tpu.memory_space<vmem>>)
    %barrier3A_707 = arith.constant 0 : index
    tpu.barrier barrier_id(%barrier3A_707)
    "tpu.region"() ({
      %run_scoped3A = tpu.sem_alloc : memref<!tpu.dma_semaphore, #tpu.memory_space<semaphore_mem>>
      %dma_start3A_1028 = tpu.memref_slice %arg25[%mul3A_0] : memref<32768xi32, #tpu.memory_space<vmem_shared>> -> memref<2048xi32, #tpu.memory_space<vmem_shared>>
      %dma_start3A_1029 = tpu.memref_slice %arg25[%mul3A_0] : memref<32768xi32, #tpu.memory_space<vmem_shared>> -> memref<2048xi32, #tpu.memory_space<vmem_shared>>
      tpu.enqueue_dma source(%dma_start3A_1029 : memref<2048xi32, #tpu.memory_space<vmem_shared>>) target(%arg7 : memref<2048xi32, #tpu.memory_space<vmem>>) target_semaphore(%run_scoped3A : memref<!tpu.dma_semaphore, #tpu.memory_space<semaphore_mem>>)
      %dma_wait3A_1030 = tpu.memref_slice %arg25[%mul3A_0] : memref<32768xi32, #tpu.memory_space<vmem_shared>> -> memref<2048xi32, #tpu.memory_space<vmem_shared>>
      %dma_wait3A_1031 = tpu.memref_slice %arg25[%mul3A_0] : memref<32768xi32, #tpu.memory_space<vmem_shared>> -> memref<2048xi32, #tpu.memory_space<vmem_shared>>
      tpu.wait_dma2 semaphore(%run_scoped3A : memref<!tpu.dma_semaphore, #tpu.memory_space<semaphore_mem>>) src(%dma_wait3A_1031 : memref<2048xi32, #tpu.memory_space<vmem_shared>>) dst(%arg7 : memref<2048xi32, #tpu.memory_space<vmem>>)
      tpu.yield
    }) : () -> ()
    %dma_start3A_708 = arith.constant 0 : i32
    %dma_start3A_709 = tpu.memref_slice %arg16[%dma_start3A_708] : memref<2048xf32, #tpu.memory_space<vmem>> -> memref<128xf32, #tpu.memory_space<vmem>>
    %dma_start3A_710 = arith.constant 0 : i32
    %dma_start3A_711 = tpu.memref_slice %arg7[%dma_start3A_710] : memref<2048xi32, #tpu.memory_space<vmem>> -> memref<128xi32, #tpu.memory_space<vmem>>
    %dma_start3A_712 = arith.constant 0 : i32
    %dma_start3A_713 = tpu.memref_slice %arg27[%dma_start3A_712] : memref<32768xf32, #tpu.memory_space<vmem_shared>> -> memref<32768xf32, #tpu.memory_space<vmem_shared>>
    tpu.enqueue_indirect_dma source(%dma_start3A_713 : memref<32768xf32, #tpu.memory_space<vmem_shared>>) target(%dma_start3A_709 : memref<128xf32, #tpu.memory_space<vmem>>) offsets(%dma_start3A_711 : memref<128xi32, #tpu.memory_space<vmem>>) semaphore(%arg33 : memref<!tpu.dma_semaphore, #tpu.memory_space<semaphore_mem>>)
    %dma_start3A_714 = arith.constant 0 : i32
    %dma_start3A_715 = tpu.memref_slice %arg17[%dma_start3A_714] : memref<2048xi32, #tpu.memory_space<vmem>> -> memref<128xi32, #tpu.memory_space<vmem>>
    %dma_start3A_716 = arith.constant 0 : i32
    %dma_start3A_717 = tpu.memref_slice %arg7[%dma_start3A_716] : memref<2048xi32, #tpu.memory_space<vmem>> -> memref<128xi32, #tpu.memory_space<vmem>>
    %dma_start3A_718 = arith.constant 0 : i32
    %dma_start3A_719 = tpu.memref_slice %arg28[%dma_start3A_718] : memref<32768xi32, #tpu.memory_space<vmem_shared>> -> memref<32768xi32, #tpu.memory_space<vmem_shared>>
    tpu.enqueue_indirect_dma source(%dma_start3A_719 : memref<32768xi32, #tpu.memory_space<vmem_shared>>) target(%dma_start3A_715 : memref<128xi32, #tpu.memory_space<vmem>>) offsets(%dma_start3A_717 : memref<128xi32, #tpu.memory_space<vmem>>) semaphore(%arg33 : memref<!tpu.dma_semaphore, #tpu.memory_space<semaphore_mem>>)
    %dma_start3A_720 = arith.constant 128 : i32
    %dma_start3A_721 = tpu.memref_slice %arg16[%dma_start3A_720] : memref<2048xf32, #tpu.memory_space<vmem>> -> memref<128xf32, #tpu.memory_space<vmem>>
    %dma_start3A_722 = arith.constant 128 : i32
    %dma_start3A_723 = tpu.memref_slice %arg7[%dma_start3A_722] : memref<2048xi32, #tpu.memory_space<vmem>> -> memref<128xi32, #tpu.memory_space<vmem>>
    %dma_start3A_724 = arith.constant 0 : i32
    %dma_start3A_725 = tpu.memref_slice %arg27[%dma_start3A_724] : memref<32768xf32, #tpu.memory_space<vmem_shared>> -> memref<32768xf32, #tpu.memory_space<vmem_shared>>
    tpu.enqueue_indirect_dma source(%dma_start3A_725 : memref<32768xf32, #tpu.memory_space<vmem_shared>>) target(%dma_start3A_721 : memref<128xf32, #tpu.memory_space<vmem>>) offsets(%dma_start3A_723 : memref<128xi32, #tpu.memory_space<vmem>>) semaphore(%arg33 : memref<!tpu.dma_semaphore, #tpu.memory_space<semaphore_mem>>)
    %dma_start3A_726 = arith.constant 128 : i32
    %dma_start3A_727 = tpu.memref_slice %arg17[%dma_start3A_726] : memref<2048xi32, #tpu.memory_space<vmem>> -> memref<128xi32, #tpu.memory_space<vmem>>
    %dma_start3A_728 = arith.constant 128 : i32
    %dma_start3A_729 = tpu.memref_slice %arg7[%dma_start3A_728] : memref<2048xi32, #tpu.memory_space<vmem>> -> memref<128xi32, #tpu.memory_space<vmem>>
    %dma_start3A_730 = arith.constant 0 : i32
    %dma_start3A_731 = tpu.memref_slice %arg28[%dma_start3A_730] : memref<32768xi32, #tpu.memory_space<vmem_shared>> -> memref<32768xi32, #tpu.memory_space<vmem_shared>>
    tpu.enqueue_indirect_dma source(%dma_start3A_731 : memref<32768xi32, #tpu.memory_space<vmem_shared>>) target(%dma_start3A_727 : memref<128xi32, #tpu.memory_space<vmem>>) offsets(%dma_start3A_729 : memref<128xi32, #tpu.memory_space<vmem>>) semaphore(%arg33 : memref<!tpu.dma_semaphore, #tpu.memory_space<semaphore_mem>>)
    %dma_start3A_732 = arith.constant 256 : i32
    %dma_start3A_733 = tpu.memref_slice %arg16[%dma_start3A_732] : memref<2048xf32, #tpu.memory_space<vmem>> -> memref<128xf32, #tpu.memory_space<vmem>>
    %dma_start3A_734 = arith.constant 256 : i32
    %dma_start3A_735 = tpu.memref_slice %arg7[%dma_start3A_734] : memref<2048xi32, #tpu.memory_space<vmem>> -> memref<128xi32, #tpu.memory_space<vmem>>
    %dma_start3A_736 = arith.constant 0 : i32
    %dma_start3A_737 = tpu.memref_slice %arg27[%dma_start3A_736] : memref<32768xf32, #tpu.memory_space<vmem_shared>> -> memref<32768xf32, #tpu.memory_space<vmem_shared>>
    tpu.enqueue_indirect_dma source(%dma_start3A_737 : memref<32768xf32, #tpu.memory_space<vmem_shared>>) target(%dma_start3A_733 : memref<128xf32, #tpu.memory_space<vmem>>) offsets(%dma_start3A_735 : memref<128xi32, #tpu.memory_space<vmem>>) semaphore(%arg33 : memref<!tpu.dma_semaphore, #tpu.memory_space<semaphore_mem>>)
    %dma_start3A_738 = arith.constant 256 : i32
    %dma_start3A_739 = tpu.memref_slice %arg17[%dma_start3A_738] : memref<2048xi32, #tpu.memory_space<vmem>> -> memref<128xi32, #tpu.memory_space<vmem>>
    %dma_start3A_740 = arith.constant 256 : i32
    %dma_start3A_741 = tpu.memref_slice %arg7[%dma_start3A_740] : memref<2048xi32, #tpu.memory_space<vmem>> -> memref<128xi32, #tpu.memory_space<vmem>>
    %dma_start3A_742 = arith.constant 0 : i32
    %dma_start3A_743 = tpu.memref_slice %arg28[%dma_start3A_742] : memref<32768xi32, #tpu.memory_space<vmem_shared>> -> memref<32768xi32, #tpu.memory_space<vmem_shared>>
    tpu.enqueue_indirect_dma source(%dma_start3A_743 : memref<32768xi32, #tpu.memory_space<vmem_shared>>) target(%dma_start3A_739 : memref<128xi32, #tpu.memory_space<vmem>>) offsets(%dma_start3A_741 : memref<128xi32, #tpu.memory_space<vmem>>) semaphore(%arg33 : memref<!tpu.dma_semaphore, #tpu.memory_space<semaphore_mem>>)
    %dma_start3A_744 = arith.constant 384 : i32
    %dma_start3A_745 = tpu.memref_slice %arg16[%dma_start3A_744] : memref<2048xf32, #tpu.memory_space<vmem>> -> memref<128xf32, #tpu.memory_space<vmem>>
    %dma_start3A_746 = arith.constant 384 : i32
    %dma_start3A_747 = tpu.memref_slice %arg7[%dma_start3A_746] : memref<2048xi32, #tpu.memory_space<vmem>> -> memref<128xi32, #tpu.memory_space<vmem>>
    %dma_start3A_748 = arith.constant 0 : i32
    %dma_start3A_749 = tpu.memref_slice %arg27[%dma_start3A_748] : memref<32768xf32, #tpu.memory_space<vmem_shared>> -> memref<32768xf32, #tpu.memory_space<vmem_shared>>
    tpu.enqueue_indirect_dma source(%dma_start3A_749 : memref<32768xf32, #tpu.memory_space<vmem_shared>>) target(%dma_start3A_745 : memref<128xf32, #tpu.memory_space<vmem>>) offsets(%dma_start3A_747 : memref<128xi32, #tpu.memory_space<vmem>>) semaphore(%arg33 : memref<!tpu.dma_semaphore, #tpu.memory_space<semaphore_mem>>)
    %dma_start3A_750 = arith.constant 384 : i32
    %dma_start3A_751 = tpu.memref_slice %arg17[%dma_start3A_750] : memref<2048xi32, #tpu.memory_space<vmem>> -> memref<128xi32, #tpu.memory_space<vmem>>
    %dma_start3A_752 = arith.constant 384 : i32
    %dma_start3A_753 = tpu.memref_slice %arg7[%dma_start3A_752] : memref<2048xi32, #tpu.memory_space<vmem>> -> memref<128xi32, #tpu.memory_space<vmem>>
    %dma_start3A_754 = arith.constant 0 : i32
    %dma_start3A_755 = tpu.memref_slice %arg28[%dma_start3A_754] : memref<32768xi32, #tpu.memory_space<vmem_shared>> -> memref<32768xi32, #tpu.memory_space<vmem_shared>>
    tpu.enqueue_indirect_dma source(%dma_start3A_755 : memref<32768xi32, #tpu.memory_space<vmem_shared>>) target(%dma_start3A_751 : memref<128xi32, #tpu.memory_space<vmem>>) offsets(%dma_start3A_753 : memref<128xi32, #tpu.memory_space<vmem>>) semaphore(%arg33 : memref<!tpu.dma_semaphore, #tpu.memory_space<semaphore_mem>>)
    %dma_start3A_756 = arith.constant 512 : i32
    %dma_start3A_757 = tpu.memref_slice %arg16[%dma_start3A_756] : memref<2048xf32, #tpu.memory_space<vmem>> -> memref<128xf32, #tpu.memory_space<vmem>>
    %dma_start3A_758 = arith.constant 512 : i32
    %dma_start3A_759 = tpu.memref_slice %arg7[%dma_start3A_758] : memref<2048xi32, #tpu.memory_space<vmem>> -> memref<128xi32, #tpu.memory_space<vmem>>
    %dma_start3A_760 = arith.constant 0 : i32
    %dma_start3A_761 = tpu.memref_slice %arg27[%dma_start3A_760] : memref<32768xf32, #tpu.memory_space<vmem_shared>> -> memref<32768xf32, #tpu.memory_space<vmem_shared>>
    tpu.enqueue_indirect_dma source(%dma_start3A_761 : memref<32768xf32, #tpu.memory_space<vmem_shared>>) target(%dma_start3A_757 : memref<128xf32, #tpu.memory_space<vmem>>) offsets(%dma_start3A_759 : memref<128xi32, #tpu.memory_space<vmem>>) semaphore(%arg33 : memref<!tpu.dma_semaphore, #tpu.memory_space<semaphore_mem>>)
    %dma_start3A_762 = arith.constant 512 : i32
    %dma_start3A_763 = tpu.memref_slice %arg17[%dma_start3A_762] : memref<2048xi32, #tpu.memory_space<vmem>> -> memref<128xi32, #tpu.memory_space<vmem>>
    %dma_start3A_764 = arith.constant 512 : i32
    %dma_start3A_765 = tpu.memref_slice %arg7[%dma_start3A_764] : memref<2048xi32, #tpu.memory_space<vmem>> -> memref<128xi32, #tpu.memory_space<vmem>>
    %dma_start3A_766 = arith.constant 0 : i32
    %dma_start3A_767 = tpu.memref_slice %arg28[%dma_start3A_766] : memref<32768xi32, #tpu.memory_space<vmem_shared>> -> memref<32768xi32, #tpu.memory_space<vmem_shared>>
    tpu.enqueue_indirect_dma source(%dma_start3A_767 : memref<32768xi32, #tpu.memory_space<vmem_shared>>) target(%dma_start3A_763 : memref<128xi32, #tpu.memory_space<vmem>>) offsets(%dma_start3A_765 : memref<128xi32, #tpu.memory_space<vmem>>) semaphore(%arg33 : memref<!tpu.dma_semaphore, #tpu.memory_space<semaphore_mem>>)
    %dma_start3A_768 = arith.constant 640 : i32
    %dma_start3A_769 = tpu.memref_slice %arg16[%dma_start3A_768] : memref<2048xf32, #tpu.memory_space<vmem>> -> memref<128xf32, #tpu.memory_space<vmem>>
    %dma_start3A_770 = arith.constant 640 : i32
    %dma_start3A_771 = tpu.memref_slice %arg7[%dma_start3A_770] : memref<2048xi32, #tpu.memory_space<vmem>> -> memref<128xi32, #tpu.memory_space<vmem>>
    %dma_start3A_772 = arith.constant 0 : i32
    %dma_start3A_773 = tpu.memref_slice %arg27[%dma_start3A_772] : memref<32768xf32, #tpu.memory_space<vmem_shared>> -> memref<32768xf32, #tpu.memory_space<vmem_shared>>
    tpu.enqueue_indirect_dma source(%dma_start3A_773 : memref<32768xf32, #tpu.memory_space<vmem_shared>>) target(%dma_start3A_769 : memref<128xf32, #tpu.memory_space<vmem>>) offsets(%dma_start3A_771 : memref<128xi32, #tpu.memory_space<vmem>>) semaphore(%arg33 : memref<!tpu.dma_semaphore, #tpu.memory_space<semaphore_mem>>)
    %dma_start3A_774 = arith.constant 640 : i32
    %dma_start3A_775 = tpu.memref_slice %arg17[%dma_start3A_774] : memref<2048xi32, #tpu.memory_space<vmem>> -> memref<128xi32, #tpu.memory_space<vmem>>
    %dma_start3A_776 = arith.constant 640 : i32
    %dma_start3A_777 = tpu.memref_slice %arg7[%dma_start3A_776] : memref<2048xi32, #tpu.memory_space<vmem>> -> memref<128xi32, #tpu.memory_space<vmem>>
    %dma_start3A_778 = arith.constant 0 : i32
    %dma_start3A_779 = tpu.memref_slice %arg28[%dma_start3A_778] : memref<32768xi32, #tpu.memory_space<vmem_shared>> -> memref<32768xi32, #tpu.memory_space<vmem_shared>>
    tpu.enqueue_indirect_dma source(%dma_start3A_779 : memref<32768xi32, #tpu.memory_space<vmem_shared>>) target(%dma_start3A_775 : memref<128xi32, #tpu.memory_space<vmem>>) offsets(%dma_start3A_777 : memref<128xi32, #tpu.memory_space<vmem>>) semaphore(%arg33 : memref<!tpu.dma_semaphore, #tpu.memory_space<semaphore_mem>>)
    %dma_start3A_780 = arith.constant 768 : i32
    %dma_start3A_781 = tpu.memref_slice %arg16[%dma_start3A_780] : memref<2048xf32, #tpu.memory_space<vmem>> -> memref<128xf32, #tpu.memory_space<vmem>>
    %dma_start3A_782 = arith.constant 768 : i32
    %dma_start3A_783 = tpu.memref_slice %arg7[%dma_start3A_782] : memref<2048xi32, #tpu.memory_space<vmem>> -> memref<128xi32, #tpu.memory_space<vmem>>
    %dma_start3A_784 = arith.constant 0 : i32
    %dma_start3A_785 = tpu.memref_slice %arg27[%dma_start3A_784] : memref<32768xf32, #tpu.memory_space<vmem_shared>> -> memref<32768xf32, #tpu.memory_space<vmem_shared>>
    tpu.enqueue_indirect_dma source(%dma_start3A_785 : memref<32768xf32, #tpu.memory_space<vmem_shared>>) target(%dma_start3A_781 : memref<128xf32, #tpu.memory_space<vmem>>) offsets(%dma_start3A_783 : memref<128xi32, #tpu.memory_space<vmem>>) semaphore(%arg33 : memref<!tpu.dma_semaphore, #tpu.memory_space<semaphore_mem>>)
    %dma_start3A_786 = arith.constant 768 : i32
    %dma_start3A_787 = tpu.memref_slice %arg17[%dma_start3A_786] : memref<2048xi32, #tpu.memory_space<vmem>> -> memref<128xi32, #tpu.memory_space<vmem>>
    %dma_start3A_788 = arith.constant 768 : i32
    %dma_start3A_789 = tpu.memref_slice %arg7[%dma_start3A_788] : memref<2048xi32, #tpu.memory_space<vmem>> -> memref<128xi32, #tpu.memory_space<vmem>>
    %dma_start3A_790 = arith.constant 0 : i32
    %dma_start3A_791 = tpu.memref_slice %arg28[%dma_start3A_790] : memref<32768xi32, #tpu.memory_space<vmem_shared>> -> memref<32768xi32, #tpu.memory_space<vmem_shared>>
    tpu.enqueue_indirect_dma source(%dma_start3A_791 : memref<32768xi32, #tpu.memory_space<vmem_shared>>) target(%dma_start3A_787 : memref<128xi32, #tpu.memory_space<vmem>>) offsets(%dma_start3A_789 : memref<128xi32, #tpu.memory_space<vmem>>) semaphore(%arg33 : memref<!tpu.dma_semaphore, #tpu.memory_space<semaphore_mem>>)
    %dma_start3A_792 = arith.constant 896 : i32
    %dma_start3A_793 = tpu.memref_slice %arg16[%dma_start3A_792] : memref<2048xf32, #tpu.memory_space<vmem>> -> memref<128xf32, #tpu.memory_space<vmem>>
    %dma_start3A_794 = arith.constant 896 : i32
    %dma_start3A_795 = tpu.memref_slice %arg7[%dma_start3A_794] : memref<2048xi32, #tpu.memory_space<vmem>> -> memref<128xi32, #tpu.memory_space<vmem>>
    %dma_start3A_796 = arith.constant 0 : i32
    %dma_start3A_797 = tpu.memref_slice %arg27[%dma_start3A_796] : memref<32768xf32, #tpu.memory_space<vmem_shared>> -> memref<32768xf32, #tpu.memory_space<vmem_shared>>
    tpu.enqueue_indirect_dma source(%dma_start3A_797 : memref<32768xf32, #tpu.memory_space<vmem_shared>>) target(%dma_start3A_793 : memref<128xf32, #tpu.memory_space<vmem>>) offsets(%dma_start3A_795 : memref<128xi32, #tpu.memory_space<vmem>>) semaphore(%arg33 : memref<!tpu.dma_semaphore, #tpu.memory_space<semaphore_mem>>)
    %dma_start3A_798 = arith.constant 896 : i32
    %dma_start3A_799 = tpu.memref_slice %arg17[%dma_start3A_798] : memref<2048xi32, #tpu.memory_space<vmem>> -> memref<128xi32, #tpu.memory_space<vmem>>
    %dma_start3A_800 = arith.constant 896 : i32
    %dma_start3A_801 = tpu.memref_slice %arg7[%dma_start3A_800] : memref<2048xi32, #tpu.memory_space<vmem>> -> memref<128xi32, #tpu.memory_space<vmem>>
    %dma_start3A_802 = arith.constant 0 : i32
    %dma_start3A_803 = tpu.memref_slice %arg28[%dma_start3A_802] : memref<32768xi32, #tpu.memory_space<vmem_shared>> -> memref<32768xi32, #tpu.memory_space<vmem_shared>>
    tpu.enqueue_indirect_dma source(%dma_start3A_803 : memref<32768xi32, #tpu.memory_space<vmem_shared>>) target(%dma_start3A_799 : memref<128xi32, #tpu.memory_space<vmem>>) offsets(%dma_start3A_801 : memref<128xi32, #tpu.memory_space<vmem>>) semaphore(%arg33 : memref<!tpu.dma_semaphore, #tpu.memory_space<semaphore_mem>>)
    %dma_start3A_804 = arith.constant 1024 : i32
    %dma_start3A_805 = tpu.memref_slice %arg16[%dma_start3A_804] : memref<2048xf32, #tpu.memory_space<vmem>> -> memref<128xf32, #tpu.memory_space<vmem>>
    %dma_start3A_806 = arith.constant 1024 : i32
    %dma_start3A_807 = tpu.memref_slice %arg7[%dma_start3A_806] : memref<2048xi32, #tpu.memory_space<vmem>> -> memref<128xi32, #tpu.memory_space<vmem>>
    %dma_start3A_808 = arith.constant 0 : i32
    %dma_start3A_809 = tpu.memref_slice %arg27[%dma_start3A_808] : memref<32768xf32, #tpu.memory_space<vmem_shared>> -> memref<32768xf32, #tpu.memory_space<vmem_shared>>
    tpu.enqueue_indirect_dma source(%dma_start3A_809 : memref<32768xf32, #tpu.memory_space<vmem_shared>>) target(%dma_start3A_805 : memref<128xf32, #tpu.memory_space<vmem>>) offsets(%dma_start3A_807 : memref<128xi32, #tpu.memory_space<vmem>>) semaphore(%arg33 : memref<!tpu.dma_semaphore, #tpu.memory_space<semaphore_mem>>)
    %dma_start3A_810 = arith.constant 1024 : i32
    %dma_start3A_811 = tpu.memref_slice %arg17[%dma_start3A_810] : memref<2048xi32, #tpu.memory_space<vmem>> -> memref<128xi32, #tpu.memory_space<vmem>>
    %dma_start3A_812 = arith.constant 1024 : i32
    %dma_start3A_813 = tpu.memref_slice %arg7[%dma_start3A_812] : memref<2048xi32, #tpu.memory_space<vmem>> -> memref<128xi32, #tpu.memory_space<vmem>>
    %dma_start3A_814 = arith.constant 0 : i32
    %dma_start3A_815 = tpu.memref_slice %arg28[%dma_start3A_814] : memref<32768xi32, #tpu.memory_space<vmem_shared>> -> memref<32768xi32, #tpu.memory_space<vmem_shared>>
    tpu.enqueue_indirect_dma source(%dma_start3A_815 : memref<32768xi32, #tpu.memory_space<vmem_shared>>) target(%dma_start3A_811 : memref<128xi32, #tpu.memory_space<vmem>>) offsets(%dma_start3A_813 : memref<128xi32, #tpu.memory_space<vmem>>) semaphore(%arg33 : memref<!tpu.dma_semaphore, #tpu.memory_space<semaphore_mem>>)
    %dma_start3A_816 = arith.constant 1152 : i32
    %dma_start3A_817 = tpu.memref_slice %arg16[%dma_start3A_816] : memref<2048xf32, #tpu.memory_space<vmem>> -> memref<128xf32, #tpu.memory_space<vmem>>
    %dma_start3A_818 = arith.constant 1152 : i32
    %dma_start3A_819 = tpu.memref_slice %arg7[%dma_start3A_818] : memref<2048xi32, #tpu.memory_space<vmem>> -> memref<128xi32, #tpu.memory_space<vmem>>
    %dma_start3A_820 = arith.constant 0 : i32
    %dma_start3A_821 = tpu.memref_slice %arg27[%dma_start3A_820] : memref<32768xf32, #tpu.memory_space<vmem_shared>> -> memref<32768xf32, #tpu.memory_space<vmem_shared>>
    tpu.enqueue_indirect_dma source(%dma_start3A_821 : memref<32768xf32, #tpu.memory_space<vmem_shared>>) target(%dma_start3A_817 : memref<128xf32, #tpu.memory_space<vmem>>) offsets(%dma_start3A_819 : memref<128xi32, #tpu.memory_space<vmem>>) semaphore(%arg33 : memref<!tpu.dma_semaphore, #tpu.memory_space<semaphore_mem>>)
    %dma_start3A_822 = arith.constant 1152 : i32
    %dma_start3A_823 = tpu.memref_slice %arg17[%dma_start3A_822] : memref<2048xi32, #tpu.memory_space<vmem>> -> memref<128xi32, #tpu.memory_space<vmem>>
    %dma_start3A_824 = arith.constant 1152 : i32
    %dma_start3A_825 = tpu.memref_slice %arg7[%dma_start3A_824] : memref<2048xi32, #tpu.memory_space<vmem>> -> memref<128xi32, #tpu.memory_space<vmem>>
    %dma_start3A_826 = arith.constant 0 : i32
    %dma_start3A_827 = tpu.memref_slice %arg28[%dma_start3A_826] : memref<32768xi32, #tpu.memory_space<vmem_shared>> -> memref<32768xi32, #tpu.memory_space<vmem_shared>>
    tpu.enqueue_indirect_dma source(%dma_start3A_827 : memref<32768xi32, #tpu.memory_space<vmem_shared>>) target(%dma_start3A_823 : memref<128xi32, #tpu.memory_space<vmem>>) offsets(%dma_start3A_825 : memref<128xi32, #tpu.memory_space<vmem>>) semaphore(%arg33 : memref<!tpu.dma_semaphore, #tpu.memory_space<semaphore_mem>>)
    %dma_start3A_828 = arith.constant 1280 : i32
    %dma_start3A_829 = tpu.memref_slice %arg16[%dma_start3A_828] : memref<2048xf32, #tpu.memory_space<vmem>> -> memref<128xf32, #tpu.memory_space<vmem>>
    %dma_start3A_830 = arith.constant 1280 : i32
    %dma_start3A_831 = tpu.memref_slice %arg7[%dma_start3A_830] : memref<2048xi32, #tpu.memory_space<vmem>> -> memref<128xi32, #tpu.memory_space<vmem>>
    %dma_start3A_832 = arith.constant 0 : i32
    %dma_start3A_833 = tpu.memref_slice %arg27[%dma_start3A_832] : memref<32768xf32, #tpu.memory_space<vmem_shared>> -> memref<32768xf32, #tpu.memory_space<vmem_shared>>
    tpu.enqueue_indirect_dma source(%dma_start3A_833 : memref<32768xf32, #tpu.memory_space<vmem_shared>>) target(%dma_start3A_829 : memref<128xf32, #tpu.memory_space<vmem>>) offsets(%dma_start3A_831 : memref<128xi32, #tpu.memory_space<vmem>>) semaphore(%arg33 : memref<!tpu.dma_semaphore, #tpu.memory_space<semaphore_mem>>)
    %dma_start3A_834 = arith.constant 1280 : i32
    %dma_start3A_835 = tpu.memref_slice %arg17[%dma_start3A_834] : memref<2048xi32, #tpu.memory_space<vmem>> -> memref<128xi32, #tpu.memory_space<vmem>>
    %dma_start3A_836 = arith.constant 1280 : i32
    %dma_start3A_837 = tpu.memref_slice %arg7[%dma_start3A_836] : memref<2048xi32, #tpu.memory_space<vmem>> -> memref<128xi32, #tpu.memory_space<vmem>>
    %dma_start3A_838 = arith.constant 0 : i32
    %dma_start3A_839 = tpu.memref_slice %arg28[%dma_start3A_838] : memref<32768xi32, #tpu.memory_space<vmem_shared>> -> memref<32768xi32, #tpu.memory_space<vmem_shared>>
    tpu.enqueue_indirect_dma source(%dma_start3A_839 : memref<32768xi32, #tpu.memory_space<vmem_shared>>) target(%dma_start3A_835 : memref<128xi32, #tpu.memory_space<vmem>>) offsets(%dma_start3A_837 : memref<128xi32, #tpu.memory_space<vmem>>) semaphore(%arg33 : memref<!tpu.dma_semaphore, #tpu.memory_space<semaphore_mem>>)
    %dma_start3A_840 = arith.constant 1408 : i32
    %dma_start3A_841 = tpu.memref_slice %arg16[%dma_start3A_840] : memref<2048xf32, #tpu.memory_space<vmem>> -> memref<128xf32, #tpu.memory_space<vmem>>
    %dma_start3A_842 = arith.constant 1408 : i32
    %dma_start3A_843 = tpu.memref_slice %arg7[%dma_start3A_842] : memref<2048xi32, #tpu.memory_space<vmem>> -> memref<128xi32, #tpu.memory_space<vmem>>
    %dma_start3A_844 = arith.constant 0 : i32
    %dma_start3A_845 = tpu.memref_slice %arg27[%dma_start3A_844] : memref<32768xf32, #tpu.memory_space<vmem_shared>> -> memref<32768xf32, #tpu.memory_space<vmem_shared>>
    tpu.enqueue_indirect_dma source(%dma_start3A_845 : memref<32768xf32, #tpu.memory_space<vmem_shared>>) target(%dma_start3A_841 : memref<128xf32, #tpu.memory_space<vmem>>) offsets(%dma_start3A_843 : memref<128xi32, #tpu.memory_space<vmem>>) semaphore(%arg33 : memref<!tpu.dma_semaphore, #tpu.memory_space<semaphore_mem>>)
    %dma_start3A_846 = arith.constant 1408 : i32
    %dma_start3A_847 = tpu.memref_slice %arg17[%dma_start3A_846] : memref<2048xi32, #tpu.memory_space<vmem>> -> memref<128xi32, #tpu.memory_space<vmem>>
    %dma_start3A_848 = arith.constant 1408 : i32
    %dma_start3A_849 = tpu.memref_slice %arg7[%dma_start3A_848] : memref<2048xi32, #tpu.memory_space<vmem>> -> memref<128xi32, #tpu.memory_space<vmem>>
    %dma_start3A_850 = arith.constant 0 : i32
    %dma_start3A_851 = tpu.memref_slice %arg28[%dma_start3A_850] : memref<32768xi32, #tpu.memory_space<vmem_shared>> -> memref<32768xi32, #tpu.memory_space<vmem_shared>>
    tpu.enqueue_indirect_dma source(%dma_start3A_851 : memref<32768xi32, #tpu.memory_space<vmem_shared>>) target(%dma_start3A_847 : memref<128xi32, #tpu.memory_space<vmem>>) offsets(%dma_start3A_849 : memref<128xi32, #tpu.memory_space<vmem>>) semaphore(%arg33 : memref<!tpu.dma_semaphore, #tpu.memory_space<semaphore_mem>>)
    %dma_start3A_852 = arith.constant 1536 : i32
    %dma_start3A_853 = tpu.memref_slice %arg16[%dma_start3A_852] : memref<2048xf32, #tpu.memory_space<vmem>> -> memref<128xf32, #tpu.memory_space<vmem>>
    %dma_start3A_854 = arith.constant 1536 : i32
    %dma_start3A_855 = tpu.memref_slice %arg7[%dma_start3A_854] : memref<2048xi32, #tpu.memory_space<vmem>> -> memref<128xi32, #tpu.memory_space<vmem>>
    %dma_start3A_856 = arith.constant 0 : i32
    %dma_start3A_857 = tpu.memref_slice %arg27[%dma_start3A_856] : memref<32768xf32, #tpu.memory_space<vmem_shared>> -> memref<32768xf32, #tpu.memory_space<vmem_shared>>
    tpu.enqueue_indirect_dma source(%dma_start3A_857 : memref<32768xf32, #tpu.memory_space<vmem_shared>>) target(%dma_start3A_853 : memref<128xf32, #tpu.memory_space<vmem>>) offsets(%dma_start3A_855 : memref<128xi32, #tpu.memory_space<vmem>>) semaphore(%arg33 : memref<!tpu.dma_semaphore, #tpu.memory_space<semaphore_mem>>)
    %dma_start3A_858 = arith.constant 1536 : i32
    %dma_start3A_859 = tpu.memref_slice %arg17[%dma_start3A_858] : memref<2048xi32, #tpu.memory_space<vmem>> -> memref<128xi32, #tpu.memory_space<vmem>>
    %dma_start3A_860 = arith.constant 1536 : i32
    %dma_start3A_861 = tpu.memref_slice %arg7[%dma_start3A_860] : memref<2048xi32, #tpu.memory_space<vmem>> -> memref<128xi32, #tpu.memory_space<vmem>>
    %dma_start3A_862 = arith.constant 0 : i32
    %dma_start3A_863 = tpu.memref_slice %arg28[%dma_start3A_862] : memref<32768xi32, #tpu.memory_space<vmem_shared>> -> memref<32768xi32, #tpu.memory_space<vmem_shared>>
    tpu.enqueue_indirect_dma source(%dma_start3A_863 : memref<32768xi32, #tpu.memory_space<vmem_shared>>) target(%dma_start3A_859 : memref<128xi32, #tpu.memory_space<vmem>>) offsets(%dma_start3A_861 : memref<128xi32, #tpu.memory_space<vmem>>) semaphore(%arg33 : memref<!tpu.dma_semaphore, #tpu.memory_space<semaphore_mem>>)
    %dma_start3A_864 = arith.constant 1664 : i32
    %dma_start3A_865 = tpu.memref_slice %arg16[%dma_start3A_864] : memref<2048xf32, #tpu.memory_space<vmem>> -> memref<128xf32, #tpu.memory_space<vmem>>
    %dma_start3A_866 = arith.constant 1664 : i32
    %dma_start3A_867 = tpu.memref_slice %arg7[%dma_start3A_866] : memref<2048xi32, #tpu.memory_space<vmem>> -> memref<128xi32, #tpu.memory_space<vmem>>
    %dma_start3A_868 = arith.constant 0 : i32
    %dma_start3A_869 = tpu.memref_slice %arg27[%dma_start3A_868] : memref<32768xf32, #tpu.memory_space<vmem_shared>> -> memref<32768xf32, #tpu.memory_space<vmem_shared>>
    tpu.enqueue_indirect_dma source(%dma_start3A_869 : memref<32768xf32, #tpu.memory_space<vmem_shared>>) target(%dma_start3A_865 : memref<128xf32, #tpu.memory_space<vmem>>) offsets(%dma_start3A_867 : memref<128xi32, #tpu.memory_space<vmem>>) semaphore(%arg33 : memref<!tpu.dma_semaphore, #tpu.memory_space<semaphore_mem>>)
    %dma_start3A_870 = arith.constant 1664 : i32
    %dma_start3A_871 = tpu.memref_slice %arg17[%dma_start3A_870] : memref<2048xi32, #tpu.memory_space<vmem>> -> memref<128xi32, #tpu.memory_space<vmem>>
    %dma_start3A_872 = arith.constant 1664 : i32
    %dma_start3A_873 = tpu.memref_slice %arg7[%dma_start3A_872] : memref<2048xi32, #tpu.memory_space<vmem>> -> memref<128xi32, #tpu.memory_space<vmem>>
    %dma_start3A_874 = arith.constant 0 : i32
    %dma_start3A_875 = tpu.memref_slice %arg28[%dma_start3A_874] : memref<32768xi32, #tpu.memory_space<vmem_shared>> -> memref<32768xi32, #tpu.memory_space<vmem_shared>>
    tpu.enqueue_indirect_dma source(%dma_start3A_875 : memref<32768xi32, #tpu.memory_space<vmem_shared>>) target(%dma_start3A_871 : memref<128xi32, #tpu.memory_space<vmem>>) offsets(%dma_start3A_873 : memref<128xi32, #tpu.memory_space<vmem>>) semaphore(%arg33 : memref<!tpu.dma_semaphore, #tpu.memory_space<semaphore_mem>>)
    %dma_start3A_876 = arith.constant 1792 : i32
    %dma_start3A_877 = tpu.memref_slice %arg16[%dma_start3A_876] : memref<2048xf32, #tpu.memory_space<vmem>> -> memref<128xf32, #tpu.memory_space<vmem>>
    %dma_start3A_878 = arith.constant 1792 : i32
    %dma_start3A_879 = tpu.memref_slice %arg7[%dma_start3A_878] : memref<2048xi32, #tpu.memory_space<vmem>> -> memref<128xi32, #tpu.memory_space<vmem>>
    %dma_start3A_880 = arith.constant 0 : i32
    %dma_start3A_881 = tpu.memref_slice %arg27[%dma_start3A_880] : memref<32768xf32, #tpu.memory_space<vmem_shared>> -> memref<32768xf32, #tpu.memory_space<vmem_shared>>
    tpu.enqueue_indirect_dma source(%dma_start3A_881 : memref<32768xf32, #tpu.memory_space<vmem_shared>>) target(%dma_start3A_877 : memref<128xf32, #tpu.memory_space<vmem>>) offsets(%dma_start3A_879 : memref<128xi32, #tpu.memory_space<vmem>>) semaphore(%arg33 : memref<!tpu.dma_semaphore, #tpu.memory_space<semaphore_mem>>)
    %dma_start3A_882 = arith.constant 1792 : i32
    %dma_start3A_883 = tpu.memref_slice %arg17[%dma_start3A_882] : memref<2048xi32, #tpu.memory_space<vmem>> -> memref<128xi32, #tpu.memory_space<vmem>>
    %dma_start3A_884 = arith.constant 1792 : i32
    %dma_start3A_885 = tpu.memref_slice %arg7[%dma_start3A_884] : memref<2048xi32, #tpu.memory_space<vmem>> -> memref<128xi32, #tpu.memory_space<vmem>>
    %dma_start3A_886 = arith.constant 0 : i32
    %dma_start3A_887 = tpu.memref_slice %arg28[%dma_start3A_886] : memref<32768xi32, #tpu.memory_space<vmem_shared>> -> memref<32768xi32, #tpu.memory_space<vmem_shared>>
    tpu.enqueue_indirect_dma source(%dma_start3A_887 : memref<32768xi32, #tpu.memory_space<vmem_shared>>) target(%dma_start3A_883 : memref<128xi32, #tpu.memory_space<vmem>>) offsets(%dma_start3A_885 : memref<128xi32, #tpu.memory_space<vmem>>) semaphore(%arg33 : memref<!tpu.dma_semaphore, #tpu.memory_space<semaphore_mem>>)
    %dma_start3A_888 = arith.constant 1920 : i32
    %dma_start3A_889 = tpu.memref_slice %arg16[%dma_start3A_888] : memref<2048xf32, #tpu.memory_space<vmem>> -> memref<128xf32, #tpu.memory_space<vmem>>
    %dma_start3A_890 = arith.constant 1920 : i32
    %dma_start3A_891 = tpu.memref_slice %arg7[%dma_start3A_890] : memref<2048xi32, #tpu.memory_space<vmem>> -> memref<128xi32, #tpu.memory_space<vmem>>
    %dma_start3A_892 = arith.constant 0 : i32
    %dma_start3A_893 = tpu.memref_slice %arg27[%dma_start3A_892] : memref<32768xf32, #tpu.memory_space<vmem_shared>> -> memref<32768xf32, #tpu.memory_space<vmem_shared>>
    tpu.enqueue_indirect_dma source(%dma_start3A_893 : memref<32768xf32, #tpu.memory_space<vmem_shared>>) target(%dma_start3A_889 : memref<128xf32, #tpu.memory_space<vmem>>) offsets(%dma_start3A_891 : memref<128xi32, #tpu.memory_space<vmem>>) semaphore(%arg33 : memref<!tpu.dma_semaphore, #tpu.memory_space<semaphore_mem>>)
    %dma_start3A_894 = arith.constant 1920 : i32
    %dma_start3A_895 = tpu.memref_slice %arg17[%dma_start3A_894] : memref<2048xi32, #tpu.memory_space<vmem>> -> memref<128xi32, #tpu.memory_space<vmem>>
    %dma_start3A_896 = arith.constant 1920 : i32
    %dma_start3A_897 = tpu.memref_slice %arg7[%dma_start3A_896] : memref<2048xi32, #tpu.memory_space<vmem>> -> memref<128xi32, #tpu.memory_space<vmem>>
    %dma_start3A_898 = arith.constant 0 : i32
    %dma_start3A_899 = tpu.memref_slice %arg28[%dma_start3A_898] : memref<32768xi32, #tpu.memory_space<vmem_shared>> -> memref<32768xi32, #tpu.memory_space<vmem_shared>>
    tpu.enqueue_indirect_dma source(%dma_start3A_899 : memref<32768xi32, #tpu.memory_space<vmem_shared>>) target(%dma_start3A_895 : memref<128xi32, #tpu.memory_space<vmem>>) offsets(%dma_start3A_897 : memref<128xi32, #tpu.memory_space<vmem>>) semaphore(%arg33 : memref<!tpu.dma_semaphore, #tpu.memory_space<semaphore_mem>>)
    %dma_wait3A_900 = arith.constant 0 : i32
    %dma_wait3A_901 = tpu.memref_slice %arg2[%dma_wait3A_900] : memref<32768xf32, #tpu.memory_space<hbm>> -> memref<128xf32, #tpu.memory_space<hbm>>
    %dma_wait3A_902 = arith.constant 0 : i32
    %dma_wait3A_903 = tpu.memref_slice %arg2[%dma_wait3A_902] : memref<32768xf32, #tpu.memory_space<hbm>> -> memref<128xf32, #tpu.memory_space<hbm>>
    tpu.wait_dma2 semaphore(%arg33 : memref<!tpu.dma_semaphore, #tpu.memory_space<semaphore_mem>>) src(%dma_wait3A_903 : memref<128xf32, #tpu.memory_space<hbm>>) dst(%arg19 : memref<128xi32, #tpu.memory_space<vmem>>)
    %dma_wait3A_904 = arith.constant 0 : i32
    %dma_wait3A_905 = tpu.memref_slice %arg2[%dma_wait3A_904] : memref<32768xf32, #tpu.memory_space<hbm>> -> memref<128xf32, #tpu.memory_space<hbm>>
    %dma_wait3A_906 = arith.constant 0 : i32
    %dma_wait3A_907 = tpu.memref_slice %arg2[%dma_wait3A_906] : memref<32768xf32, #tpu.memory_space<hbm>> -> memref<128xf32, #tpu.memory_space<hbm>>
    tpu.wait_dma2 semaphore(%arg33 : memref<!tpu.dma_semaphore, #tpu.memory_space<semaphore_mem>>) src(%dma_wait3A_907 : memref<128xf32, #tpu.memory_space<hbm>>) dst(%arg19 : memref<128xi32, #tpu.memory_space<vmem>>)
    %dma_wait3A_908 = arith.constant 0 : i32
    %dma_wait3A_909 = tpu.memref_slice %arg2[%dma_wait3A_908] : memref<32768xf32, #tpu.memory_space<hbm>> -> memref<128xf32, #tpu.memory_space<hbm>>
    %dma_wait3A_910 = arith.constant 0 : i32
    %dma_wait3A_911 = tpu.memref_slice %arg2[%dma_wait3A_910] : memref<32768xf32, #tpu.memory_space<hbm>> -> memref<128xf32, #tpu.memory_space<hbm>>
    tpu.wait_dma2 semaphore(%arg33 : memref<!tpu.dma_semaphore, #tpu.memory_space<semaphore_mem>>) src(%dma_wait3A_911 : memref<128xf32, #tpu.memory_space<hbm>>) dst(%arg19 : memref<128xi32, #tpu.memory_space<vmem>>)
    %dma_wait3A_912 = arith.constant 0 : i32
    %dma_wait3A_913 = tpu.memref_slice %arg2[%dma_wait3A_912] : memref<32768xf32, #tpu.memory_space<hbm>> -> memref<128xf32, #tpu.memory_space<hbm>>
    %dma_wait3A_914 = arith.constant 0 : i32
    %dma_wait3A_915 = tpu.memref_slice %arg2[%dma_wait3A_914] : memref<32768xf32, #tpu.memory_space<hbm>> -> memref<128xf32, #tpu.memory_space<hbm>>
    tpu.wait_dma2 semaphore(%arg33 : memref<!tpu.dma_semaphore, #tpu.memory_space<semaphore_mem>>) src(%dma_wait3A_915 : memref<128xf32, #tpu.memory_space<hbm>>) dst(%arg19 : memref<128xi32, #tpu.memory_space<vmem>>)
    %dma_wait3A_916 = arith.constant 0 : i32
    %dma_wait3A_917 = tpu.memref_slice %arg2[%dma_wait3A_916] : memref<32768xf32, #tpu.memory_space<hbm>> -> memref<128xf32, #tpu.memory_space<hbm>>
    %dma_wait3A_918 = arith.constant 0 : i32
    %dma_wait3A_919 = tpu.memref_slice %arg2[%dma_wait3A_918] : memref<32768xf32, #tpu.memory_space<hbm>> -> memref<128xf32, #tpu.memory_space<hbm>>
    tpu.wait_dma2 semaphore(%arg33 : memref<!tpu.dma_semaphore, #tpu.memory_space<semaphore_mem>>) src(%dma_wait3A_919 : memref<128xf32, #tpu.memory_space<hbm>>) dst(%arg19 : memref<128xi32, #tpu.memory_space<vmem>>)
    %dma_wait3A_920 = arith.constant 0 : i32
    %dma_wait3A_921 = tpu.memref_slice %arg2[%dma_wait3A_920] : memref<32768xf32, #tpu.memory_space<hbm>> -> memref<128xf32, #tpu.memory_space<hbm>>
    %dma_wait3A_922 = arith.constant 0 : i32
    %dma_wait3A_923 = tpu.memref_slice %arg2[%dma_wait3A_922] : memref<32768xf32, #tpu.memory_space<hbm>> -> memref<128xf32, #tpu.memory_space<hbm>>
    tpu.wait_dma2 semaphore(%arg33 : memref<!tpu.dma_semaphore, #tpu.memory_space<semaphore_mem>>) src(%dma_wait3A_923 : memref<128xf32, #tpu.memory_space<hbm>>) dst(%arg19 : memref<128xi32, #tpu.memory_space<vmem>>)
    %dma_wait3A_924 = arith.constant 0 : i32
    %dma_wait3A_925 = tpu.memref_slice %arg2[%dma_wait3A_924] : memref<32768xf32, #tpu.memory_space<hbm>> -> memref<128xf32, #tpu.memory_space<hbm>>
    %dma_wait3A_926 = arith.constant 0 : i32
    %dma_wait3A_927 = tpu.memref_slice %arg2[%dma_wait3A_926] : memref<32768xf32, #tpu.memory_space<hbm>> -> memref<128xf32, #tpu.memory_space<hbm>>
    tpu.wait_dma2 semaphore(%arg33 : memref<!tpu.dma_semaphore, #tpu.memory_space<semaphore_mem>>) src(%dma_wait3A_927 : memref<128xf32, #tpu.memory_space<hbm>>) dst(%arg19 : memref<128xi32, #tpu.memory_space<vmem>>)
    %dma_wait3A_928 = arith.constant 0 : i32
    %dma_wait3A_929 = tpu.memref_slice %arg2[%dma_wait3A_928] : memref<32768xf32, #tpu.memory_space<hbm>> -> memref<128xf32, #tpu.memory_space<hbm>>
    %dma_wait3A_930 = arith.constant 0 : i32
    %dma_wait3A_931 = tpu.memref_slice %arg2[%dma_wait3A_930] : memref<32768xf32, #tpu.memory_space<hbm>> -> memref<128xf32, #tpu.memory_space<hbm>>
    tpu.wait_dma2 semaphore(%arg33 : memref<!tpu.dma_semaphore, #tpu.memory_space<semaphore_mem>>) src(%dma_wait3A_931 : memref<128xf32, #tpu.memory_space<hbm>>) dst(%arg19 : memref<128xi32, #tpu.memory_space<vmem>>)
    %dma_wait3A_932 = arith.constant 0 : i32
    %dma_wait3A_933 = tpu.memref_slice %arg2[%dma_wait3A_932] : memref<32768xf32, #tpu.memory_space<hbm>> -> memref<128xf32, #tpu.memory_space<hbm>>
    %dma_wait3A_934 = arith.constant 0 : i32
    %dma_wait3A_935 = tpu.memref_slice %arg2[%dma_wait3A_934] : memref<32768xf32, #tpu.memory_space<hbm>> -> memref<128xf32, #tpu.memory_space<hbm>>
    tpu.wait_dma2 semaphore(%arg33 : memref<!tpu.dma_semaphore, #tpu.memory_space<semaphore_mem>>) src(%dma_wait3A_935 : memref<128xf32, #tpu.memory_space<hbm>>) dst(%arg19 : memref<128xi32, #tpu.memory_space<vmem>>)
    %dma_wait3A_936 = arith.constant 0 : i32
    %dma_wait3A_937 = tpu.memref_slice %arg2[%dma_wait3A_936] : memref<32768xf32, #tpu.memory_space<hbm>> -> memref<128xf32, #tpu.memory_space<hbm>>
    %dma_wait3A_938 = arith.constant 0 : i32
    %dma_wait3A_939 = tpu.memref_slice %arg2[%dma_wait3A_938] : memref<32768xf32, #tpu.memory_space<hbm>> -> memref<128xf32, #tpu.memory_space<hbm>>
    tpu.wait_dma2 semaphore(%arg33 : memref<!tpu.dma_semaphore, #tpu.memory_space<semaphore_mem>>) src(%dma_wait3A_939 : memref<128xf32, #tpu.memory_space<hbm>>) dst(%arg19 : memref<128xi32, #tpu.memory_space<vmem>>)
    %dma_wait3A_940 = arith.constant 0 : i32
    %dma_wait3A_941 = tpu.memref_slice %arg2[%dma_wait3A_940] : memref<32768xf32, #tpu.memory_space<hbm>> -> memref<128xf32, #tpu.memory_space<hbm>>
    %dma_wait3A_942 = arith.constant 0 : i32
    %dma_wait3A_943 = tpu.memref_slice %arg2[%dma_wait3A_942] : memref<32768xf32, #tpu.memory_space<hbm>> -> memref<128xf32, #tpu.memory_space<hbm>>
    tpu.wait_dma2 semaphore(%arg33 : memref<!tpu.dma_semaphore, #tpu.memory_space<semaphore_mem>>) src(%dma_wait3A_943 : memref<128xf32, #tpu.memory_space<hbm>>) dst(%arg19 : memref<128xi32, #tpu.memory_space<vmem>>)
    %dma_wait3A_944 = arith.constant 0 : i32
    %dma_wait3A_945 = tpu.memref_slice %arg2[%dma_wait3A_944] : memref<32768xf32, #tpu.memory_space<hbm>> -> memref<128xf32, #tpu.memory_space<hbm>>
    %dma_wait3A_946 = arith.constant 0 : i32
    %dma_wait3A_947 = tpu.memref_slice %arg2[%dma_wait3A_946] : memref<32768xf32, #tpu.memory_space<hbm>> -> memref<128xf32, #tpu.memory_space<hbm>>
    tpu.wait_dma2 semaphore(%arg33 : memref<!tpu.dma_semaphore, #tpu.memory_space<semaphore_mem>>) src(%dma_wait3A_947 : memref<128xf32, #tpu.memory_space<hbm>>) dst(%arg19 : memref<128xi32, #tpu.memory_space<vmem>>)
    %dma_wait3A_948 = arith.constant 0 : i32
    %dma_wait3A_949 = tpu.memref_slice %arg2[%dma_wait3A_948] : memref<32768xf32, #tpu.memory_space<hbm>> -> memref<128xf32, #tpu.memory_space<hbm>>
    %dma_wait3A_950 = arith.constant 0 : i32
    %dma_wait3A_951 = tpu.memref_slice %arg2[%dma_wait3A_950] : memref<32768xf32, #tpu.memory_space<hbm>> -> memref<128xf32, #tpu.memory_space<hbm>>
    tpu.wait_dma2 semaphore(%arg33 : memref<!tpu.dma_semaphore, #tpu.memory_space<semaphore_mem>>) src(%dma_wait3A_951 : memref<128xf32, #tpu.memory_space<hbm>>) dst(%arg19 : memref<128xi32, #tpu.memory_space<vmem>>)
    %dma_wait3A_952 = arith.constant 0 : i32
    %dma_wait3A_953 = tpu.memref_slice %arg2[%dma_wait3A_952] : memref<32768xf32, #tpu.memory_space<hbm>> -> memref<128xf32, #tpu.memory_space<hbm>>
    %dma_wait3A_954 = arith.constant 0 : i32
    %dma_wait3A_955 = tpu.memref_slice %arg2[%dma_wait3A_954] : memref<32768xf32, #tpu.memory_space<hbm>> -> memref<128xf32, #tpu.memory_space<hbm>>
    tpu.wait_dma2 semaphore(%arg33 : memref<!tpu.dma_semaphore, #tpu.memory_space<semaphore_mem>>) src(%dma_wait3A_955 : memref<128xf32, #tpu.memory_space<hbm>>) dst(%arg19 : memref<128xi32, #tpu.memory_space<vmem>>)
    %dma_wait3A_956 = arith.constant 0 : i32
    %dma_wait3A_957 = tpu.memref_slice %arg2[%dma_wait3A_956] : memref<32768xf32, #tpu.memory_space<hbm>> -> memref<128xf32, #tpu.memory_space<hbm>>
    %dma_wait3A_958 = arith.constant 0 : i32
    %dma_wait3A_959 = tpu.memref_slice %arg2[%dma_wait3A_958] : memref<32768xf32, #tpu.memory_space<hbm>> -> memref<128xf32, #tpu.memory_space<hbm>>
    tpu.wait_dma2 semaphore(%arg33 : memref<!tpu.dma_semaphore, #tpu.memory_space<semaphore_mem>>) src(%dma_wait3A_959 : memref<128xf32, #tpu.memory_space<hbm>>) dst(%arg19 : memref<128xi32, #tpu.memory_space<vmem>>)
    %dma_wait3A_960 = arith.constant 0 : i32
    %dma_wait3A_961 = tpu.memref_slice %arg2[%dma_wait3A_960] : memref<32768xf32, #tpu.memory_space<hbm>> -> memref<128xf32, #tpu.memory_space<hbm>>
    %dma_wait3A_962 = arith.constant 0 : i32
    %dma_wait3A_963 = tpu.memref_slice %arg2[%dma_wait3A_962] : memref<32768xf32, #tpu.memory_space<hbm>> -> memref<128xf32, #tpu.memory_space<hbm>>
    tpu.wait_dma2 semaphore(%arg33 : memref<!tpu.dma_semaphore, #tpu.memory_space<semaphore_mem>>) src(%dma_wait3A_963 : memref<128xf32, #tpu.memory_space<hbm>>) dst(%arg19 : memref<128xi32, #tpu.memory_space<vmem>>)
    %dma_wait3A_964 = arith.constant 0 : i32
    %dma_wait3A_965 = tpu.memref_slice %arg2[%dma_wait3A_964] : memref<32768xf32, #tpu.memory_space<hbm>> -> memref<128xf32, #tpu.memory_space<hbm>>
    %dma_wait3A_966 = arith.constant 0 : i32
    %dma_wait3A_967 = tpu.memref_slice %arg2[%dma_wait3A_966] : memref<32768xf32, #tpu.memory_space<hbm>> -> memref<128xf32, #tpu.memory_space<hbm>>
    tpu.wait_dma2 semaphore(%arg33 : memref<!tpu.dma_semaphore, #tpu.memory_space<semaphore_mem>>) src(%dma_wait3A_967 : memref<128xf32, #tpu.memory_space<hbm>>) dst(%arg19 : memref<128xi32, #tpu.memory_space<vmem>>)
    %dma_wait3A_968 = arith.constant 0 : i32
    %dma_wait3A_969 = tpu.memref_slice %arg2[%dma_wait3A_968] : memref<32768xf32, #tpu.memory_space<hbm>> -> memref<128xf32, #tpu.memory_space<hbm>>
    %dma_wait3A_970 = arith.constant 0 : i32
    %dma_wait3A_971 = tpu.memref_slice %arg2[%dma_wait3A_970] : memref<32768xf32, #tpu.memory_space<hbm>> -> memref<128xf32, #tpu.memory_space<hbm>>
    tpu.wait_dma2 semaphore(%arg33 : memref<!tpu.dma_semaphore, #tpu.memory_space<semaphore_mem>>) src(%dma_wait3A_971 : memref<128xf32, #tpu.memory_space<hbm>>) dst(%arg19 : memref<128xi32, #tpu.memory_space<vmem>>)
    %dma_wait3A_972 = arith.constant 0 : i32
    %dma_wait3A_973 = tpu.memref_slice %arg2[%dma_wait3A_972] : memref<32768xf32, #tpu.memory_space<hbm>> -> memref<128xf32, #tpu.memory_space<hbm>>
    %dma_wait3A_974 = arith.constant 0 : i32
    %dma_wait3A_975 = tpu.memref_slice %arg2[%dma_wait3A_974] : memref<32768xf32, #tpu.memory_space<hbm>> -> memref<128xf32, #tpu.memory_space<hbm>>
    tpu.wait_dma2 semaphore(%arg33 : memref<!tpu.dma_semaphore, #tpu.memory_space<semaphore_mem>>) src(%dma_wait3A_975 : memref<128xf32, #tpu.memory_space<hbm>>) dst(%arg19 : memref<128xi32, #tpu.memory_space<vmem>>)
    %dma_wait3A_976 = arith.constant 0 : i32
    %dma_wait3A_977 = tpu.memref_slice %arg2[%dma_wait3A_976] : memref<32768xf32, #tpu.memory_space<hbm>> -> memref<128xf32, #tpu.memory_space<hbm>>
    %dma_wait3A_978 = arith.constant 0 : i32
    %dma_wait3A_979 = tpu.memref_slice %arg2[%dma_wait3A_978] : memref<32768xf32, #tpu.memory_space<hbm>> -> memref<128xf32, #tpu.memory_space<hbm>>
    tpu.wait_dma2 semaphore(%arg33 : memref<!tpu.dma_semaphore, #tpu.memory_space<semaphore_mem>>) src(%dma_wait3A_979 : memref<128xf32, #tpu.memory_space<hbm>>) dst(%arg19 : memref<128xi32, #tpu.memory_space<vmem>>)
    %dma_wait3A_980 = arith.constant 0 : i32
    %dma_wait3A_981 = tpu.memref_slice %arg2[%dma_wait3A_980] : memref<32768xf32, #tpu.memory_space<hbm>> -> memref<128xf32, #tpu.memory_space<hbm>>
    %dma_wait3A_982 = arith.constant 0 : i32
    %dma_wait3A_983 = tpu.memref_slice %arg2[%dma_wait3A_982] : memref<32768xf32, #tpu.memory_space<hbm>> -> memref<128xf32, #tpu.memory_space<hbm>>
    tpu.wait_dma2 semaphore(%arg33 : memref<!tpu.dma_semaphore, #tpu.memory_space<semaphore_mem>>) src(%dma_wait3A_983 : memref<128xf32, #tpu.memory_space<hbm>>) dst(%arg19 : memref<128xi32, #tpu.memory_space<vmem>>)
    %dma_wait3A_984 = arith.constant 0 : i32
    %dma_wait3A_985 = tpu.memref_slice %arg2[%dma_wait3A_984] : memref<32768xf32, #tpu.memory_space<hbm>> -> memref<128xf32, #tpu.memory_space<hbm>>
    %dma_wait3A_986 = arith.constant 0 : i32
    %dma_wait3A_987 = tpu.memref_slice %arg2[%dma_wait3A_986] : memref<32768xf32, #tpu.memory_space<hbm>> -> memref<128xf32, #tpu.memory_space<hbm>>
    tpu.wait_dma2 semaphore(%arg33 : memref<!tpu.dma_semaphore, #tpu.memory_space<semaphore_mem>>) src(%dma_wait3A_987 : memref<128xf32, #tpu.memory_space<hbm>>) dst(%arg19 : memref<128xi32, #tpu.memory_space<vmem>>)
    %dma_wait3A_988 = arith.constant 0 : i32
    %dma_wait3A_989 = tpu.memref_slice %arg2[%dma_wait3A_988] : memref<32768xf32, #tpu.memory_space<hbm>> -> memref<128xf32, #tpu.memory_space<hbm>>
    %dma_wait3A_990 = arith.constant 0 : i32
    %dma_wait3A_991 = tpu.memref_slice %arg2[%dma_wait3A_990] : memref<32768xf32, #tpu.memory_space<hbm>> -> memref<128xf32, #tpu.memory_space<hbm>>
    tpu.wait_dma2 semaphore(%arg33 : memref<!tpu.dma_semaphore, #tpu.memory_space<semaphore_mem>>) src(%dma_wait3A_991 : memref<128xf32, #tpu.memory_space<hbm>>) dst(%arg19 : memref<128xi32, #tpu.memory_space<vmem>>)
    %dma_wait3A_992 = arith.constant 0 : i32
    %dma_wait3A_993 = tpu.memref_slice %arg2[%dma_wait3A_992] : memref<32768xf32, #tpu.memory_space<hbm>> -> memref<128xf32, #tpu.memory_space<hbm>>
    %dma_wait3A_994 = arith.constant 0 : i32
    %dma_wait3A_995 = tpu.memref_slice %arg2[%dma_wait3A_994] : memref<32768xf32, #tpu.memory_space<hbm>> -> memref<128xf32, #tpu.memory_space<hbm>>
    tpu.wait_dma2 semaphore(%arg33 : memref<!tpu.dma_semaphore, #tpu.memory_space<semaphore_mem>>) src(%dma_wait3A_995 : memref<128xf32, #tpu.memory_space<hbm>>) dst(%arg19 : memref<128xi32, #tpu.memory_space<vmem>>)
    %dma_wait3A_996 = arith.constant 0 : i32
    %dma_wait3A_997 = tpu.memref_slice %arg2[%dma_wait3A_996] : memref<32768xf32, #tpu.memory_space<hbm>> -> memref<128xf32, #tpu.memory_space<hbm>>
    %dma_wait3A_998 = arith.constant 0 : i32
    %dma_wait3A_999 = tpu.memref_slice %arg2[%dma_wait3A_998] : memref<32768xf32, #tpu.memory_space<hbm>> -> memref<128xf32, #tpu.memory_space<hbm>>
    tpu.wait_dma2 semaphore(%arg33 : memref<!tpu.dma_semaphore, #tpu.memory_space<semaphore_mem>>) src(%dma_wait3A_999 : memref<128xf32, #tpu.memory_space<hbm>>) dst(%arg19 : memref<128xi32, #tpu.memory_space<vmem>>)
    %dma_wait3A_1000 = arith.constant 0 : i32
    %dma_wait3A_1001 = tpu.memref_slice %arg2[%dma_wait3A_1000] : memref<32768xf32, #tpu.memory_space<hbm>> -> memref<128xf32, #tpu.memory_space<hbm>>
    %dma_wait3A_1002 = arith.constant 0 : i32
    %dma_wait3A_1003 = tpu.memref_slice %arg2[%dma_wait3A_1002] : memref<32768xf32, #tpu.memory_space<hbm>> -> memref<128xf32, #tpu.memory_space<hbm>>
    tpu.wait_dma2 semaphore(%arg33 : memref<!tpu.dma_semaphore, #tpu.memory_space<semaphore_mem>>) src(%dma_wait3A_1003 : memref<128xf32, #tpu.memory_space<hbm>>) dst(%arg19 : memref<128xi32, #tpu.memory_space<vmem>>)
    %dma_wait3A_1004 = arith.constant 0 : i32
    %dma_wait3A_1005 = tpu.memref_slice %arg2[%dma_wait3A_1004] : memref<32768xf32, #tpu.memory_space<hbm>> -> memref<128xf32, #tpu.memory_space<hbm>>
    %dma_wait3A_1006 = arith.constant 0 : i32
    %dma_wait3A_1007 = tpu.memref_slice %arg2[%dma_wait3A_1006] : memref<32768xf32, #tpu.memory_space<hbm>> -> memref<128xf32, #tpu.memory_space<hbm>>
    tpu.wait_dma2 semaphore(%arg33 : memref<!tpu.dma_semaphore, #tpu.memory_space<semaphore_mem>>) src(%dma_wait3A_1007 : memref<128xf32, #tpu.memory_space<hbm>>) dst(%arg19 : memref<128xi32, #tpu.memory_space<vmem>>)
    %dma_wait3A_1008 = arith.constant 0 : i32
    %dma_wait3A_1009 = tpu.memref_slice %arg2[%dma_wait3A_1008] : memref<32768xf32, #tpu.memory_space<hbm>> -> memref<128xf32, #tpu.memory_space<hbm>>
    %dma_wait3A_1010 = arith.constant 0 : i32
    %dma_wait3A_1011 = tpu.memref_slice %arg2[%dma_wait3A_1010] : memref<32768xf32, #tpu.memory_space<hbm>> -> memref<128xf32, #tpu.memory_space<hbm>>
    tpu.wait_dma2 semaphore(%arg33 : memref<!tpu.dma_semaphore, #tpu.memory_space<semaphore_mem>>) src(%dma_wait3A_1011 : memref<128xf32, #tpu.memory_space<hbm>>) dst(%arg19 : memref<128xi32, #tpu.memory_space<vmem>>)
    %dma_wait3A_1012 = arith.constant 0 : i32
    %dma_wait3A_1013 = tpu.memref_slice %arg2[%dma_wait3A_1012] : memref<32768xf32, #tpu.memory_space<hbm>> -> memref<128xf32, #tpu.memory_space<hbm>>
    %dma_wait3A_1014 = arith.constant 0 : i32
    %dma_wait3A_1015 = tpu.memref_slice %arg2[%dma_wait3A_1014] : memref<32768xf32, #tpu.memory_space<hbm>> -> memref<128xf32, #tpu.memory_space<hbm>>
    tpu.wait_dma2 semaphore(%arg33 : memref<!tpu.dma_semaphore, #tpu.memory_space<semaphore_mem>>) src(%dma_wait3A_1015 : memref<128xf32, #tpu.memory_space<hbm>>) dst(%arg19 : memref<128xi32, #tpu.memory_space<vmem>>)
    %dma_wait3A_1016 = arith.constant 0 : i32
    %dma_wait3A_1017 = tpu.memref_slice %arg2[%dma_wait3A_1016] : memref<32768xf32, #tpu.memory_space<hbm>> -> memref<128xf32, #tpu.memory_space<hbm>>
    %dma_wait3A_1018 = arith.constant 0 : i32
    %dma_wait3A_1019 = tpu.memref_slice %arg2[%dma_wait3A_1018] : memref<32768xf32, #tpu.memory_space<hbm>> -> memref<128xf32, #tpu.memory_space<hbm>>
    tpu.wait_dma2 semaphore(%arg33 : memref<!tpu.dma_semaphore, #tpu.memory_space<semaphore_mem>>) src(%dma_wait3A_1019 : memref<128xf32, #tpu.memory_space<hbm>>) dst(%arg19 : memref<128xi32, #tpu.memory_space<vmem>>)
    %dma_wait3A_1020 = arith.constant 0 : i32
    %dma_wait3A_1021 = tpu.memref_slice %arg2[%dma_wait3A_1020] : memref<32768xf32, #tpu.memory_space<hbm>> -> memref<128xf32, #tpu.memory_space<hbm>>
    %dma_wait3A_1022 = arith.constant 0 : i32
    %dma_wait3A_1023 = tpu.memref_slice %arg2[%dma_wait3A_1022] : memref<32768xf32, #tpu.memory_space<hbm>> -> memref<128xf32, #tpu.memory_space<hbm>>
    tpu.wait_dma2 semaphore(%arg33 : memref<!tpu.dma_semaphore, #tpu.memory_space<semaphore_mem>>) src(%dma_wait3A_1023 : memref<128xf32, #tpu.memory_space<hbm>>) dst(%arg19 : memref<128xi32, #tpu.memory_space<vmem>>)
    %dma_wait3A_1024 = arith.constant 0 : i32
    %dma_wait3A_1025 = tpu.memref_slice %arg2[%dma_wait3A_1024] : memref<32768xf32, #tpu.memory_space<hbm>> -> memref<128xf32, #tpu.memory_space<hbm>>
    %dma_wait3A_1026 = arith.constant 0 : i32
    %dma_wait3A_1027 = tpu.memref_slice %arg2[%dma_wait3A_1026] : memref<32768xf32, #tpu.memory_space<hbm>> -> memref<128xf32, #tpu.memory_space<hbm>>
    tpu.wait_dma2 semaphore(%arg33 : memref<!tpu.dma_semaphore, #tpu.memory_space<semaphore_mem>>) src(%dma_wait3A_1027 : memref<128xf32, #tpu.memory_space<hbm>>) dst(%arg19 : memref<128xi32, #tpu.memory_space<vmem>>)
    "tpu.region"() ({
      %run_scoped3A = tpu.sem_alloc : memref<!tpu.dma_semaphore, #tpu.memory_space<semaphore_mem>>
      %dma_start3A_1028 = tpu.memref_slice %arg4[%mul3A_0] : memref<32768xf32, #tpu.memory_space<hbm>> -> memref<2048xf32, #tpu.memory_space<hbm>>
      %dma_start3A_1029 = tpu.memref_slice %arg4[%mul3A_0] : memref<32768xf32, #tpu.memory_space<hbm>> -> memref<2048xf32, #tpu.memory_space<hbm>>
      tpu.enqueue_dma source(%arg16 : memref<2048xf32, #tpu.memory_space<vmem>>) target(%dma_start3A_1029 : memref<2048xf32, #tpu.memory_space<hbm>>) target_semaphore(%run_scoped3A : memref<!tpu.dma_semaphore, #tpu.memory_space<semaphore_mem>>)
      %dma_wait3A_1030 = tpu.memref_slice %arg4[%mul3A_0] : memref<32768xf32, #tpu.memory_space<hbm>> -> memref<2048xf32, #tpu.memory_space<hbm>>
      %dma_wait3A_1031 = tpu.memref_slice %arg4[%mul3A_0] : memref<32768xf32, #tpu.memory_space<hbm>> -> memref<2048xf32, #tpu.memory_space<hbm>>
      tpu.wait_dma2 semaphore(%run_scoped3A : memref<!tpu.dma_semaphore, #tpu.memory_space<semaphore_mem>>) src(%arg16 : memref<2048xf32, #tpu.memory_space<vmem>>) dst(%dma_wait3A_1031 : memref<2048xf32, #tpu.memory_space<hbm>>)
      tpu.yield
    }) : () -> ()
    "tpu.region"() ({
      %run_scoped3A = tpu.sem_alloc : memref<!tpu.dma_semaphore, #tpu.memory_space<semaphore_mem>>
      %dma_start3A_1028 = tpu.memref_slice %arg5[%mul3A_0] : memref<32768xi32, #tpu.memory_space<hbm>> -> memref<2048xi32, #tpu.memory_space<hbm>>
      %dma_start3A_1029 = tpu.memref_slice %arg5[%mul3A_0] : memref<32768xi32, #tpu.memory_space<hbm>> -> memref<2048xi32, #tpu.memory_space<hbm>>
      tpu.enqueue_dma source(%arg17 : memref<2048xi32, #tpu.memory_space<vmem>>) target(%dma_start3A_1029 : memref<2048xi32, #tpu.memory_space<hbm>>) target_semaphore(%run_scoped3A : memref<!tpu.dma_semaphore, #tpu.memory_space<semaphore_mem>>)
      %dma_wait3A_1030 = tpu.memref_slice %arg5[%mul3A_0] : memref<32768xi32, #tpu.memory_space<hbm>> -> memref<2048xi32, #tpu.memory_space<hbm>>
      %dma_wait3A_1031 = tpu.memref_slice %arg5[%mul3A_0] : memref<32768xi32, #tpu.memory_space<hbm>> -> memref<2048xi32, #tpu.memory_space<hbm>>
      tpu.wait_dma2 semaphore(%run_scoped3A : memref<!tpu.dma_semaphore, #tpu.memory_space<semaphore_mem>>) src(%arg17 : memref<2048xi32, #tpu.memory_space<vmem>>) dst(%dma_wait3A_1031 : memref<2048xi32, #tpu.memory_space<hbm>>)
      tpu.yield
    }) : () -> ()
    return
  }
}

</mosaic_0001>

<sc_bundles>
// kernel: kernel.3.cloned.1.call-start
scs
__scs_entry_jumppad:
0x0: {  	(pc) =	sbr.rel $0x88, $3  }
0x1: {  	(tag) =	ssettag $0x0;
	lr =	simm.s32 $0x1  }
0x2: {  	[smem:$0x3F9F] =	sst lr;
	_ =	strace $0xD0000000  }
0x3: {  	_ = 	snop  }
0x4: {  	_ = 	snop  }
0x5: {  	_ = 	snop  }
0x6: {  	_ = 	snop  }
0x7: {  	_ = 	snop  }
__scs_overlays_trampoline_lowered:
0x8: {  	[smem:$0x3FAE] =	sst s0  }
0x9: {  	[smem:$0x3FAF] =	sst s1  }
0xa: {  	[smem:$0x3FB0] =	sst s2  }
0xb: {  	[smem:$0x3FB1] =	sst s3  }
0xc: {  	[smem:$0x3FB2] =	sst s4  }
0xd: {  	[smem:$0x3FB3] =	sst s5  }
0xe: {  	[smem:$0x3FB4] =	sst s6  }
0xf: {  	[smem:$0x3FB5] =	sst s7  }
0x10: {  	[smem:$0x3FB6] =	sst s8  }
0x11: {  	[smem:$0x3FB7] =	sst s9;
	s0 =	simm.s32 @!p0 $0x0  }
0x12: {  	s1 =	sld [smem:$0x3F9D];
	s0 =	simm.s32 @p0 $0x1  }
0x13: {  	[smem:$0x3FB8] =	sst s0;
	s0 =	simm.s32 @!p1 $0x0  }
0x14: {  	s2 =	sld [smem:$0x3F9C];
	s0 =	simm.s32 @p1 $0x1  }
0x15: {  	[smem:$0x3FB9] =	sst s0;
	s0 =	simm.s32 @!p2 $0x0  }
0x16: {  	s3 =	sld [smem:$0x3FDB];
	s0 =	simm.s32 @p2 $0x1  }
0x17: {  	s4 =	simm.s32 $0x1BF5;
	[smem:$0x3FBB] =	sst s0  }
0x18: {  	s0 =	sld [smem:$0x3F9E];
	_ =	swait.ge [sflag:s4], $0x0  }
0x19: {  	s7 =	sld [smem:$0x3F9F]  }
0x1a: {  	s8 =	sadd.s32 $0xFFFFE003, lr  }
0x1b: {  	s9 =	sadd.s32 $0xFFFFFEF7, lr;
	s5 =	simm.s32 $0xFFFFFFFF;
	p2 =	slt.u32 s8, $0xFFFFF086  }
0x1c: {  	p1 =	slt.u32 s9, $0xF7A;
	s5 =	simm.s32 @!p2 $0x0  }
0x1d: {  	s5 =	simm.s32 @p1 $0x1;
	p0 =	seq.s32 s7, s2  }
0x1e: {  	s7 =	smul.u32 @!p0 $0xF7A, s2;
	p2 =	seq.s32 @!p0 s5, $0x0  }
0x1f: {  	s9 =	smul.u32 $0xF7A, s1;
	s8 =	simm.s32 @!p0 $0x1BF5;
	p2 =	por !p2, p0  }
0x20: {  	[sflag:s8] =	ssyncset.s32 @!p0 $0xFFFFF086;
	s6 =	sadd.s32 @!p0 s3, s7;
	s7 =	simm.s32 @!p0 $0x108  }
0x21: {  	s3 =	sadd.s32 s3, s9;
	s6 =	sadd.s32 @!p0 $0x88, s6;
	s7 =	simm.s32 @p2 $0x1082  }
0x22: {  	[simem:s7], [sflag:s8] =	dma.local @!p0 [hbm:s6], $0xF7A  }
0x23: {  	s9 =	sor.u32 $0xD0000000, s2;
	s6 =	simm.s32 $0x108;
	_ =	swait.ge @!p0 [sflag:s8], $0x0  }
0x24: {  	s3 =	sadd.s32 $0x88, s3;
	s6 =	simm.s32 @!p1 $0x1082;
	[sflag:s4] =	ssyncset.s32 $0xFFFFF086  }
0x25: {  	[simem:s6], [sflag:s4] =	dma.local [hbm:s3], $0xF7A  }
0x26: {  	[smem:$0x3F9F] =	sst s1;
	(tag) =	ssettag s2;
	_ =	strace s9  }
0x27: {  	s1 =	sld [smem:$0x3FAF]  }
0x28: {  	s2 =	sld [smem:$0x3FB0]  }
0x29: {  	s4 =	sld [smem:$0x3FB2]  }
0x2a: {  	p0 =	seq.s32 s5, $0x0;
	s5 =	sld [smem:$0x3FB3]  }
0x2b: {  	s6 =	sld [smem:$0x3FB4]  }
0x2c: {  	s7 =	sld [smem:$0x3FB5]  }
0x2d: {  	s3 =	simm.s32 $0x108;
	s8 =	sld [smem:$0x3FB6]  }
0x2e: {  	s3 =	simm.s32 @!p0 $0x1082;
	s9 =	sld [smem:$0x3FB7]  }
0x2f: {  	lr =	sadd.s32 s0, s3;
	s0 =	sld [smem:$0x3FAE]  }
0x30: {  	s3 =	sld [smem:$0x3FB1]  }
0x31: {  	[smem:$0x3FBA] =	sst s10  }
0x32: {  	s10 =	sld [smem:$0x3FB8];
	_ =	sdelay $0x3  }
0x33: {  	p0 =	seq.s32 s10, $0x1;
	s10 =	sld [smem:$0x3FBA];
	_ =	sdelay $0x3  }
0x34: {  	[smem:$0x3FBA] =	sst s10  }
0x35: {  	s10 =	sld [smem:$0x3FB9];
	_ =	sdelay $0x3  }
0x36: {  	p1 =	seq.s32 s10, $0x1;
	s10 =	sld [smem:$0x3FBA];
	_ =	sdelay $0x3  }
0x37: {  	[smem:$0x3FBA] =	sst s10  }
0x38: {  	s10 =	sld [smem:$0x3FBB]  }
0x39: {  	_ = 	snop;
	(pc) =	sbr.ind lr, $3  }
0x3a: {  	_ = 	snop  }
0x3b: {  	_ = 	snop  }
0x3c: {  	p2 =	seq.s32 s10, $0x1;
	s10 =	sld [smem:$0x3FBA]  }
0x3d: {  	_ =	shalt  }
0x3e: {  	_ =	shalt  }
0x3f: {  	_ =	shalt  }
0x40: {  	_ =	shalt  }
0x41: {  	_ =	shalt  }
0x42: {  	_ =	shalt  }
0x43: {  	_ =	shalt  }
0x44: {  	_ =	shalt  }
0x45: {  	_ =	shalt  }
0x46: {  	_ =	shalt  }
0x47: {  	_ =	shalt  }
0x48: {  	_ =	shalt  }
0x49: {  	_ =	shalt  }
0x4a: {  	_ =	shalt  }
0x4b: {  	_ =	shalt  }
0x4c: {  	_ =	shalt  }
0x4d: {  	_ =	shalt  }
0x4e: {  	_ =	shalt  }
0x4f: {  	_ =	shalt  }
0x50: {  	_ =	shalt  }
0x51: {  	_ =	shalt  }
0x52: {  	_ =	shalt  }
0x53: {  	_ =	shalt  }
0x54: {  	_ =	shalt  }
0x55: {  	_ =	shalt  }
0x56: {  	_ =	shalt  }
0x57: {  	_ =	shalt  }
0x58: {  	_ =	shalt  }
0x59: {  	_ =	shalt  }
0x5a: {  	_ =	shalt  }
0x5b: {  	_ =	shalt  }
0x5c: {  	_ =	shalt  }
0x5d: {  	_ =	shalt  }
0x5e: {  	_ =	shalt  }
0x5f: {  	_ =	shalt  }
0x60: {  	_ =	shalt  }
0x61: {  	_ =	shalt  }
0x62: {  	_ =	shalt  }
0x63: {  	_ =	shalt  }
0x64: {  	_ =	shalt  }
0x65: {  	_ =	shalt  }
0x66: {  	_ =	shalt  }
0x67: {  	_ =	shalt  }
0x68: {  	_ =	shalt  }
0x69: {  	_ =	shalt  }
0x6a: {  	_ =	shalt  }
0x6b: {  	_ =	shalt  }
0x6c: {  	_ =	shalt  }
0x6d: {  	_ =	shalt  }
0x6e: {  	_ =	shalt  }
0x6f: {  	_ =	shalt  }
0x70: {  	_ =	shalt  }
0x71: {  	_ =	shalt  }
0x72: {  	_ =	shalt  }
0x73: {  	_ =	shalt  }
0x74: {  	_ =	shalt  }
0x75: {  	_ =	shalt  }
0x76: {  	_ =	shalt  }
0x77: {  	_ =	shalt  }
0x78: {  	_ =	shalt  }
0x79: {  	_ =	shalt  }
0x7a: {  	_ =	shalt  }
0x7b: {  	_ =	shalt  }
0x7c: {  	_ =	shalt  }
0x7d: {  	_ =	shalt  }
0x7e: {  	_ =	shalt  }
0x7f: {  	_ =	shalt  }
0x80: {  	_ =	shalt  }
0x81: {  	_ =	shalt  }
0x82: {  	_ =	shalt  }
0x83: {  	_ =	shalt  }
0x84: {  	_ =	shalt  }
0x85: {  	_ =	shalt  }
0x86: {  	_ =	shalt  }
0x87: {  	_ =	shalt  }
.Lfunc_end0:
.L_simem_size_0:
called_computation_lowered:
.L_overlay_start_0:
0x88: {  	s0 =	sld [smem:$0x3FD9]  }
0x89: {  	s1 =	sld [smem:$0x3FFE];
	_ =	sdelay $0x3  }
0x8a: {  	s0 =	sadd.s32 s1, s0  }
0x8b: {  	[smem:$0x3FC6] =	sst s0  }
0x8c: {  	_ = 	snop  }
0x8d: {  	s2 =	sld [smem:$0x3FD0];
	_ =	sdelay $0x1  }
0x8e: {  	s0 =	sld [smem:$0x3FC9]  }
0x8f: {  	s4 =	simm.s32 $0xA;
	s3 =	simm.s32 $0x10;
	s9 =	sld [smem:$0x3FC8]  }
0x90: {  	[smem:s3], [sflag:s4] =	dma.local [hbm:s2], $0x1  }
0x91: {  	_ =	swait.eq [sflag:s4], $0x1  }
0x92: {  	[sflag:s4] =	ssyncset.done $0x0  }
0x93: {  	s10 =	sld [smem:$0x10];
	[sflag:s4] =	ssyncadd.s32 $0xFFFFFFFF  }
0x94: {  	s11 =	sld [smem:$0x11];
	(tm) =	ssettm $0x1  }
0x95: {  	s12 =	sld [smem:$0x3FFB];
	_ =	sdelay $0x3  }
0x96: {  	_ =	strace s12  }
0x97: {  	s2 =	sld [smem:$0x3FFC];
	_ =	sdelay $0x3  }
0x98: {  	_ =	strace s2  }
0x99: {  	s2 =	sld [smem:$0x3FFD];
	_ =	sdelay $0x3  }
0x9a: {  	_ =	strace s2  }
0x9b: {  	_ =	strace $0x8FFFFFFF  }
0x9c: {  	s13 =	sld [smem:$0x3FDB];
	_ =	sdelay $0x1  }
0x9d: {  	s5 =	simm.s32 $_scs_section_size  }
0x9e: {  	s6 =	simm.s32 $_size__tile_task_arg_handler_lowered;
	s7 =	simm.s32 $_tile_task_arg_handler_lowered  }
0x9f: {  	s16 =	simm.s32 $0x1BFF;
	s15 =	sshll.u32 s7, $0x1;
	s5 =	sadd.s32 s5, s13  }
0xa0: {  	s8 =	simm.s32 $0x60;
	s14 =	sshll.u32 s6, $0x1;
	s6 =	sadd.s32 s15, s5  }
0xa1: {  	[timem:s8], [sflag:s16] =	dma.local [hbm:s6], s14  }
0xa2: {  	_ =	swait.ge [sflag:s16], s14  }
0xa3: {  	s17 =	simm.s32 $_tile_overlayer_lowered;
	s2 =	ssub.s32 $0x0, s14;
	[sflag:s16] =	ssyncset.done $0x0  }
0xa4: {  	s18 =	simm.s32 $_size__tile_overlayer_lowered;
	s6 =	sshll.u32 s17, $0x1;
	[sflag:s16] =	ssyncadd.s32 s2  }
0xa5: {  	s20 =	simm.s32 $0x0;
	s19 =	sshll.u32 s18, $0x1;
	s6 =	sadd.s32 s6, s5  }
0xa6: {  	[timem:s20], [sflag:s16] =	dma.local [hbm:s6], s19  }
0xa7: {  	_ =	swait.ge [sflag:s16], s19  }
0xa8: {  	s21 =	ssub.s32 $0x0, s19;
	[sflag:s16] =	ssyncset.done $0x0  }
0xa9: {  	[sflag:s16] =	ssyncadd.s32 s21;
	_ =	sdelay $0x1  }
0xaa: {  	s22 =	simm.s32 $0x1B8B  }
0xab: {  	_ =	swait.ge [sflag:s22], $0x1  }
0xac: {  	[sflag:s22] =	ssyncset.done $0x0  }
0xad: {  	s23 =	simm.s32 $0x1B8E;
	[sflag:s22] =	ssyncadd.s32 $0xFFFFFFFF  }
0xae: {  	s24 =	simm.s32 $execute0_lowered;
	[smem:$0x3FD2] =	sst s23  }
0xaf: {  	s6 =	sshll.u32 s24, $0x1;
	_ =	strace $0x80000046;
	[dreg:$0x1] =	wrdreg $0xFFFFFFFF  }
0xb0: {  	s25 =	simm.s32 $_size_execute0_lowered;
	s5 =	sadd.s32 s5, s6;
	[dreg:$0x0] =	wrdreg $0x0  }
0xb1: {  	s6 =	sshll.u32 s25, $0x1;
	[dreg:$0x2] =	wrdreg s5  }
0xb2: {  	[dreg:$0x3] =	wrdreg s6  }
0xb3: {  	[dreg:$0x4] =	wrdreg $0xC0  }
0xb4: {  	_ =	task [dreg:s20], $0x5FFFF  }
0xb5: {  	[dreg:$0x1] =	wrdreg $0xFFFFFFFF  }
0xb6: {  	[dreg:$0x0] =	wrdreg $0x30  }
0xb7: {  	[dreg:$0x2] =	wrdreg $0x0  }
0xb8: {  	[dreg:$0x3] =	wrdreg $0x9  }
0xb9: {  	_ =	task [dreg:s20], $0x4FFFF  }
0xba: {  	[dreg:$0x1] =	wrdreg $0xFFFFFFFF  }
0xbb: {  	[dreg:$0x0] =	wrdreg $0x60  }
0xbc: {  	[dreg:$0x2] =	wrdreg s0  }
0xbd: {  	[dreg:$0x3] =	wrdreg s9  }
0xbe: {  	[dreg:$0x4] =	wrdreg s10  }
0xbf: {  	[dreg:$0x5] =	wrdreg s11  }
0xc0: {  	[dreg:$0x6] =	wrdreg $0x6F000  }
0xc1: {  	[dreg:$0x7] =	wrdreg $0x77000  }
0xc2: {  	[dreg:$0x8] =	wrdreg $0x80000  }
0xc3: {  	[dreg:$0x9] =	wrdreg $0x81000  }
0xc4: {  	[dreg:$0xa] =	wrdreg $0x82000  }
0xc5: {  	[dreg:$0xb] =	wrdreg $0x7F000  }
0xc6: {  	[dreg:$0xc] =	wrdreg $0x57000  }
0xc7: {  	[dreg:$0xd] =	wrdreg $0x67000  }
0xc8: {  	[dreg:$0xe] =	wrdreg $0x4F000  }
0xc9: {  	[dreg:$0xf] =	wrdreg $0x5F000  }
0xca: {  	_ =	task.clear_ibuf [dreg:s20], $0x10FFFF;
	_ =	strace $0x90000046  }
0xcb: {  	s26 =	simm.s32 $0x9;
	_ =	strace $0x80000048  }
0xcc: {  	_ =	swait.ge [sflag:s26], $0x1  }
0xcd: {  	[sflag:s26] =	ssyncadd.s32 $0xFFFFFFFF  }
0xce: {  	_ =	strace $0x90000048  }
0xcf: {  	_ =	sfence  }
0xd0: {  	s28 =	sld [smem:$0x0];
	_ =	sdelay $0x1  }
0xd1: {  	s29 =	srdreg.scid  }
0xd2: {  	s30 =	sshll.u32 s29, $0xD;
	s31 =	sshrl.u32 s29, $0x2  }
0xd3: {  	s1 =	sand.u32 $0x1, s29;
	s3 =	sand.u32 $0x4000, s30;
	s0 =	sadd.s32 s31, s28  }
0xd4: {  	s1 =	sor.u32 s3, s1;
	s0 =	sshll.u32 s0, $0x11  }
0xd5: {  	s0 =	sor.u32 s0, s1  }
0xd6: {  	s0 =	sadd.s32 $0x8F2B, s0  }
0xd7: {  	[sflag:s0] =	ssyncadd.remote.s32 $0x1  }
0xd8: {  	_ =	sfence.sel $0xFFFF  }
0xd9: {  	[dreg:$0x0] =	wrdreg $0xFFFFFFFF;
	(pc) =	sbr.abs _section_cstart, $3  }
0xda: {  	[dreg:$0x1] =	wrdreg $0xFFFFFFFF  }
0xdb: {  	_ =	task.clear_ibuf [dreg:s20], $0x2FFFF;
	_ =	strace $0x9FFFFFFF  }
0xdc: {  	(tm) =	ssettm $0x7FFFFFFF  }
0xdd: {  	_ =	shalt  }
tec
_tile_task_arg_handler_lowered:
.L_overlay_start_1:
0x0: {  	(tag) =	ssettag $0x1  }
0x1: {  	s0 =	rddreg [dreg:$0x0]  }
0x2: {  	s1 =	rddreg [dreg:$0x1]  }
0x3: {  	s2 =	rddreg [dreg:$0x2]  }
0x4: {  	s3 =	rddreg [dreg:$0x3]  }
0x5: {  	s4 =	rddreg [dreg:$0x4]  }
0x6: {  	s5 =	rddreg [dreg:$0x5]  }
0x7: {  	s6 =	rddreg [dreg:$0x6]  }
0x8: {  	s7 =	rddreg [dreg:$0x7]  }
0x9: {  	s8 =	rddreg [dreg:$0x8]  }
0xa: {  	s9 =	rddreg [dreg:$0x9]  }
0xb: {  	s10 =	rddreg [dreg:$0xa]  }
0xc: {  	s11 =	rddreg [dreg:$0xb]  }
0xd: {  	s12 =	rddreg [dreg:$0xc]  }
0xe: {  	s13 =	rddreg [dreg:$0xd]  }
0xf: {  	[smem:s0] =	sst s1  }
0x10: {  	[smem:s0+$0x1] =	sst s2  }
0x11: {  	[smem:s0+$0x2] =	sst s3  }
0x12: {  	[smem:s0+$0x3] =	sst s4  }
0x13: {  	[smem:s0+$0x4] =	sst s5  }
0x14: {  	[smem:s0+$0x5] =	sst s6  }
0x15: {  	[smem:s0+$0x6] =	sst s7  }
0x16: {  	[smem:s0+$0x7] =	sst s8  }
0x17: {  	[smem:s0+$0x8] =	sst s9  }
0x18: {  	[smem:s0+$0x9] =	sst s10  }
0x19: {  	[smem:s0+$0xA] =	sst s11  }
0x1a: {  	[smem:s0+$0xB] =	sst s12  }
0x1b: {  	[smem:s0+$0xC] =	sst s13;
	_ =	shalt  }
.Lfunc_end2:
execute0_lowered:
.L_overlay_start_2:
0x1c: {  	(tag) =	ssettag $0x2  }
0x1d: {  	s8 =	rddreg [dreg:$0x0]  }
0x1e: {  	s17 =	rddreg [dreg:$0x1]  }
0x1f: {  	s2 =	rddreg [dreg:$0x2]  }
0x20: {  	s0 =	rddreg [dreg:$0x3]  }
0x21: {  	s6 =	rddreg [dreg:$0x4]  }
0x22: {  	s5 =	rddreg [dreg:$0x5]  }
0x23: {  	s14 =	rddreg [dreg:$0x6]  }
0x24: {  	s11 =	rddreg [dreg:$0x7]  }
0x25: {  	s9 =	rddreg [dreg:$0x8]  }
0x26: {  	s13 =	rddreg [dreg:$0x9]  }
0x27: {  	s10 =	rddreg [dreg:$0xa]  }
0x28: {  	s15 =	rddreg [dreg:$0xb]  }
0x29: {  	s12 =	rddreg [dreg:$0xc]  }
0x2a: {  	s7 =	rddreg [dreg:$0xd];
	s16 =	simm.s32 $0x0;
	s3 =	stileid.u32  }
0x2b: {  	s24 =	simm.s32 $0x2D80;
	s25 =	simm.s32 $0x3;
	[smem:$0x7FF] =	sst s16  }
0x2c: {  	s4 =	sshll.u32 s3, $0x8;
	s21 =	sshll.u32 s3, $0x6;
	s1 =	sld [smem:$0x0]  }
0x2d: {  	_ =	strace $0x80000047;
	s18 =	sadd.s32 s8, s4;
	s8 =	sshll.u32 s3, $0xB  }
0x2e: {  	[tilespmem:s24], [sflag:$0x3] =	stream.linear.gather [hbm4b:s18+s16], $0x800, $0x38;
	[tilespmem:$0x8300] =	vst v63  }
0x2f: {  	s21 =	sor.u32 $0x1C01, s21;
	s17 =	sadd.s32 s17, s4;
	_ =	swait.ge [sflag:s25], $0x800  }
0x30: {  	s19 =	sadd.s32 s8, s6;
	s20 =	sadd.s32 s8, s5;
	[sflag:s25] =	ssyncset.done $0x0  }
0x31: {  	s19 =	sshrl.u32 s19, $0x3;
	s26 =	sshrl.u32 s20, $0x3;
	[sflag:s25] =	ssyncadd.s32 $0xFFFFF800  }
0x32: {  	v0 =	vimm.s32 $0x0;
	[spmem:s19], [sflag:s21] =	dma.local [hbm:s18], $0x100  }
0x33: {  	[spmem:s26], [sflag:s21] =	dma.local [hbm:s17], $0x100;
	[tilespmem:$0x1000] =	vst v0  }
0x34: {  	[tilespmem:$0x1010] =	vst v0  }
0x35: {  	[tilespmem:$0x1020] =	vst v0  }
0x36: {  	[tilespmem:$0x1030] =	vst v0  }
0x37: {  	[tilespmem:$0x1040] =	vst v0  }
0x38: {  	[tilespmem:$0x1050] =	vst v0  }
0x39: {  	[tilespmem:$0x1060] =	vst v0  }
0x3a: {  	[tilespmem:$0x1070] =	vst v0  }
0x3b: {  	[tilespmem:$0x1080] =	vst v0  }
0x3c: {  	[tilespmem:$0x1090] =	vst v0  }
0x3d: {  	[tilespmem:$0x10A0] =	vst v0  }
0x3e: {  	[tilespmem:$0x10B0] =	vst v0  }
0x3f: {  	[tilespmem:$0x10C0] =	vst v0  }
0x40: {  	[tilespmem:$0x10D0] =	vst v0  }
0x41: {  	[tilespmem:$0x10E0] =	vst v0  }
0x42: {  	v1 =	vimm.s32 $0x1;
	[tilespmem:$0x10F0] =	vst v0  }
0x43: {  	[tilespmem:$0x4580] =	vst v1  }
0x44: {  	[tilespmem:$0x4590] =	vst v1  }
0x45: {  	[tilespmem:$0x45A0] =	vst v1  }
0x46: {  	[tilespmem:$0x45B0] =	vst v1  }
0x47: {  	[tilespmem:$0x45C0] =	vst v1  }
0x48: {  	[tilespmem:$0x45D0] =	vst v1  }
0x49: {  	[tilespmem:$0x45E0] =	vst v1  }
0x4a: {  	[tilespmem:$0x45F0] =	vst v1  }
0x4b: {  	[tilespmem:$0x4600] =	vst v0  }
0x4c: {  	[tilespmem:$0x4610] =	vst v0  }
0x4d: {  	[tilespmem:$0x4620] =	vst v0  }
0x4e: {  	[tilespmem:$0x4630] =	vst v0  }
0x4f: {  	[tilespmem:$0x4640] =	vst v0  }
0x50: {  	[tilespmem:$0x4650] =	vst v0  }
0x51: {  	[tilespmem:$0x4660] =	vst v0  }
0x52: {  	[tilespmem:$0x4670] =	vst v0  }
0x53: {  	[tilespmem:$0x4680] =	vst v0  }
0x54: {  	[tilespmem:$0x4690] =	vst v0  }
0x55: {  	[tilespmem:$0x46A0] =	vst v0  }
0x56: {  	[tilespmem:$0x46B0] =	vst v0  }
0x57: {  	[tilespmem:$0x46C0] =	vst v0  }
0x58: {  	[tilespmem:$0x46D0] =	vst v0  }
0x59: {  	[tilespmem:$0x46E0] =	vst v0  }
0x5a: {  	s29 =	simm.s32 $0x4600;
	s28 =	sadd.s32 s4, s14;
	[tilespmem:$0x46F0] =	vst v0  }
0x5b: {  	[spmem:s28] =	stream.linear.scatter [tilespmem:s29], [sflag:$0x3], $0x100, $0x38;
	[tilespmem:$0x8300] =	vst v63  }
0x5c: {  	_ =	swait.ge [sflag:s25], $0x100  }
0x5d: {  	[sflag:s25] =	ssyncset.done $0x0  }
0x5e: {  	s30 =	sadd.s32 s4, s11;
	[sflag:s25] =	ssyncadd.s32 $0xFFFFFF00  }
0x5f: {  	[spmem:s30] =	stream.linear.scatter [tilespmem:s29], [sflag:$0x3], $0x100, $0x38;
	[tilespmem:$0x8300] =	vst v63  }
0x60: {  	_ =	swait.ge [sflag:s25], $0x100  }
0x61: {  	[sflag:s25] =	ssyncset.done $0x0  }
0x62: {  	s31 =	sadd.s32 s4, s9;
	[sflag:s25] =	ssyncadd.s32 $0xFFFFFF00  }
0x63: {  	[spmem:s31] =	stream.linear.scatter [tilespmem:s29], [sflag:$0x3], $0x100, $0x38;
	[tilespmem:$0x8300] =	vst v63  }
0x64: {  	_ =	swait.ge [sflag:s25], $0x100  }
0x65: {  	[sflag:s25] =	ssyncset.done $0x0  }
0x66: {  	s16 =	simm.s32 $0x0;
	[sflag:s25] =	ssyncadd.s32 $0xFFFFFF00  }
0x67: {  	v1 =	vld [tilespmem:s16+$0x2D80];
	_ =	sdelay $0x1  }
0x68: {  	v0 =	vlaneseq.u32  }
0x69: {  	v2 =	vor.u32 s8, v0  }
0x6a: {  	s18 =	sadd.s32 $0x10, s8;
	s17 =	simm.s32 $0x40;
	[tilespmem:s16+$0x800] =	vst v2  }
.LBB3_1:
0x6b: {  	s19 =	sshra.s32 s17, $0x2;
	v2 =	vor.u32 s18, v0;
	p0 =	sne.s32 s17, $0x1FC0;
	s17 =	sadd.s32 $0x40, s17;
	v3 =	vadd.f32 $0.0e+00, v1  }
.Ltmp0:
0x6c: {  	v1 =	vld [tilespmem:s19+$0x2D80];
	[tilespmem:s19+$0x800] =	vst v2;
	(pc) =	sbr.rel @p0 .LBB3_1-.Ltmp0, $4  }
0x6d: {  	v2 =	vshra.s32 v3, $0x1F  }
0x6e: {  	v2 =	vor.u32 $0x80000000, v2  }
0x6f: {  	v2 =	vxor.u32 v3, v2  }
0x70: {  	s18 =	sadd.s32 $0x10, s18;
	[tilespmem:s16+$0x0] =	vst v2;
	s16 =	smov.u32 s19  }
0x71: {  	v0 =	vadd.f32 $0.0e+00, v1;
	_ =	sdelay $0x1  }
0x72: {  	v1 =	vshra.s32 v0, $0x1F  }
0x73: {  	v1 =	vor.u32 $0x80000000, v1  }
0x74: {  	v0 =	vxor.u32 v0, v1  }
0x75: {  	s31 =	simm.s32 $0x1;
	[tilespmem:s16+$0x0] =	vst v0  }
0x76: {  	_ =	swait.ge [sflag:s31], $0x100  }
0x77: {  	[sflag:s31] =	ssyncset.done $0x0  }
0x78: {  	[sflag:s31] =	ssyncadd.s32 $0xFFFFFF00  }
0x79: {  	_ =	swait.ge [sflag:s31], $0x100  }
0x7a: {  	s18 =	simm.s32 $0x0;
	[sflag:s31] =	ssyncset.done $0x0  }
0x7b: {  	s17 =	simm.s32 $0x40;
	s16 =	simm.s32 $0x1000;
	[sflag:s31] =	ssyncadd.s32 $0xFFFFFF00  }
.LBB3_3:
0x7c: {  	p0 =	sne.s32 s17, $0x1FC0;
	v0 =	vld [tilespmem:s18+$0x0];
	_ =	sdelay $0x4  }
0x7d: {  	v0 =	vand.u32 $0xFF, v0  }
0x7e: {  	(xrf1) =	vunique.msk.u32 $0xffff, v0;
	_ =	sdelay $0xd  }
0x7f: {  	_, v1, vm0 =	vpop (xrf1);
	_ =	sdelay $0x1  }
.Ltmp1:
0x80: {  	(pc) =	sbr.rel @p0 .LBB3_3-.Ltmp1, $2  }
0x81: {  	_ =	sdelay $0x2  }
0x82: {  	s18 =	sshra.s32 s17, $0x2;
	s17 =	sadd.s32 $0x40, s17;
	[tilespmem:v0+s16+$0x0] =	vst.idx.add.s32.msk vm0, v1  }
0x83: {  	v0 =	vld [tilespmem:s18+$0x0];
	_ =	sdelay $0x4  }
0x84: {  	v0 =	vand.u32 $0xFF, v0  }
0x85: {  	(xrf1) =	vunique.msk.u32 $0xffff, v0;
	_ =	sdelay $0xd  }
0x86: {  	_, v1, vm0 =	vpop (xrf1);
	_ =	sdelay $0x5  }
0x87: {  	s26 =	sadd.s32 s4, s13;
	s17 =	simm.s32 $0x1000;
	s28 =	simm.s32 $0x3;
	[tilespmem:v0+s16+$0x0] =	vst.idx.add.s32.msk vm0, v1  }
0x88: {  	[spmem:s26] =	stream.linear.scatter [tilespmem:s17], [sflag:$0x3], $0x100, $0x38;
	[tilespmem:$0x8300] =	vst v63  }
0x89: {  	_ =	swait.ge [sflag:s28], $0x100  }
0x8a: {  	[sflag:s28] =	ssyncset.done $0x0  }
0x8b: {  	[sflag:s28] =	ssyncadd.s32 $0xFFFFFF00  }
0x8c: {  	s29 =	simm.s32 $0x1200;
	[bflag:$0x0] =	sbarrier.arrive $0xFFFF  }
0x8d: {  	[tilespmem:s29], [sflag:$0x3] =	stream.linear.gather [spmem:s13], $0x1000, $0x38;
	[tilespmem:$0x8300] =	vst v63  }
0x8e: {  	_ =	swait.ge [sflag:s28], $0x1000  }
0x8f: {  	s30 =	simm.s32 $0x0;
	[sflag:s28] =	ssyncset.done $0x0  }
0x90: {  	s13 =	sand.u32 $0xF0, s30;
	[sflag:s28] =	ssyncadd.s32 $0xFFFFF000  }
0x91: {  	p2 =	sgt.u32 s3, $0x1;
	v0 =	vld [tilespmem:s13+$0x1300]  }
0x92: {  	s16 =	simm.s32 @!p2 $0x0;
	v1 =	vld [tilespmem:s29+$0x0]  }
0x93: {  	p0 =	seq.s32 s3, $0x0;
	s16 =	simm.s32 @p2 $0x1  }
0x94: {  	[smem:$0x7F4] =	sst s16;
	s16 =	simm.s32 @!p0 $0x0;
	v2 =	vld [tilespmem:s13+$0x1400]  }
0x95: {  	p1 =	sgt.u32 s3, $0x2;
	s16 =	simm.s32 @p0 $0x1  }
0x96: {  	v3 =	vld [tilespmem:s13+$0x1500];
	[smem:$0x7F5] =	sst s16;
	s16 =	simm.s32 @!p1 $0x0  }
0x97: {  	s16 =	simm.s32 @p1 $0x1;
	v6 =	vadd.s32 v1, v0;
	v1 =	vpsel p0, $0x0, v1;
	p0 =	sgt.u32 s3, $0x3  }
0x98: {  	v4 =	vld [tilespmem:s13+$0x1600];
	[smem:$0x7F6] =	sst s16;
	s16 =	simm.s32 @!p0 $0x0  }
0x99: {  	v6 =	vadd.s32 v2, v6;
	v2 =	vpsel !p1, $0x0, v2;
	p1 =	sgt.u32 s3, $0x4;
	s16 =	simm.s32 @p0 $0x1  }
0x9a: {  	v5 =	vld [tilespmem:s13+$0x1700];
	v0 =	vpsel !p2, $0x0, v0;
	[smem:$0x7F7] =	sst s16;
	s16 =	simm.s32 @!p1 $0x0  }
0x9b: {  	v7 =	vld [tilespmem:s13+$0x1800];
	v0 =	vadd.s32 v1, v0;
	v1 =	vadd.s32 v3, v6;
	v3 =	vpsel !p0, $0x0, v3;
	p0 =	sgt.u32 s3, $0x5;
	s16 =	simm.s32 @p1 $0x1  }
0x9c: {  	v8 =	vld [tilespmem:s13+$0x1900];
	[smem:$0x7F8] =	sst s16;
	s16 =	simm.s32 @!p0 $0x0  }
0x9d: {  	v1 =	vadd.s32 v4, v1;
	v4 =	vpsel !p1, $0x0, v4;
	p1 =	sgt.u32 s3, $0x6;
	s16 =	simm.s32 @p0 $0x1  }
0x9e: {  	v58 =	vld [tilespmem:s13+$0x1A00];
	[smem:$0x7F9] =	sst s16;
	s16 =	simm.s32 @!p1 $0x0  }
0x9f: {  	v0 =	vadd.s32 v2, v0;
	v2 =	vld [tilespmem:s13+$0x1B00];
	v1 =	vadd.s32 v5, v1;
	v5 =	vpsel !p0, $0x0, v5;
	p0 =	sgt.u32 s3, $0x7;
	s16 =	simm.s32 @p1 $0x1  }
0xa0: {  	v0 =	vadd.s32 v3, v0;
	v3 =	vld [tilespmem:s13+$0x1C00];
	v1 =	vadd.s32 v7, v1;
	[smem:$0x7FA] =	sst s16;
	s16 =	simm.s32 @!p0 $0x0  }
0xa1: {  	v59 =	vld [tilespmem:s13+$0x1D00];
	v0 =	vadd.s32 v4, v0;
	v1 =	vadd.s32 v8, v1;
	v8 =	vpsel !p0, $0x0, v8;
	s16 =	simm.s32 @p0 $0x1;
	p0 =	sgt.u32 s3, $0x8  }
0xa2: {  	v60 =	vld [tilespmem:s13+$0x1E00];
	v7 =	vpsel !p1, $0x0, v7;
	v0 =	vadd.s32 v5, v0;
	[smem:$0x7FB] =	sst s16;
	s16 =	simm.s32 @!p0 $0x0  }
0xa3: {  	v61 =	vld [tilespmem:s13+$0x1F00];
	v0 =	vadd.s32 v7, v0;
	v1 =	vadd.s32 v58, v1;
	v6 =	vpsel !p0, $0x0, v58;
	s16 =	simm.s32 @p0 $0x1;
	p0 =	sgt.u32 s3, $0x9  }
0xa4: {  	v62 =	vld [tilespmem:s13+$0x2000];
	v0 =	vadd.s32 v8, v0;
	v1 =	vadd.s32 v2, v1;
	[smem:$0x7FC] =	sst s16;
	s16 =	simm.s32 @!p0 $0x0  }
0xa5: {  	v63 =	vld [tilespmem:s13+$0x2100];
	v1 =	vadd.s32 v3, v1;
	v0 =	vadd.s32 v6, v0;
	v2 =	vpsel !p0, $0x0, v2;
	s16 =	simm.s32 @p0 $0x1;
	p0 =	sgt.u32 s3, $0xA  }
0xa6: {  	p6 =	sgt.u32 s3, $0xB;
	v1 =	vadd.s32 v59, v1;
	v0 =	vadd.s32 v2, v0;
	v3 =	vpsel !p0, $0x0, v3  }
0xa7: {  	p2 =	sgt.u32 s3, $0xC;
	v1 =	vadd.s32 v60, v1;
	v2 =	vpsel !p6, $0x0, v59;
	v0 =	vadd.s32 v3, v0  }
0xa8: {  	p3 =	sgt.u32 s3, $0xD;
	v1 =	vadd.s32 v61, v1;
	v3 =	vpsel !p2, $0x0, v60;
	v0 =	vadd.s32 v2, v0  }
0xa9: {  	p4 =	seq.s32 s3, $0xF;
	v1 =	vadd.s32 v62, v1;
	v2 =	vpsel !p3, $0x0, v61;
	v0 =	vadd.s32 v3, v0  }
0xaa: {  	s13 =	simm.s32 $0x2200;
	v1 =	vadd.s32 v63, v1;
	v3 =	vpsel !p4, $0x0, v62;
	v0 =	vadd.s32 v2, v0  }
0xab: {  	s31 =	simm.s32 $0x10;
	[smem:$0x7FD] =	sst s16;
	s16 =	simm.s32 $0x2300;
	[tilespmem:s13+$0x0] =	vst v1;
	v0 =	vadd.s32 v3, v0  }
0xac: {  	s17 =	sand.u32 $0xF0, s31;
	[tilespmem:s16+$0x0] =	vst v0  }
0xad: {  	s18 =	simm.s32 $0x1210;
	v0 =	vld [tilespmem:s17+$0x1300]  }
0xae: {  	s19 =	simm.s32 $0x20;
	v1 =	vld [tilespmem:s18+$0x0]  }
.LBB3_5:
0xaf: {  	s20 =	sld [smem:$0x7F4]  }
0xb0: {  	v2 =	vld [tilespmem:s17+$0x1400];
	s22 =	sld [smem:$0x7F5]  }
0xb1: {  	v3 =	vld [tilespmem:s17+$0x1500];
	s23 =	sld [smem:$0x7F6]  }
0xb2: {  	v4 =	vld [tilespmem:s17+$0x1600];
	s24 =	sld [smem:$0x7F7];
	p5 =	seq.s32 s20, $0x1  }
0xb3: {  	v6 =	vld [tilespmem:s17+$0x1700];
	s25 =	sld [smem:$0x7F8];
	v5 =	vpsel !p5, $0x0, v0;
	p5 =	seq.s32 s22, $0x1  }
0xb4: {  	s26 =	sld [smem:$0x7F9];
	v0 =	vadd.s32 v1, v0;
	v7 =	vpsel p5, $0x0, v1;
	v1 =	vld [tilespmem:s17+$0x1800];
	p5 =	seq.s32 s23, $0x1  }
0xb5: {  	s28 =	sld [smem:$0x7FA];
	v0 =	vadd.s32 v2, v0;
	v8 =	vpsel !p5, $0x0, v2;
	v2 =	vld [tilespmem:s17+$0x1900];
	p5 =	seq.s32 s24, $0x1  }
0xb6: {  	s29 =	sld [smem:$0x7FB];
	v5 =	vadd.s32 v7, v5;
	v0 =	vadd.s32 v3, v0;
	v50 =	vpsel !p5, $0x0, v3;
	v3 =	vld [tilespmem:s17+$0x1A00];
	p5 =	seq.s32 s25, $0x1  }
0xb7: {  	v52 =	vld [tilespmem:s17+$0x1B00];
	s30 =	sld [smem:$0x7FC];
	v5 =	vadd.s32 v8, v5;
	v0 =	vadd.s32 v4, v0;
	v51 =	vpsel !p5, $0x0, v4;
	p5 =	seq.s32 s26, $0x1  }
0xb8: {  	v54 =	vld [tilespmem:s17+$0x1C00];
	v5 =	vadd.s32 v50, v5;
	v0 =	vadd.s32 v6, v0;
	v53 =	vpsel !p5, $0x0, v6;
	p5 =	seq.s32 s28, $0x1  }
0xb9: {  	s31 =	sld [smem:$0x7FD];
	v5 =	vadd.s32 v51, v5;
	v55 =	vpsel !p5, $0x0, v1;
	v0 =	vadd.s32 v1, v0;
	v1 =	vld [tilespmem:s17+$0x1D00];
	p5 =	seq.s32 s29, $0x1  }
0xba: {  	v5 =	vadd.s32 v53, v5;
	v56 =	vpsel !p5, $0x0, v2;
	v0 =	vadd.s32 v2, v0;
	v2 =	vld [tilespmem:s17+$0x1E00];
	p5 =	seq.s32 s30, $0x1  }
0xbb: {  	v5 =	vadd.s32 v55, v5;
	v57 =	vpsel !p5, $0x0, v3;
	v0 =	vadd.s32 v3, v0;
	v3 =	vld [tilespmem:s17+$0x1F00]  }
0xbc: {  	v59 =	vld [tilespmem:s17+$0x2000];
	v5 =	vadd.s32 v56, v5;
	p5 =	seq.s32 s31, $0x1;
	v0 =	vadd.s32 v52, v0  }
0xbd: {  	v61 =	vld [tilespmem:s17+$0x2100];
	v58 =	vpsel !p5, $0x0, v52;
	v5 =	vadd.s32 v57, v5;
	v0 =	vadd.s32 v54, v0  }
0xbe: {  	v60 =	vpsel !p0, $0x0, v54;
	v5 =	vadd.s32 v58, v5;
	v0 =	vadd.s32 v1, v0  }
0xbf: {  	v62 =	vpsel !p6, $0x0, v1;
	v1 =	vadd.s32 v60, v5;
	v0 =	vadd.s32 v2, v0  }
0xc0: {  	v63 =	vpsel !p2, $0x0, v2;
	v1 =	vadd.s32 v62, v1;
	v0 =	vadd.s32 v3, v0  }
0xc1: {  	p1 =	sne.s32 s19, $0xF0;
	v2 =	vpsel !p3, $0x0, v3;
	v1 =	vadd.s32 v63, v1;
	v0 =	vadd.s32 v59, v0  }
.Ltmp2:
0xc2: {  	s13 =	sadd.s32 $0x10, s13;
	v3 =	vpsel !p4, $0x0, v59;
	v1 =	vadd.s32 v2, v1;
	v0 =	vadd.s32 v61, v0;
	(pc) =	sbr.rel @p1 .LBB3_5-.Ltmp2, $4  }
0xc3: {  	s16 =	sadd.s32 $0x10, s16;
	v1 =	vadd.s32 v3, v1;
	[tilespmem:s13+$0x0] =	vst v0  }
0xc4: {  	s17 =	sand.u32 $0xF0, s19;
	[tilespmem:s16+$0x0] =	vst v1  }
0xc5: {  	s18 =	sadd.s32 $0x10, s18;
	v0 =	vld [tilespmem:s17+$0x1300]  }
0xc6: {  	s19 =	sadd.s32 $0x10, s19;
	v1 =	vld [tilespmem:s18+$0x0]  }
0xc7: {  	v2 =	vld [tilespmem:s17+$0x1400];
	s18 =	sld [smem:$0x7F4]  }
0xc8: {  	v3 =	vld [tilespmem:s17+$0x1500];
	s21 =	sld [smem:$0x7F5]  }
0xc9: {  	v4 =	vld [tilespmem:s17+$0x1600];
	s22 =	sld [smem:$0x7F6]  }
0xca: {  	v5 =	vld [tilespmem:s17+$0x1700];
	s23 =	sld [smem:$0x7F7]  }
0xcb: {  	v7 =	vld [tilespmem:s17+$0x1800];
	s24 =	sld [smem:$0x7F8];
	p1 =	seq.s32 s18, $0x1;
	p5 =	seq.s32 s21, $0x1;
	v6 =	vadd.s32 v1, v0  }
0xcc: {  	v8 =	vld [tilespmem:s17+$0x1900];
	s25 =	sld [smem:$0x7F9];
	v0 =	vpsel !p1, $0x0, v0;
	v1 =	vpsel p5, $0x0, v1;
	p5 =	seq.s32 s22, $0x1;
	v6 =	vadd.s32 v2, v6  }
0xcd: {  	v49 =	vld [tilespmem:s17+$0x1A00];
	s26 =	sld [smem:$0x7FA];
	v2 =	vpsel !p5, $0x0, v2;
	v0 =	vadd.s32 v1, v0;
	p5 =	seq.s32 s23, $0x1;
	v1 =	vadd.s32 v3, v6  }
0xce: {  	s28 =	sld [smem:$0x7FB];
	v3 =	vpsel !p5, $0x0, v3;
	v0 =	vadd.s32 v2, v0;
	v2 =	vld [tilespmem:s17+$0x1B00];
	p5 =	seq.s32 s24, $0x1;
	v1 =	vadd.s32 v4, v1  }
0xcf: {  	s29 =	sld [smem:$0x7FC];
	v4 =	vpsel !p5, $0x0, v4;
	v0 =	vadd.s32 v3, v0;
	v3 =	vld [tilespmem:s17+$0x1C00];
	p5 =	seq.s32 s25, $0x1;
	v1 =	vadd.s32 v5, v1  }
0xd0: {  	v50 =	vld [tilespmem:s17+$0x1D00];
	s30 =	sld [smem:$0x7FD];
	v5 =	vpsel !p5, $0x0, v5;
	v0 =	vadd.s32 v4, v0;
	p5 =	seq.s32 s26, $0x1;
	v1 =	vadd.s32 v7, v1  }
0xd1: {  	v51 =	vld [tilespmem:s17+$0x1E00];
	v7 =	vpsel !p5, $0x0, v7;
	v0 =	vadd.s32 v5, v0;
	p5 =	seq.s32 s28, $0x1;
	v1 =	vadd.s32 v8, v1  }
0xd2: {  	v52 =	vld [tilespmem:s17+$0x1F00];
	v8 =	vpsel !p5, $0x0, v8;
	v0 =	vadd.s32 v7, v0;
	p5 =	seq.s32 s29, $0x1;
	v1 =	vadd.s32 v49, v1  }
0xd3: {  	v53 =	vld [tilespmem:s17+$0x2000];
	v6 =	vpsel !p5, $0x0, v49;
	v0 =	vadd.s32 v8, v0;
	p5 =	seq.s32 s30, $0x1;
	v1 =	vadd.s32 v2, v1  }
0xd4: {  	v54 =	vld [tilespmem:s17+$0x2100];
	v2 =	vpsel !p5, $0x0, v2;
	v0 =	vadd.s32 v6, v0;
	v1 =	vadd.s32 v3, v1  }
0xd5: {  	v3 =	vpsel !p0, $0x0, v3;
	v0 =	vadd.s32 v2, v0;
	v1 =	vadd.s32 v50, v1  }
0xd6: {  	v2 =	vpsel !p6, $0x0, v50;
	v0 =	vadd.s32 v3, v0;
	v1 =	vadd.s32 v51, v1  }
0xd7: {  	v3 =	vpsel !p2, $0x0, v51;
	v0 =	vadd.s32 v2, v0;
	v1 =	vadd.s32 v52, v1  }
0xd8: {  	v2 =	vpsel !p3, $0x0, v52;
	v0 =	vadd.s32 v3, v0;
	v1 =	vadd.s32 v53, v1  }
0xd9: {  	s13 =	sadd.s32 $0x10, s13;
	v3 =	vpsel !p4, $0x0, v53;
	v0 =	vadd.s32 v2, v0;
	v1 =	vadd.s32 v54, v1  }
0xda: {  	s31 =	sadd.s32 $0x10, s16;
	v0 =	vadd.s32 v3, v0;
	[tilespmem:s13+$0x0] =	vst v1  }
0xdb: {  	[tilespmem:s31+$0x0] =	vst v0  }
0xdc: {  	v0 =	vld [tilespmem:$0x2200]  }
0xdd: {  	v1 =	vld [tilespmem:$0x2210]  }
0xde: {  	v2 =	vld [tilespmem:$0x2220]  }
0xdf: {  	v3 =	vld [tilespmem:$0x2230]  }
0xe0: {  	v55 =	vld [tilespmem:$0x2240]  }
0xe1: {  	(xrf0) =	vadd.scan.msk.s32 $0xffff, v0;
	v0 =	vld [tilespmem:$0x2250]  }
0xe2: {  	(xrf0) =	vadd.scan.msk.s32 $0xffff, v1;
	v1 =	vld [tilespmem:$0x2260]  }
0xe3: {  	(xrf0) =	vadd.scan.msk.s32 $0xffff, v2;
	v2 =	vld [tilespmem:$0x2270]  }
0xe4: {  	(xrf0) =	vadd.scan.msk.s32 $0xffff, v3;
	v3 =	vld [tilespmem:$0x2280]  }
0xe5: {  	v56 =	vld [tilespmem:$0x2290];
	(xrf0) =	vadd.scan.msk.s32 $0xffff, v55  }
0xe6: {  	(xrf0) =	vadd.scan.msk.s32 $0xffff, v0;
	v0 =	vld [tilespmem:$0x22A0]  }
0xe7: {  	v57, _, _ =	vpop (xrf0);
	(xrf0) =	vadd.scan.msk.s32 $0xffff, v1;
	v1 =	vld [tilespmem:$0x22B0]  }
0xe8: {  	[tilespmem:$0x2400] =	vst v57;
	v58, _, _ =	vpop (xrf0);
	(xrf0) =	vadd.scan.msk.s32 $0xffff, v2;
	v2 =	vld [tilespmem:$0x22C0]  }
0xe9: {  	[tilespmem:$0x2410] =	vst v58;
	v59, _, _ =	vpop (xrf0);
	(xrf0) =	vadd.scan.msk.s32 $0xffff, v3;
	v3 =	vld [tilespmem:$0x22D0]  }
0xea: {  	v61 =	vld [tilespmem:$0x22E0];
	[tilespmem:$0x2420] =	vst v59;
	v60, _, _ =	vpop (xrf0);
	(xrf0) =	vadd.scan.msk.s32 $0xffff, v56  }
0xeb: {  	[tilespmem:$0x2430] =	vst v60;
	v62, _, _ =	vpop (xrf0);
	(xrf0) =	vadd.scan.msk.s32 $0xffff, v0;
	v0 =	vld [tilespmem:$0x22F0]  }
0xec: {  	[tilespmem:$0x2440] =	vst v62;
	v63, _, _ =	vpop (xrf0);
	(xrf0) =	vadd.scan.msk.s32 $0xffff, v1  }
0xed: {  	[tilespmem:$0x2450] =	vst v63;
	v1, _, _ =	vpop (xrf0);
	(xrf0) =	vadd.scan.msk.s32 $0xffff, v2  }
0xee: {  	[tilespmem:$0x2460] =	vst v1;
	v1, _, _ =	vpop (xrf0);
	(xrf0) =	vadd.scan.msk.s32 $0xffff, v3  }
0xef: {  	[tilespmem:$0x2470] =	vst v1;
	v1, _, _ =	vpop (xrf0);
	(xrf0) =	vadd.scan.msk.s32 $0xffff, v61  }
0xf0: {  	[tilespmem:$0x2480] =	vst v1;
	v1, _, _ =	vpop (xrf0);
	(xrf0) =	vadd.scan.msk.s32 $0xffff, v0;
	v0 =	vlaneseq.u32  }
0xf1: {  	v2, _, _ =	vpop (xrf0);
	[tilespmem:$0x2490] =	vst v1;
	v0 =	vmul.u32 $0x10, v0  }
0xf2: {  	v1, _, _ =	vpop (xrf0);
	[tilespmem:$0x24A0] =	vst v2  }
0xf3: {  	v2, _, _ =	vpop (xrf0);
	[tilespmem:$0x24B0] =	vst v1;
	v0 =	vor.u32 $0xF, v0  }
0xf4: {  	v1, _, _ =	vpop (xrf0);
	[tilespmem:$0x24C0] =	vst v2  }
0xf5: {  	v2, _, _ =	vpop (xrf0);
	[tilespmem:$0x24D0] =	vst v1  }
0xf6: {  	[tilespmem:$0x24E0] =	vst v2;
	v1, _, _ =	vpop (xrf0)  }
0xf7: {  	s16 =	simm.s32 $0x2400;
	[tilespmem:$0x24F0] =	vst v1  }
0xf8: {  	v0 =	vld.idx.msk [tilespmem:v0+s16+$0x0], $0xffff;
	_ =	sdelay $0x4  }
0xf9: {  	(xrf0) =	vadd.scan.msk.s32 $0xffff, v0;
	_ =	sdelay $0x2  }
0xfa: {  	s17 =	simm.s32 @!p0 $0x0  }
0xfb: {  	s17 =	simm.s32 @p0 $0x1  }
0xfc: {  	[smem:$0x7EF] =	sst s17;
	s17 =	simm.s32 @!p6 $0x0  }
0xfd: {  	s17 =	simm.s32 @p6 $0x1;
	v1, _, _ =	vpop (xrf0)  }
0xfe: {  	[smem:$0x7F0] =	sst s17;
	s17 =	simm.s32 @!p2 $0x0;
	v0 =	vsub.s32 v1, v0  }
0xff: {  	s20 =	simm.s32 $0x2200;
	s17 =	simm.s32 @p2 $0x1;
	s13 =	simm.s32 $0x0;
	[tilespmem:$0x2500] =	vst v0  }
0x100: {  	[smem:$0x7F1] =	sst s17;
	s17 =	simm.s32 @!p3 $0x0;
	v1 =	vmov s13;
	v0 =	vld [tilespmem:s20+$0x0]  }
0x101: {  	s18 =	simm.s32 $0x2300;
	s17 =	simm.s32 @p3 $0x1;
	v2 =	vld [tilespmem:s16+$0x0]  }
0x102: {  	[smem:$0x7F2] =	sst s17;
	s17 =	simm.s32 @!p4 $0x0;
	v3 =	vld [tilespmem:s18+$0x0]  }
0x103: {  	s17 =	simm.s32 @p4 $0x1  }
0x104: {  	[smem:$0x7F3] =	sst s17;
	s17 =	simm.s32 $0x2500  }
0x105: {  	v1 =	vld.idx.msk [tilespmem:v1+s17+$0x0], $0xffff  }
0x106: {  	s21 =	simm.s32 $0x1;
	v0 =	vsub.s32 v2, v0  }
0x107: {  	v2 =	vadd.s32 v3, v0;
	v0 =	vmov s21;
	_ =	sdelay $0x2  }
0x108: {  	s19 =	simm.s32 $0x1100;
	s21 =	simm.s32 $0x2;
	v1 =	vadd.s32 v1, v2  }
.LBB3_7:
0x109: {  	p1 =	sne.s32 s21, $0xF;
	[tilespmem:s19+$0x0] =	vst v1  }
0x10a: {  	s20 =	sadd.s32 $0x10, s20;
	v1 =	vld.idx.msk [tilespmem:v0+s17+$0x0], $0xffff  }
0x10b: {  	s16 =	sadd.s32 $0x10, s16;
	v2 =	vld [tilespmem:s20+$0x0]  }
0x10c: {  	s18 =	sadd.s32 $0x10, s18;
	v3 =	vld [tilespmem:s16+$0x0]  }
0x10d: {  	v4 =	vld [tilespmem:s18+$0x0];
	_ =	sdelay $0x1  }
.Ltmp3:
0x10e: {  	(pc) =	sbr.rel @p1 .LBB3_7-.Ltmp3, $4  }
0x10f: {  	v0 =	vmov s21  }
0x110: {  	v2 =	vsub.s32 v3, v2  }
0x111: {  	v2 =	vadd.s32 v4, v2  }
0x112: {  	s19 =	sadd.s32 $0x10, s19;
	s21 =	sadd.s32 $0x1, s21;
	v1 =	vadd.s32 v1, v2  }
0x113: {  	[tilespmem:s19+$0x0] =	vst v1;
	s20 =	sadd.s32 $0x10, s20  }
0x114: {  	s16 =	sadd.s32 $0x10, s16;
	v1 =	vld [tilespmem:s20+$0x0]  }
0x115: {  	s30 =	sadd.s32 $0x10, s18;
	v2 =	vld [tilespmem:s16+$0x0]  }
0x116: {  	v3 =	vld [tilespmem:s30+$0x0]  }
0x117: {  	v0 =	vld.idx.msk [tilespmem:v0+s17+$0x0], $0xffff;
	_ =	sdelay $0x2  }
0x118: {  	v1 =	vsub.s32 v2, v1  }
0x119: {  	v1 =	vadd.s32 v3, v1  }
0x11a: {  	s31 =	sadd.s32 $0x10, s19;
	v0 =	vadd.s32 v0, v1  }
0x11b: {  	s18 =	simm.s32 $0x4580;
	s16 =	simm.s32 $0x1100;
	s17 =	simm.s32 $0x80;
	[tilespmem:s31+$0x0] =	vst v0  }
.LBB3_9:
0x11c: {  	s19 =	sshra.s32 s13, $0x2  }
0x11d: {  	v0 =	vld [tilespmem:s19+$0x0];
	_ =	sdelay $0x4  }
0x11e: {  	v1 =	vand.u32 $0xFF, v0  }
0x11f: {  	(xrf1) =	vunique.msk.u32 $0xffff, v1;
	_ =	sdelay $0xd  }
0x120: {  	_, v2, vm0 =	vpop (xrf1);
	_ =	sdelay $0x4  }
0x121: {  	v3 =	vld.idx.msk [tilespmem:v1+s16+$0x0], $0xffff  }
0x122: {  	[tilespmem:v1+s16+$0x0] =	vst.idx.add.s32.msk vm0, v2  }
0x123: {  	v1 =	vld [tilespmem:s19+$0x10];
	_ =	sdelay $0x4  }
0x124: {  	v4 =	vand.u32 $0xFF, v1  }
0x125: {  	(xrf1) =	vunique.msk.u32 $0xffff, v4;
	_ =	sdelay $0xc  }
0x126: {  	v2 =	vadd.s32 v2, v3  }
0x127: {  	v2 =	vadd.s32 $0xFFFFFFFF, v2;
	_, v30, vm14 =	vpop (xrf1)  }
0x128: {  	v0 =	vshrl.u32 v0, $0x8;
	v5 =	vshrl.u32 v2, $0x3  }
0x129: {  	v0 =	vand.u32 $0xFF, v0;
	v5 =	vand.u32 $0x1FFFFF00, v5  }
0x12a: {  	[tilespmem:s19+$0x2580] =	vst v2;
	v0 =	vor.u32 v0, v5  }
0x12b: {  	[tilespmem:s19+$0x4700] =	vst v0  }
0x12c: {  	v0 =	vld.idx.msk [tilespmem:v4+s16+$0x0], $0xffff  }
0x12d: {  	[tilespmem:v4+s16+$0x0] =	vst.idx.add.s32.msk vm14, v30  }
0x12e: {  	v31 =	vld [tilespmem:s19+$0x20];
	_ =	sdelay $0x4  }
0x12f: {  	v32 =	vand.u32 $0xFF, v31  }
0x130: {  	(xrf1) =	vunique.msk.u32 $0xffff, v32;
	_ =	sdelay $0xc  }
0x131: {  	v0 =	vadd.s32 v30, v0  }
0x132: {  	v0 =	vadd.s32 $0xFFFFFFFF, v0;
	_, v33, vm0 =	vpop (xrf1)  }
0x133: {  	v1 =	vshrl.u32 v1, $0x8;
	v34 =	vshrl.u32 v0, $0x3  }
0x134: {  	v1 =	vand.u32 $0xFF, v1;
	v5 =	vand.u32 $0x1FFFFF00, v34  }
0x135: {  	v35 =	vor.u32 v1, v5;
	[tilespmem:s19+$0x2590] =	vst v0  }
0x136: {  	[tilespmem:s19+$0x4710] =	vst v35  }
0x137: {  	v0 =	vld.idx.msk [tilespmem:v32+s16+$0x0], $0xffff  }
0x138: {  	[tilespmem:v32+s16+$0x0] =	vst.idx.add.s32.msk vm0, v33  }
0x139: {  	v36 =	vld [tilespmem:s19+$0x30];
	_ =	sdelay $0x4  }
0x13a: {  	v37 =	vand.u32 $0xFF, v36  }
0x13b: {  	(xrf1) =	vunique.msk.u32 $0xffff, v37;
	_ =	sdelay $0xc  }
0x13c: {  	v0 =	vadd.s32 v33, v0  }
0x13d: {  	v0 =	vadd.s32 $0xFFFFFFFF, v0;
	_, v38, vm0 =	vpop (xrf1)  }
0x13e: {  	v2 =	vshrl.u32 v31, $0x8;
	v39 =	vshrl.u32 v0, $0x3  }
0x13f: {  	v2 =	vand.u32 $0xFF, v2;
	v5 =	vand.u32 $0x1FFFFF00, v39  }
0x140: {  	v40 =	vor.u32 v2, v5;
	[tilespmem:s19+$0x25A0] =	vst v0  }
0x141: {  	[tilespmem:s19+$0x4720] =	vst v40  }
0x142: {  	v0 =	vld.idx.msk [tilespmem:v37+s16+$0x0], $0xffff  }
0x143: {  	[tilespmem:v37+s16+$0x0] =	vst.idx.add.s32.msk vm0, v38  }
0x144: {  	v41 =	vld [tilespmem:s19+$0x40];
	_ =	sdelay $0x4  }
0x145: {  	v42 =	vand.u32 $0xFF, v41  }
0x146: {  	(xrf1) =	vunique.msk.u32 $0xffff, v42;
	_ =	sdelay $0xc  }
0x147: {  	v0 =	vadd.s32 v38, v0  }
0x148: {  	v0 =	vadd.s32 $0xFFFFFFFF, v0;
	_, v43, vm0 =	vpop (xrf1)  }
0x149: {  	v1 =	vshrl.u32 v36, $0x8;
	v44 =	vshrl.u32 v0, $0x3  }
0x14a: {  	v1 =	vand.u32 $0xFF, v1;
	v5 =	vand.u32 $0x1FFFFF00, v44  }
0x14b: {  	v45 =	vor.u32 v1, v5;
	[tilespmem:s19+$0x25B0] =	vst v0  }
0x14c: {  	[tilespmem:s19+$0x4730] =	vst v45  }
0x14d: {  	v0 =	vld.idx.msk [tilespmem:v42+s16+$0x0], $0xffff  }
0x14e: {  	[tilespmem:v42+s16+$0x0] =	vst.idx.add.s32.msk vm0, v43  }
0x14f: {  	v46 =	vld [tilespmem:s19+$0x50];
	_ =	sdelay $0x4  }
0x150: {  	v47 =	vand.u32 $0xFF, v46  }
0x151: {  	(xrf1) =	vunique.msk.u32 $0xffff, v47;
	_ =	sdelay $0xc  }
0x152: {  	v0 =	vadd.s32 v43, v0  }
0x153: {  	v0 =	vadd.s32 $0xFFFFFFFF, v0;
	_, v48, vm0 =	vpop (xrf1)  }
0x154: {  	v2 =	vshrl.u32 v41, $0x8;
	v49 =	vshrl.u32 v0, $0x3  }
0x155: {  	v2 =	vand.u32 $0xFF, v2;
	v5 =	vand.u32 $0x1FFFFF00, v49  }
0x156: {  	v50 =	vor.u32 v2, v5;
	[tilespmem:s19+$0x25C0] =	vst v0  }
0x157: {  	[tilespmem:s19+$0x4740] =	vst v50  }
0x158: {  	v0 =	vld.idx.msk [tilespmem:v47+s16+$0x0], $0xffff  }
0x159: {  	[tilespmem:v47+s16+$0x0] =	vst.idx.add.s32.msk vm0, v48  }
0x15a: {  	v51 =	vld [tilespmem:s19+$0x60];
	_ =	sdelay $0x4  }
0x15b: {  	v52 =	vand.u32 $0xFF, v51  }
0x15c: {  	(xrf1) =	vunique.msk.u32 $0xffff, v52;
	_ =	sdelay $0xc  }
0x15d: {  	v0 =	vadd.s32 v48, v0  }
0x15e: {  	v0 =	vadd.s32 $0xFFFFFFFF, v0;
	_, v53, vm0 =	vpop (xrf1)  }
0x15f: {  	v1 =	vshrl.u32 v46, $0x8;
	v54 =	vshrl.u32 v0, $0x3  }
0x160: {  	v1 =	vand.u32 $0xFF, v1;
	v5 =	vand.u32 $0x1FFFFF00, v54  }
0x161: {  	v55 =	vor.u32 v1, v5;
	[tilespmem:s19+$0x25D0] =	vst v0  }
0x162: {  	[tilespmem:s19+$0x4750] =	vst v55  }
0x163: {  	v0 =	vld.idx.msk [tilespmem:v52+s16+$0x0], $0xffff  }
0x164: {  	[tilespmem:v52+s16+$0x0] =	vst.idx.add.s32.msk vm0, v53  }
0x165: {  	v56 =	vld [tilespmem:s19+$0x70];
	_ =	sdelay $0x4  }
0x166: {  	v57 =	vand.u32 $0xFF, v56  }
0x167: {  	(xrf1) =	vunique.msk.u32 $0xffff, v57;
	_ =	sdelay $0x5  }
0x168: {  	v0 =	vadd.s32 v53, v0  }
0x169: {  	v0 =	vadd.s32 $0xFFFFFFFF, v0  }
0x16a: {  	v2 =	vshrl.u32 v51, $0x8;
	v58 =	vshrl.u32 v0, $0x3  }
0x16b: {  	v2 =	vand.u32 $0xFF, v2;
	v3 =	vand.u32 $0x1FFFFF00, v58  }
0x16c: {  	v59 =	vor.u32 v2, v3;
	[tilespmem:s19+$0x25E0] =	vst v0  }
0x16d: {  	[tilespmem:s19+$0x4760] =	vst v59  }
0x16e: {  	v0 =	vld.idx.msk [tilespmem:v57+s16+$0x0], $0xffff;
	_ =	sdelay $0x1  }
0x16f: {  	_, v60, vm15 =	vpop (xrf1);
	_ =	sdelay $0x2  }
0x170: {  	v0 =	vadd.s32 v60, v0  }
0x171: {  	v0 =	vadd.s32 $0xFFFFFFFF, v0  }
0x172: {  	v1 =	vshrl.u32 v56, $0x8;
	v61 =	vshrl.u32 v0, $0x3  }
0x173: {  	v1 =	vand.u32 $0xFF, v1;
	v62 =	vand.u32 $0x1FFFFF00, v61;
	[tilespmem:v57+s16+$0x0] =	vst.idx.add.s32.msk vm15, v60  }
0x174: {  	v63 =	vor.u32 v1, v62;
	[tilespmem:s19+$0x25F0] =	vst v0  }
0x175: {  	p1 =	sne.s32 s13, $0x1E00;
	s20 =	sadd.s32 $0x2580, s19;
	[tilespmem:s19+$0x4770] =	vst v63  }
0x176: {  	[spmem:s10] =	stream.indirect.scatter [tilespmem:s19], [sflag:$0x1], $0x1, s20, s17, $0xb8;
	[tilespmem:$0x8300] =	vst v63  }
.Ltmp4:
0x177: {  	_ = 	snop;
	(pc) =	sbr.rel @p1 .LBB3_9-.Ltmp4, $4  }
0x178: {  	s21 =	sadd.s32 $0x800, s19  }
0x179: {  	[spmem:s15] =	stream.indirect.scatter [tilespmem:s21], [sflag:$0x1], $0x1, s20, s17, $0xb8;
	[tilespmem:$0x8300] =	vst v63  }
0x17a: {  	s13 =	sadd.s32 $0x200, s13;
	s19 =	sadd.s32 $0x4700, s19  }
0x17b: {  	[spmem:s14] =	stream.indirect.scatter.add.s32 [tilespmem:s18], [sflag:$0x1], $0x1, s19, s17, $0xb8;
	[tilespmem:$0x8300] =	vst v63  }
0x17c: {  	s13 =	simm.s32 $0x1  }
0x17d: {  	_ =	swait.ge [sflag:s13], $0x80  }
0x17e: {  	[sflag:s13] =	ssyncset.done $0x0  }
0x17f: {  	[sflag:s13] =	ssyncadd.s32 $0xFFFFFF80  }
0x180: {  	_ =	swait.ge [sflag:s13], $0x80  }
0x181: {  	[sflag:s13] =	ssyncset.done $0x0  }
0x182: {  	[sflag:s13] =	ssyncadd.s32 $0xFFFFFF80  }
0x183: {  	_ =	swait.ge [sflag:s13], $0x80  }
0x184: {  	[sflag:s13] =	ssyncset.done $0x0  }
0x185: {  	[sflag:s13] =	ssyncadd.s32 $0xFFFFFF80  }
0x186: {  	_ =	swait.ge [sflag:s13], $0x80  }
0x187: {  	[sflag:s13] =	ssyncset.done $0x0  }
0x188: {  	[sflag:s13] =	ssyncadd.s32 $0xFFFFFF80  }
0x189: {  	_ =	swait.ge [sflag:s13], $0x80  }
0x18a: {  	[sflag:s13] =	ssyncset.done $0x0  }
0x18b: {  	[sflag:s13] =	ssyncadd.s32 $0xFFFFFF80  }
0x18c: {  	_ =	swait.ge [sflag:s13], $0x80  }
0x18d: {  	[sflag:s13] =	ssyncset.done $0x0  }
0x18e: {  	[sflag:s13] =	ssyncadd.s32 $0xFFFFFF80  }
0x18f: {  	_ =	swait.ge [sflag:s13], $0x80  }
0x190: {  	[sflag:s13] =	ssyncset.done $0x0  }
0x191: {  	[sflag:s13] =	ssyncadd.s32 $0xFFFFFF80  }
0x192: {  	_ =	swait.ge [sflag:s13], $0x80  }
0x193: {  	[sflag:s13] =	ssyncset.done $0x0  }
0x194: {  	[sflag:s13] =	ssyncadd.s32 $0xFFFFFF80  }
0x195: {  	_ =	swait.ge [sflag:s13], $0x80  }
0x196: {  	[sflag:s13] =	ssyncset.done $0x0  }
0x197: {  	[sflag:s13] =	ssyncadd.s32 $0xFFFFFF80  }
0x198: {  	_ =	swait.ge [sflag:s13], $0x80  }
0x199: {  	[sflag:s13] =	ssyncset.done $0x0  }
0x19a: {  	[sflag:s13] =	ssyncadd.s32 $0xFFFFFF80  }
0x19b: {  	_ =	swait.ge [sflag:s13], $0x80  }
0x19c: {  	[sflag:s13] =	ssyncset.done $0x0  }
0x19d: {  	[sflag:s13] =	ssyncadd.s32 $0xFFFFFF80  }
0x19e: {  	_ =	swait.ge [sflag:s13], $0x80  }
0x19f: {  	[sflag:s13] =	ssyncset.done $0x0  }
0x1a0: {  	[sflag:s13] =	ssyncadd.s32 $0xFFFFFF80  }
0x1a1: {  	_ =	swait.ge [sflag:s13], $0x80  }
0x1a2: {  	[sflag:s13] =	ssyncset.done $0x0  }
0x1a3: {  	[sflag:s13] =	ssyncadd.s32 $0xFFFFFF80  }
0x1a4: {  	_ =	swait.ge [sflag:s13], $0x80  }
0x1a5: {  	[sflag:s13] =	ssyncset.done $0x0  }
0x1a6: {  	[sflag:s13] =	ssyncadd.s32 $0xFFFFFF80  }
0x1a7: {  	_ =	swait.ge [sflag:s13], $0x80  }
0x1a8: {  	[sflag:s13] =	ssyncset.done $0x0  }
0x1a9: {  	[sflag:s13] =	ssyncadd.s32 $0xFFFFFF80  }
0x1aa: {  	_ =	swait.ge [sflag:s13], $0x80  }
0x1ab: {  	[sflag:s13] =	ssyncset.done $0x0  }
0x1ac: {  	[sflag:s13] =	ssyncadd.s32 $0xFFFFFF80  }
0x1ad: {  	_ =	swait.ge [sflag:s13], $0x80  }
0x1ae: {  	[sflag:s13] =	ssyncset.done $0x0  }
0x1af: {  	[sflag:s13] =	ssyncadd.s32 $0xFFFFFF80  }
0x1b0: {  	_ =	swait.ge [sflag:s13], $0x80  }
0x1b1: {  	[sflag:s13] =	ssyncset.done $0x0  }
0x1b2: {  	[sflag:s13] =	ssyncadd.s32 $0xFFFFFF80  }
0x1b3: {  	_ =	swait.ge [sflag:s13], $0x80  }
0x1b4: {  	[sflag:s13] =	ssyncset.done $0x0  }
0x1b5: {  	[sflag:s13] =	ssyncadd.s32 $0xFFFFFF80  }
0x1b6: {  	_ =	swait.ge [sflag:s13], $0x80  }
0x1b7: {  	[sflag:s13] =	ssyncset.done $0x0  }
0x1b8: {  	[sflag:s13] =	ssyncadd.s32 $0xFFFFFF80  }
0x1b9: {  	_ =	swait.ge [sflag:s13], $0x80  }
0x1ba: {  	[sflag:s13] =	ssyncset.done $0x0  }
0x1bb: {  	[sflag:s13] =	ssyncadd.s32 $0xFFFFFF80  }
0x1bc: {  	_ =	swait.ge [sflag:s13], $0x80  }
0x1bd: {  	[sflag:s13] =	ssyncset.done $0x0  }
0x1be: {  	[sflag:s13] =	ssyncadd.s32 $0xFFFFFF80  }
0x1bf: {  	_ =	swait.ge [sflag:s13], $0x80  }
0x1c0: {  	[sflag:s13] =	ssyncset.done $0x0  }
0x1c1: {  	[sflag:s13] =	ssyncadd.s32 $0xFFFFFF80  }
0x1c2: {  	_ =	swait.ge [sflag:s13], $0x80  }
0x1c3: {  	[sflag:s13] =	ssyncset.done $0x0  }
0x1c4: {  	[sflag:s13] =	ssyncadd.s32 $0xFFFFFF80  }
0x1c5: {  	_ =	swait.ge [sflag:s13], $0x80  }
0x1c6: {  	[sflag:s13] =	ssyncset.done $0x0  }
0x1c7: {  	[sflag:s13] =	ssyncadd.s32 $0xFFFFFF80  }
0x1c8: {  	_ =	swait.ge [sflag:s13], $0x80  }
0x1c9: {  	[sflag:s13] =	ssyncset.done $0x0  }
0x1ca: {  	[sflag:s13] =	ssyncadd.s32 $0xFFFFFF80  }
0x1cb: {  	_ =	swait.ge [sflag:s13], $0x80  }
0x1cc: {  	[sflag:s13] =	ssyncset.done $0x0  }
0x1cd: {  	[sflag:s13] =	ssyncadd.s32 $0xFFFFFF80  }
0x1ce: {  	_ =	swait.ge [sflag:s13], $0x80  }
0x1cf: {  	[sflag:s13] =	ssyncset.done $0x0  }
0x1d0: {  	[sflag:s13] =	ssyncadd.s32 $0xFFFFFF80  }
0x1d1: {  	_ =	swait.ge [sflag:s13], $0x80  }
0x1d2: {  	[sflag:s13] =	ssyncset.done $0x0  }
0x1d3: {  	[sflag:s13] =	ssyncadd.s32 $0xFFFFFF80  }
0x1d4: {  	_ =	swait.ge [sflag:s13], $0x80  }
0x1d5: {  	[sflag:s13] =	ssyncset.done $0x0  }
0x1d6: {  	[sflag:s13] =	ssyncadd.s32 $0xFFFFFF80  }
0x1d7: {  	_ =	swait.ge [sflag:s13], $0x80  }
0x1d8: {  	[sflag:s13] =	ssyncset.done $0x0  }
0x1d9: {  	[sflag:s13] =	ssyncadd.s32 $0xFFFFFF80  }
0x1da: {  	_ =	swait.ge [sflag:s13], $0x80  }
0x1db: {  	[sflag:s13] =	ssyncset.done $0x0  }
0x1dc: {  	[sflag:s13] =	ssyncadd.s32 $0xFFFFFF80  }
0x1dd: {  	_ =	swait.ge [sflag:s13], $0x80  }
0x1de: {  	[sflag:s13] =	ssyncset.done $0x0  }
0x1df: {  	[sflag:s13] =	ssyncadd.s32 $0xFFFFFF80  }
0x1e0: {  	_ =	swait.ge [sflag:s13], $0x80  }
0x1e1: {  	[sflag:s13] =	ssyncset.done $0x0  }
0x1e2: {  	[sflag:s13] =	ssyncadd.s32 $0xFFFFFF80  }
0x1e3: {  	_ =	swait.ge [sflag:s13], $0x80  }
0x1e4: {  	[sflag:s13] =	ssyncset.done $0x0  }
0x1e5: {  	[sflag:s13] =	ssyncadd.s32 $0xFFFFFF80  }
0x1e6: {  	_ =	swait.ge [sflag:s13], $0x80  }
0x1e7: {  	[sflag:s13] =	ssyncset.done $0x0  }
0x1e8: {  	[sflag:s13] =	ssyncadd.s32 $0xFFFFFF80  }
0x1e9: {  	_ =	swait.ge [sflag:s13], $0x80  }
0x1ea: {  	[sflag:s13] =	ssyncset.done $0x0  }
0x1eb: {  	[sflag:s13] =	ssyncadd.s32 $0xFFFFFF80  }
0x1ec: {  	_ =	swait.ge [sflag:s13], $0x80  }
0x1ed: {  	[sflag:s13] =	ssyncset.done $0x0  }
0x1ee: {  	[sflag:s13] =	ssyncadd.s32 $0xFFFFFF80  }
0x1ef: {  	_ =	swait.ge [sflag:s13], $0x80  }
0x1f0: {  	[sflag:s13] =	ssyncset.done $0x0  }
0x1f1: {  	[sflag:s13] =	ssyncadd.s32 $0xFFFFFF80  }
0x1f2: {  	_ =	swait.ge [sflag:s13], $0x80  }
0x1f3: {  	[sflag:s13] =	ssyncset.done $0x0  }
0x1f4: {  	[sflag:s13] =	ssyncadd.s32 $0xFFFFFF80  }
0x1f5: {  	_ =	swait.ge [sflag:s13], $0x80  }
0x1f6: {  	[sflag:s13] =	ssyncset.done $0x0  }
0x1f7: {  	[sflag:s13] =	ssyncadd.s32 $0xFFFFFF80  }
0x1f8: {  	_ =	swait.ge [sflag:s13], $0x80  }
0x1f9: {  	[sflag:s13] =	ssyncset.done $0x0  }
0x1fa: {  	[sflag:s13] =	ssyncadd.s32 $0xFFFFFF80  }
0x1fb: {  	_ =	swait.ge [sflag:s13], $0x80  }
0x1fc: {  	[sflag:s13] =	ssyncset.done $0x0  }
0x1fd: {  	[sflag:s13] =	ssyncadd.s32 $0xFFFFFF80  }
0x1fe: {  	_ =	swait.ge [sflag:s13], $0x80  }
0x1ff: {  	[sflag:s13] =	ssyncset.done $0x0  }
0x200: {  	[sflag:s13] =	ssyncadd.s32 $0xFFFFFF80  }
0x201: {  	_ =	swait.ge [sflag:s13], $0x80  }
0x202: {  	[sflag:s13] =	ssyncset.done $0x0  }
0x203: {  	[sflag:s13] =	ssyncadd.s32 $0xFFFFFF80  }
0x204: {  	_ =	swait.ge [sflag:s13], $0x80  }
0x205: {  	[sflag:s13] =	ssyncset.done $0x0  }
0x206: {  	[sflag:s13] =	ssyncadd.s32 $0xFFFFFF80  }
0x207: {  	_ =	swait.ge [sflag:s13], $0x80  }
0x208: {  	[sflag:s13] =	ssyncset.done $0x0  }
0x209: {  	[sflag:s13] =	ssyncadd.s32 $0xFFFFFF80  }
0x20a: {  	_ =	swait.ge [sflag:s13], $0x80  }
0x20b: {  	[sflag:s13] =	ssyncset.done $0x0  }
0x20c: {  	[sflag:s13] =	ssyncadd.s32 $0xFFFFFF80  }
0x20d: {  	s16 =	simm.s32 $0x0;
	s13 =	sadd.s32 s8, s10;
	[bflag:$0x0] =	sbarrier.arrive $0xFFFF  }
0x20e: {  	[tilespmem:s16], [sflag:$0x2] =	stream.linear.gather [spmem:s13], $0x800, $0x38;
	[tilespmem:$0x8300] =	vst v63  }
0x20f: {  	s15 =	sadd.s32 s8, s15;
	s17 =	simm.s32 $0x800  }
0x210: {  	[tilespmem:s17], [sflag:$0x2] =	stream.linear.gather [spmem:s15], $0x800, $0x38;
	[tilespmem:$0x8300] =	vst v63  }
0x211: {  	s28 =	simm.s32 $0x1200;
	s29 =	simm.s32 $0x3  }
0x212: {  	[tilespmem:s28], [sflag:$0x3] =	stream.linear.gather [spmem:s14], $0x1000, $0x38;
	[tilespmem:$0x8300] =	vst v63  }
0x213: {  	_ =	swait.ge [sflag:s29], $0x1000  }
0x214: {  	[sflag:s29] =	ssyncset.done $0x0  }
0x215: {  	s30 =	sand.u32 $0xF0, s16;
	[sflag:s29] =	ssyncadd.s32 $0xFFFFF000  }
0x216: {  	v0 =	vld [tilespmem:s30+$0x1300]  }
0x217: {  	s31 =	sld [smem:$0x7F4];
	v1 =	vld [tilespmem:s28+$0x0]  }
0x218: {  	s16 =	sld [smem:$0x7F5];
	v2 =	vld [tilespmem:s30+$0x1400]  }
0x219: {  	s17 =	sld [smem:$0x7F6];
	v3 =	vld [tilespmem:s30+$0x1500]  }
0x21a: {  	s18 =	sld [smem:$0x7F7];
	v4 =	vld [tilespmem:s30+$0x1600]  }
0x21b: {  	s19 =	sld [smem:$0x7F8];
	v5 =	vld [tilespmem:s30+$0x1700]  }
0x21c: {  	s20 =	sld [smem:$0x7F9];
	v7 =	vld [tilespmem:s30+$0x1800];
	p0 =	seq.s32 s31, $0x1;
	p6 =	seq.s32 s16, $0x1;
	v6 =	vadd.s32 v1, v0  }
0x21d: {  	s21 =	sld [smem:$0x7FA];
	v8 =	vld [tilespmem:s30+$0x1900];
	p1 =	seq.s32 s17, $0x1;
	v0 =	vpsel !p0, $0x0, v0;
	v1 =	vpsel p6, $0x0, v1;
	v6 =	vadd.s32 v2, v6  }
0x21e: {  	s22 =	sld [smem:$0x7FB];
	v58 =	vld [tilespmem:s30+$0x1A00];
	p2 =	seq.s32 s18, $0x1;
	v2 =	vpsel !p1, $0x0, v2;
	v0 =	vadd.s32 v1, v0;
	v1 =	vadd.s32 v3, v6  }
0x21f: {  	s23 =	sld [smem:$0x7FC];
	p3 =	por p1, p1;
	p1 =	seq.s32 s19, $0x1;
	v3 =	vpsel !p2, $0x0, v3;
	v0 =	vadd.s32 v2, v0;
	v2 =	vld [tilespmem:s30+$0x1B00];
	v1 =	vadd.s32 v4, v1  }
0x220: {  	p5 =	por p6, p6;
	p6 =	por p2, p2;
	p2 =	seq.s32 s20, $0x1;
	v4 =	vpsel !p1, $0x0, v4;
	v0 =	vadd.s32 v3, v0;
	v3 =	vld [tilespmem:s30+$0x1C00];
	v1 =	vadd.s32 v5, v1  }
0x221: {  	s24 =	sld [smem:$0x7FD];
	v59 =	vld [tilespmem:s30+$0x1D00];
	p1 =	seq.s32 s21, $0x1;
	v5 =	vpsel !p2, $0x0, v5;
	v0 =	vadd.s32 v4, v0;
	v1 =	vadd.s32 v7, v1  }
0x222: {  	s25 =	sld [smem:$0x7EF];
	v60 =	vld [tilespmem:s30+$0x1E00];
	p2 =	seq.s32 s22, $0x1;
	v7 =	vpsel !p1, $0x0, v7;
	v0 =	vadd.s32 v5, v0;
	v1 =	vadd.s32 v8, v1  }
0x223: {  	s26 =	sld [smem:$0x7F0];
	v61 =	vld [tilespmem:s30+$0x1F00];
	p1 =	seq.s32 s23, $0x1;
	v8 =	vpsel !p2, $0x0, v8;
	v0 =	vadd.s32 v7, v0;
	v1 =	vadd.s32 v58, v1  }
0x224: {  	v62 =	vld [tilespmem:s30+$0x2000];
	s28 =	sld [smem:$0x7F1];
	v6 =	vpsel !p1, $0x0, v58;
	p2 =	seq.s32 s24, $0x1;
	v0 =	vadd.s32 v8, v0;
	v1 =	vadd.s32 v2, v1  }
0x225: {  	s29 =	sld [smem:$0x7F2];
	v63 =	vld [tilespmem:s30+$0x2100];
	p1 =	seq.s32 s25, $0x1;
	v2 =	vpsel !p2, $0x0, v2;
	v0 =	vadd.s32 v6, v0;
	v1 =	vadd.s32 v3, v1  }
0x226: {  	s30 =	sld [smem:$0x7F3];
	p2 =	seq.s32 s26, $0x1;
	v3 =	vpsel !p1, $0x0, v3;
	v0 =	vadd.s32 v2, v0;
	v1 =	vadd.s32 v59, v1  }
0x227: {  	v2 =	vpsel !p2, $0x0, v59;
	p1 =	seq.s32 s28, $0x1;
	v0 =	vadd.s32 v3, v0;
	v1 =	vadd.s32 v60, v1  }
0x228: {  	p2 =	seq.s32 s29, $0x1;
	v3 =	vpsel !p1, $0x0, v60;
	v0 =	vadd.s32 v2, v0;
	v1 =	vadd.s32 v61, v1  }
0x229: {  	p4 =	por p0, p0;
	p0 =	seq.s32 s30, $0x1;
	v2 =	vpsel !p2, $0x0, v61;
	v0 =	vadd.s32 v3, v0;
	v1 =	vadd.s32 v62, v1  }
0x22a: {  	s14 =	simm.s32 $0x2200;
	v3 =	vpsel !p0, $0x0, v62;
	v0 =	vadd.s32 v2, v0;
	v1 =	vadd.s32 v63, v1  }
0x22b: {  	s15 =	simm.s32 $0x2300;
	s31 =	simm.s32 $0x10;
	v0 =	vadd.s32 v3, v0;
	[tilespmem:s14+$0x0] =	vst v1  }
0x22c: {  	s16 =	sand.u32 $0xF0, s31;
	[tilespmem:s15+$0x0] =	vst v0  }
0x22d: {  	s17 =	simm.s32 $0x1210;
	v0 =	vld [tilespmem:s16+$0x1300]  }
0x22e: {  	s18 =	simm.s32 $0x20;
	v1 =	vld [tilespmem:s17+$0x0]  }
.LBB3_11:
0x22f: {  	v2 =	vld [tilespmem:s16+$0x1400]  }
0x230: {  	v3 =	vld [tilespmem:s16+$0x1500]  }
0x231: {  	v4 =	vld [tilespmem:s16+$0x1600]  }
0x232: {  	v6 =	vld [tilespmem:s16+$0x1700];
	s19 =	sld [smem:$0x7F8]  }
0x233: {  	s22 =	sld [smem:$0x7F9];
	v5 =	vpsel !p4, $0x0, v0;
	v7 =	vpsel p5, $0x0, v1;
	v0 =	vadd.s32 v1, v0;
	v1 =	vld [tilespmem:s16+$0x1800]  }
0x234: {  	s23 =	sld [smem:$0x7FA];
	v8 =	vpsel !p3, $0x0, v2;
	v0 =	vadd.s32 v2, v0;
	v2 =	vld [tilespmem:s16+$0x1900]  }
0x235: {  	s24 =	sld [smem:$0x7FB];
	p2 =	seq.s32 s19, $0x1;
	v5 =	vadd.s32 v7, v5;
	v50 =	vpsel !p6, $0x0, v3;
	v0 =	vadd.s32 v3, v0;
	v3 =	vld [tilespmem:s16+$0x1A00]  }
0x236: {  	v52 =	vld [tilespmem:s16+$0x1B00];
	s25 =	sld [smem:$0x7FC];
	v51 =	vpsel !p2, $0x0, v4;
	p2 =	seq.s32 s22, $0x1;
	v5 =	vadd.s32 v8, v5;
	v0 =	vadd.s32 v4, v0  }
0x237: {  	v54 =	vld [tilespmem:s16+$0x1C00];
	v53 =	vpsel !p2, $0x0, v6;
	p2 =	seq.s32 s23, $0x1;
	v5 =	vadd.s32 v50, v5;
	v0 =	vadd.s32 v6, v0  }
0x238: {  	s26 =	sld [smem:$0x7FD];
	v5 =	vadd.s32 v51, v5;
	v55 =	vpsel !p2, $0x0, v1;
	v0 =	vadd.s32 v1, v0;
	v1 =	vld [tilespmem:s16+$0x1D00];
	p2 =	seq.s32 s24, $0x1  }
0x239: {  	s28 =	sld [smem:$0x7EF];
	v5 =	vadd.s32 v53, v5;
	v56 =	vpsel !p2, $0x0, v2;
	v0 =	vadd.s32 v2, v0;
	v2 =	vld [tilespmem:s16+$0x1E00];
	p2 =	seq.s32 s25, $0x1  }
0x23a: {  	s29 =	sld [smem:$0x7F0];
	v5 =	vadd.s32 v55, v5;
	v57 =	vpsel !p2, $0x0, v3;
	v0 =	vadd.s32 v3, v0;
	v3 =	vld [tilespmem:s16+$0x1F00]  }
0x23b: {  	v59 =	vld [tilespmem:s16+$0x2000];
	s30 =	sld [smem:$0x7F1];
	v5 =	vadd.s32 v56, v5;
	p2 =	seq.s32 s26, $0x1;
	v0 =	vadd.s32 v52, v0  }
0x23c: {  	v61 =	vld [tilespmem:s16+$0x2100];
	s31 =	sld [smem:$0x7F2];
	v58 =	vpsel !p2, $0x0, v52;
	v5 =	vadd.s32 v57, v5;
	p2 =	seq.s32 s28, $0x1;
	v0 =	vadd.s32 v54, v0  }
0x23d: {  	v60 =	vpsel !p2, $0x0, v54;
	v5 =	vadd.s32 v58, v5;
	p2 =	seq.s32 s29, $0x1;
	v0 =	vadd.s32 v1, v0  }
0x23e: {  	v62 =	vpsel !p2, $0x0, v1;
	v1 =	vadd.s32 v60, v5;
	p2 =	seq.s32 s30, $0x1;
	v0 =	vadd.s32 v2, v0  }
0x23f: {  	v63 =	vpsel !p2, $0x0, v2;
	v1 =	vadd.s32 v62, v1;
	p2 =	seq.s32 s31, $0x1;
	v0 =	vadd.s32 v3, v0  }
0x240: {  	p1 =	sne.s32 s18, $0xF0;
	v2 =	vpsel !p2, $0x0, v3;
	v1 =	vadd.s32 v63, v1;
	v0 =	vadd.s32 v59, v0  }
.Ltmp5:
0x241: {  	s14 =	sadd.s32 $0x10, s14;
	v3 =	vpsel !p0, $0x0, v59;
	v1 =	vadd.s32 v2, v1;
	v0 =	vadd.s32 v61, v0;
	(pc) =	sbr.rel @p1 .LBB3_11-.Ltmp5, $4  }
0x242: {  	s15 =	sadd.s32 $0x10, s15;
	v1 =	vadd.s32 v3, v1;
	[tilespmem:s14+$0x0] =	vst v0  }
0x243: {  	s16 =	sand.u32 $0xF0, s18;
	[tilespmem:s15+$0x0] =	vst v1  }
0x244: {  	s17 =	sadd.s32 $0x10, s17;
	v0 =	vld [tilespmem:s16+$0x1300]  }
0x245: {  	s18 =	sadd.s32 $0x10, s18;
	v1 =	vld [tilespmem:s17+$0x0]  }
0x246: {  	v2 =	vld [tilespmem:s16+$0x1400]  }
0x247: {  	v3 =	vld [tilespmem:s16+$0x1500]  }
0x248: {  	v4 =	vld [tilespmem:s16+$0x1600]  }
0x249: {  	v5 =	vld [tilespmem:s16+$0x1700]  }
0x24a: {  	v7 =	vld [tilespmem:s16+$0x1800];
	s17 =	sld [smem:$0x7F8];
	v6 =	vadd.s32 v1, v0  }
0x24b: {  	v8 =	vld [tilespmem:s16+$0x1900];
	s20 =	sld [smem:$0x7F9];
	v0 =	vpsel !p4, $0x0, v0;
	v1 =	vpsel p5, $0x0, v1;
	v6 =	vadd.s32 v2, v6  }
0x24c: {  	v49 =	vld [tilespmem:s16+$0x1A00];
	s21 =	sld [smem:$0x7FA];
	v2 =	vpsel !p3, $0x0, v2;
	v0 =	vadd.s32 v1, v0;
	v1 =	vadd.s32 v3, v6  }
0x24d: {  	s22 =	sld [smem:$0x7FB];
	p1 =	seq.s32 s17, $0x1;
	v3 =	vpsel !p6, $0x0, v3;
	v0 =	vadd.s32 v2, v0;
	v2 =	vld [tilespmem:s16+$0x1B00];
	v1 =	vadd.s32 v4, v1  }
0x24e: {  	s23 =	sld [smem:$0x7FC];
	p3 =	seq.s32 s20, $0x1;
	v4 =	vpsel !p1, $0x0, v4;
	v0 =	vadd.s32 v3, v0;
	v3 =	vld [tilespmem:s16+$0x1C00];
	v1 =	vadd.s32 v5, v1  }
0x24f: {  	v50 =	vld [tilespmem:s16+$0x1D00];
	s24 =	sld [smem:$0x7FD];
	p4 =	seq.s32 s21, $0x1;
	v5 =	vpsel !p3, $0x0, v5;
	v0 =	vadd.s32 v4, v0;
	v1 =	vadd.s32 v7, v1  }
0x250: {  	v51 =	vld [tilespmem:s16+$0x1E00];
	s25 =	sld [smem:$0x7EF];
	p5 =	seq.s32 s22, $0x1;
	v7 =	vpsel !p4, $0x0, v7;
	v0 =	vadd.s32 v5, v0;
	v1 =	vadd.s32 v8, v1  }
0x251: {  	v52 =	vld [tilespmem:s16+$0x1F00];
	s26 =	sld [smem:$0x7F0];
	p6 =	seq.s32 s23, $0x1;
	v8 =	vpsel !p5, $0x0, v8;
	v0 =	vadd.s32 v7, v0;
	v1 =	vadd.s32 v49, v1  }
0x252: {  	v53 =	vld [tilespmem:s16+$0x2000];
	s28 =	sld [smem:$0x7F1];
	p2 =	seq.s32 s24, $0x1;
	v6 =	vpsel !p6, $0x0, v49;
	v0 =	vadd.s32 v8, v0;
	v1 =	vadd.s32 v2, v1  }
0x253: {  	v54 =	vld [tilespmem:s16+$0x2100];
	s29 =	sld [smem:$0x7F2];
	p3 =	seq.s32 s25, $0x1;
	v2 =	vpsel !p2, $0x0, v2;
	v0 =	vadd.s32 v6, v0;
	v1 =	vadd.s32 v3, v1  }
0x254: {  	p4 =	seq.s32 s26, $0x1;
	v3 =	vpsel !p3, $0x0, v3;
	v0 =	vadd.s32 v2, v0;
	v1 =	vadd.s32 v50, v1  }
0x255: {  	p5 =	seq.s32 s28, $0x1;
	v2 =	vpsel !p4, $0x0, v50;
	v0 =	vadd.s32 v3, v0;
	v1 =	vadd.s32 v51, v1  }
0x256: {  	p6 =	seq.s32 s29, $0x1;
	v3 =	vpsel !p5, $0x0, v51;
	v0 =	vadd.s32 v2, v0;
	v1 =	vadd.s32 v52, v1  }
0x257: {  	v2 =	vpsel !p6, $0x0, v52;
	v0 =	vadd.s32 v3, v0;
	v1 =	vadd.s32 v53, v1  }
0x258: {  	s14 =	sadd.s32 $0x10, s14;
	v3 =	vpsel !p0, $0x0, v53;
	v0 =	vadd.s32 v2, v0;
	v1 =	vadd.s32 v54, v1  }
0x259: {  	s30 =	sadd.s32 $0x10, s15;
	v0 =	vadd.s32 v3, v0;
	[tilespmem:s14+$0x0] =	vst v1  }
0x25a: {  	[tilespmem:s30+$0x0] =	vst v0  }
0x25b: {  	v0 =	vld [tilespmem:$0x2200]  }
0x25c: {  	v1 =	vld [tilespmem:$0x2210]  }
0x25d: {  	v2 =	vld [tilespmem:$0x2220]  }
0x25e: {  	v3 =	vld [tilespmem:$0x2230]  }
0x25f: {  	v55 =	vld [tilespmem:$0x2240]  }
0x260: {  	(xrf0) =	vadd.scan.msk.s32 $0xffff, v0;
	v0 =	vld [tilespmem:$0x2250]  }
0x261: {  	(xrf0) =	vadd.scan.msk.s32 $0xffff, v1;
	v1 =	vld [tilespmem:$0x2260]  }
0x262: {  	(xrf0) =	vadd.scan.msk.s32 $0xffff, v2;
	v2 =	vld [tilespmem:$0x2270]  }
0x263: {  	(xrf0) =	vadd.scan.msk.s32 $0xffff, v3;
	v3 =	vld [tilespmem:$0x2280]  }
0x264: {  	v56 =	vld [tilespmem:$0x2290];
	(xrf0) =	vadd.scan.msk.s32 $0xffff, v55  }
0x265: {  	(xrf0) =	vadd.scan.msk.s32 $0xffff, v0;
	v0 =	vld [tilespmem:$0x22A0]  }
0x266: {  	v57, _, _ =	vpop (xrf0);
	(xrf0) =	vadd.scan.msk.s32 $0xffff, v1;
	v1 =	vld [tilespmem:$0x22B0]  }
0x267: {  	[tilespmem:$0x2400] =	vst v57;
	v58, _, _ =	vpop (xrf0);
	(xrf0) =	vadd.scan.msk.s32 $0xffff, v2;
	v2 =	vld [tilespmem:$0x22C0]  }
0x268: {  	[tilespmem:$0x2410] =	vst v58;
	v59, _, _ =	vpop (xrf0);
	(xrf0) =	vadd.scan.msk.s32 $0xffff, v3;
	v3 =	vld [tilespmem:$0x22D0]  }
0x269: {  	v61 =	vld [tilespmem:$0x22E0];
	[tilespmem:$0x2420] =	vst v59;
	v60, _, _ =	vpop (xrf0);
	(xrf0) =	vadd.scan.msk.s32 $0xffff, v56  }
0x26a: {  	[tilespmem:$0x2430] =	vst v60;
	v62, _, _ =	vpop (xrf0);
	(xrf0) =	vadd.scan.msk.s32 $0xffff, v0;
	v0 =	vld [tilespmem:$0x22F0]  }
0x26b: {  	[tilespmem:$0x2440] =	vst v62;
	v63, _, _ =	vpop (xrf0);
	(xrf0) =	vadd.scan.msk.s32 $0xffff, v1  }
0x26c: {  	[tilespmem:$0x2450] =	vst v63;
	v1, _, _ =	vpop (xrf0);
	(xrf0) =	vadd.scan.msk.s32 $0xffff, v2  }
0x26d: {  	[tilespmem:$0x2460] =	vst v1;
	v1, _, _ =	vpop (xrf0);
	(xrf0) =	vadd.scan.msk.s32 $0xffff, v3  }
0x26e: {  	[tilespmem:$0x2470] =	vst v1;
	v1, _, _ =	vpop (xrf0);
	(xrf0) =	vadd.scan.msk.s32 $0xffff, v61  }
0x26f: {  	[tilespmem:$0x2480] =	vst v1;
	v1, _, _ =	vpop (xrf0);
	(xrf0) =	vadd.scan.msk.s32 $0xffff, v0;
	v0 =	vlaneseq.u32  }
0x270: {  	v2, _, _ =	vpop (xrf0);
	[tilespmem:$0x2490] =	vst v1;
	v0 =	vmul.u32 $0x10, v0  }
0x271: {  	v1, _, _ =	vpop (xrf0);
	[tilespmem:$0x24A0] =	vst v2  }
0x272: {  	v2, _, _ =	vpop (xrf0);
	[tilespmem:$0x24B0] =	vst v1;
	v0 =	vor.u32 $0xF, v0  }
0x273: {  	v1, _, _ =	vpop (xrf0);
	[tilespmem:$0x24C0] =	vst v2  }
0x274: {  	v2, _, _ =	vpop (xrf0);
	[tilespmem:$0x24D0] =	vst v1  }
0x275: {  	[tilespmem:$0x24E0] =	vst v2;
	v1, _, _ =	vpop (xrf0)  }
0x276: {  	s14 =	simm.s32 $0x2400;
	[tilespmem:$0x24F0] =	vst v1  }
0x277: {  	v0 =	vld.idx.msk [tilespmem:v0+s14+$0x0], $0xffff;
	_ =	sdelay $0x4  }
0x278: {  	(xrf0) =	vadd.scan.msk.s32 $0xffff, v0;
	_ =	sdelay $0x5  }
0x279: {  	v1, _, _ =	vpop (xrf0)  }
0x27a: {  	v0 =	vsub.s32 v1, v0  }
0x27b: {  	s31 =	simm.s32 $0x0;
	s18 =	simm.s32 $0x2200;
	[tilespmem:$0x2500] =	vst v0  }
0x27c: {  	v1 =	vmov s31;
	v0 =	vld [tilespmem:s18+$0x0]  }
0x27d: {  	s16 =	simm.s32 $0x2300;
	v2 =	vld [tilespmem:s14+$0x0]  }
0x27e: {  	v3 =	vld [tilespmem:s16+$0x0];
	_ =	sdelay $0x1  }
0x27f: {  	s15 =	simm.s32 $0x2500  }
0x280: {  	v1 =	vld.idx.msk [tilespmem:v1+s15+$0x0], $0xffff  }
0x281: {  	s19 =	simm.s32 $0x1;
	v0 =	vsub.s32 v2, v0  }
0x282: {  	v2 =	vadd.s32 v3, v0;
	v0 =	vmov s19;
	_ =	sdelay $0x2  }
0x283: {  	s17 =	simm.s32 $0x1100;
	s19 =	simm.s32 $0x2;
	v1 =	vadd.s32 v1, v2  }
.LBB3_13:
0x284: {  	p1 =	sne.s32 s19, $0xF;
	[tilespmem:s17+$0x0] =	vst v1  }
0x285: {  	s18 =	sadd.s32 $0x10, s18;
	v1 =	vld.idx.msk [tilespmem:v0+s15+$0x0], $0xffff  }
0x286: {  	s14 =	sadd.s32 $0x10, s14;
	v2 =	vld [tilespmem:s18+$0x0]  }
0x287: {  	s16 =	sadd.s32 $0x10, s16;
	v3 =	vld [tilespmem:s14+$0x0]  }
0x288: {  	v4 =	vld [tilespmem:s16+$0x0];
	_ =	sdelay $0x1  }
.Ltmp6:
0x289: {  	(pc) =	sbr.rel @p1 .LBB3_13-.Ltmp6, $4  }
0x28a: {  	v0 =	vmov s19  }
0x28b: {  	v2 =	vsub.s32 v3, v2  }
0x28c: {  	v2 =	vadd.s32 v4, v2  }
0x28d: {  	s17 =	sadd.s32 $0x10, s17;
	s19 =	sadd.s32 $0x1, s19;
	v1 =	vadd.s32 v1, v2  }
0x28e: {  	[tilespmem:s17+$0x0] =	vst v1;
	s18 =	sadd.s32 $0x10, s18  }
0x28f: {  	s14 =	sadd.s32 $0x10, s14;
	v1 =	vld [tilespmem:s18+$0x0]  }
0x290: {  	s29 =	sadd.s32 $0x10, s16;
	v2 =	vld [tilespmem:s14+$0x0]  }
0x291: {  	v3 =	vld [tilespmem:s29+$0x0]  }
0x292: {  	v0 =	vld.idx.msk [tilespmem:v0+s15+$0x0], $0xffff;
	_ =	sdelay $0x2  }
0x293: {  	v1 =	vsub.s32 v2, v1  }
0x294: {  	v1 =	vadd.s32 v3, v1  }
0x295: {  	s30 =	sadd.s32 $0x10, s17;
	v0 =	vadd.s32 v0, v1  }
0x296: {  	s31 =	simm.s32 $0x2;
	[tilespmem:s30+$0x0] =	vst v0  }
0x297: {  	_ =	swait.ge [sflag:s31], $0x800  }
0x298: {  	[sflag:s31] =	ssyncset.done $0x0  }
0x299: {  	[sflag:s31] =	ssyncadd.s32 $0xFFFFF800  }
0x29a: {  	_ =	swait.ge [sflag:s31], $0x800  }
0x29b: {  	s16 =	simm.s32 $0x80;
	s17 =	simm.s32 $0x4580;
	[sflag:s31] =	ssyncset.done $0x0  }
0x29c: {  	s14 =	simm.s32 $0x0;
	s15 =	simm.s32 $0x1100;
	[sflag:s31] =	ssyncadd.s32 $0xFFFFF800  }
.LBB3_15:
0x29d: {  	s18 =	sshra.s32 s14, $0x2  }
0x29e: {  	v0 =	vld [tilespmem:s18+$0x0];
	_ =	sdelay $0x4  }
0x29f: {  	v1 =	vshrl.u32 v0, $0x8  }
0x2a0: {  	v1 =	vand.u32 $0xFF, v1  }
0x2a1: {  	(xrf1) =	vunique.msk.u32 $0xffff, v1;
	_ =	sdelay $0xd  }
0x2a2: {  	_, v2, vm0 =	vpop (xrf1);
	_ =	sdelay $0x4  }
0x2a3: {  	v3 =	vld.idx.msk [tilespmem:v1+s15+$0x0], $0xffff  }
0x2a4: {  	[tilespmem:v1+s15+$0x0] =	vst.idx.add.s32.msk vm0, v2  }
0x2a5: {  	v1 =	vld [tilespmem:s18+$0x10];
	_ =	sdelay $0x4  }
0x2a6: {  	v4 =	vshrl.u32 v1, $0x8  }
0x2a7: {  	v4 =	vand.u32 $0xFF, v4  }
0x2a8: {  	(xrf1) =	vunique.msk.u32 $0xffff, v4;
	_ =	sdelay $0x8  }
0x2a9: {  	v5 =	vld [tilespmem:s18+$0x800];
	_ =	sdelay $0x3  }
0x2aa: {  	v0 =	vand.u32 $0xFFFF0000, v0;
	v2 =	vadd.s32 v2, v3  }
0x2ab: {  	v2 =	vadd.s32 $0xFFFFFFFF, v2;
	v0 =	vor.u32 v0, v5;
	_, v14, vm15 =	vpop (xrf1)  }
0x2ac: {  	v6 =	vshrl.u32 v2, $0x3;
	v5 =	vshrl.u32 v0, $0x10  }
0x2ad: {  	[tilespmem:s18+$0x2580] =	vst v2;
	v16 =	vand.u32 $0x1FFFFF00, v6;
	v15 =	vand.u32 $0xFF, v5  }
0x2ae: {  	[tilespmem:s18+$0x3D80] =	vst v0;
	v17 =	vor.u32 v15, v16  }
0x2af: {  	[tilespmem:s18+$0x4700] =	vst v17  }
0x2b0: {  	v0 =	vld.idx.msk [tilespmem:v4+s15+$0x0], $0xffff  }
0x2b1: {  	[tilespmem:v4+s15+$0x0] =	vst.idx.add.s32.msk vm15, v14  }
0x2b2: {  	v18 =	vld [tilespmem:s18+$0x20];
	_ =	sdelay $0x4  }
0x2b3: {  	v19 =	vshrl.u32 v18, $0x8  }
0x2b4: {  	v4 =	vand.u32 $0xFF, v19  }
0x2b5: {  	(xrf1) =	vunique.msk.u32 $0xffff, v4;
	_ =	sdelay $0x8  }
0x2b6: {  	v20 =	vld [tilespmem:s18+$0x810];
	_ =	sdelay $0x3  }
0x2b7: {  	v1 =	vand.u32 $0xFFFF0000, v1;
	v0 =	vadd.s32 v14, v0  }
0x2b8: {  	v0 =	vadd.s32 $0xFFFFFFFF, v0;
	v1 =	vor.u32 v1, v20;
	_, v21, vm0 =	vpop (xrf1)  }
0x2b9: {  	v22 =	vshrl.u32 v0, $0x3;
	v5 =	vshrl.u32 v1, $0x10  }
0x2ba: {  	v24 =	vand.u32 $0x1FFFFF00, v22;
	[tilespmem:s18+$0x2590] =	vst v0;
	v23 =	vand.u32 $0xFF, v5  }
0x2bb: {  	[tilespmem:s18+$0x3D90] =	vst v1;
	v0 =	vor.u32 v23, v24  }
0x2bc: {  	[tilespmem:s18+$0x4710] =	vst v0  }
0x2bd: {  	v0 =	vld.idx.msk [tilespmem:v4+s15+$0x0], $0xffff  }
0x2be: {  	[tilespmem:v4+s15+$0x0] =	vst.idx.add.s32.msk vm0, v21  }
0x2bf: {  	v25 =	vld [tilespmem:s18+$0x30];
	_ =	sdelay $0x4  }
0x2c0: {  	v26 =	vshrl.u32 v25, $0x8  }
0x2c1: {  	v4 =	vand.u32 $0xFF, v26  }
0x2c2: {  	(xrf1) =	vunique.msk.u32 $0xffff, v4;
	_ =	sdelay $0x8  }
0x2c3: {  	v27 =	vld [tilespmem:s18+$0x820];
	_ =	sdelay $0x3  }
0x2c4: {  	v2 =	vand.u32 $0xFFFF0000, v18;
	v0 =	vadd.s32 v21, v0  }
0x2c5: {  	v0 =	vadd.s32 $0xFFFFFFFF, v0;
	v2 =	vor.u32 v2, v27;
	_, v28, vm0 =	vpop (xrf1)  }
0x2c6: {  	v29 =	vshrl.u32 v0, $0x3;
	v5 =	vshrl.u32 v2, $0x10  }
0x2c7: {  	v31 =	vand.u32 $0x1FFFFF00, v29;
	[tilespmem:s18+$0x25A0] =	vst v0;
	v30 =	vand.u32 $0xFF, v5  }
0x2c8: {  	[tilespmem:s18+$0x3DA0] =	vst v2;
	v0 =	vor.u32 v30, v31  }
0x2c9: {  	[tilespmem:s18+$0x4720] =	vst v0  }
0x2ca: {  	v0 =	vld.idx.msk [tilespmem:v4+s15+$0x0], $0xffff  }
0x2cb: {  	[tilespmem:v4+s15+$0x0] =	vst.idx.add.s32.msk vm0, v28  }
0x2cc: {  	v32 =	vld [tilespmem:s18+$0x40];
	_ =	sdelay $0x4  }
0x2cd: {  	v33 =	vshrl.u32 v32, $0x8  }
0x2ce: {  	v4 =	vand.u32 $0xFF, v33  }
0x2cf: {  	(xrf1) =	vunique.msk.u32 $0xffff, v4;
	_ =	sdelay $0x8  }
0x2d0: {  	v34 =	vld [tilespmem:s18+$0x830];
	_ =	sdelay $0x3  }
0x2d1: {  	v1 =	vand.u32 $0xFFFF0000, v25;
	v0 =	vadd.s32 v28, v0  }
0x2d2: {  	v0 =	vadd.s32 $0xFFFFFFFF, v0;
	v1 =	vor.u32 v1, v34;
	_, v35, vm0 =	vpop (xrf1)  }
0x2d3: {  	v36 =	vshrl.u32 v0, $0x3;
	v5 =	vshrl.u32 v1, $0x10  }
0x2d4: {  	v38 =	vand.u32 $0x1FFFFF00, v36;
	[tilespmem:s18+$0x25B0] =	vst v0;
	v37 =	vand.u32 $0xFF, v5  }
0x2d5: {  	[tilespmem:s18+$0x3DB0] =	vst v1;
	v0 =	vor.u32 v37, v38  }
0x2d6: {  	[tilespmem:s18+$0x4730] =	vst v0  }
0x2d7: {  	v0 =	vld.idx.msk [tilespmem:v4+s15+$0x0], $0xffff  }
0x2d8: {  	[tilespmem:v4+s15+$0x0] =	vst.idx.add.s32.msk vm0, v35  }
0x2d9: {  	v39 =	vld [tilespmem:s18+$0x50];
	_ =	sdelay $0x4  }
0x2da: {  	v40 =	vshrl.u32 v39, $0x8  }
0x2db: {  	v4 =	vand.u32 $0xFF, v40  }
0x2dc: {  	(xrf1) =	vunique.msk.u32 $0xffff, v4;
	_ =	sdelay $0x8  }
0x2dd: {  	v41 =	vld [tilespmem:s18+$0x840];
	_ =	sdelay $0x3  }
0x2de: {  	v2 =	vand.u32 $0xFFFF0000, v32;
	v0 =	vadd.s32 v35, v0  }
0x2df: {  	v0 =	vadd.s32 $0xFFFFFFFF, v0;
	v2 =	vor.u32 v2, v41;
	_, v42, vm0 =	vpop (xrf1)  }
0x2e0: {  	v43 =	vshrl.u32 v0, $0x3;
	v5 =	vshrl.u32 v2, $0x10  }
0x2e1: {  	v45 =	vand.u32 $0x1FFFFF00, v43;
	[tilespmem:s18+$0x25C0] =	vst v0;
	v44 =	vand.u32 $0xFF, v5  }
0x2e2: {  	[tilespmem:s18+$0x3DC0] =	vst v2;
	v0 =	vor.u32 v44, v45  }
0x2e3: {  	[tilespmem:s18+$0x4740] =	vst v0  }
0x2e4: {  	v0 =	vld.idx.msk [tilespmem:v4+s15+$0x0], $0xffff  }
0x2e5: {  	[tilespmem:v4+s15+$0x0] =	vst.idx.add.s32.msk vm0, v42  }
0x2e6: {  	v46 =	vld [tilespmem:s18+$0x60];
	_ =	sdelay $0x4  }
0x2e7: {  	v47 =	vshrl.u32 v46, $0x8  }
0x2e8: {  	v4 =	vand.u32 $0xFF, v47  }
0x2e9: {  	(xrf1) =	vunique.msk.u32 $0xffff, v4;
	_ =	sdelay $0x8  }
0x2ea: {  	v48 =	vld [tilespmem:s18+$0x850];
	_ =	sdelay $0x3  }
0x2eb: {  	v1 =	vand.u32 $0xFFFF0000, v39;
	v0 =	vadd.s32 v42, v0  }
0x2ec: {  	v0 =	vadd.s32 $0xFFFFFFFF, v0;
	v1 =	vor.u32 v1, v48;
	_, v49, vm0 =	vpop (xrf1)  }
0x2ed: {  	v50 =	vshrl.u32 v0, $0x3;
	v5 =	vshrl.u32 v1, $0x10  }
0x2ee: {  	v52 =	vand.u32 $0x1FFFFF00, v50;
	[tilespmem:s18+$0x25D0] =	vst v0;
	v51 =	vand.u32 $0xFF, v5  }
0x2ef: {  	[tilespmem:s18+$0x3DD0] =	vst v1;
	v0 =	vor.u32 v51, v52  }
0x2f0: {  	[tilespmem:s18+$0x4750] =	vst v0  }
0x2f1: {  	v0 =	vld.idx.msk [tilespmem:v4+s15+$0x0], $0xffff  }
0x2f2: {  	[tilespmem:v4+s15+$0x0] =	vst.idx.add.s32.msk vm0, v49  }
0x2f3: {  	v53 =	vld [tilespmem:s18+$0x70];
	_ =	sdelay $0x4  }
0x2f4: {  	v54 =	vshrl.u32 v53, $0x8  }
0x2f5: {  	v4 =	vand.u32 $0xFF, v54  }
0x2f6: {  	(xrf1) =	vunique.msk.u32 $0xffff, v4;
	_ =	sdelay $0x8  }
0x2f7: {  	v55 =	vld [tilespmem:s18+$0x860];
	_ =	sdelay $0x3  }
0x2f8: {  	v2 =	vand.u32 $0xFFFF0000, v46;
	v0 =	vadd.s32 v49, v0  }
0x2f9: {  	v0 =	vadd.s32 $0xFFFFFFFF, v0;
	v2 =	vor.u32 v2, v55;
	_, v56, vm0 =	vpop (xrf1)  }
0x2fa: {  	v57 =	vshrl.u32 v0, $0x3;
	v5 =	vshrl.u32 v2, $0x10  }
0x2fb: {  	v59 =	vand.u32 $0x1FFFFF00, v57;
	[tilespmem:s18+$0x25E0] =	vst v0;
	v58 =	vand.u32 $0xFF, v5  }
0x2fc: {  	[tilespmem:s18+$0x3DE0] =	vst v2;
	v0 =	vor.u32 v58, v59  }
0x2fd: {  	[tilespmem:s18+$0x4760] =	vst v0  }
0x2fe: {  	v0 =	vld.idx.msk [tilespmem:v4+s15+$0x0], $0xffff  }
0x2ff: {  	[tilespmem:v4+s15+$0x0] =	vst.idx.add.s32.msk vm0, v56  }
0x300: {  	v60 =	vld [tilespmem:s18+$0x870];
	_ =	sdelay $0x3  }
0x301: {  	v1 =	vand.u32 $0xFFFF0000, v53;
	v0 =	vadd.s32 v56, v0  }
0x302: {  	v0 =	vadd.s32 $0xFFFFFFFF, v0;
	v1 =	vor.u32 v1, v60  }
0x303: {  	v61 =	vshrl.u32 v0, $0x3;
	v2 =	vshrl.u32 v1, $0x10  }
0x304: {  	p1 =	sne.s32 s14, $0x1E00;
	v63 =	vand.u32 $0x1FFFFF00, v61;
	[tilespmem:s18+$0x25F0] =	vst v0;
	v62 =	vand.u32 $0xFF, v2  }
.Ltmp7:
0x305: {  	[tilespmem:s18+$0x3DF0] =	vst v1;
	v0 =	vor.u32 v62, v63;
	(pc) =	sbr.rel @p1 .LBB3_15-.Ltmp7, $4  }
0x306: {  	s19 =	sadd.s32 $0x2580, s18;
	s20 =	sadd.s32 $0x3D80, s18;
	[tilespmem:s18+$0x4770] =	vst v0  }
0x307: {  	[spmem:s12] =	stream.indirect.scatter [tilespmem:s20], [sflag:$0x1], $0x1, s19, s16, $0xb8;
	[tilespmem:$0x8300] =	vst v63  }
0x308: {  	s14 =	sadd.s32 $0x200, s14;
	s18 =	sadd.s32 $0x4700, s18  }
0x309: {  	[spmem:s11] =	stream.indirect.scatter.add.s32 [tilespmem:s17], [sflag:$0x1], $0x1, s18, s16, $0xb8;
	[tilespmem:$0x8300] =	vst v63  }
0x30a: {  	s14 =	simm.s32 $0x1  }
0x30b: {  	_ =	swait.ge [sflag:s14], $0x80  }
0x30c: {  	[sflag:s14] =	ssyncset.done $0x0  }
0x30d: {  	[sflag:s14] =	ssyncadd.s32 $0xFFFFFF80  }
0x30e: {  	_ =	swait.ge [sflag:s14], $0x80  }
0x30f: {  	[sflag:s14] =	ssyncset.done $0x0  }
0x310: {  	[sflag:s14] =	ssyncadd.s32 $0xFFFFFF80  }
0x311: {  	_ =	swait.ge [sflag:s14], $0x80  }
0x312: {  	[sflag:s14] =	ssyncset.done $0x0  }
0x313: {  	[sflag:s14] =	ssyncadd.s32 $0xFFFFFF80  }
0x314: {  	_ =	swait.ge [sflag:s14], $0x80  }
0x315: {  	[sflag:s14] =	ssyncset.done $0x0  }
0x316: {  	[sflag:s14] =	ssyncadd.s32 $0xFFFFFF80  }
0x317: {  	_ =	swait.ge [sflag:s14], $0x80  }
0x318: {  	[sflag:s14] =	ssyncset.done $0x0  }
0x319: {  	[sflag:s14] =	ssyncadd.s32 $0xFFFFFF80  }
0x31a: {  	_ =	swait.ge [sflag:s14], $0x80  }
0x31b: {  	[sflag:s14] =	ssyncset.done $0x0  }
0x31c: {  	[sflag:s14] =	ssyncadd.s32 $0xFFFFFF80  }
0x31d: {  	_ =	swait.ge [sflag:s14], $0x80  }
0x31e: {  	[sflag:s14] =	ssyncset.done $0x0  }
0x31f: {  	[sflag:s14] =	ssyncadd.s32 $0xFFFFFF80  }
0x320: {  	_ =	swait.ge [sflag:s14], $0x80  }
0x321: {  	[sflag:s14] =	ssyncset.done $0x0  }
0x322: {  	[sflag:s14] =	ssyncadd.s32 $0xFFFFFF80  }
0x323: {  	_ =	swait.ge [sflag:s14], $0x80  }
0x324: {  	[sflag:s14] =	ssyncset.done $0x0  }
0x325: {  	[sflag:s14] =	ssyncadd.s32 $0xFFFFFF80  }
0x326: {  	_ =	swait.ge [sflag:s14], $0x80  }
0x327: {  	[sflag:s14] =	ssyncset.done $0x0  }
0x328: {  	[sflag:s14] =	ssyncadd.s32 $0xFFFFFF80  }
0x329: {  	_ =	swait.ge [sflag:s14], $0x80  }
0x32a: {  	[sflag:s14] =	ssyncset.done $0x0  }
0x32b: {  	[sflag:s14] =	ssyncadd.s32 $0xFFFFFF80  }
0x32c: {  	_ =	swait.ge [sflag:s14], $0x80  }
0x32d: {  	[sflag:s14] =	ssyncset.done $0x0  }
0x32e: {  	[sflag:s14] =	ssyncadd.s32 $0xFFFFFF80  }
0x32f: {  	_ =	swait.ge [sflag:s14], $0x80  }
0x330: {  	[sflag:s14] =	ssyncset.done $0x0  }
0x331: {  	[sflag:s14] =	ssyncadd.s32 $0xFFFFFF80  }
0x332: {  	_ =	swait.ge [sflag:s14], $0x80  }
0x333: {  	[sflag:s14] =	ssyncset.done $0x0  }
0x334: {  	[sflag:s14] =	ssyncadd.s32 $0xFFFFFF80  }
0x335: {  	_ =	swait.ge [sflag:s14], $0x80  }
0x336: {  	[sflag:s14] =	ssyncset.done $0x0  }
0x337: {  	[sflag:s14] =	ssyncadd.s32 $0xFFFFFF80  }
0x338: {  	_ =	swait.ge [sflag:s14], $0x80  }
0x339: {  	[sflag:s14] =	ssyncset.done $0x0  }
0x33a: {  	[sflag:s14] =	ssyncadd.s32 $0xFFFFFF80  }
0x33b: {  	_ =	swait.ge [sflag:s14], $0x80  }
0x33c: {  	[sflag:s14] =	ssyncset.done $0x0  }
0x33d: {  	[sflag:s14] =	ssyncadd.s32 $0xFFFFFF80  }
0x33e: {  	_ =	swait.ge [sflag:s14], $0x80  }
0x33f: {  	[sflag:s14] =	ssyncset.done $0x0  }
0x340: {  	[sflag:s14] =	ssyncadd.s32 $0xFFFFFF80  }
0x341: {  	_ =	swait.ge [sflag:s14], $0x80  }
0x342: {  	[sflag:s14] =	ssyncset.done $0x0  }
0x343: {  	[sflag:s14] =	ssyncadd.s32 $0xFFFFFF80  }
0x344: {  	_ =	swait.ge [sflag:s14], $0x80  }
0x345: {  	[sflag:s14] =	ssyncset.done $0x0  }
0x346: {  	[sflag:s14] =	ssyncadd.s32 $0xFFFFFF80  }
0x347: {  	_ =	swait.ge [sflag:s14], $0x80  }
0x348: {  	[sflag:s14] =	ssyncset.done $0x0  }
0x349: {  	[sflag:s14] =	ssyncadd.s32 $0xFFFFFF80  }
0x34a: {  	_ =	swait.ge [sflag:s14], $0x80  }
0x34b: {  	[sflag:s14] =	ssyncset.done $0x0  }
0x34c: {  	[sflag:s14] =	ssyncadd.s32 $0xFFFFFF80  }
0x34d: {  	_ =	swait.ge [sflag:s14], $0x80  }
0x34e: {  	[sflag:s14] =	ssyncset.done $0x0  }
0x34f: {  	[sflag:s14] =	ssyncadd.s32 $0xFFFFFF80  }
0x350: {  	_ =	swait.ge [sflag:s14], $0x80  }
0x351: {  	[sflag:s14] =	ssyncset.done $0x0  }
0x352: {  	[sflag:s14] =	ssyncadd.s32 $0xFFFFFF80  }
0x353: {  	_ =	swait.ge [sflag:s14], $0x80  }
0x354: {  	[sflag:s14] =	ssyncset.done $0x0  }
0x355: {  	[sflag:s14] =	ssyncadd.s32 $0xFFFFFF80  }
0x356: {  	_ =	swait.ge [sflag:s14], $0x80  }
0x357: {  	[sflag:s14] =	ssyncset.done $0x0  }
0x358: {  	[sflag:s14] =	ssyncadd.s32 $0xFFFFFF80  }
0x359: {  	_ =	swait.ge [sflag:s14], $0x80  }
0x35a: {  	[sflag:s14] =	ssyncset.done $0x0  }
0x35b: {  	[sflag:s14] =	ssyncadd.s32 $0xFFFFFF80  }
0x35c: {  	_ =	swait.ge [sflag:s14], $0x80  }
0x35d: {  	[sflag:s14] =	ssyncset.done $0x0  }
0x35e: {  	[sflag:s14] =	ssyncadd.s32 $0xFFFFFF80  }
0x35f: {  	_ =	swait.ge [sflag:s14], $0x80  }
0x360: {  	[sflag:s14] =	ssyncset.done $0x0  }
0x361: {  	[sflag:s14] =	ssyncadd.s32 $0xFFFFFF80  }
0x362: {  	_ =	swait.ge [sflag:s14], $0x80  }
0x363: {  	[sflag:s14] =	ssyncset.done $0x0  }
0x364: {  	[sflag:s14] =	ssyncadd.s32 $0xFFFFFF80  }
0x365: {  	_ =	swait.ge [sflag:s14], $0x80  }
0x366: {  	[sflag:s14] =	ssyncset.done $0x0  }
0x367: {  	[sflag:s14] =	ssyncadd.s32 $0xFFFFFF80  }
0x368: {  	_ =	swait.ge [sflag:s14], $0x80  }
0x369: {  	[sflag:s14] =	ssyncset.done $0x0  }
0x36a: {  	[sflag:s14] =	ssyncadd.s32 $0xFFFFFF80  }
0x36b: {  	s12 =	sadd.s32 s8, s12;
	s29 =	simm.s32 $0x0;
	[bflag:$0x0] =	sbarrier.arrive $0xFFFF  }
0x36c: {  	[tilespmem:s29], [sflag:$0x2] =	stream.linear.gather [spmem:s12], $0x800, $0x38;
	[tilespmem:$0x8300] =	vst v63  }
0x36d: {  	s30 =	simm.s32 $0x1200;
	s31 =	simm.s32 $0x3  }
0x36e: {  	[tilespmem:s30], [sflag:$0x3] =	stream.linear.gather [spmem:s11], $0x1000, $0x38;
	[tilespmem:$0x8300] =	vst v63  }
0x36f: {  	_ =	swait.ge [sflag:s31], $0x1000  }
0x370: {  	[sflag:s31] =	ssyncset.done $0x0  }
0x371: {  	s14 =	sand.u32 $0xF0, s29;
	[sflag:s31] =	ssyncadd.s32 $0xFFFFF000  }
0x372: {  	v0 =	vld [tilespmem:s14+$0x1300]  }
0x373: {  	s15 =	sld [smem:$0x7F4];
	v1 =	vld [tilespmem:s30+$0x0]  }
0x374: {  	s16 =	sld [smem:$0x7F5];
	v2 =	vld [tilespmem:s14+$0x1400]  }
0x375: {  	s17 =	sld [smem:$0x7F6];
	v3 =	vld [tilespmem:s14+$0x1500]  }
0x376: {  	s18 =	sld [smem:$0x7F7];
	v4 =	vld [tilespmem:s14+$0x1600]  }
0x377: {  	s19 =	sld [smem:$0x7F8];
	v5 =	vld [tilespmem:s14+$0x1700]  }
0x378: {  	s20 =	sld [smem:$0x7F9];
	v7 =	vld [tilespmem:s14+$0x1800];
	p0 =	seq.s32 s15, $0x1;
	p6 =	seq.s32 s16, $0x1;
	v6 =	vadd.s32 v1, v0  }
0x379: {  	s21 =	sld [smem:$0x7FA];
	v8 =	vld [tilespmem:s14+$0x1900];
	p1 =	seq.s32 s17, $0x1;
	v0 =	vpsel !p0, $0x0, v0;
	v1 =	vpsel p6, $0x0, v1;
	v6 =	vadd.s32 v2, v6  }
0x37a: {  	s22 =	sld [smem:$0x7FB];
	v58 =	vld [tilespmem:s14+$0x1A00];
	p2 =	seq.s32 s18, $0x1;
	v2 =	vpsel !p1, $0x0, v2;
	v0 =	vadd.s32 v1, v0;
	v1 =	vadd.s32 v3, v6  }
0x37b: {  	s23 =	sld [smem:$0x7FC];
	p3 =	por p1, p1;
	p1 =	seq.s32 s19, $0x1;
	v3 =	vpsel !p2, $0x0, v3;
	v0 =	vadd.s32 v2, v0;
	v2 =	vld [tilespmem:s14+$0x1B00];
	v1 =	vadd.s32 v4, v1  }
0x37c: {  	p5 =	por p6, p6;
	p6 =	por p2, p2;
	p2 =	seq.s32 s20, $0x1;
	v4 =	vpsel !p1, $0x0, v4;
	v0 =	vadd.s32 v3, v0;
	v3 =	vld [tilespmem:s14+$0x1C00];
	v1 =	vadd.s32 v5, v1  }
0x37d: {  	s24 =	sld [smem:$0x7FD];
	v59 =	vld [tilespmem:s14+$0x1D00];
	p1 =	seq.s32 s21, $0x1;
	v5 =	vpsel !p2, $0x0, v5;
	v0 =	vadd.s32 v4, v0;
	v1 =	vadd.s32 v7, v1  }
0x37e: {  	s25 =	sld [smem:$0x7EF];
	v60 =	vld [tilespmem:s14+$0x1E00];
	p2 =	seq.s32 s22, $0x1;
	v7 =	vpsel !p1, $0x0, v7;
	v0 =	vadd.s32 v5, v0;
	v1 =	vadd.s32 v8, v1  }
0x37f: {  	s26 =	sld [smem:$0x7F0];
	v61 =	vld [tilespmem:s14+$0x1F00];
	p1 =	seq.s32 s23, $0x1;
	v8 =	vpsel !p2, $0x0, v8;
	v0 =	vadd.s32 v7, v0;
	v1 =	vadd.s32 v58, v1  }
0x380: {  	s28 =	sld [smem:$0x7F1];
	v62 =	vld [tilespmem:s14+$0x2000];
	v6 =	vpsel !p1, $0x0, v58;
	p2 =	seq.s32 s24, $0x1;
	v0 =	vadd.s32 v8, v0;
	v1 =	vadd.s32 v2, v1  }
0x381: {  	s29 =	sld [smem:$0x7F2];
	v63 =	vld [tilespmem:s14+$0x2100];
	p1 =	seq.s32 s25, $0x1;
	v2 =	vpsel !p2, $0x0, v2;
	v0 =	vadd.s32 v6, v0;
	v1 =	vadd.s32 v3, v1  }
0x382: {  	s30 =	sld [smem:$0x7F3];
	p2 =	seq.s32 s26, $0x1;
	v3 =	vpsel !p1, $0x0, v3;
	v0 =	vadd.s32 v2, v0;
	v1 =	vadd.s32 v59, v1  }
0x383: {  	v2 =	vpsel !p2, $0x0, v59;
	p1 =	seq.s32 s28, $0x1;
	v0 =	vadd.s32 v3, v0;
	v1 =	vadd.s32 v60, v1  }
0x384: {  	p2 =	seq.s32 s29, $0x1;
	v3 =	vpsel !p1, $0x0, v60;
	v0 =	vadd.s32 v2, v0;
	v1 =	vadd.s32 v61, v1  }
0x385: {  	p4 =	por p0, p0;
	p0 =	seq.s32 s30, $0x1;
	v2 =	vpsel !p2, $0x0, v61;
	v0 =	vadd.s32 v3, v0;
	v1 =	vadd.s32 v62, v1  }
0x386: {  	s11 =	simm.s32 $0x2200;
	v3 =	vpsel !p0, $0x0, v62;
	v0 =	vadd.s32 v2, v0;
	v1 =	vadd.s32 v63, v1  }
0x387: {  	s12 =	simm.s32 $0x2300;
	s31 =	simm.s32 $0x10;
	v0 =	vadd.s32 v3, v0;
	[tilespmem:s11+$0x0] =	vst v1  }
0x388: {  	s14 =	sand.u32 $0xF0, s31;
	[tilespmem:s12+$0x0] =	vst v0  }
0x389: {  	s15 =	simm.s32 $0x1210;
	v0 =	vld [tilespmem:s14+$0x1300]  }
0x38a: {  	s16 =	simm.s32 $0x20;
	v1 =	vld [tilespmem:s15+$0x0]  }
.LBB3_17:
0x38b: {  	v2 =	vld [tilespmem:s14+$0x1400]  }
0x38c: {  	v3 =	vld [tilespmem:s14+$0x1500]  }
0x38d: {  	v4 =	vld [tilespmem:s14+$0x1600]  }
0x38e: {  	v6 =	vld [tilespmem:s14+$0x1700];
	s17 =	sld [smem:$0x7F8]  }
0x38f: {  	s22 =	sld [smem:$0x7F9];
	v5 =	vpsel !p4, $0x0, v0;
	v7 =	vpsel p5, $0x0, v1;
	v0 =	vadd.s32 v1, v0;
	v1 =	vld [tilespmem:s14+$0x1800]  }
0x390: {  	s23 =	sld [smem:$0x7FA];
	v8 =	vpsel !p3, $0x0, v2;
	v0 =	vadd.s32 v2, v0;
	v2 =	vld [tilespmem:s14+$0x1900]  }
0x391: {  	s24 =	sld [smem:$0x7FB];
	p2 =	seq.s32 s17, $0x1;
	v5 =	vadd.s32 v7, v5;
	v50 =	vpsel !p6, $0x0, v3;
	v0 =	vadd.s32 v3, v0;
	v3 =	vld [tilespmem:s14+$0x1A00]  }
0x392: {  	v52 =	vld [tilespmem:s14+$0x1B00];
	s25 =	sld [smem:$0x7FC];
	v51 =	vpsel !p2, $0x0, v4;
	p2 =	seq.s32 s22, $0x1;
	v5 =	vadd.s32 v8, v5;
	v0 =	vadd.s32 v4, v0  }
0x393: {  	v54 =	vld [tilespmem:s14+$0x1C00];
	v53 =	vpsel !p2, $0x0, v6;
	p2 =	seq.s32 s23, $0x1;
	v5 =	vadd.s32 v50, v5;
	v0 =	vadd.s32 v6, v0  }
0x394: {  	s26 =	sld [smem:$0x7FD];
	v5 =	vadd.s32 v51, v5;
	v55 =	vpsel !p2, $0x0, v1;
	v0 =	vadd.s32 v1, v0;
	v1 =	vld [tilespmem:s14+$0x1D00];
	p2 =	seq.s32 s24, $0x1  }
0x395: {  	s28 =	sld [smem:$0x7EF];
	v5 =	vadd.s32 v53, v5;
	v56 =	vpsel !p2, $0x0, v2;
	v0 =	vadd.s32 v2, v0;
	v2 =	vld [tilespmem:s14+$0x1E00];
	p2 =	seq.s32 s25, $0x1  }
0x396: {  	s29 =	sld [smem:$0x7F0];
	v5 =	vadd.s32 v55, v5;
	v57 =	vpsel !p2, $0x0, v3;
	v0 =	vadd.s32 v3, v0;
	v3 =	vld [tilespmem:s14+$0x1F00]  }
0x397: {  	v59 =	vld [tilespmem:s14+$0x2000];
	s30 =	sld [smem:$0x7F1];
	v5 =	vadd.s32 v56, v5;
	p2 =	seq.s32 s26, $0x1;
	v0 =	vadd.s32 v52, v0  }
0x398: {  	v61 =	vld [tilespmem:s14+$0x2100];
	s31 =	sld [smem:$0x7F2];
	v58 =	vpsel !p2, $0x0, v52;
	v5 =	vadd.s32 v57, v5;
	p2 =	seq.s32 s28, $0x1;
	v0 =	vadd.s32 v54, v0  }
0x399: {  	v60 =	vpsel !p2, $0x0, v54;
	v5 =	vadd.s32 v58, v5;
	p2 =	seq.s32 s29, $0x1;
	v0 =	vadd.s32 v1, v0  }
0x39a: {  	v62 =	vpsel !p2, $0x0, v1;
	v1 =	vadd.s32 v60, v5;
	p2 =	seq.s32 s30, $0x1;
	v0 =	vadd.s32 v2, v0  }
0x39b: {  	v63 =	vpsel !p2, $0x0, v2;
	v1 =	vadd.s32 v62, v1;
	p2 =	seq.s32 s31, $0x1;
	v0 =	vadd.s32 v3, v0  }
0x39c: {  	p1 =	sne.s32 s16, $0xF0;
	v2 =	vpsel !p2, $0x0, v3;
	v1 =	vadd.s32 v63, v1;
	v0 =	vadd.s32 v59, v0  }
.Ltmp8:
0x39d: {  	s11 =	sadd.s32 $0x10, s11;
	v3 =	vpsel !p0, $0x0, v59;
	v1 =	vadd.s32 v2, v1;
	v0 =	vadd.s32 v61, v0;
	(pc) =	sbr.rel @p1 .LBB3_17-.Ltmp8, $4  }
0x39e: {  	s12 =	sadd.s32 $0x10, s12;
	v1 =	vadd.s32 v3, v1;
	[tilespmem:s11+$0x0] =	vst v0  }
0x39f: {  	s14 =	sand.u32 $0xF0, s16;
	[tilespmem:s12+$0x0] =	vst v1  }
0x3a0: {  	s15 =	sadd.s32 $0x10, s15;
	v0 =	vld [tilespmem:s14+$0x1300]  }
0x3a1: {  	s16 =	sadd.s32 $0x10, s16;
	v1 =	vld [tilespmem:s15+$0x0]  }
0x3a2: {  	v2 =	vld [tilespmem:s14+$0x1400]  }
0x3a3: {  	v3 =	vld [tilespmem:s14+$0x1500]  }
0x3a4: {  	v4 =	vld [tilespmem:s14+$0x1600]  }
0x3a5: {  	v5 =	vld [tilespmem:s14+$0x1700]  }
0x3a6: {  	v7 =	vld [tilespmem:s14+$0x1800];
	s15 =	sld [smem:$0x7F8];
	v6 =	vadd.s32 v1, v0  }
0x3a7: {  	v8 =	vld [tilespmem:s14+$0x1900];
	s20 =	sld [smem:$0x7F9];
	v0 =	vpsel !p4, $0x0, v0;
	v1 =	vpsel p5, $0x0, v1;
	v6 =	vadd.s32 v2, v6  }
0x3a8: {  	v49 =	vld [tilespmem:s14+$0x1A00];
	s21 =	sld [smem:$0x7FA];
	v2 =	vpsel !p3, $0x0, v2;
	v0 =	vadd.s32 v1, v0;
	v1 =	vadd.s32 v3, v6  }
0x3a9: {  	s22 =	sld [smem:$0x7FB];
	p1 =	seq.s32 s15, $0x1;
	v3 =	vpsel !p6, $0x0, v3;
	v0 =	vadd.s32 v2, v0;
	v2 =	vld [tilespmem:s14+$0x1B00];
	v1 =	vadd.s32 v4, v1  }
0x3aa: {  	s23 =	sld [smem:$0x7FC];
	p3 =	seq.s32 s20, $0x1;
	v4 =	vpsel !p1, $0x0, v4;
	v0 =	vadd.s32 v3, v0;
	v3 =	vld [tilespmem:s14+$0x1C00];
	v1 =	vadd.s32 v5, v1  }
0x3ab: {  	v50 =	vld [tilespmem:s14+$0x1D00];
	s24 =	sld [smem:$0x7FD];
	p4 =	seq.s32 s21, $0x1;
	v5 =	vpsel !p3, $0x0, v5;
	v0 =	vadd.s32 v4, v0;
	v1 =	vadd.s32 v7, v1  }
0x3ac: {  	v51 =	vld [tilespmem:s14+$0x1E00];
	s25 =	sld [smem:$0x7EF];
	p5 =	seq.s32 s22, $0x1;
	v7 =	vpsel !p4, $0x0, v7;
	v0 =	vadd.s32 v5, v0;
	v1 =	vadd.s32 v8, v1  }
0x3ad: {  	v52 =	vld [tilespmem:s14+$0x1F00];
	s26 =	sld [smem:$0x7F0];
	p6 =	seq.s32 s23, $0x1;
	v8 =	vpsel !p5, $0x0, v8;
	v0 =	vadd.s32 v7, v0;
	v1 =	vadd.s32 v49, v1  }
0x3ae: {  	v53 =	vld [tilespmem:s14+$0x2000];
	s28 =	sld [smem:$0x7F1];
	p2 =	seq.s32 s24, $0x1;
	v6 =	vpsel !p6, $0x0, v49;
	v0 =	vadd.s32 v8, v0;
	v1 =	vadd.s32 v2, v1  }
0x3af: {  	v54 =	vld [tilespmem:s14+$0x2100];
	s29 =	sld [smem:$0x7F2];
	p3 =	seq.s32 s25, $0x1;
	v2 =	vpsel !p2, $0x0, v2;
	v0 =	vadd.s32 v6, v0;
	v1 =	vadd.s32 v3, v1  }
0x3b0: {  	p4 =	seq.s32 s26, $0x1;
	v3 =	vpsel !p3, $0x0, v3;
	v0 =	vadd.s32 v2, v0;
	v1 =	vadd.s32 v50, v1  }
0x3b1: {  	p5 =	seq.s32 s28, $0x1;
	v2 =	vpsel !p4, $0x0, v50;
	v0 =	vadd.s32 v3, v0;
	v1 =	vadd.s32 v51, v1  }
0x3b2: {  	p6 =	seq.s32 s29, $0x1;
	v3 =	vpsel !p5, $0x0, v51;
	v0 =	vadd.s32 v2, v0;
	v1 =	vadd.s32 v52, v1  }
0x3b3: {  	v2 =	vpsel !p6, $0x0, v52;
	v0 =	vadd.s32 v3, v0;
	v1 =	vadd.s32 v53, v1  }
0x3b4: {  	s11 =	sadd.s32 $0x10, s11;
	v3 =	vpsel !p0, $0x0, v53;
	v0 =	vadd.s32 v2, v0;
	v1 =	vadd.s32 v54, v1  }
0x3b5: {  	s30 =	sadd.s32 $0x10, s12;
	v0 =	vadd.s32 v3, v0;
	[tilespmem:s11+$0x0] =	vst v1  }
0x3b6: {  	[tilespmem:s30+$0x0] =	vst v0  }
0x3b7: {  	v0 =	vld [tilespmem:$0x2200]  }
0x3b8: {  	v1 =	vld [tilespmem:$0x2210]  }
0x3b9: {  	v2 =	vld [tilespmem:$0x2220]  }
0x3ba: {  	v3 =	vld [tilespmem:$0x2230]  }
0x3bb: {  	v55 =	vld [tilespmem:$0x2240]  }
0x3bc: {  	(xrf0) =	vadd.scan.msk.s32 $0xffff, v0;
	v0 =	vld [tilespmem:$0x2250]  }
0x3bd: {  	(xrf0) =	vadd.scan.msk.s32 $0xffff, v1;
	v1 =	vld [tilespmem:$0x2260]  }
0x3be: {  	(xrf0) =	vadd.scan.msk.s32 $0xffff, v2;
	v2 =	vld [tilespmem:$0x2270]  }
0x3bf: {  	(xrf0) =	vadd.scan.msk.s32 $0xffff, v3;
	v3 =	vld [tilespmem:$0x2280]  }
0x3c0: {  	v56 =	vld [tilespmem:$0x2290];
	(xrf0) =	vadd.scan.msk.s32 $0xffff, v55  }
0x3c1: {  	(xrf0) =	vadd.scan.msk.s32 $0xffff, v0;
	v0 =	vld [tilespmem:$0x22A0]  }
0x3c2: {  	v57, _, _ =	vpop (xrf0);
	(xrf0) =	vadd.scan.msk.s32 $0xffff, v1;
	v1 =	vld [tilespmem:$0x22B0]  }
0x3c3: {  	[tilespmem:$0x2400] =	vst v57;
	v58, _, _ =	vpop (xrf0);
	(xrf0) =	vadd.scan.msk.s32 $0xffff, v2;
	v2 =	vld [tilespmem:$0x22C0]  }
0x3c4: {  	[tilespmem:$0x2410] =	vst v58;
	v59, _, _ =	vpop (xrf0);
	(xrf0) =	vadd.scan.msk.s32 $0xffff, v3;
	v3 =	vld [tilespmem:$0x22D0]  }
0x3c5: {  	v61 =	vld [tilespmem:$0x22E0];
	[tilespmem:$0x2420] =	vst v59;
	v60, _, _ =	vpop (xrf0);
	(xrf0) =	vadd.scan.msk.s32 $0xffff, v56  }
0x3c6: {  	[tilespmem:$0x2430] =	vst v60;
	v62, _, _ =	vpop (xrf0);
	(xrf0) =	vadd.scan.msk.s32 $0xffff, v0;
	v0 =	vld [tilespmem:$0x22F0]  }
0x3c7: {  	[tilespmem:$0x2440] =	vst v62;
	v63, _, _ =	vpop (xrf0);
	(xrf0) =	vadd.scan.msk.s32 $0xffff, v1  }
0x3c8: {  	[tilespmem:$0x2450] =	vst v63;
	v1, _, _ =	vpop (xrf0);
	(xrf0) =	vadd.scan.msk.s32 $0xffff, v2  }
0x3c9: {  	[tilespmem:$0x2460] =	vst v1;
	v1, _, _ =	vpop (xrf0);
	(xrf0) =	vadd.scan.msk.s32 $0xffff, v3  }
0x3ca: {  	[tilespmem:$0x2470] =	vst v1;
	v1, _, _ =	vpop (xrf0);
	(xrf0) =	vadd.scan.msk.s32 $0xffff, v61  }
0x3cb: {  	[tilespmem:$0x2480] =	vst v1;
	v1, _, _ =	vpop (xrf0);
	(xrf0) =	vadd.scan.msk.s32 $0xffff, v0;
	v0 =	vlaneseq.u32  }
0x3cc: {  	v2, _, _ =	vpop (xrf0);
	[tilespmem:$0x2490] =	vst v1;
	v0 =	vmul.u32 $0x10, v0  }
0x3cd: {  	v1, _, _ =	vpop (xrf0);
	[tilespmem:$0x24A0] =	vst v2  }
0x3ce: {  	v2, _, _ =	vpop (xrf0);
	[tilespmem:$0x24B0] =	vst v1;
	v0 =	vor.u32 $0xF, v0  }
0x3cf: {  	v1, _, _ =	vpop (xrf0);
	[tilespmem:$0x24C0] =	vst v2  }
0x3d0: {  	v2, _, _ =	vpop (xrf0);
	[tilespmem:$0x24D0] =	vst v1  }
0x3d1: {  	[tilespmem:$0x24E0] =	vst v2;
	v1, _, _ =	vpop (xrf0)  }
0x3d2: {  	s11 =	simm.s32 $0x2400;
	[tilespmem:$0x24F0] =	vst v1  }
0x3d3: {  	v0 =	vld.idx.msk [tilespmem:v0+s11+$0x0], $0xffff;
	_ =	sdelay $0x4  }
0x3d4: {  	(xrf0) =	vadd.scan.msk.s32 $0xffff, v0;
	_ =	sdelay $0x5  }
0x3d5: {  	v1, _, _ =	vpop (xrf0)  }
0x3d6: {  	v0 =	vsub.s32 v1, v0  }
0x3d7: {  	s31 =	simm.s32 $0x0;
	s16 =	simm.s32 $0x2200;
	[tilespmem:$0x2500] =	vst v0  }
0x3d8: {  	v1 =	vmov s31;
	v0 =	vld [tilespmem:s16+$0x0]  }
0x3d9: {  	s14 =	simm.s32 $0x2300;
	v2 =	vld [tilespmem:s11+$0x0]  }
0x3da: {  	v3 =	vld [tilespmem:s14+$0x0];
	_ =	sdelay $0x1  }
0x3db: {  	s12 =	simm.s32 $0x2500  }
0x3dc: {  	v1 =	vld.idx.msk [tilespmem:v1+s12+$0x0], $0xffff  }
0x3dd: {  	s17 =	simm.s32 $0x1;
	v0 =	vsub.s32 v2, v0  }
0x3de: {  	v2 =	vadd.s32 v3, v0;
	v0 =	vmov s17;
	_ =	sdelay $0x2  }
0x3df: {  	s15 =	simm.s32 $0x1100;
	s17 =	simm.s32 $0x2;
	v1 =	vadd.s32 v1, v2  }
.LBB3_19:
0x3e0: {  	p1 =	sne.s32 s17, $0xF;
	[tilespmem:s15+$0x0] =	vst v1  }
0x3e1: {  	s16 =	sadd.s32 $0x10, s16;
	v1 =	vld.idx.msk [tilespmem:v0+s12+$0x0], $0xffff  }
0x3e2: {  	s11 =	sadd.s32 $0x10, s11;
	v2 =	vld [tilespmem:s16+$0x0]  }
0x3e3: {  	s14 =	sadd.s32 $0x10, s14;
	v3 =	vld [tilespmem:s11+$0x0]  }
0x3e4: {  	v4 =	vld [tilespmem:s14+$0x0];
	_ =	sdelay $0x1  }
.Ltmp9:
0x3e5: {  	(pc) =	sbr.rel @p1 .LBB3_19-.Ltmp9, $4  }
0x3e6: {  	v0 =	vmov s17  }
0x3e7: {  	v2 =	vsub.s32 v3, v2  }
0x3e8: {  	v2 =	vadd.s32 v4, v2  }
0x3e9: {  	s15 =	sadd.s32 $0x10, s15;
	s17 =	sadd.s32 $0x1, s17;
	v1 =	vadd.s32 v1, v2  }
0x3ea: {  	[tilespmem:s15+$0x0] =	vst v1;
	s16 =	sadd.s32 $0x10, s16  }
0x3eb: {  	s11 =	sadd.s32 $0x10, s11;
	v1 =	vld [tilespmem:s16+$0x0]  }
0x3ec: {  	s29 =	sadd.s32 $0x10, s14;
	v2 =	vld [tilespmem:s11+$0x0]  }
0x3ed: {  	v3 =	vld [tilespmem:s29+$0x0]  }
0x3ee: {  	v0 =	vld.idx.msk [tilespmem:v0+s12+$0x0], $0xffff;
	_ =	sdelay $0x2  }
0x3ef: {  	v1 =	vsub.s32 v2, v1  }
0x3f0: {  	v1 =	vadd.s32 v3, v1  }
0x3f1: {  	s30 =	sadd.s32 $0x10, s15;
	v0 =	vadd.s32 v0, v1  }
0x3f2: {  	s31 =	simm.s32 $0x2;
	[tilespmem:s30+$0x0] =	vst v0  }
0x3f3: {  	_ =	swait.ge [sflag:s31], $0x800  }
0x3f4: {  	s14 =	simm.s32 $0x80;
	s15 =	simm.s32 $0x4580;
	[sflag:s31] =	ssyncset.done $0x0  }
0x3f5: {  	s11 =	simm.s32 $0x0;
	s12 =	simm.s32 $0x1100;
	[sflag:s31] =	ssyncadd.s32 $0xFFFFF800  }
.LBB3_21:
0x3f6: {  	s16 =	sshra.s32 s11, $0x2  }
0x3f7: {  	v0 =	vld [tilespmem:s16+$0x0];
	_ =	sdelay $0x4  }
0x3f8: {  	v1 =	vshrl.u32 v0, $0x10  }
0x3f9: {  	v1 =	vand.u32 $0xFF, v1  }
0x3fa: {  	(xrf1) =	vunique.msk.u32 $0xffff, v1;
	_ =	sdelay $0xd  }
0x3fb: {  	_, v2, vm0 =	vpop (xrf1);
	_ =	sdelay $0x4  }
0x3fc: {  	v3 =	vld.idx.msk [tilespmem:v1+s12+$0x0], $0xffff  }
0x3fd: {  	[tilespmem:v1+s12+$0x0] =	vst.idx.add.s32.msk vm0, v2  }
0x3fe: {  	v1 =	vld [tilespmem:s16+$0x10];
	_ =	sdelay $0x4  }
0x3ff: {  	v4 =	vshrl.u32 v1, $0x10  }
0x400: {  	v4 =	vand.u32 $0xFF, v4  }
0x401: {  	(xrf1) =	vunique.msk.u32 $0xffff, v4;
	_ =	sdelay $0xc  }
0x402: {  	v2 =	vadd.s32 v2, v3  }
0x403: {  	v2 =	vadd.s32 $0xFFFFFFFF, v2;
	_, v30, vm14 =	vpop (xrf1)  }
0x404: {  	v5 =	vshrl.u32 v2, $0x3  }
0x405: {  	v0 =	vshrl.u32 v0, $0x18;
	v5 =	vand.u32 $0x1FFFFF00, v5  }
0x406: {  	[tilespmem:s16+$0x2580] =	vst v2;
	v0 =	vor.u32 v0, v5  }
0x407: {  	[tilespmem:s16+$0x4700] =	vst v0  }
0x408: {  	v0 =	vld.idx.msk [tilespmem:v4+s12+$0x0], $0xffff  }
0x409: {  	[tilespmem:v4+s12+$0x0] =	vst.idx.add.s32.msk vm14, v30  }
0x40a: {  	v31 =	vld [tilespmem:s16+$0x20];
	_ =	sdelay $0x4  }
0x40b: {  	v32 =	vshrl.u32 v31, $0x10  }
0x40c: {  	v4 =	vand.u32 $0xFF, v32  }
0x40d: {  	(xrf1) =	vunique.msk.u32 $0xffff, v4;
	_ =	sdelay $0xc  }
0x40e: {  	v0 =	vadd.s32 v30, v0  }
0x40f: {  	v0 =	vadd.s32 $0xFFFFFFFF, v0;
	_, v33, vm0 =	vpop (xrf1)  }
0x410: {  	v34 =	vshrl.u32 v0, $0x3  }
0x411: {  	v1 =	vshrl.u32 v1, $0x18;
	v5 =	vand.u32 $0x1FFFFF00, v34  }
0x412: {  	v35 =	vor.u32 v1, v5;
	[tilespmem:s16+$0x2590] =	vst v0  }
0x413: {  	[tilespmem:s16+$0x4710] =	vst v35  }
0x414: {  	v0 =	vld.idx.msk [tilespmem:v4+s12+$0x0], $0xffff  }
0x415: {  	[tilespmem:v4+s12+$0x0] =	vst.idx.add.s32.msk vm0, v33  }
0x416: {  	v36 =	vld [tilespmem:s16+$0x30];
	_ =	sdelay $0x4  }
0x417: {  	v37 =	vshrl.u32 v36, $0x10  }
0x418: {  	v4 =	vand.u32 $0xFF, v37  }
0x419: {  	(xrf1) =	vunique.msk.u32 $0xffff, v4;
	_ =	sdelay $0xc  }
0x41a: {  	v0 =	vadd.s32 v33, v0  }
0x41b: {  	v0 =	vadd.s32 $0xFFFFFFFF, v0;
	_, v38, vm0 =	vpop (xrf1)  }
0x41c: {  	v39 =	vshrl.u32 v0, $0x3  }
0x41d: {  	v2 =	vshrl.u32 v31, $0x18;
	v5 =	vand.u32 $0x1FFFFF00, v39  }
0x41e: {  	v40 =	vor.u32 v2, v5;
	[tilespmem:s16+$0x25A0] =	vst v0  }
0x41f: {  	[tilespmem:s16+$0x4720] =	vst v40  }
0x420: {  	v0 =	vld.idx.msk [tilespmem:v4+s12+$0x0], $0xffff  }
0x421: {  	[tilespmem:v4+s12+$0x0] =	vst.idx.add.s32.msk vm0, v38  }
0x422: {  	v41 =	vld [tilespmem:s16+$0x40];
	_ =	sdelay $0x4  }
0x423: {  	v42 =	vshrl.u32 v41, $0x10  }
0x424: {  	v4 =	vand.u32 $0xFF, v42  }
0x425: {  	(xrf1) =	vunique.msk.u32 $0xffff, v4;
	_ =	sdelay $0xc  }
0x426: {  	v0 =	vadd.s32 v38, v0  }
0x427: {  	v0 =	vadd.s32 $0xFFFFFFFF, v0;
	_, v43, vm0 =	vpop (xrf1)  }
0x428: {  	v44 =	vshrl.u32 v0, $0x3  }
0x429: {  	v1 =	vshrl.u32 v36, $0x18;
	v5 =	vand.u32 $0x1FFFFF00, v44  }
0x42a: {  	v45 =	vor.u32 v1, v5;
	[tilespmem:s16+$0x25B0] =	vst v0  }
0x42b: {  	[tilespmem:s16+$0x4730] =	vst v45  }
0x42c: {  	v0 =	vld.idx.msk [tilespmem:v4+s12+$0x0], $0xffff  }
0x42d: {  	[tilespmem:v4+s12+$0x0] =	vst.idx.add.s32.msk vm0, v43  }
0x42e: {  	v46 =	vld [tilespmem:s16+$0x50];
	_ =	sdelay $0x4  }
0x42f: {  	v47 =	vshrl.u32 v46, $0x10  }
0x430: {  	v4 =	vand.u32 $0xFF, v47  }
0x431: {  	(xrf1) =	vunique.msk.u32 $0xffff, v4;
	_ =	sdelay $0xc  }
0x432: {  	v0 =	vadd.s32 v43, v0  }
0x433: {  	v0 =	vadd.s32 $0xFFFFFFFF, v0;
	_, v48, vm0 =	vpop (xrf1)  }
0x434: {  	v49 =	vshrl.u32 v0, $0x3  }
0x435: {  	v2 =	vshrl.u32 v41, $0x18;
	v5 =	vand.u32 $0x1FFFFF00, v49  }
0x436: {  	v50 =	vor.u32 v2, v5;
	[tilespmem:s16+$0x25C0] =	vst v0  }
0x437: {  	[tilespmem:s16+$0x4740] =	vst v50  }
0x438: {  	v0 =	vld.idx.msk [tilespmem:v4+s12+$0x0], $0xffff  }
0x439: {  	[tilespmem:v4+s12+$0x0] =	vst.idx.add.s32.msk vm0, v48  }
0x43a: {  	v51 =	vld [tilespmem:s16+$0x60];
	_ =	sdelay $0x4  }
0x43b: {  	v52 =	vshrl.u32 v51, $0x10  }
0x43c: {  	v4 =	vand.u32 $0xFF, v52  }
0x43d: {  	(xrf1) =	vunique.msk.u32 $0xffff, v4;
	_ =	sdelay $0xc  }
0x43e: {  	v0 =	vadd.s32 v48, v0  }
0x43f: {  	v0 =	vadd.s32 $0xFFFFFFFF, v0;
	_, v53, vm0 =	vpop (xrf1)  }
0x440: {  	v54 =	vshrl.u32 v0, $0x3  }
0x441: {  	v1 =	vshrl.u32 v46, $0x18;
	v5 =	vand.u32 $0x1FFFFF00, v54  }
0x442: {  	v55 =	vor.u32 v1, v5;
	[tilespmem:s16+$0x25D0] =	vst v0  }
0x443: {  	[tilespmem:s16+$0x4750] =	vst v55  }
0x444: {  	v0 =	vld.idx.msk [tilespmem:v4+s12+$0x0], $0xffff  }
0x445: {  	[tilespmem:v4+s12+$0x0] =	vst.idx.add.s32.msk vm0, v53  }
0x446: {  	v56 =	vld [tilespmem:s16+$0x70];
	_ =	sdelay $0x4  }
0x447: {  	v57 =	vshrl.u32 v56, $0x10  }
0x448: {  	v4 =	vand.u32 $0xFF, v57  }
0x449: {  	(xrf1) =	vunique.msk.u32 $0xffff, v4;
	_ =	sdelay $0x5  }
0x44a: {  	v0 =	vadd.s32 v53, v0  }
0x44b: {  	v0 =	vadd.s32 $0xFFFFFFFF, v0  }
0x44c: {  	v58 =	vshrl.u32 v0, $0x3  }
0x44d: {  	v2 =	vshrl.u32 v51, $0x18;
	v3 =	vand.u32 $0x1FFFFF00, v58  }
0x44e: {  	v59 =	vor.u32 v2, v3;
	[tilespmem:s16+$0x25E0] =	vst v0  }
0x44f: {  	[tilespmem:s16+$0x4760] =	vst v59  }
0x450: {  	v0 =	vld.idx.msk [tilespmem:v4+s12+$0x0], $0xffff;
	_ =	sdelay $0x1  }
0x451: {  	_, v60, vm15 =	vpop (xrf1);
	_ =	sdelay $0x2  }
0x452: {  	v0 =	vadd.s32 v60, v0  }
0x453: {  	v0 =	vadd.s32 $0xFFFFFFFF, v0  }
0x454: {  	v61 =	vshrl.u32 v0, $0x3  }
0x455: {  	p1 =	sne.s32 s11, $0x1E00;
	v1 =	vshrl.u32 v56, $0x18;
	v62 =	vand.u32 $0x1FFFFF00, v61;
	[tilespmem:v4+s12+$0x0] =	vst.idx.add.s32.msk vm15, v60  }
.Ltmp10:
0x456: {  	v63 =	vor.u32 v1, v62;
	[tilespmem:s16+$0x25F0] =	vst v0;
	(pc) =	sbr.rel @p1 .LBB3_21-.Ltmp10, $4  }
0x457: {  	s17 =	sadd.s32 $0x2580, s16;
	[tilespmem:s16+$0x4770] =	vst v63  }
0x458: {  	[spmem:s10] =	stream.indirect.scatter [tilespmem:s16], [sflag:$0x1], $0x1, s17, s14, $0xb8;
	[tilespmem:$0x8300] =	vst v63  }
0x459: {  	s11 =	sadd.s32 $0x200, s11;
	s16 =	sadd.s32 $0x4700, s16  }
0x45a: {  	[spmem:s9] =	stream.indirect.scatter.add.s32 [tilespmem:s15], [sflag:$0x1], $0x1, s16, s14, $0xb8;
	[tilespmem:$0x8300] =	vst v63  }
0x45b: {  	s10 =	simm.s32 $0x1  }
0x45c: {  	_ =	swait.ge [sflag:s10], $0x80  }
0x45d: {  	[sflag:s10] =	ssyncset.done $0x0  }
0x45e: {  	[sflag:s10] =	ssyncadd.s32 $0xFFFFFF80  }
0x45f: {  	_ =	swait.ge [sflag:s10], $0x80  }
0x460: {  	[sflag:s10] =	ssyncset.done $0x0  }
0x461: {  	[sflag:s10] =	ssyncadd.s32 $0xFFFFFF80  }
0x462: {  	_ =	swait.ge [sflag:s10], $0x80  }
0x463: {  	[sflag:s10] =	ssyncset.done $0x0  }
0x464: {  	[sflag:s10] =	ssyncadd.s32 $0xFFFFFF80  }
0x465: {  	_ =	swait.ge [sflag:s10], $0x80  }
0x466: {  	[sflag:s10] =	ssyncset.done $0x0  }
0x467: {  	[sflag:s10] =	ssyncadd.s32 $0xFFFFFF80  }
0x468: {  	_ =	swait.ge [sflag:s10], $0x80  }
0x469: {  	[sflag:s10] =	ssyncset.done $0x0  }
0x46a: {  	[sflag:s10] =	ssyncadd.s32 $0xFFFFFF80  }
0x46b: {  	_ =	swait.ge [sflag:s10], $0x80  }
0x46c: {  	[sflag:s10] =	ssyncset.done $0x0  }
0x46d: {  	[sflag:s10] =	ssyncadd.s32 $0xFFFFFF80  }
0x46e: {  	_ =	swait.ge [sflag:s10], $0x80  }
0x46f: {  	[sflag:s10] =	ssyncset.done $0x0  }
0x470: {  	[sflag:s10] =	ssyncadd.s32 $0xFFFFFF80  }
0x471: {  	_ =	swait.ge [sflag:s10], $0x80  }
0x472: {  	[sflag:s10] =	ssyncset.done $0x0  }
0x473: {  	[sflag:s10] =	ssyncadd.s32 $0xFFFFFF80  }
0x474: {  	_ =	swait.ge [sflag:s10], $0x80  }
0x475: {  	[sflag:s10] =	ssyncset.done $0x0  }
0x476: {  	[sflag:s10] =	ssyncadd.s32 $0xFFFFFF80  }
0x477: {  	_ =	swait.ge [sflag:s10], $0x80  }
0x478: {  	[sflag:s10] =	ssyncset.done $0x0  }
0x479: {  	[sflag:s10] =	ssyncadd.s32 $0xFFFFFF80  }
0x47a: {  	_ =	swait.ge [sflag:s10], $0x80  }
0x47b: {  	[sflag:s10] =	ssyncset.done $0x0  }
0x47c: {  	[sflag:s10] =	ssyncadd.s32 $0xFFFFFF80  }
0x47d: {  	_ =	swait.ge [sflag:s10], $0x80  }
0x47e: {  	[sflag:s10] =	ssyncset.done $0x0  }
0x47f: {  	[sflag:s10] =	ssyncadd.s32 $0xFFFFFF80  }
0x480: {  	_ =	swait.ge [sflag:s10], $0x80  }
0x481: {  	[sflag:s10] =	ssyncset.done $0x0  }
0x482: {  	[sflag:s10] =	ssyncadd.s32 $0xFFFFFF80  }
0x483: {  	_ =	swait.ge [sflag:s10], $0x80  }
0x484: {  	[sflag:s10] =	ssyncset.done $0x0  }
0x485: {  	[sflag:s10] =	ssyncadd.s32 $0xFFFFFF80  }
0x486: {  	_ =	swait.ge [sflag:s10], $0x80  }
0x487: {  	[sflag:s10] =	ssyncset.done $0x0  }
0x488: {  	[sflag:s10] =	ssyncadd.s32 $0xFFFFFF80  }
0x489: {  	_ =	swait.ge [sflag:s10], $0x80  }
0x48a: {  	[sflag:s10] =	ssyncset.done $0x0  }
0x48b: {  	[sflag:s10] =	ssyncadd.s32 $0xFFFFFF80  }
0x48c: {  	_ =	swait.ge [sflag:s10], $0x80  }
0x48d: {  	[sflag:s10] =	ssyncset.done $0x0  }
0x48e: {  	[sflag:s10] =	ssyncadd.s32 $0xFFFFFF80  }
0x48f: {  	_ =	swait.ge [sflag:s10], $0x80  }
0x490: {  	[sflag:s10] =	ssyncset.done $0x0  }
0x491: {  	[sflag:s10] =	ssyncadd.s32 $0xFFFFFF80  }
0x492: {  	_ =	swait.ge [sflag:s10], $0x80  }
0x493: {  	[sflag:s10] =	ssyncset.done $0x0  }
0x494: {  	[sflag:s10] =	ssyncadd.s32 $0xFFFFFF80  }
0x495: {  	_ =	swait.ge [sflag:s10], $0x80  }
0x496: {  	[sflag:s10] =	ssyncset.done $0x0  }
0x497: {  	[sflag:s10] =	ssyncadd.s32 $0xFFFFFF80  }
0x498: {  	_ =	swait.ge [sflag:s10], $0x80  }
0x499: {  	[sflag:s10] =	ssyncset.done $0x0  }
0x49a: {  	[sflag:s10] =	ssyncadd.s32 $0xFFFFFF80  }
0x49b: {  	_ =	swait.ge [sflag:s10], $0x80  }
0x49c: {  	[sflag:s10] =	ssyncset.done $0x0  }
0x49d: {  	[sflag:s10] =	ssyncadd.s32 $0xFFFFFF80  }
0x49e: {  	_ =	swait.ge [sflag:s10], $0x80  }
0x49f: {  	[sflag:s10] =	ssyncset.done $0x0  }
0x4a0: {  	[sflag:s10] =	ssyncadd.s32 $0xFFFFFF80  }
0x4a1: {  	_ =	swait.ge [sflag:s10], $0x80  }
0x4a2: {  	[sflag:s10] =	ssyncset.done $0x0  }
0x4a3: {  	[sflag:s10] =	ssyncadd.s32 $0xFFFFFF80  }
0x4a4: {  	_ =	swait.ge [sflag:s10], $0x80  }
0x4a5: {  	[sflag:s10] =	ssyncset.done $0x0  }
0x4a6: {  	[sflag:s10] =	ssyncadd.s32 $0xFFFFFF80  }
0x4a7: {  	_ =	swait.ge [sflag:s10], $0x80  }
0x4a8: {  	[sflag:s10] =	ssyncset.done $0x0  }
0x4a9: {  	[sflag:s10] =	ssyncadd.s32 $0xFFFFFF80  }
0x4aa: {  	_ =	swait.ge [sflag:s10], $0x80  }
0x4ab: {  	[sflag:s10] =	ssyncset.done $0x0  }
0x4ac: {  	[sflag:s10] =	ssyncadd.s32 $0xFFFFFF80  }
0x4ad: {  	_ =	swait.ge [sflag:s10], $0x80  }
0x4ae: {  	[sflag:s10] =	ssyncset.done $0x0  }
0x4af: {  	[sflag:s10] =	ssyncadd.s32 $0xFFFFFF80  }
0x4b0: {  	_ =	swait.ge [sflag:s10], $0x80  }
0x4b1: {  	[sflag:s10] =	ssyncset.done $0x0  }
0x4b2: {  	[sflag:s10] =	ssyncadd.s32 $0xFFFFFF80  }
0x4b3: {  	_ =	swait.ge [sflag:s10], $0x80  }
0x4b4: {  	[sflag:s10] =	ssyncset.done $0x0  }
0x4b5: {  	[sflag:s10] =	ssyncadd.s32 $0xFFFFFF80  }
0x4b6: {  	_ =	swait.ge [sflag:s10], $0x80  }
0x4b7: {  	[sflag:s10] =	ssyncset.done $0x0  }
0x4b8: {  	[sflag:s10] =	ssyncadd.s32 $0xFFFFFF80  }
0x4b9: {  	_ =	swait.ge [sflag:s10], $0x80  }
0x4ba: {  	[sflag:s10] =	ssyncset.done $0x0  }
0x4bb: {  	[sflag:s10] =	ssyncadd.s32 $0xFFFFFF80  }
0x4bc: {  	s12 =	simm.s32 $0x0;
	[bflag:$0x0] =	sbarrier.arrive $0xFFFF  }
0x4bd: {  	[tilespmem:s12], [sflag:$0x2] =	stream.linear.gather [spmem:s13], $0x800, $0x38;
	[tilespmem:$0x8300] =	vst v63  }
0x4be: {  	s11 =	simm.s32 $0x1200;
	s13 =	simm.s32 $0x3  }
0x4bf: {  	[tilespmem:s11], [sflag:$0x3] =	stream.linear.gather [spmem:s9], $0x1000, $0x38;
	[tilespmem:$0x8300] =	vst v63  }
0x4c0: {  	_ =	swait.ge [sflag:s13], $0x1000  }
0x4c1: {  	[sflag:s13] =	ssyncset.done $0x0  }
0x4c2: {  	s14 =	sand.u32 $0xF0, s12;
	[sflag:s13] =	ssyncadd.s32 $0xFFFFF000  }
0x4c3: {  	v0 =	vld [tilespmem:s14+$0x1300]  }
0x4c4: {  	s15 =	sld [smem:$0x7F4];
	v1 =	vld [tilespmem:s11+$0x0]  }
0x4c5: {  	s16 =	sld [smem:$0x7F5];
	v2 =	vld [tilespmem:s14+$0x1400]  }
0x4c6: {  	s17 =	sld [smem:$0x7F6];
	v3 =	vld [tilespmem:s14+$0x1500]  }
0x4c7: {  	s18 =	sld [smem:$0x7F7];
	v4 =	vld [tilespmem:s14+$0x1600]  }
0x4c8: {  	s19 =	sld [smem:$0x7F8];
	v5 =	vld [tilespmem:s14+$0x1700]  }
0x4c9: {  	s20 =	sld [smem:$0x7F9];
	v7 =	vld [tilespmem:s14+$0x1800];
	p0 =	seq.s32 s15, $0x1;
	p6 =	seq.s32 s16, $0x1;
	v6 =	vadd.s32 v1, v0  }
0x4ca: {  	s21 =	sld [smem:$0x7FA];
	v8 =	vld [tilespmem:s14+$0x1900];
	p1 =	seq.s32 s17, $0x1;
	v0 =	vpsel !p0, $0x0, v0;
	v1 =	vpsel p6, $0x0, v1;
	v6 =	vadd.s32 v2, v6  }
0x4cb: {  	s22 =	sld [smem:$0x7FB];
	v58 =	vld [tilespmem:s14+$0x1A00];
	p2 =	seq.s32 s18, $0x1;
	v2 =	vpsel !p1, $0x0, v2;
	v0 =	vadd.s32 v1, v0;
	v1 =	vadd.s32 v3, v6  }
0x4cc: {  	s23 =	sld [smem:$0x7FC];
	p3 =	por p1, p1;
	p1 =	seq.s32 s19, $0x1;
	v3 =	vpsel !p2, $0x0, v3;
	v0 =	vadd.s32 v2, v0;
	v2 =	vld [tilespmem:s14+$0x1B00];
	v1 =	vadd.s32 v4, v1  }
0x4cd: {  	p5 =	por p6, p6;
	p6 =	por p2, p2;
	p2 =	seq.s32 s20, $0x1;
	v4 =	vpsel !p1, $0x0, v4;
	v0 =	vadd.s32 v3, v0;
	v3 =	vld [tilespmem:s14+$0x1C00];
	v1 =	vadd.s32 v5, v1  }
0x4ce: {  	s24 =	sld [smem:$0x7FD];
	v59 =	vld [tilespmem:s14+$0x1D00];
	p1 =	seq.s32 s21, $0x1;
	v5 =	vpsel !p2, $0x0, v5;
	v0 =	vadd.s32 v4, v0;
	v1 =	vadd.s32 v7, v1  }
0x4cf: {  	s25 =	sld [smem:$0x7EF];
	v60 =	vld [tilespmem:s14+$0x1E00];
	p2 =	seq.s32 s22, $0x1;
	v7 =	vpsel !p1, $0x0, v7;
	v0 =	vadd.s32 v5, v0;
	v1 =	vadd.s32 v8, v1  }
0x4d0: {  	s26 =	sld [smem:$0x7F0];
	v61 =	vld [tilespmem:s14+$0x1F00];
	p1 =	seq.s32 s23, $0x1;
	v8 =	vpsel !p2, $0x0, v8;
	v0 =	vadd.s32 v7, v0;
	v1 =	vadd.s32 v58, v1  }
0x4d1: {  	s28 =	sld [smem:$0x7F1];
	v62 =	vld [tilespmem:s14+$0x2000];
	v6 =	vpsel !p1, $0x0, v58;
	p2 =	seq.s32 s24, $0x1;
	v0 =	vadd.s32 v8, v0;
	v1 =	vadd.s32 v2, v1  }
0x4d2: {  	s29 =	sld [smem:$0x7F2];
	v63 =	vld [tilespmem:s14+$0x2100];
	p1 =	seq.s32 s25, $0x1;
	v2 =	vpsel !p2, $0x0, v2;
	v0 =	vadd.s32 v6, v0;
	v1 =	vadd.s32 v3, v1  }
0x4d3: {  	s30 =	sld [smem:$0x7F3];
	p2 =	seq.s32 s26, $0x1;
	v3 =	vpsel !p1, $0x0, v3;
	v0 =	vadd.s32 v2, v0;
	v1 =	vadd.s32 v59, v1  }
0x4d4: {  	v2 =	vpsel !p2, $0x0, v59;
	p1 =	seq.s32 s28, $0x1;
	v0 =	vadd.s32 v3, v0;
	v1 =	vadd.s32 v60, v1  }
0x4d5: {  	p2 =	seq.s32 s29, $0x1;
	v3 =	vpsel !p1, $0x0, v60;
	v0 =	vadd.s32 v2, v0;
	v1 =	vadd.s32 v61, v1  }
0x4d6: {  	p4 =	por p0, p0;
	p0 =	seq.s32 s30, $0x1;
	v2 =	vpsel !p2, $0x0, v61;
	v0 =	vadd.s32 v3, v0;
	v1 =	vadd.s32 v62, v1  }
0x4d7: {  	s9 =	simm.s32 $0x2200;
	v3 =	vpsel !p0, $0x0, v62;
	v0 =	vadd.s32 v2, v0;
	v1 =	vadd.s32 v63, v1  }
0x4d8: {  	s31 =	simm.s32 $0x10;
	s10 =	simm.s32 $0x2300;
	v0 =	vadd.s32 v3, v0;
	[tilespmem:s9+$0x0] =	vst v1  }
0x4d9: {  	s11 =	sand.u32 $0xF0, s31;
	[tilespmem:s10+$0x0] =	vst v0  }
0x4da: {  	s12 =	simm.s32 $0x1210;
	v0 =	vld [tilespmem:s11+$0x1300]  }
0x4db: {  	s13 =	simm.s32 $0x20;
	v1 =	vld [tilespmem:s12+$0x0]  }
.LBB3_23:
0x4dc: {  	v2 =	vld [tilespmem:s11+$0x1400]  }
0x4dd: {  	v3 =	vld [tilespmem:s11+$0x1500]  }
0x4de: {  	v4 =	vld [tilespmem:s11+$0x1600]  }
0x4df: {  	v6 =	vld [tilespmem:s11+$0x1700];
	s14 =	sld [smem:$0x7F8]  }
0x4e0: {  	s22 =	sld [smem:$0x7F9];
	v5 =	vpsel !p4, $0x0, v0;
	v7 =	vpsel p5, $0x0, v1;
	v0 =	vadd.s32 v1, v0;
	v1 =	vld [tilespmem:s11+$0x1800]  }
0x4e1: {  	s23 =	sld [smem:$0x7FA];
	v8 =	vpsel !p3, $0x0, v2;
	v0 =	vadd.s32 v2, v0;
	v2 =	vld [tilespmem:s11+$0x1900]  }
0x4e2: {  	s24 =	sld [smem:$0x7FB];
	p2 =	seq.s32 s14, $0x1;
	v5 =	vadd.s32 v7, v5;
	v50 =	vpsel !p6, $0x0, v3;
	v0 =	vadd.s32 v3, v0;
	v3 =	vld [tilespmem:s11+$0x1A00]  }
0x4e3: {  	v52 =	vld [tilespmem:s11+$0x1B00];
	s25 =	sld [smem:$0x7FC];
	v51 =	vpsel !p2, $0x0, v4;
	p2 =	seq.s32 s22, $0x1;
	v5 =	vadd.s32 v8, v5;
	v0 =	vadd.s32 v4, v0  }
0x4e4: {  	v54 =	vld [tilespmem:s11+$0x1C00];
	v53 =	vpsel !p2, $0x0, v6;
	p2 =	seq.s32 s23, $0x1;
	v5 =	vadd.s32 v50, v5;
	v0 =	vadd.s32 v6, v0  }
0x4e5: {  	s26 =	sld [smem:$0x7FD];
	v5 =	vadd.s32 v51, v5;
	v55 =	vpsel !p2, $0x0, v1;
	v0 =	vadd.s32 v1, v0;
	v1 =	vld [tilespmem:s11+$0x1D00];
	p2 =	seq.s32 s24, $0x1  }
0x4e6: {  	s28 =	sld [smem:$0x7EF];
	v5 =	vadd.s32 v53, v5;
	v56 =	vpsel !p2, $0x0, v2;
	v0 =	vadd.s32 v2, v0;
	v2 =	vld [tilespmem:s11+$0x1E00];
	p2 =	seq.s32 s25, $0x1  }
0x4e7: {  	s29 =	sld [smem:$0x7F0];
	v5 =	vadd.s32 v55, v5;
	v57 =	vpsel !p2, $0x0, v3;
	v0 =	vadd.s32 v3, v0;
	v3 =	vld [tilespmem:s11+$0x1F00]  }
0x4e8: {  	v59 =	vld [tilespmem:s11+$0x2000];
	s30 =	sld [smem:$0x7F1];
	v5 =	vadd.s32 v56, v5;
	p2 =	seq.s32 s26, $0x1;
	v0 =	vadd.s32 v52, v0  }
0x4e9: {  	v61 =	vld [tilespmem:s11+$0x2100];
	s31 =	sld [smem:$0x7F2];
	v58 =	vpsel !p2, $0x0, v52;
	v5 =	vadd.s32 v57, v5;
	p2 =	seq.s32 s28, $0x1;
	v0 =	vadd.s32 v54, v0  }
0x4ea: {  	v60 =	vpsel !p2, $0x0, v54;
	v5 =	vadd.s32 v58, v5;
	p2 =	seq.s32 s29, $0x1;
	v0 =	vadd.s32 v1, v0  }
0x4eb: {  	v62 =	vpsel !p2, $0x0, v1;
	v1 =	vadd.s32 v60, v5;
	p2 =	seq.s32 s30, $0x1;
	v0 =	vadd.s32 v2, v0  }
0x4ec: {  	v63 =	vpsel !p2, $0x0, v2;
	v1 =	vadd.s32 v62, v1;
	p2 =	seq.s32 s31, $0x1;
	v0 =	vadd.s32 v3, v0  }
0x4ed: {  	p1 =	sne.s32 s13, $0xF0;
	v2 =	vpsel !p2, $0x0, v3;
	v1 =	vadd.s32 v63, v1;
	v0 =	vadd.s32 v59, v0  }
.Ltmp11:
0x4ee: {  	s9 =	sadd.s32 $0x10, s9;
	v3 =	vpsel !p0, $0x0, v59;
	v1 =	vadd.s32 v2, v1;
	v0 =	vadd.s32 v61, v0;
	(pc) =	sbr.rel @p1 .LBB3_23-.Ltmp11, $4  }
0x4ef: {  	s10 =	sadd.s32 $0x10, s10;
	v1 =	vadd.s32 v3, v1;
	[tilespmem:s9+$0x0] =	vst v0  }
0x4f0: {  	s11 =	sand.u32 $0xF0, s13;
	[tilespmem:s10+$0x0] =	vst v1  }
0x4f1: {  	s12 =	sadd.s32 $0x10, s12;
	v0 =	vld [tilespmem:s11+$0x1300]  }
0x4f2: {  	s13 =	sadd.s32 $0x10, s13;
	v1 =	vld [tilespmem:s12+$0x0]  }
0x4f3: {  	v2 =	vld [tilespmem:s11+$0x1400]  }
0x4f4: {  	v3 =	vld [tilespmem:s11+$0x1500]  }
0x4f5: {  	v4 =	vld [tilespmem:s11+$0x1600]  }
0x4f6: {  	v5 =	vld [tilespmem:s11+$0x1700]  }
0x4f7: {  	v7 =	vld [tilespmem:s11+$0x1800];
	s12 =	sld [smem:$0x7F8];
	v6 =	vadd.s32 v1, v0  }
0x4f8: {  	v8 =	vld [tilespmem:s11+$0x1900];
	s20 =	sld [smem:$0x7F9];
	v0 =	vpsel !p4, $0x0, v0;
	v1 =	vpsel p5, $0x0, v1;
	v6 =	vadd.s32 v2, v6  }
0x4f9: {  	v49 =	vld [tilespmem:s11+$0x1A00];
	s21 =	sld [smem:$0x7FA];
	v2 =	vpsel !p3, $0x0, v2;
	v0 =	vadd.s32 v1, v0;
	v1 =	vadd.s32 v3, v6  }
0x4fa: {  	s22 =	sld [smem:$0x7FB];
	p1 =	seq.s32 s12, $0x1;
	v3 =	vpsel !p6, $0x0, v3;
	v0 =	vadd.s32 v2, v0;
	v2 =	vld [tilespmem:s11+$0x1B00];
	v1 =	vadd.s32 v4, v1  }
0x4fb: {  	s23 =	sld [smem:$0x7FC];
	p3 =	seq.s32 s20, $0x1;
	v4 =	vpsel !p1, $0x0, v4;
	v0 =	vadd.s32 v3, v0;
	v3 =	vld [tilespmem:s11+$0x1C00];
	v1 =	vadd.s32 v5, v1  }
0x4fc: {  	v50 =	vld [tilespmem:s11+$0x1D00];
	s24 =	sld [smem:$0x7FD];
	p4 =	seq.s32 s21, $0x1;
	v5 =	vpsel !p3, $0x0, v5;
	v0 =	vadd.s32 v4, v0;
	v1 =	vadd.s32 v7, v1  }
0x4fd: {  	v51 =	vld [tilespmem:s11+$0x1E00];
	s25 =	sld [smem:$0x7EF];
	p5 =	seq.s32 s22, $0x1;
	v7 =	vpsel !p4, $0x0, v7;
	v0 =	vadd.s32 v5, v0;
	v1 =	vadd.s32 v8, v1  }
0x4fe: {  	v52 =	vld [tilespmem:s11+$0x1F00];
	s26 =	sld [smem:$0x7F0];
	p6 =	seq.s32 s23, $0x1;
	v8 =	vpsel !p5, $0x0, v8;
	v0 =	vadd.s32 v7, v0;
	v1 =	vadd.s32 v49, v1  }
0x4ff: {  	v53 =	vld [tilespmem:s11+$0x2000];
	s28 =	sld [smem:$0x7F1];
	p2 =	seq.s32 s24, $0x1;
	v6 =	vpsel !p6, $0x0, v49;
	v0 =	vadd.s32 v8, v0;
	v1 =	vadd.s32 v2, v1  }
0x500: {  	v54 =	vld [tilespmem:s11+$0x2100];
	s29 =	sld [smem:$0x7F2];
	p3 =	seq.s32 s25, $0x1;
	v2 =	vpsel !p2, $0x0, v2;
	v0 =	vadd.s32 v6, v0;
	v1 =	vadd.s32 v3, v1  }
0x501: {  	p4 =	seq.s32 s26, $0x1;
	v3 =	vpsel !p3, $0x0, v3;
	v0 =	vadd.s32 v2, v0;
	v1 =	vadd.s32 v50, v1  }
0x502: {  	p5 =	seq.s32 s28, $0x1;
	v2 =	vpsel !p4, $0x0, v50;
	v0 =	vadd.s32 v3, v0;
	v1 =	vadd.s32 v51, v1  }
0x503: {  	p6 =	seq.s32 s29, $0x1;
	v3 =	vpsel !p5, $0x0, v51;
	v0 =	vadd.s32 v2, v0;
	v1 =	vadd.s32 v52, v1  }
0x504: {  	v2 =	vpsel !p6, $0x0, v52;
	v0 =	vadd.s32 v3, v0;
	v1 =	vadd.s32 v53, v1  }
0x505: {  	s9 =	sadd.s32 $0x10, s9;
	v3 =	vpsel !p0, $0x0, v53;
	v0 =	vadd.s32 v2, v0;
	v1 =	vadd.s32 v54, v1  }
0x506: {  	s30 =	sadd.s32 $0x10, s10;
	v0 =	vadd.s32 v3, v0;
	[tilespmem:s9+$0x0] =	vst v1  }
0x507: {  	[tilespmem:s30+$0x0] =	vst v0  }
0x508: {  	v0 =	vld [tilespmem:$0x2200]  }
0x509: {  	v1 =	vld [tilespmem:$0x2210]  }
0x50a: {  	v2 =	vld [tilespmem:$0x2220]  }
0x50b: {  	v3 =	vld [tilespmem:$0x2230]  }
0x50c: {  	v55 =	vld [tilespmem:$0x2240]  }
0x50d: {  	(xrf0) =	vadd.scan.msk.s32 $0xffff, v0;
	v0 =	vld [tilespmem:$0x2250]  }
0x50e: {  	(xrf0) =	vadd.scan.msk.s32 $0xffff, v1;
	v1 =	vld [tilespmem:$0x2260]  }
0x50f: {  	(xrf0) =	vadd.scan.msk.s32 $0xffff, v2;
	v2 =	vld [tilespmem:$0x2270]  }
0x510: {  	(xrf0) =	vadd.scan.msk.s32 $0xffff, v3;
	v3 =	vld [tilespmem:$0x2280]  }
0x511: {  	v56 =	vld [tilespmem:$0x2290];
	(xrf0) =	vadd.scan.msk.s32 $0xffff, v55  }
0x512: {  	(xrf0) =	vadd.scan.msk.s32 $0xffff, v0;
	v0 =	vld [tilespmem:$0x22A0]  }
0x513: {  	v57, _, _ =	vpop (xrf0);
	(xrf0) =	vadd.scan.msk.s32 $0xffff, v1;
	v1 =	vld [tilespmem:$0x22B0]  }
0x514: {  	[tilespmem:$0x2400] =	vst v57;
	v58, _, _ =	vpop (xrf0);
	(xrf0) =	vadd.scan.msk.s32 $0xffff, v2;
	v2 =	vld [tilespmem:$0x22C0]  }
0x515: {  	[tilespmem:$0x2410] =	vst v58;
	v59, _, _ =	vpop (xrf0);
	(xrf0) =	vadd.scan.msk.s32 $0xffff, v3;
	v3 =	vld [tilespmem:$0x22D0]  }
0x516: {  	v61 =	vld [tilespmem:$0x22E0];
	[tilespmem:$0x2420] =	vst v59;
	v60, _, _ =	vpop (xrf0);
	(xrf0) =	vadd.scan.msk.s32 $0xffff, v56  }
0x517: {  	[tilespmem:$0x2430] =	vst v60;
	v62, _, _ =	vpop (xrf0);
	(xrf0) =	vadd.scan.msk.s32 $0xffff, v0;
	v0 =	vld [tilespmem:$0x22F0]  }
0x518: {  	[tilespmem:$0x2440] =	vst v62;
	v63, _, _ =	vpop (xrf0);
	(xrf0) =	vadd.scan.msk.s32 $0xffff, v1  }
0x519: {  	[tilespmem:$0x2450] =	vst v63;
	v1, _, _ =	vpop (xrf0);
	(xrf0) =	vadd.scan.msk.s32 $0xffff, v2  }
0x51a: {  	[tilespmem:$0x2460] =	vst v1;
	v1, _, _ =	vpop (xrf0);
	(xrf0) =	vadd.scan.msk.s32 $0xffff, v3  }
0x51b: {  	[tilespmem:$0x2470] =	vst v1;
	v1, _, _ =	vpop (xrf0);
	(xrf0) =	vadd.scan.msk.s32 $0xffff, v61  }
0x51c: {  	[tilespmem:$0x2480] =	vst v1;
	v1, _, _ =	vpop (xrf0);
	(xrf0) =	vadd.scan.msk.s32 $0xffff, v0;
	v0 =	vlaneseq.u32  }
0x51d: {  	v2, _, _ =	vpop (xrf0);
	[tilespmem:$0x2490] =	vst v1;
	v0 =	vmul.u32 $0x10, v0  }
0x51e: {  	v1, _, _ =	vpop (xrf0);
	[tilespmem:$0x24A0] =	vst v2  }
0x51f: {  	v2, _, _ =	vpop (xrf0);
	[tilespmem:$0x24B0] =	vst v1;
	v0 =	vor.u32 $0xF, v0  }
0x520: {  	v1, _, _ =	vpop (xrf0);
	[tilespmem:$0x24C0] =	vst v2  }
0x521: {  	v2, _, _ =	vpop (xrf0);
	[tilespmem:$0x24D0] =	vst v1  }
0x522: {  	[tilespmem:$0x24E0] =	vst v2;
	v1, _, _ =	vpop (xrf0)  }
0x523: {  	s9 =	simm.s32 $0x2400;
	[tilespmem:$0x24F0] =	vst v1  }
0x524: {  	v0 =	vld.idx.msk [tilespmem:v0+s9+$0x0], $0xffff;
	_ =	sdelay $0x4  }
0x525: {  	(xrf0) =	vadd.scan.msk.s32 $0xffff, v0;
	_ =	sdelay $0x5  }
0x526: {  	v1, _, _ =	vpop (xrf0)  }
0x527: {  	v0 =	vsub.s32 v1, v0  }
0x528: {  	s31 =	simm.s32 $0x0;
	s13 =	simm.s32 $0x2200;
	[tilespmem:$0x2500] =	vst v0  }
0x529: {  	v1 =	vmov s31;
	v0 =	vld [tilespmem:s13+$0x0]  }
0x52a: {  	s11 =	simm.s32 $0x2300;
	v2 =	vld [tilespmem:s9+$0x0]  }
0x52b: {  	v3 =	vld [tilespmem:s11+$0x0];
	_ =	sdelay $0x1  }
0x52c: {  	s10 =	simm.s32 $0x2500  }
0x52d: {  	v1 =	vld.idx.msk [tilespmem:v1+s10+$0x0], $0xffff  }
0x52e: {  	s14 =	simm.s32 $0x1;
	v0 =	vsub.s32 v2, v0  }
0x52f: {  	v2 =	vadd.s32 v3, v0;
	v0 =	vmov s14;
	_ =	sdelay $0x2  }
0x530: {  	s12 =	simm.s32 $0x1100;
	s14 =	simm.s32 $0x2;
	v1 =	vadd.s32 v1, v2  }
.LBB3_25:
0x531: {  	p0 =	sne.s32 s14, $0xF;
	[tilespmem:s12+$0x0] =	vst v1  }
0x532: {  	s13 =	sadd.s32 $0x10, s13;
	v1 =	vld.idx.msk [tilespmem:v0+s10+$0x0], $0xffff  }
0x533: {  	s9 =	sadd.s32 $0x10, s9;
	v2 =	vld [tilespmem:s13+$0x0]  }
0x534: {  	s11 =	sadd.s32 $0x10, s11;
	v3 =	vld [tilespmem:s9+$0x0]  }
0x535: {  	v4 =	vld [tilespmem:s11+$0x0];
	_ =	sdelay $0x1  }
.Ltmp12:
0x536: {  	(pc) =	sbr.rel @p0 .LBB3_25-.Ltmp12, $4  }
0x537: {  	v0 =	vmov s14  }
0x538: {  	v2 =	vsub.s32 v3, v2  }
0x539: {  	v2 =	vadd.s32 v4, v2  }
0x53a: {  	s12 =	sadd.s32 $0x10, s12;
	s14 =	sadd.s32 $0x1, s14;
	v1 =	vadd.s32 v1, v2  }
0x53b: {  	[tilespmem:s12+$0x0] =	vst v1;
	s13 =	sadd.s32 $0x10, s13  }
0x53c: {  	s9 =	sadd.s32 $0x10, s9;
	v1 =	vld [tilespmem:s13+$0x0]  }
0x53d: {  	s29 =	sadd.s32 $0x10, s11;
	v2 =	vld [tilespmem:s9+$0x0]  }
0x53e: {  	v3 =	vld [tilespmem:s29+$0x0]  }
0x53f: {  	v0 =	vld.idx.msk [tilespmem:v0+s10+$0x0], $0xffff;
	_ =	sdelay $0x2  }
0x540: {  	v1 =	vsub.s32 v2, v1  }
0x541: {  	v1 =	vadd.s32 v3, v1  }
0x542: {  	s30 =	sadd.s32 $0x10, s12;
	v0 =	vadd.s32 v0, v1  }
0x543: {  	s31 =	simm.s32 $0x2;
	[tilespmem:s30+$0x0] =	vst v0  }
0x544: {  	_ =	swait.ge [sflag:s31], $0x800  }
0x545: {  	s11 =	simm.s32 $0x80;
	[sflag:s31] =	ssyncset.done $0x0  }
0x546: {  	s9 =	simm.s32 $0x0;
	s10 =	simm.s32 $0x1100;
	[sflag:s31] =	ssyncadd.s32 $0xFFFFF800  }
.LBB3_27:
0x547: {  	s12 =	sshra.s32 s9, $0x2  }
0x548: {  	v0 =	vld [tilespmem:s12+$0x0];
	_ =	sdelay $0x4  }
0x549: {  	v1 =	vshrl.u32 v0, $0x18  }
0x54a: {  	(xrf1) =	vunique.msk.u32 $0xffff, v1;
	_ =	sdelay $0xd  }
0x54b: {  	_, v2, vm0 =	vpop (xrf1);
	_ =	sdelay $0x4  }
0x54c: {  	v3 =	vld.idx.msk [tilespmem:v1+s10+$0x0], $0xffff  }
0x54d: {  	[tilespmem:v1+s10+$0x0] =	vst.idx.add.s32.msk vm0, v2  }
0x54e: {  	v1 =	vld [tilespmem:s12+$0x10];
	_ =	sdelay $0x4  }
0x54f: {  	v4 =	vshrl.u32 v1, $0x18  }
0x550: {  	(xrf1) =	vunique.msk.u32 $0xffff, v4;
	_ =	sdelay $0xd  }
0x551: {  	_, v5, vm10 =	vpop (xrf1);
	_ =	sdelay $0x1  }
0x552: {  	v0 =	vand.u32 $0x7FFF, v0;
	v2 =	vadd.s32 v2, v3  }
0x553: {  	v2 =	vadd.s32 $0xFFFFFFFF, v2;
	[tilespmem:s12+$0x3D80] =	vst v0  }
0x554: {  	[tilespmem:s12+$0x2580] =	vst v2  }
0x555: {  	v0 =	vld.idx.msk [tilespmem:v4+s10+$0x0], $0xffff  }
0x556: {  	[tilespmem:v4+s10+$0x0] =	vst.idx.add.s32.msk vm10, v5  }
0x557: {  	v39 =	vld [tilespmem:s12+$0x20];
	_ =	sdelay $0x4  }
0x558: {  	v40 =	vshrl.u32 v39, $0x18  }
0x559: {  	(xrf1) =	vunique.msk.u32 $0xffff, v40;
	_ =	sdelay $0xd  }
0x55a: {  	_, v4, vm0 =	vpop (xrf1)  }
0x55b: {  	v0 =	vadd.s32 v5, v0  }
0x55c: {  	v0 =	vadd.s32 $0xFFFFFFFF, v0  }
0x55d: {  	v41 =	vand.u32 $0x7FFF, v1;
	[tilespmem:s12+$0x2590] =	vst v0  }
0x55e: {  	[tilespmem:s12+$0x3D90] =	vst v41  }
0x55f: {  	v0 =	vld.idx.msk [tilespmem:v40+s10+$0x0], $0xffff  }
0x560: {  	[tilespmem:v40+s10+$0x0] =	vst.idx.add.s32.msk vm0, v4  }
0x561: {  	v42 =	vld [tilespmem:s12+$0x30];
	_ =	sdelay $0x4  }
0x562: {  	v43 =	vshrl.u32 v42, $0x18  }
0x563: {  	(xrf1) =	vunique.msk.u32 $0xffff, v43;
	_ =	sdelay $0xd  }
0x564: {  	_, v44, vm11 =	vpop (xrf1)  }
0x565: {  	v0 =	vadd.s32 v4, v0  }
0x566: {  	v0 =	vadd.s32 $0xFFFFFFFF, v0  }
0x567: {  	v45 =	vand.u32 $0x7FFF, v39;
	[tilespmem:s12+$0x25A0] =	vst v0  }
0x568: {  	[tilespmem:s12+$0x3DA0] =	vst v45  }
0x569: {  	v0 =	vld.idx.msk [tilespmem:v43+s10+$0x0], $0xffff  }
0x56a: {  	[tilespmem:v43+s10+$0x0] =	vst.idx.add.s32.msk vm11, v44  }
0x56b: {  	v46 =	vld [tilespmem:s12+$0x40];
	_ =	sdelay $0x4  }
0x56c: {  	v47 =	vshrl.u32 v46, $0x18  }
0x56d: {  	(xrf1) =	vunique.msk.u32 $0xffff, v47;
	_ =	sdelay $0xd  }
0x56e: {  	_, v48, vm12 =	vpop (xrf1)  }
0x56f: {  	v0 =	vadd.s32 v44, v0  }
0x570: {  	v0 =	vadd.s32 $0xFFFFFFFF, v0  }
0x571: {  	v49 =	vand.u32 $0x7FFF, v42;
	[tilespmem:s12+$0x25B0] =	vst v0  }
0x572: {  	[tilespmem:s12+$0x3DB0] =	vst v49  }
0x573: {  	v0 =	vld.idx.msk [tilespmem:v47+s10+$0x0], $0xffff  }
0x574: {  	[tilespmem:v47+s10+$0x0] =	vst.idx.add.s32.msk vm12, v48  }
0x575: {  	v50 =	vld [tilespmem:s12+$0x50];
	_ =	sdelay $0x4  }
0x576: {  	v51 =	vshrl.u32 v50, $0x18  }
0x577: {  	(xrf1) =	vunique.msk.u32 $0xffff, v51;
	_ =	sdelay $0xd  }
0x578: {  	_, v52, vm13 =	vpop (xrf1)  }
0x579: {  	v0 =	vadd.s32 v48, v0  }
0x57a: {  	v0 =	vadd.s32 $0xFFFFFFFF, v0  }
0x57b: {  	v53 =	vand.u32 $0x7FFF, v46;
	[tilespmem:s12+$0x25C0] =	vst v0  }
0x57c: {  	[tilespmem:s12+$0x3DC0] =	vst v53  }
0x57d: {  	v0 =	vld.idx.msk [tilespmem:v51+s10+$0x0], $0xffff  }
0x57e: {  	[tilespmem:v51+s10+$0x0] =	vst.idx.add.s32.msk vm13, v52  }
0x57f: {  	v54 =	vld [tilespmem:s12+$0x60];
	_ =	sdelay $0x4  }
0x580: {  	v55 =	vshrl.u32 v54, $0x18  }
0x581: {  	(xrf1) =	vunique.msk.u32 $0xffff, v55;
	_ =	sdelay $0xd  }
0x582: {  	_, v56, vm14 =	vpop (xrf1)  }
0x583: {  	v0 =	vadd.s32 v52, v0  }
0x584: {  	v0 =	vadd.s32 $0xFFFFFFFF, v0  }
0x585: {  	v57 =	vand.u32 $0x7FFF, v50;
	[tilespmem:s12+$0x25D0] =	vst v0  }
0x586: {  	[tilespmem:s12+$0x3DD0] =	vst v57  }
0x587: {  	v0 =	vld.idx.msk [tilespmem:v55+s10+$0x0], $0xffff  }
0x588: {  	[tilespmem:v55+s10+$0x0] =	vst.idx.add.s32.msk vm14, v56  }
0x589: {  	v58 =	vld [tilespmem:s12+$0x70];
	_ =	sdelay $0x4  }
0x58a: {  	v59 =	vshrl.u32 v58, $0x18  }
0x58b: {  	(xrf1) =	vunique.msk.u32 $0xffff, v59;
	_ =	sdelay $0x9  }
0x58c: {  	v0 =	vadd.s32 v56, v0  }
0x58d: {  	v0 =	vadd.s32 $0xFFFFFFFF, v0  }
0x58e: {  	v60 =	vand.u32 $0x7FFF, v54;
	[tilespmem:s12+$0x25E0] =	vst v0  }
0x58f: {  	[tilespmem:s12+$0x3DE0] =	vst v60  }
0x590: {  	v62 =	vld.idx.msk [tilespmem:v59+s10+$0x0], $0xffff;
	_, v61, vm15 =	vpop (xrf1);
	_ =	sdelay $0x3  }
0x591: {  	p0 =	sne.s32 s9, $0x1E00  }
.Ltmp13:
0x592: {  	v2 =	vadd.s32 v61, v62;
	(pc) =	sbr.rel @p0 .LBB3_27-.Ltmp13, $4  }
0x593: {  	v2 =	vadd.s32 $0xFFFFFFFF, v2;
	[tilespmem:v59+s10+$0x0] =	vst.idx.add.s32.msk vm15, v61  }
0x594: {  	v63 =	vand.u32 $0x7FFF, v58;
	[tilespmem:s12+$0x25F0] =	vst v2  }
0x595: {  	s9 =	sadd.s32 $0x200, s9;
	s13 =	sadd.s32 $0x2580, s12;
	s14 =	sadd.s32 $0x3D80, s12;
	[tilespmem:s12+$0x3DF0] =	vst v63  }
0x596: {  	[spmem:s7] =	stream.indirect.scatter [tilespmem:s14], [sflag:$0x1], $0x1, s13, s11, $0xb8;
	[tilespmem:$0x8300] =	vst v63  }
0x597: {  	s9 =	simm.s32 $0x1  }
0x598: {  	_ =	swait.ge [sflag:s9], $0x80  }
0x599: {  	[sflag:s9] =	ssyncset.done $0x0  }
0x59a: {  	[sflag:s9] =	ssyncadd.s32 $0xFFFFFF80  }
0x59b: {  	_ =	swait.ge [sflag:s9], $0x80  }
0x59c: {  	[sflag:s9] =	ssyncset.done $0x0  }
0x59d: {  	[sflag:s9] =	ssyncadd.s32 $0xFFFFFF80  }
0x59e: {  	_ =	swait.ge [sflag:s9], $0x80  }
0x59f: {  	[sflag:s9] =	ssyncset.done $0x0  }
0x5a0: {  	[sflag:s9] =	ssyncadd.s32 $0xFFFFFF80  }
0x5a1: {  	_ =	swait.ge [sflag:s9], $0x80  }
0x5a2: {  	[sflag:s9] =	ssyncset.done $0x0  }
0x5a3: {  	[sflag:s9] =	ssyncadd.s32 $0xFFFFFF80  }
0x5a4: {  	_ =	swait.ge [sflag:s9], $0x80  }
0x5a5: {  	[sflag:s9] =	ssyncset.done $0x0  }
0x5a6: {  	[sflag:s9] =	ssyncadd.s32 $0xFFFFFF80  }
0x5a7: {  	_ =	swait.ge [sflag:s9], $0x80  }
0x5a8: {  	[sflag:s9] =	ssyncset.done $0x0  }
0x5a9: {  	[sflag:s9] =	ssyncadd.s32 $0xFFFFFF80  }
0x5aa: {  	_ =	swait.ge [sflag:s9], $0x80  }
0x5ab: {  	[sflag:s9] =	ssyncset.done $0x0  }
0x5ac: {  	[sflag:s9] =	ssyncadd.s32 $0xFFFFFF80  }
0x5ad: {  	_ =	swait.ge [sflag:s9], $0x80  }
0x5ae: {  	[sflag:s9] =	ssyncset.done $0x0  }
0x5af: {  	[sflag:s9] =	ssyncadd.s32 $0xFFFFFF80  }
0x5b0: {  	_ =	swait.ge [sflag:s9], $0x80  }
0x5b1: {  	[sflag:s9] =	ssyncset.done $0x0  }
0x5b2: {  	[sflag:s9] =	ssyncadd.s32 $0xFFFFFF80  }
0x5b3: {  	_ =	swait.ge [sflag:s9], $0x80  }
0x5b4: {  	[sflag:s9] =	ssyncset.done $0x0  }
0x5b5: {  	[sflag:s9] =	ssyncadd.s32 $0xFFFFFF80  }
0x5b6: {  	_ =	swait.ge [sflag:s9], $0x80  }
0x5b7: {  	[sflag:s9] =	ssyncset.done $0x0  }
0x5b8: {  	[sflag:s9] =	ssyncadd.s32 $0xFFFFFF80  }
0x5b9: {  	_ =	swait.ge [sflag:s9], $0x80  }
0x5ba: {  	[sflag:s9] =	ssyncset.done $0x0  }
0x5bb: {  	[sflag:s9] =	ssyncadd.s32 $0xFFFFFF80  }
0x5bc: {  	_ =	swait.ge [sflag:s9], $0x80  }
0x5bd: {  	[sflag:s9] =	ssyncset.done $0x0  }
0x5be: {  	[sflag:s9] =	ssyncadd.s32 $0xFFFFFF80  }
0x5bf: {  	_ =	swait.ge [sflag:s9], $0x80  }
0x5c0: {  	[sflag:s9] =	ssyncset.done $0x0  }
0x5c1: {  	[sflag:s9] =	ssyncadd.s32 $0xFFFFFF80  }
0x5c2: {  	_ =	swait.ge [sflag:s9], $0x80  }
0x5c3: {  	[sflag:s9] =	ssyncset.done $0x0  }
0x5c4: {  	[sflag:s9] =	ssyncadd.s32 $0xFFFFFF80  }
0x5c5: {  	_ =	swait.ge [sflag:s9], $0x80  }
0x5c6: {  	[sflag:s9] =	ssyncset.done $0x0  }
0x5c7: {  	[sflag:s9] =	ssyncadd.s32 $0xFFFFFF80  }
0x5c8: {  	s7 =	sadd.s32 s8, s7;
	s12 =	simm.s32 $0x800;
	[bflag:$0x0] =	sbarrier.arrive $0xFFFF  }
0x5c9: {  	[tilespmem:s12], [sflag:$0x3] =	stream.linear.gather [spmem:s7], $0x800, $0x38;
	[tilespmem:$0x8300] =	vst v63  }
0x5ca: {  	s7 =	simm.s32 $0x3  }
0x5cb: {  	_ =	swait.ge [sflag:s7], $0x800  }
0x5cc: {  	[sflag:s7] =	ssyncset.done $0x0  }
0x5cd: {  	s11 =	simm.s32 $0x80;
	s10 =	simm.s32 $0x2D80;
	[sflag:s7] =	ssyncadd.s32 $0xFFFFF800  }
0x5ce: {  	[tilespmem:s10], [sflag:$0x1] =	stream.indirect.gather [spmem:s6], $0x1, s12, s11, $0xb8;
	[tilespmem:$0x8300] =	vst v63  }
0x5cf: {  	s8 =	simm.s32 $0x3580  }
0x5d0: {  	[tilespmem:s8], [sflag:$0x1] =	stream.indirect.gather [spmem:s5], $0x1, s12, s11, $0xb8;
	[tilespmem:$0x8300] =	vst v63  }
0x5d1: {  	s20 =	simm.s32 $0x880;
	s13 =	simm.s32 $0x2E00  }
0x5d2: {  	[tilespmem:s13], [sflag:$0x1] =	stream.indirect.gather [spmem:s6], $0x1, s20, s11, $0xb8;
	[tilespmem:$0x8300] =	vst v63  }
0x5d3: {  	s21 =	simm.s32 $0x3600  }
0x5d4: {  	[tilespmem:s21], [sflag:$0x1] =	stream.indirect.gather [spmem:s5], $0x1, s20, s11, $0xb8;
	[tilespmem:$0x8300] =	vst v63  }
0x5d5: {  	s22 =	simm.s32 $0x900;
	s23 =	simm.s32 $0x2E80  }
0x5d6: {  	[tilespmem:s23], [sflag:$0x1] =	stream.indirect.gather [spmem:s6], $0x1, s22, s11, $0xb8;
	[tilespmem:$0x8300] =	vst v63  }
0x5d7: {  	s24 =	simm.s32 $0x3680  }
0x5d8: {  	[tilespmem:s24], [sflag:$0x1] =	stream.indirect.gather [spmem:s5], $0x1, s22, s11, $0xb8;
	[tilespmem:$0x8300] =	vst v63  }
0x5d9: {  	s25 =	simm.s32 $0x980;
	s26 =	simm.s32 $0x2F00  }
0x5da: {  	[tilespmem:s26], [sflag:$0x1] =	stream.indirect.gather [spmem:s6], $0x1, s25, s11, $0xb8;
	[tilespmem:$0x8300] =	vst v63  }
0x5db: {  	s28 =	simm.s32 $0x3700  }
0x5dc: {  	[tilespmem:s28], [sflag:$0x1] =	stream.indirect.gather [spmem:s5], $0x1, s25, s11, $0xb8;
	[tilespmem:$0x8300] =	vst v63  }
0x5dd: {  	s29 =	simm.s32 $0xA00;
	s30 =	simm.s32 $0x2F80  }
0x5de: {  	[tilespmem:s30], [sflag:$0x1] =	stream.indirect.gather [spmem:s6], $0x1, s29, s11, $0xb8;
	[tilespmem:$0x8300] =	vst v63  }
0x5df: {  	s31 =	simm.s32 $0x3780  }
0x5e0: {  	[tilespmem:s31], [sflag:$0x1] =	stream.indirect.gather [spmem:s5], $0x1, s29, s11, $0xb8;
	[tilespmem:$0x8300] =	vst v63  }
0x5e1: {  	s14 =	simm.s32 $0xA80;
	s15 =	simm.s32 $0x3000  }
0x5e2: {  	[tilespmem:s15], [sflag:$0x1] =	stream.indirect.gather [spmem:s6], $0x1, s14, s11, $0xb8;
	[tilespmem:$0x8300] =	vst v63  }
0x5e3: {  	s16 =	simm.s32 $0x3800  }
0x5e4: {  	[tilespmem:s16], [sflag:$0x1] =	stream.indirect.gather [spmem:s5], $0x1, s14, s11, $0xb8;
	[tilespmem:$0x8300] =	vst v63  }
0x5e5: {  	s17 =	simm.s32 $0xB00;
	s18 =	simm.s32 $0x3080  }
0x5e6: {  	[tilespmem:s18], [sflag:$0x1] =	stream.indirect.gather [spmem:s6], $0x1, s17, s11, $0xb8;
	[tilespmem:$0x8300] =	vst v63  }
0x5e7: {  	s19 =	simm.s32 $0x3880  }
0x5e8: {  	[tilespmem:s19], [sflag:$0x1] =	stream.indirect.gather [spmem:s5], $0x1, s17, s11, $0xb8;
	[tilespmem:$0x8300] =	vst v63  }
0x5e9: {  	s20 =	simm.s32 $0xB80;
	s21 =	simm.s32 $0x3100  }
0x5ea: {  	[tilespmem:s21], [sflag:$0x1] =	stream.indirect.gather [spmem:s6], $0x1, s20, s11, $0xb8;
	[tilespmem:$0x8300] =	vst v63  }
0x5eb: {  	s22 =	simm.s32 $0x3900  }
0x5ec: {  	[tilespmem:s22], [sflag:$0x1] =	stream.indirect.gather [spmem:s5], $0x1, s20, s11, $0xb8;
	[tilespmem:$0x8300] =	vst v63  }
0x5ed: {  	s23 =	simm.s32 $0xC00;
	s24 =	simm.s32 $0x3180  }
0x5ee: {  	[tilespmem:s24], [sflag:$0x1] =	stream.indirect.gather [spmem:s6], $0x1, s23, s11, $0xb8;
	[tilespmem:$0x8300] =	vst v63  }
0x5ef: {  	s25 =	simm.s32 $0x3980  }
0x5f0: {  	[tilespmem:s25], [sflag:$0x1] =	stream.indirect.gather [spmem:s5], $0x1, s23, s11, $0xb8;
	[tilespmem:$0x8300] =	vst v63  }
0x5f1: {  	s26 =	simm.s32 $0xC80;
	s28 =	simm.s32 $0x3200  }
0x5f2: {  	[tilespmem:s28], [sflag:$0x1] =	stream.indirect.gather [spmem:s6], $0x1, s26, s11, $0xb8;
	[tilespmem:$0x8300] =	vst v63  }
0x5f3: {  	s29 =	simm.s32 $0x3A00  }
0x5f4: {  	[tilespmem:s29], [sflag:$0x1] =	stream.indirect.gather [spmem:s5], $0x1, s26, s11, $0xb8;
	[tilespmem:$0x8300] =	vst v63  }
0x5f5: {  	s30 =	simm.s32 $0xD00;
	s31 =	simm.s32 $0x3280  }
0x5f6: {  	[tilespmem:s31], [sflag:$0x1] =	stream.indirect.gather [spmem:s6], $0x1, s30, s11, $0xb8;
	[tilespmem:$0x8300] =	vst v63  }
0x5f7: {  	s14 =	simm.s32 $0x3A80  }
0x5f8: {  	[tilespmem:s14], [sflag:$0x1] =	stream.indirect.gather [spmem:s5], $0x1, s30, s11, $0xb8;
	[tilespmem:$0x8300] =	vst v63  }
0x5f9: {  	s15 =	simm.s32 $0xD80;
	s16 =	simm.s32 $0x3300  }
0x5fa: {  	[tilespmem:s16], [sflag:$0x1] =	stream.indirect.gather [spmem:s6], $0x1, s15, s11, $0xb8;
	[tilespmem:$0x8300] =	vst v63  }
0x5fb: {  	s17 =	simm.s32 $0x3B00  }
0x5fc: {  	[tilespmem:s17], [sflag:$0x1] =	stream.indirect.gather [spmem:s5], $0x1, s15, s11, $0xb8;
	[tilespmem:$0x8300] =	vst v63  }
0x5fd: {  	s18 =	simm.s32 $0xE00;
	s19 =	simm.s32 $0x3380  }
0x5fe: {  	[tilespmem:s19], [sflag:$0x1] =	stream.indirect.gather [spmem:s6], $0x1, s18, s11, $0xb8;
	[tilespmem:$0x8300] =	vst v63  }
0x5ff: {  	s20 =	simm.s32 $0x3B80  }
0x600: {  	[tilespmem:s20], [sflag:$0x1] =	stream.indirect.gather [spmem:s5], $0x1, s18, s11, $0xb8;
	[tilespmem:$0x8300] =	vst v63  }
0x601: {  	s21 =	simm.s32 $0xE80;
	s22 =	simm.s32 $0x3400  }
0x602: {  	[tilespmem:s22], [sflag:$0x1] =	stream.indirect.gather [spmem:s6], $0x1, s21, s11, $0xb8;
	[tilespmem:$0x8300] =	vst v63  }
0x603: {  	s23 =	simm.s32 $0x3C00  }
0x604: {  	[tilespmem:s23], [sflag:$0x1] =	stream.indirect.gather [spmem:s5], $0x1, s21, s11, $0xb8;
	[tilespmem:$0x8300] =	vst v63  }
0x605: {  	s24 =	simm.s32 $0xF00;
	s25 =	simm.s32 $0x3480  }
0x606: {  	[tilespmem:s25], [sflag:$0x1] =	stream.indirect.gather [spmem:s6], $0x1, s24, s11, $0xb8;
	[tilespmem:$0x8300] =	vst v63  }
0x607: {  	s26 =	simm.s32 $0x3C80  }
0x608: {  	[tilespmem:s26], [sflag:$0x1] =	stream.indirect.gather [spmem:s5], $0x1, s24, s11, $0xb8;
	[tilespmem:$0x8300] =	vst v63  }
0x609: {  	s28 =	simm.s32 $0xF80;
	s29 =	simm.s32 $0x3500  }
0x60a: {  	[tilespmem:s29], [sflag:$0x1] =	stream.indirect.gather [spmem:s6], $0x1, s28, s11, $0xb8;
	[tilespmem:$0x8300] =	vst v63  }
0x60b: {  	s30 =	simm.s32 $0x3D00  }
0x60c: {  	[tilespmem:s30], [sflag:$0x1] =	stream.indirect.gather [spmem:s5], $0x1, s28, s11, $0xb8;
	[tilespmem:$0x8300] =	vst v63  }
0x60d: {  	_ =	swait.ge [sflag:s9], $0x80  }
0x60e: {  	[sflag:s9] =	ssyncset.done $0x0  }
0x60f: {  	[sflag:s9] =	ssyncadd.s32 $0xFFFFFF80  }
0x610: {  	_ =	swait.ge [sflag:s9], $0x80  }
0x611: {  	[sflag:s9] =	ssyncset.done $0x0  }
0x612: {  	[sflag:s9] =	ssyncadd.s32 $0xFFFFFF80  }
0x613: {  	_ =	swait.ge [sflag:s9], $0x80  }
0x614: {  	[sflag:s9] =	ssyncset.done $0x0  }
0x615: {  	[sflag:s9] =	ssyncadd.s32 $0xFFFFFF80  }
0x616: {  	_ =	swait.ge [sflag:s9], $0x80  }
0x617: {  	[sflag:s9] =	ssyncset.done $0x0  }
0x618: {  	[sflag:s9] =	ssyncadd.s32 $0xFFFFFF80  }
0x619: {  	_ =	swait.ge [sflag:s9], $0x80  }
0x61a: {  	[sflag:s9] =	ssyncset.done $0x0  }
0x61b: {  	[sflag:s9] =	ssyncadd.s32 $0xFFFFFF80  }
0x61c: {  	_ =	swait.ge [sflag:s9], $0x80  }
0x61d: {  	[sflag:s9] =	ssyncset.done $0x0  }
0x61e: {  	[sflag:s9] =	ssyncadd.s32 $0xFFFFFF80  }
0x61f: {  	_ =	swait.ge [sflag:s9], $0x80  }
0x620: {  	[sflag:s9] =	ssyncset.done $0x0  }
0x621: {  	[sflag:s9] =	ssyncadd.s32 $0xFFFFFF80  }
0x622: {  	_ =	swait.ge [sflag:s9], $0x80  }
0x623: {  	[sflag:s9] =	ssyncset.done $0x0  }
0x624: {  	[sflag:s9] =	ssyncadd.s32 $0xFFFFFF80  }
0x625: {  	_ =	swait.ge [sflag:s9], $0x80  }
0x626: {  	[sflag:s9] =	ssyncset.done $0x0  }
0x627: {  	[sflag:s9] =	ssyncadd.s32 $0xFFFFFF80  }
0x628: {  	_ =	swait.ge [sflag:s9], $0x80  }
0x629: {  	[sflag:s9] =	ssyncset.done $0x0  }
0x62a: {  	[sflag:s9] =	ssyncadd.s32 $0xFFFFFF80  }
0x62b: {  	_ =	swait.ge [sflag:s9], $0x80  }
0x62c: {  	[sflag:s9] =	ssyncset.done $0x0  }
0x62d: {  	[sflag:s9] =	ssyncadd.s32 $0xFFFFFF80  }
0x62e: {  	_ =	swait.ge [sflag:s9], $0x80  }
0x62f: {  	[sflag:s9] =	ssyncset.done $0x0  }
0x630: {  	[sflag:s9] =	ssyncadd.s32 $0xFFFFFF80  }
0x631: {  	_ =	swait.ge [sflag:s9], $0x80  }
0x632: {  	[sflag:s9] =	ssyncset.done $0x0  }
0x633: {  	[sflag:s9] =	ssyncadd.s32 $0xFFFFFF80  }
0x634: {  	_ =	swait.ge [sflag:s9], $0x80  }
0x635: {  	[sflag:s9] =	ssyncset.done $0x0  }
0x636: {  	[sflag:s9] =	ssyncadd.s32 $0xFFFFFF80  }
0x637: {  	_ =	swait.ge [sflag:s9], $0x80  }
0x638: {  	[sflag:s9] =	ssyncset.done $0x0  }
0x639: {  	[sflag:s9] =	ssyncadd.s32 $0xFFFFFF80  }
0x63a: {  	_ =	swait.ge [sflag:s9], $0x80  }
0x63b: {  	[sflag:s9] =	ssyncset.done $0x0  }
0x63c: {  	[sflag:s9] =	ssyncadd.s32 $0xFFFFFF80  }
0x63d: {  	_ =	swait.ge [sflag:s9], $0x80  }
0x63e: {  	[sflag:s9] =	ssyncset.done $0x0  }
0x63f: {  	[sflag:s9] =	ssyncadd.s32 $0xFFFFFF80  }
0x640: {  	_ =	swait.ge [sflag:s9], $0x80  }
0x641: {  	[sflag:s9] =	ssyncset.done $0x0  }
0x642: {  	[sflag:s9] =	ssyncadd.s32 $0xFFFFFF80  }
0x643: {  	_ =	swait.ge [sflag:s9], $0x80  }
0x644: {  	[sflag:s9] =	ssyncset.done $0x0  }
0x645: {  	[sflag:s9] =	ssyncadd.s32 $0xFFFFFF80  }
0x646: {  	_ =	swait.ge [sflag:s9], $0x80  }
0x647: {  	[sflag:s9] =	ssyncset.done $0x0  }
0x648: {  	[sflag:s9] =	ssyncadd.s32 $0xFFFFFF80  }
0x649: {  	_ =	swait.ge [sflag:s9], $0x80  }
0x64a: {  	[sflag:s9] =	ssyncset.done $0x0  }
0x64b: {  	[sflag:s9] =	ssyncadd.s32 $0xFFFFFF80  }
0x64c: {  	_ =	swait.ge [sflag:s9], $0x80  }
0x64d: {  	[sflag:s9] =	ssyncset.done $0x0  }
0x64e: {  	[sflag:s9] =	ssyncadd.s32 $0xFFFFFF80  }
0x64f: {  	_ =	swait.ge [sflag:s9], $0x80  }
0x650: {  	[sflag:s9] =	ssyncset.done $0x0  }
0x651: {  	[sflag:s9] =	ssyncadd.s32 $0xFFFFFF80  }
0x652: {  	_ =	swait.ge [sflag:s9], $0x80  }
0x653: {  	[sflag:s9] =	ssyncset.done $0x0  }
0x654: {  	[sflag:s9] =	ssyncadd.s32 $0xFFFFFF80  }
0x655: {  	_ =	swait.ge [sflag:s9], $0x80  }
0x656: {  	[sflag:s9] =	ssyncset.done $0x0  }
0x657: {  	[sflag:s9] =	ssyncadd.s32 $0xFFFFFF80  }
0x658: {  	_ =	swait.ge [sflag:s9], $0x80  }
0x659: {  	[sflag:s9] =	ssyncset.done $0x0  }
0x65a: {  	[sflag:s9] =	ssyncadd.s32 $0xFFFFFF80  }
0x65b: {  	_ =	swait.ge [sflag:s9], $0x80  }
0x65c: {  	[sflag:s9] =	ssyncset.done $0x0  }
0x65d: {  	[sflag:s9] =	ssyncadd.s32 $0xFFFFFF80  }
0x65e: {  	_ =	swait.ge [sflag:s9], $0x80  }
0x65f: {  	[sflag:s9] =	ssyncset.done $0x0  }
0x660: {  	[sflag:s9] =	ssyncadd.s32 $0xFFFFFF80  }
0x661: {  	_ =	swait.ge [sflag:s9], $0x80  }
0x662: {  	[sflag:s9] =	ssyncset.done $0x0  }
0x663: {  	[sflag:s9] =	ssyncadd.s32 $0xFFFFFF80  }
0x664: {  	_ =	swait.ge [sflag:s9], $0x80  }
0x665: {  	[sflag:s9] =	ssyncset.done $0x0  }
0x666: {  	[sflag:s9] =	ssyncadd.s32 $0xFFFFFF80  }
0x667: {  	_ =	swait.ge [sflag:s9], $0x80  }
0x668: {  	[sflag:s9] =	ssyncset.done $0x0  }
0x669: {  	[sflag:s9] =	ssyncadd.s32 $0xFFFFFF80  }
0x66a: {  	_ =	swait.ge [sflag:s9], $0x80  }
0x66b: {  	[sflag:s9] =	ssyncset.done $0x0  }
0x66c: {  	s2 =	sadd.s32 s2, s4;
	s31 =	simm.s32 $0x0;
	[sflag:s9] =	ssyncadd.s32 $0xFFFFFF80  }
0x66d: {  	[hbm4b:s2+s31] =	stream.linear.scatter [tilespmem:s10], [sflag:$0x3], $0x800, $0x38;
	[tilespmem:$0x8300] =	vst v63  }
0x66e: {  	_ =	swait.ge [sflag:s7], $0x800  }
0x66f: {  	[sflag:s7] =	ssyncset.done $0x0  }
0x670: {  	s0 =	sadd.s32 s0, s4;
	[sflag:s7] =	ssyncadd.s32 $0xFFFFF800  }
0x671: {  	[hbm4b:s0+s31] =	stream.linear.scatter [tilespmem:s8], [sflag:$0x3], $0x800, $0x38;
	[tilespmem:$0x8300] =	vst v63  }
0x672: {  	_ =	swait.ge [sflag:s7], $0x800  }
0x673: {  	[sflag:s7] =	ssyncset.done $0x0  }
0x674: {  	[sflag:s7] =	ssyncadd.s32 $0xFFFFF800  }
0x675: {  	_ =	sfence.sel $0x180000  }
0x676: {  	[bflag:$0x0] =	sbarrier.arrive $0xFFFF  }
0x677: {  	p0 =	sne.s32 s3, $0x0;
	_ =	strace $0x90000047  }
0x678: {  	s0 =	sadd.s32 @!p0 $0x100000, s1;
	[bflag:$0x2] =	sbarrier.arrive $0xFFFF  }
0x679: {  	[sflag:s0] =	ssyncadd.tile.s32 @!p0 $0x1;
	_ =	shalt  }
.Lfunc_end3:
_tile_overlayer_lowered:
.L_overlay_start_3:
0x67a: {  	(tag) =	ssettag $0x3  }
0x67b: {  	s0 =	rddreg [dreg:$0x0];
	s2 =	stileid.u32  }
0x67c: {  	s1 =	rddreg [dreg:$0x1];
	p0 =	sne.s32 s2, $0x0  }
0x67d: {  	s3 =	rddreg [dreg:$0x2];
	[bflag:$0x3] =	sbarrier.arrive $0xFFFF;
	s2 =	simm.s32 @!p0 $0x1C03  }
0x67e: {  	[timem:s3], [sflag:s2] =	dma.local @!p0 [hbm:s0], s1  }
0x67f: {  	s0 =	simm.s32 @!p0 $0x3  }
0x680: {  	_ =	swait.ge @!p0 [sflag:s0], s1  }
0x681: {  	s1 =	ssub.s32 @!p0 $0x0, s1;
	[sflag:s0] =	ssyncset.done @!p0 $0x0  }
0x682: {  	[sflag:s0] =	ssyncadd.s32 @!p0 s1  }
0x683: {  	[bflag:$0x3] =	sbarrier.arrive $0xFFFF  }
0x684: {  	_ =	shalt  }

</sc_bundles>
